<compile_context>
chip_gen: v7x
topology: tpu7x:2x2x1
jax: 0.10.2.dev20260603
libtpu: 0.0.44.dev20260713+nightly
codegen_flags: <defaults>
</compile_context>

<pallas_src>
import jax
import jax.numpy as jnp
from jax import lax
from jax.experimental import pallas as pl
from jax.experimental.pallas import tpu as pltpu
from jax.experimental.pallas import tpu_sc as plsc

_N = 10000
_E = 320000
_G = 64
_EPS = 1e-5

_NC = 2
_NS = 16
_NW = _NC * _NS
_K = 128
_CHN = 80
_EP = _NW * _CHN * _K
_NP = 10240
_TRASH = 10016
_SLAB = _NP // _NS

_mesh = plsc.VectorSubcoreMesh(
    core_axis_name="c", subcore_axis_name="s", num_cores=_NC, num_subcores=_NS
)


def _deg_body(dstH, ewH, z16, out, dst_v, ew_v, msg_v, acc):
    c = lax.axis_index("c")
    s = lax.axis_index("s")
    w = c * _NS + s
    pltpu.sync_copy(z16.at[pl.ds(s * _SLAB, _SLAB)], acc.at[pl.ds(s * _SLAB, _SLAB)])
    pltpu.sync_copy(dstH.at[w], dst_v)
    pltpu.sync_copy(ewH.at[w], ew_v)
    lanes = lax.iota(jnp.int32, 16)
    base0 = jnp.where(lanes == 0, 1.0, 0.0).astype(jnp.float32)
    base1 = jnp.where(lanes == 1, 1.0, 0.0).astype(jnp.float32)
    plsc.subcore_barrier()

    def chunk(j, carry):
        for g in range(_K // 16):
            ew16 = ew_v[j, pl.ds(g * 16, 16)]
            for r in range(16):
                msg_v[g * 16 + r, :] = ew16[r] * base0 + base1
        pltpu.sync_copy(msg_v, acc.at[dst_v.at[j]], add=True)
        return carry

    lax.fori_loop(0, _CHN, chunk, 0)
    plsc.subcore_barrier()
    pltpu.sync_copy(acc.at[pl.ds(s * _SLAB, _SLAB)], out.at[c, pl.ds(s * _SLAB, _SLAB)])


_sc_deg = pl.kernel(
    _deg_body,
    out_type=jax.ShapeDtypeStruct((_NC, _NP, 16), jnp.float32),
    mesh=_mesh,
    scratch_types=[
        pltpu.VMEM((_CHN, _K), jnp.int32),
        pltpu.VMEM((_CHN, _K), jnp.float32),
        pltpu.VMEM((_K, 16), jnp.float32),
        pltpu.VMEM_SHARED((_NP, 16), jnp.float32),
    ],
)


def _tc1_body(degp_r, x_r, dinv1_o, dinv2_o, xf_o):
    dp = degp_r[...]
    deg1 = dp[0, :_N, 0:1] + dp[1, :_N, 0:1] + 1.0
    deg2 = dp[0, :_N, 1:2] + dp[1, :_N, 1:2] + 1.0
    d1 = jnp.where(deg1 > 0, lax.rsqrt(jnp.maximum(deg1, 1e-12)), 0.0)
    d2 = jnp.where(deg2 > 0, lax.rsqrt(jnp.maximum(deg2, 1e-12)), 0.0)
    dinv1_o[...] = d1
    dinv2_o[...] = d2
    xf_o[0:_N, 0:4] = x_r[...] * d1
    xf_o[0:_N, 4:16] = jnp.zeros((_N, 12), jnp.float32)
    xf_o[_N:_NP, :] = jnp.zeros((_NP - _N, 16), jnp.float32)


def _tc1(degp, x):
    return pl.pallas_call(
        _tc1_body,
        out_shape=[
            jax.ShapeDtypeStruct((_N, 1), jnp.float32),
            jax.ShapeDtypeStruct((_N, 1), jnp.float32),
            jax.ShapeDtypeStruct((_NP, 16), jnp.float32),
        ],
    )(degp, x)


def _tc2_body(pre1_r, x_r, dinv1_r, dinv2_r, W1_r, b1_r, g1_r, be1_r, hh_o):
    pre1 = pre1_r[...]
    d1 = dinv1_r[...]
    agg = d1 * pre1 + (d1 * d1) * x_r[...]
    h = jnp.dot(agg, W1_r[...], preferred_element_type=jnp.float32) + b1_r[...]
    h = jnp.maximum(h, 0.0)
    m = jnp.mean(h, axis=0, keepdims=True)
    cdev = h - m
    v = jnp.mean(cdev * cdev, axis=0, keepdims=True)
    hbn = cdev * lax.rsqrt(v + _EPS) * g1_r[...] + be1_r[...]
    hh_o[...] = hbn * dinv2_r[...]


def _tc2(pre1, x, dinv1, dinv2, W1, b1, g1, be1):
    return pl.pallas_call(
        _tc2_body,
        out_shape=jax.ShapeDtypeStruct((_N, 128), jnp.float32),
    )(pre1, x, dinv1, dinv2, W1, b1, g1, be1)


def _tc3_body(agg2_r, hh_r, dinv2_r, batch_r, W2_r, b2_r, g2_r, be2_r,
              fW1_r, fb1_r, fW2_r, fb2_r, fW3_r, fb3_r, out_o):
    ssum = agg2_r[...] + hh_r[...]
    agg2 = dinv2_r[...] * ssum
    h2 = jnp.dot(agg2, W2_r[...], preferred_element_type=jnp.float32) + b2_r[...]
    h2 = jnp.maximum(h2, 0.0)
    m = jnp.mean(h2, axis=0, keepdims=True)
    cdev = h2 - m
    v = jnp.mean(cdev * cdev, axis=0, keepdims=True)
    h2bn = cdev * lax.rsqrt(v + _EPS) * g2_r[...] + be2_r[...]
    gids = lax.broadcasted_iota(jnp.int32, (_N, _G), 1)
    mask = (batch_r[...] == gids).astype(jnp.float32)
    p = lax.dot_general(mask, h2bn, (((0,), (0,)), ((), ())),
                        preferred_element_type=jnp.float32)
    p = jnp.maximum(jnp.dot(p, fW1_r[...], preferred_element_type=jnp.float32)
                    + fb1_r[...], 0.0)
    p = jnp.maximum(jnp.dot(p, fW2_r[...], preferred_element_type=jnp.float32)
                    + fb2_r[...], 0.0)
    o = jnp.dot(p, fW3_r[...], preferred_element_type=jnp.float32) + fb3_r[...]
    mx = jnp.max(o, axis=1, keepdims=True)
    sh = o - mx
    out_o[...] = sh - jnp.log(jnp.sum(jnp.exp(sh), axis=1, keepdims=True))


def _tc3(agg2, hh, dinv2, batch, W2, b2, g2, be2, fW1, fb1, fW2, fb2, fW3, fb3):
    return pl.pallas_call(
        _tc3_body,
        out_shape=jax.ShapeDtypeStruct((_G, 1), jnp.float32),
    )(agg2, hh, dinv2, batch, W2, b2, g2, be2, fW1, fb1, fW2, fb2, fW3, fb3)


def kernel(x, edge_index, edge_attr, batch, W1, b1, g1, be1, W2, b2, g2, be2,
           fW1, fb1, fW2, fb2, fW3, fb3):
    src = edge_index[0]
    dst = edge_index[1]
    ew = edge_attr[:, 0]
    pad = _EP - _E
    dst3 = jnp.concatenate(
        [dst, jnp.full((pad,), _TRASH, jnp.int32)]).reshape(_NW, _CHN, _K)
    ew3 = jnp.concatenate(
        [ew, jnp.zeros((pad,), jnp.float32)]).reshape(_NW, _CHN, _K)
    z16 = jnp.zeros((_NP, 16), jnp.float32)

    degp = _sc_deg(dst3, ew3, z16)
    dinv1, dinv2, xf = _tc1(degp, x)

    xs = xf[:_N, 0:4]
    pre1 = jax.ops.segment_sum(xs[src] * ew[:, None], dst, num_segments=_N)
    hh = _tc2(pre1, x, dinv1, dinv2, W1, b1.reshape(1, -1), g1.reshape(1, -1),
              be1.reshape(1, -1))
    agg2 = jax.ops.segment_sum(hh[src], dst, num_segments=_N)
    out = _tc3(agg2, hh, dinv2, batch.reshape(-1, 1), W2, b2.reshape(1, -1),
               g2.reshape(1, -1), be2.reshape(1, -1), fW1, fb1.reshape(1, -1),
               fW2, fb2.reshape(1, -1), fW3, fb3.reshape(1, -1))
    return out

# --- scband reference (transcript-rebuilt; emitter-appended) ---
"""Pipeline reference for scband-py-gcg-net-19292993094378 (READ-ONLY COPY).

The authoritative reference and input builder live on the scoring server;
editing this copy changes nothing except your own understanding.
"""

import jax, jax.numpy as jnp
import numpy as np

N = 10000
E = 320000
G = 64
EPS = 1e-5


def _gcn(x, src, dst, ew, W, b, n):
    # GCNConv-style symmetric normalization with added self-loops (weight 1)
    loop = jnp.arange(n, dtype=src.dtype)
    s = jnp.concatenate([src, loop])
    d = jnp.concatenate([dst, loop])
    w = jnp.concatenate([ew, jnp.ones((n,), x.dtype)])
    deg = jax.ops.segment_sum(w, d, num_segments=n)
    dinv = jnp.where(deg > 0, jax.lax.rsqrt(jnp.maximum(deg, 1e-12)), 0.0)
    norm = dinv[s] * dinv[d] * w
    h = x @ W
    msg = h[s] * norm[:, None]
    return jax.ops.segment_sum(msg, d, num_segments=n) + b


def _bn(x, gamma, beta):
    m = jnp.mean(x, axis=0)
    v = jnp.var(x, axis=0)
    return (x - m) * jax.lax.rsqrt(v + EPS) * gamma + beta


def setup_inputs(seed: int = 0):
    key = jax.random.key(seed)
    ks = jax.random.split(key, 24)
    inp = {}
    inp['x'] = jax.random.normal(ks[0], (N, 4), dtype=jnp.float32)
    inp['edge_index'] = jax.random.randint(ks[1], (2, E), 0, N, dtype=jnp.int32)
    inp['edge_attr'] = jax.random.uniform(ks[2], (E, 1), dtype=jnp.float32)
    inp['batch'] = jnp.sort(jax.random.randint(ks[3], (N,), 0, G, dtype=jnp.int32))
    inp['W1'] = jax.random.normal(ks[4], (4, 128), dtype=jnp.float32) * 0.05
    inp['b1'] = jnp.zeros((128,), dtype=jnp.float32)
    inp['g1'] = jnp.ones((128,), dtype=jnp.float32)
    inp['be1'] = jnp.zeros((128,), dtype=jnp.float32)
    inp['W2'] = jax.random.normal(ks[5], (128, 256), dtype=jnp.float32) * 0.05
    inp['b2'] = jnp.zeros((256,), dtype=jnp.float32)
    inp['g2'] = jnp.ones((256,), dtype=jnp.float32)
    inp['be2'] = jnp.zeros((256,), dtype=jnp.float32)
    inp['fW1'] = jax.random.normal(ks[6], (256, 512), dtype=jnp.float32) * 0.05
    inp['fb1'] = jnp.zeros((512,), dtype=jnp.float32)
    inp['fW2'] = jax.random.normal(ks[7], (512, 64), dtype=jnp.float32) * 0.05
    inp['fb2'] = jnp.zeros((64,), dtype=jnp.float32)
    inp['fW3'] = jax.random.normal(ks[8], (64, 1), dtype=jnp.float32) * 0.05
    inp['fb3'] = jnp.zeros((1,), dtype=jnp.float32)
    return inp


def reference(x, edge_index, edge_attr, batch, W1, b1, g1, be1, W2, b2, g2, be2, fW1, fb1, fW2, fb2, fW3, fb3):
    src = edge_index[0]
    dst = edge_index[1]
    ew1 = edge_attr[:, 0]
    h = jax.nn.relu(_gcn(x, src, dst, ew1, W1, b1, N))
    h = _bn(h, g1, be1)
    ew2 = jnp.ones((E,), dtype=x.dtype)
    h = jax.nn.relu(_gcn(h, src, dst, ew2, W2, b2, N))
    h = _bn(h, g2, be2)
    p = jax.ops.segment_sum(h, batch, num_segments=G)  # global_add_pool
    p = jax.nn.relu(p @ fW1 + fb1)
    p = jax.nn.relu(p @ fW2 + fb2)
    # dropout p=0.2 is identity in deterministic/eval evaluation
    out = p @ fW3 + fb3
    return jax.nn.log_softmax(out, axis=1)

if __name__ == "__main__":
    import jax
    _d = setup_inputs()
    print(jax.jit(kernel)(*tuple(_d.values())))

</pallas_src>

<mosaic_0001>
#map = affine_map<(d0, d1) -> (0, 0, 0)>
#map1 = affine_map<(d0, d1) -> (0, 0)>
module attributes {stable_mosaic.version = 14 : i64} {
  func.func @_deg_body(%arg0: i32, %arg1: i32, %arg2: memref<32x80x128xi32, #tpu.memory_space<hbm>>, %arg3: memref<32x80x128xf32, #tpu.memory_space<hbm>>, %arg4: memref<10240x16xf32, #tpu.memory_space<hbm>>, %arg5: memref<2x10240x16xf32, #tpu.memory_space<hbm>>, %arg6: memref<80x128xi32, #tpu.memory_space<vmem>>, %arg7: memref<80x128xf32, #tpu.memory_space<vmem>>, %arg8: memref<128x16xf32, #tpu.memory_space<vmem>>, %arg9: memref<10240x16xf32, #tpu.memory_space<vmem_shared>>) attributes {dimension_semantics = [#tpu.dimension_semantics<core_parallel>, #tpu.dimension_semantics<subcore_parallel>], iteration_bounds = array<i64: 2, 16>, scalar_prefetch = 0 : i64, scratch_operands = 4 : i64, tpu.core_type = #tpu.core_type<sc_vector_subcore>, window_params = [{transform_indices = #map}, {transform_indices = #map}, {transform_indices = #map1}, {transform_indices = #map}]} {
    %mul3A = arith.constant 16 : i32
    %mul3A_0 = arith.muli %arg0, %mul3A : i32
    %add3A = arith.addi %mul3A_0, %arg1 : i32
    %mul3A_1 = arith.constant 640 : i32
    %mul3A_2 = arith.muli %arg1, %mul3A_1 : i32
    %mul3A_3 = arith.constant 640 : i32
    %mul3A_4 = arith.muli %arg1, %mul3A_3 : i32
    "tpu.region"() ({
      %run_scoped3A = tpu.sem_alloc : memref<!tpu.dma_semaphore, #tpu.memory_space<semaphore_mem>>
      %dma_start3A = arith.constant 0 : i32
      %dma_start3A_27 = tpu.memref_slice %arg9[%mul3A_4, %dma_start3A] : memref<10240x16xf32, #tpu.memory_space<vmem_shared>> -> memref<640x16xf32, #tpu.memory_space<vmem_shared>>
      %dma_start3A_28 = arith.constant 0 : i32
      %dma_start3A_29 = tpu.memref_slice %arg4[%mul3A_2, %dma_start3A_28] : memref<10240x16xf32, #tpu.memory_space<hbm>> -> memref<640x16xf32, #tpu.memory_space<hbm>>
      tpu.enqueue_dma source(%dma_start3A_29 : memref<640x16xf32, #tpu.memory_space<hbm>>) target(%dma_start3A_27 : memref<640x16xf32, #tpu.memory_space<vmem_shared>>) target_semaphore(%run_scoped3A : memref<!tpu.dma_semaphore, #tpu.memory_space<semaphore_mem>>)
      %dma_wait3A = arith.constant 0 : i32
      %dma_wait3A_30 = tpu.memref_slice %arg9[%mul3A_4, %dma_wait3A] : memref<10240x16xf32, #tpu.memory_space<vmem_shared>> -> memref<640x16xf32, #tpu.memory_space<vmem_shared>>
      %dma_wait3A_31 = arith.constant 0 : i32
      %dma_wait3A_32 = tpu.memref_slice %arg4[%mul3A_2, %dma_wait3A_31] : memref<10240x16xf32, #tpu.memory_space<hbm>> -> memref<640x16xf32, #tpu.memory_space<hbm>>
      tpu.wait_dma2 semaphore(%run_scoped3A : memref<!tpu.dma_semaphore, #tpu.memory_space<semaphore_mem>>) src(%dma_wait3A_32 : memref<640x16xf32, #tpu.memory_space<hbm>>) dst(%dma_wait3A_30 : memref<640x16xf32, #tpu.memory_space<vmem_shared>>)
      tpu.yield
    }) : () -> ()
    "tpu.region"() ({
      %run_scoped3A = tpu.sem_alloc : memref<!tpu.dma_semaphore, #tpu.memory_space<semaphore_mem>>
      %dma_start3A = arith.constant 0 : i32
      %dma_start3A_27 = arith.constant 0 : i32
      %dma_start3A_28 = tpu.memref_slice %arg2[%add3A, %dma_start3A, %dma_start3A_27] : memref<32x80x128xi32, #tpu.memory_space<hbm>> -> memref<1x80x128xi32, #tpu.memory_space<hbm>>
      %dma_start3A_29 = tpu.memref_squeeze %dma_start3A_28 : memref<1x80x128xi32, #tpu.memory_space<hbm>> -> memref<80x128xi32, #tpu.memory_space<hbm>>
      %dma_start3A_30 = arith.constant 0 : i32
      %dma_start3A_31 = arith.constant 0 : i32
      %dma_start3A_32 = tpu.memref_slice %arg2[%add3A, %dma_start3A_30, %dma_start3A_31] : memref<32x80x128xi32, #tpu.memory_space<hbm>> -> memref<1x80x128xi32, #tpu.memory_space<hbm>>
      %dma_start3A_33 = tpu.memref_squeeze %dma_start3A_32 : memref<1x80x128xi32, #tpu.memory_space<hbm>> -> memref<80x128xi32, #tpu.memory_space<hbm>>
      tpu.enqueue_dma source(%dma_start3A_33 : memref<80x128xi32, #tpu.memory_space<hbm>>) target(%arg6 : memref<80x128xi32, #tpu.memory_space<vmem>>) target_semaphore(%run_scoped3A : memref<!tpu.dma_semaphore, #tpu.memory_space<semaphore_mem>>)
      %dma_wait3A = arith.constant 0 : i32
      %dma_wait3A_34 = arith.constant 0 : i32
      %dma_wait3A_35 = tpu.memref_slice %arg2[%add3A, %dma_wait3A, %dma_wait3A_34] : memref<32x80x128xi32, #tpu.memory_space<hbm>> -> memref<1x80x128xi32, #tpu.memory_space<hbm>>
      %dma_wait3A_36 = tpu.memref_squeeze %dma_wait3A_35 : memref<1x80x128xi32, #tpu.memory_space<hbm>> -> memref<80x128xi32, #tpu.memory_space<hbm>>
      %dma_wait3A_37 = arith.constant 0 : i32
      %dma_wait3A_38 = arith.constant 0 : i32
      %dma_wait3A_39 = tpu.memref_slice %arg2[%add3A, %dma_wait3A_37, %dma_wait3A_38] : memref<32x80x128xi32, #tpu.memory_space<hbm>> -> memref<1x80x128xi32, #tpu.memory_space<hbm>>
      %dma_wait3A_40 = tpu.memref_squeeze %dma_wait3A_39 : memref<1x80x128xi32, #tpu.memory_space<hbm>> -> memref<80x128xi32, #tpu.memory_space<hbm>>
      tpu.wait_dma2 semaphore(%run_scoped3A : memref<!tpu.dma_semaphore, #tpu.memory_space<semaphore_mem>>) src(%dma_wait3A_40 : memref<80x128xi32, #tpu.memory_space<hbm>>) dst(%arg6 : memref<80x128xi32, #tpu.memory_space<vmem>>)
      tpu.yield
    }) : () -> ()
    "tpu.region"() ({
      %run_scoped3A = tpu.sem_alloc : memref<!tpu.dma_semaphore, #tpu.memory_space<semaphore_mem>>
      %dma_start3A = arith.constant 0 : i32
      %dma_start3A_27 = arith.constant 0 : i32
      %dma_start3A_28 = tpu.memref_slice %arg3[%add3A, %dma_start3A, %dma_start3A_27] : memref<32x80x128xf32, #tpu.memory_space<hbm>> -> memref<1x80x128xf32, #tpu.memory_space<hbm>>
      %dma_start3A_29 = tpu.memref_squeeze %dma_start3A_28 : memref<1x80x128xf32, #tpu.memory_space<hbm>> -> memref<80x128xf32, #tpu.memory_space<hbm>>
      %dma_start3A_30 = arith.constant 0 : i32
      %dma_start3A_31 = arith.constant 0 : i32
      %dma_start3A_32 = tpu.memref_slice %arg3[%add3A, %dma_start3A_30, %dma_start3A_31] : memref<32x80x128xf32, #tpu.memory_space<hbm>> -> memref<1x80x128xf32, #tpu.memory_space<hbm>>
      %dma_start3A_33 = tpu.memref_squeeze %dma_start3A_32 : memref<1x80x128xf32, #tpu.memory_space<hbm>> -> memref<80x128xf32, #tpu.memory_space<hbm>>
      tpu.enqueue_dma source(%dma_start3A_33 : memref<80x128xf32, #tpu.memory_space<hbm>>) target(%arg7 : memref<80x128xf32, #tpu.memory_space<vmem>>) target_semaphore(%run_scoped3A : memref<!tpu.dma_semaphore, #tpu.memory_space<semaphore_mem>>)
      %dma_wait3A = arith.constant 0 : i32
      %dma_wait3A_34 = arith.constant 0 : i32
      %dma_wait3A_35 = tpu.memref_slice %arg3[%add3A, %dma_wait3A, %dma_wait3A_34] : memref<32x80x128xf32, #tpu.memory_space<hbm>> -> memref<1x80x128xf32, #tpu.memory_space<hbm>>
      %dma_wait3A_36 = tpu.memref_squeeze %dma_wait3A_35 : memref<1x80x128xf32, #tpu.memory_space<hbm>> -> memref<80x128xf32, #tpu.memory_space<hbm>>
      %dma_wait3A_37 = arith.constant 0 : i32
      %dma_wait3A_38 = arith.constant 0 : i32
      %dma_wait3A_39 = tpu.memref_slice %arg3[%add3A, %dma_wait3A_37, %dma_wait3A_38] : memref<32x80x128xf32, #tpu.memory_space<hbm>> -> memref<1x80x128xf32, #tpu.memory_space<hbm>>
      %dma_wait3A_40 = tpu.memref_squeeze %dma_wait3A_39 : memref<1x80x128xf32, #tpu.memory_space<hbm>> -> memref<80x128xf32, #tpu.memory_space<hbm>>
      tpu.wait_dma2 semaphore(%run_scoped3A : memref<!tpu.dma_semaphore, #tpu.memory_space<semaphore_mem>>) src(%dma_wait3A_40 : memref<80x128xf32, #tpu.memory_space<hbm>>) dst(%arg7 : memref<80x128xf32, #tpu.memory_space<vmem>>)
      tpu.yield
    }) : () -> ()
    %iota3A = tpu.iota {dimensions = array<i32: 0>} : vector<16xi32>
    %eq3A = arith.constant 0 : i32
    %eq3A_5 = vector.broadcast %eq3A : i32 to vector<16xi32>
    %eq3A_6 = arith.cmpi eq, %iota3A, %eq3A_5 : vector<16xi32>
    %jit3A = arith.constant 1.000000e+00 : f32
    %jit3A_7 = arith.constant 0.000000e+00 : f32
    %broadcast_in_dim3A = vector.broadcast %jit3A : f32 to vector<16xf32>
    %broadcast_in_dim3A_8 = vector.broadcast %jit3A_7 : f32 to vector<16xf32>
    %select_n3A = arith.select %eq3A_6, %broadcast_in_dim3A, %broadcast_in_dim3A_8 : vector<16xi1>, vector<16xf32>
    %eq3A_9 = arith.constant 1 : i32
    %eq3A_10 = vector.broadcast %eq3A_9 : i32 to vector<16xi32>
    %eq3A_11 = arith.cmpi eq, %iota3A, %eq3A_10 : vector<16xi32>
    %jit3A_12 = arith.constant 1.000000e+00 : f32
    %jit3A_13 = arith.constant 0.000000e+00 : f32
    %broadcast_in_dim3A_14 = vector.broadcast %jit3A_12 : f32 to vector<16xf32>
    %broadcast_in_dim3A_15 = vector.broadcast %jit3A_13 : f32 to vector<16xf32>
    %select_n3A_16 = arith.select %eq3A_11, %broadcast_in_dim3A_14, %broadcast_in_dim3A_15 : vector<16xi1>, vector<16xf32>
    %barrier3A = arith.constant 0 : index
    tpu.barrier barrier_id(%barrier3A)
    %scan3A = arith.constant 0 : i32
    %scan3A_17 = arith.constant 0 : i32
    %scan3A_18 = arith.constant 80 : i32
    %scan3A_19 = arith.addi %scan3A_17, %scan3A_18 : i32
    %scan3A_20 = arith.constant 1 : i32
    scf.for %scan3A_27 = %scan3A_17 to %scan3A_19 step %scan3A_20  : i32 {
      %get3A = arith.index_cast %scan3A_27 : i32 to index
      %get3A_28 = arith.constant 0 : index
      %get3A_29 = tpu.vector_load %arg7[%get3A, %get3A_28] {strides = array<i32>} : memref<80x128xf32, #tpu.memory_space<vmem>>, vector<1x16xf32>,
      %get3A_30 = vector.shape_cast %get3A_29 : vector<1x16xf32> to vector<16xf32>
      %slice3A = vector.extract_strided_slice %get3A_30 {offsets = [0], sizes = [1], strides = [1]} : vector<16xf32> to vector<1xf32>
      %squeeze3A = vector.extract %slice3A[0] : f32 from vector<1xf32>
      %mul3A_31 = vector.broadcast %squeeze3A : f32 to vector<16xf32>
      %mul3A_32 = arith.mulf %mul3A_31, %select_n3A : vector<16xf32>
      %add3A_33 = arith.addf %mul3A_32, %select_n3A_16 : vector<16xf32>
      %swap3A = arith.constant 0 : i32
      %swap3A_34 = arith.index_cast %swap3A : i32 to index
      %swap3A_35 = arith.constant 0 : index
      %swap3A_36 = tpu.vector_load %arg8[%swap3A_34, %swap3A_35] {strides = array<i32>} : memref<128x16xf32, #tpu.memory_space<vmem>>, vector<1x16xf32>,
      %swap3A_37 = vector.shape_cast %swap3A_36 : vector<1x16xf32> to vector<16xf32>
      %swap3A_38 = vector.shape_cast %add3A_33 : vector<16xf32> to vector<1x16xf32>
      tpu.vector_store %arg8[%swap3A_34, %swap3A_35], %swap3A_38 {strides = array<i32>} : memref<128x16xf32, #tpu.memory_space<vmem>>, vector<1x16xf32>,
      %slice3A_39 = vector.extract_strided_slice %get3A_30 {offsets = [1], sizes = [1], strides = [1]} : vector<16xf32> to vector<1xf32>
      %squeeze3A_40 = vector.extract %slice3A_39[0] : f32 from vector<1xf32>
      %mul3A_41 = vector.broadcast %squeeze3A_40 : f32 to vector<16xf32>
      %mul3A_42 = arith.mulf %mul3A_41, %select_n3A : vector<16xf32>
      %add3A_43 = arith.addf %mul3A_42, %select_n3A_16 : vector<16xf32>
      %swap3A_44 = arith.constant 1 : i32
      %swap3A_45 = arith.index_cast %swap3A_44 : i32 to index
      %swap3A_46 = arith.constant 0 : index
      %swap3A_47 = tpu.vector_load %arg8[%swap3A_45, %swap3A_46] {strides = array<i32>} : memref<128x16xf32, #tpu.memory_space<vmem>>, vector<1x16xf32>,
      %swap3A_48 = vector.shape_cast %swap3A_47 : vector<1x16xf32> to vector<16xf32>
      %swap3A_49 = vector.shape_cast %add3A_43 : vector<16xf32> to vector<1x16xf32>
      tpu.vector_store %arg8[%swap3A_45, %swap3A_46], %swap3A_49 {strides = array<i32>} : memref<128x16xf32, #tpu.memory_space<vmem>>, vector<1x16xf32>,
      %slice3A_50 = vector.extract_strided_slice %get3A_30 {offsets = [2], sizes = [1], strides = [1]} : vector<16xf32> to vector<1xf32>
      %squeeze3A_51 = vector.extract %slice3A_50[0] : f32 from vector<1xf32>
      %mul3A_52 = vector.broadcast %squeeze3A_51 : f32 to vector<16xf32>
      %mul3A_53 = arith.mulf %mul3A_52, %select_n3A : vector<16xf32>
      %add3A_54 = arith.addf %mul3A_53, %select_n3A_16 : vector<16xf32>
      %swap3A_55 = arith.constant 2 : i32
      %swap3A_56 = arith.index_cast %swap3A_55 : i32 to index
      %swap3A_57 = arith.constant 0 : index
      %swap3A_58 = tpu.vector_load %arg8[%swap3A_56, %swap3A_57] {strides = array<i32>} : memref<128x16xf32, #tpu.memory_space<vmem>>, vector<1x16xf32>,
      %swap3A_59 = vector.shape_cast %swap3A_58 : vector<1x16xf32> to vector<16xf32>
      %swap3A_60 = vector.shape_cast %add3A_54 : vector<16xf32> to vector<1x16xf32>
      tpu.vector_store %arg8[%swap3A_56, %swap3A_57], %swap3A_60 {strides = array<i32>} : memref<128x16xf32, #tpu.memory_space<vmem>>, vector<1x16xf32>,
      %slice3A_61 = vector.extract_strided_slice %get3A_30 {offsets = [3], sizes = [1], strides = [1]} : vector<16xf32> to vector<1xf32>
      %squeeze3A_62 = vector.extract %slice3A_61[0] : f32 from vector<1xf32>
      %mul3A_63 = vector.broadcast %squeeze3A_62 : f32 to vector<16xf32>
      %mul3A_64 = arith.mulf %mul3A_63, %select_n3A : vector<16xf32>
      %add3A_65 = arith.addf %mul3A_64, %select_n3A_16 : vector<16xf32>
      %swap3A_66 = arith.constant 3 : i32
      %swap3A_67 = arith.index_cast %swap3A_66 : i32 to index
      %swap3A_68 = arith.constant 0 : index
      %swap3A_69 = tpu.vector_load %arg8[%swap3A_67, %swap3A_68] {strides = array<i32>} : memref<128x16xf32, #tpu.memory_space<vmem>>, vector<1x16xf32>,
      %swap3A_70 = vector.shape_cast %swap3A_69 : vector<1x16xf32> to vector<16xf32>
      %swap3A_71 = vector.shape_cast %add3A_65 : vector<16xf32> to vector<1x16xf32>
      tpu.vector_store %arg8[%swap3A_67, %swap3A_68], %swap3A_71 {strides = array<i32>} : memref<128x16xf32, #tpu.memory_space<vmem>>, vector<1x16xf32>,
      %slice3A_72 = vector.extract_strided_slice %get3A_30 {offsets = [4], sizes = [1], strides = [1]} : vector<16xf32> to vector<1xf32>
      %squeeze3A_73 = vector.extract %slice3A_72[0] : f32 from vector<1xf32>
      %mul3A_74 = vector.broadcast %squeeze3A_73 : f32 to vector<16xf32>
      %mul3A_75 = arith.mulf %mul3A_74, %select_n3A : vector<16xf32>
      %add3A_76 = arith.addf %mul3A_75, %select_n3A_16 : vector<16xf32>
      %swap3A_77 = arith.constant 4 : i32
      %swap3A_78 = arith.index_cast %swap3A_77 : i32 to index
      %swap3A_79 = arith.constant 0 : index
      %swap3A_80 = tpu.vector_load %arg8[%swap3A_78, %swap3A_79] {strides = array<i32>} : memref<128x16xf32, #tpu.memory_space<vmem>>, vector<1x16xf32>,
      %swap3A_81 = vector.shape_cast %swap3A_80 : vector<1x16xf32> to vector<16xf32>
      %swap3A_82 = vector.shape_cast %add3A_76 : vector<16xf32> to vector<1x16xf32>
      tpu.vector_store %arg8[%swap3A_78, %swap3A_79], %swap3A_82 {strides = array<i32>} : memref<128x16xf32, #tpu.memory_space<vmem>>, vector<1x16xf32>,
      %slice3A_83 = vector.extract_strided_slice %get3A_30 {offsets = [5], sizes = [1], strides = [1]} : vector<16xf32> to vector<1xf32>
      %squeeze3A_84 = vector.extract %slice3A_83[0] : f32 from vector<1xf32>
      %mul3A_85 = vector.broadcast %squeeze3A_84 : f32 to vector<16xf32>
      %mul3A_86 = arith.mulf %mul3A_85, %select_n3A : vector<16xf32>
      %add3A_87 = arith.addf %mul3A_86, %select_n3A_16 : vector<16xf32>
      %swap3A_88 = arith.constant 5 : i32
      %swap3A_89 = arith.index_cast %swap3A_88 : i32 to index
      %swap3A_90 = arith.constant 0 : index
      %swap3A_91 = tpu.vector_load %arg8[%swap3A_89, %swap3A_90] {strides = array<i32>} : memref<128x16xf32, #tpu.memory_space<vmem>>, vector<1x16xf32>,
      %swap3A_92 = vector.shape_cast %swap3A_91 : vector<1x16xf32> to vector<16xf32>
      %swap3A_93 = vector.shape_cast %add3A_87 : vector<16xf32> to vector<1x16xf32>
      tpu.vector_store %arg8[%swap3A_89, %swap3A_90], %swap3A_93 {strides = array<i32>} : memref<128x16xf32, #tpu.memory_space<vmem>>, vector<1x16xf32>,
      %slice3A_94 = vector.extract_strided_slice %get3A_30 {offsets = [6], sizes = [1], strides = [1]} : vector<16xf32> to vector<1xf32>
      %squeeze3A_95 = vector.extract %slice3A_94[0] : f32 from vector<1xf32>
      %mul3A_96 = vector.broadcast %squeeze3A_95 : f32 to vector<16xf32>
      %mul3A_97 = arith.mulf %mul3A_96, %select_n3A : vector<16xf32>
      %add3A_98 = arith.addf %mul3A_97, %select_n3A_16 : vector<16xf32>
      %swap3A_99 = arith.constant 6 : i32
      %swap3A_100 = arith.index_cast %swap3A_99 : i32 to index
      %swap3A_101 = arith.constant 0 : index
      %swap3A_102 = tpu.vector_load %arg8[%swap3A_100, %swap3A_101] {strides = array<i32>} : memref<128x16xf32, #tpu.memory_space<vmem>>, vector<1x16xf32>,
      %swap3A_103 = vector.shape_cast %swap3A_102 : vector<1x16xf32> to vector<16xf32>
      %swap3A_104 = vector.shape_cast %add3A_98 : vector<16xf32> to vector<1x16xf32>
      tpu.vector_store %arg8[%swap3A_100, %swap3A_101], %swap3A_104 {strides = array<i32>} : memref<128x16xf32, #tpu.memory_space<vmem>>, vector<1x16xf32>,
      %slice3A_105 = vector.extract_strided_slice %get3A_30 {offsets = [7], sizes = [1], strides = [1]} : vector<16xf32> to vector<1xf32>
      %squeeze3A_106 = vector.extract %slice3A_105[0] : f32 from vector<1xf32>
      %mul3A_107 = vector.broadcast %squeeze3A_106 : f32 to vector<16xf32>
      %mul3A_108 = arith.mulf %mul3A_107, %select_n3A : vector<16xf32>
      %add3A_109 = arith.addf %mul3A_108, %select_n3A_16 : vector<16xf32>
      %swap3A_110 = arith.constant 7 : i32
      %swap3A_111 = arith.index_cast %swap3A_110 : i32 to index
      %swap3A_112 = arith.constant 0 : index
      %swap3A_113 = tpu.vector_load %arg8[%swap3A_111, %swap3A_112] {strides = array<i32>} : memref<128x16xf32, #tpu.memory_space<vmem>>, vector<1x16xf32>,
      %swap3A_114 = vector.shape_cast %swap3A_113 : vector<1x16xf32> to vector<16xf32>
      %swap3A_115 = vector.shape_cast %add3A_109 : vector<16xf32> to vector<1x16xf32>
      tpu.vector_store %arg8[%swap3A_111, %swap3A_112], %swap3A_115 {strides = array<i32>} : memref<128x16xf32, #tpu.memory_space<vmem>>, vector<1x16xf32>,
      %slice3A_116 = vector.extract_strided_slice %get3A_30 {offsets = [8], sizes = [1], strides = [1]} : vector<16xf32> to vector<1xf32>
      %squeeze3A_117 = vector.extract %slice3A_116[0] : f32 from vector<1xf32>
      %mul3A_118 = vector.broadcast %squeeze3A_117 : f32 to vector<16xf32>
      %mul3A_119 = arith.mulf %mul3A_118, %select_n3A : vector<16xf32>
      %add3A_120 = arith.addf %mul3A_119, %select_n3A_16 : vector<16xf32>
      %swap3A_121 = arith.constant 8 : i32
      %swap3A_122 = arith.index_cast %swap3A_121 : i32 to index
      %swap3A_123 = arith.constant 0 : index
      %swap3A_124 = tpu.vector_load %arg8[%swap3A_122, %swap3A_123] {strides = array<i32>} : memref<128x16xf32, #tpu.memory_space<vmem>>, vector<1x16xf32>,
      %swap3A_125 = vector.shape_cast %swap3A_124 : vector<1x16xf32> to vector<16xf32>
      %swap3A_126 = vector.shape_cast %add3A_120 : vector<16xf32> to vector<1x16xf32>
      tpu.vector_store %arg8[%swap3A_122, %swap3A_123], %swap3A_126 {strides = array<i32>} : memref<128x16xf32, #tpu.memory_space<vmem>>, vector<1x16xf32>,
      %slice3A_127 = vector.extract_strided_slice %get3A_30 {offsets = [9], sizes = [1], strides = [1]} : vector<16xf32> to vector<1xf32>
      %squeeze3A_128 = vector.extract %slice3A_127[0] : f32 from vector<1xf32>
      %mul3A_129 = vector.broadcast %squeeze3A_128 : f32 to vector<16xf32>
      %mul3A_130 = arith.mulf %mul3A_129, %select_n3A : vector<16xf32>
      %add3A_131 = arith.addf %mul3A_130, %select_n3A_16 : vector<16xf32>
      %swap3A_132 = arith.constant 9 : i32
      %swap3A_133 = arith.index_cast %swap3A_132 : i32 to index
      %swap3A_134 = arith.constant 0 : index
      %swap3A_135 = tpu.vector_load %arg8[%swap3A_133, %swap3A_134] {strides = array<i32>} : memref<128x16xf32, #tpu.memory_space<vmem>>, vector<1x16xf32>,
      %swap3A_136 = vector.shape_cast %swap3A_135 : vector<1x16xf32> to vector<16xf32>
      %swap3A_137 = vector.shape_cast %add3A_131 : vector<16xf32> to vector<1x16xf32>
      tpu.vector_store %arg8[%swap3A_133, %swap3A_134], %swap3A_137 {strides = array<i32>} : memref<128x16xf32, #tpu.memory_space<vmem>>, vector<1x16xf32>,
      %slice3A_138 = vector.extract_strided_slice %get3A_30 {offsets = [10], sizes = [1], strides = [1]} : vector<16xf32> to vector<1xf32>
      %squeeze3A_139 = vector.extract %slice3A_138[0] : f32 from vector<1xf32>
      %mul3A_140 = vector.broadcast %squeeze3A_139 : f32 to vector<16xf32>
      %mul3A_141 = arith.mulf %mul3A_140, %select_n3A : vector<16xf32>
      %add3A_142 = arith.addf %mul3A_141, %select_n3A_16 : vector<16xf32>
      %swap3A_143 = arith.constant 10 : i32
      %swap3A_144 = arith.index_cast %swap3A_143 : i32 to index
      %swap3A_145 = arith.constant 0 : index
      %swap3A_146 = tpu.vector_load %arg8[%swap3A_144, %swap3A_145] {strides = array<i32>} : memref<128x16xf32, #tpu.memory_space<vmem>>, vector<1x16xf32>,
      %swap3A_147 = vector.shape_cast %swap3A_146 : vector<1x16xf32> to vector<16xf32>
      %swap3A_148 = vector.shape_cast %add3A_142 : vector<16xf32> to vector<1x16xf32>
      tpu.vector_store %arg8[%swap3A_144, %swap3A_145], %swap3A_148 {strides = array<i32>} : memref<128x16xf32, #tpu.memory_space<vmem>>, vector<1x16xf32>,
      %slice3A_149 = vector.extract_strided_slice %get3A_30 {offsets = [11], sizes = [1], strides = [1]} : vector<16xf32> to vector<1xf32>
      %squeeze3A_150 = vector.extract %slice3A_149[0] : f32 from vector<1xf32>
      %mul3A_151 = vector.broadcast %squeeze3A_150 : f32 to vector<16xf32>
      %mul3A_152 = arith.mulf %mul3A_151, %select_n3A : vector<16xf32>
      %add3A_153 = arith.addf %mul3A_152, %select_n3A_16 : vector<16xf32>
      %swap3A_154 = arith.constant 11 : i32
      %swap3A_155 = arith.index_cast %swap3A_154 : i32 to index
      %swap3A_156 = arith.constant 0 : index
      %swap3A_157 = tpu.vector_load %arg8[%swap3A_155, %swap3A_156] {strides = array<i32>} : memref<128x16xf32, #tpu.memory_space<vmem>>, vector<1x16xf32>,
      %swap3A_158 = vector.shape_cast %swap3A_157 : vector<1x16xf32> to vector<16xf32>
      %swap3A_159 = vector.shape_cast %add3A_153 : vector<16xf32> to vector<1x16xf32>
      tpu.vector_store %arg8[%swap3A_155, %swap3A_156], %swap3A_159 {strides = array<i32>} : memref<128x16xf32, #tpu.memory_space<vmem>>, vector<1x16xf32>,
      %slice3A_160 = vector.extract_strided_slice %get3A_30 {offsets = [12], sizes = [1], strides = [1]} : vector<16xf32> to vector<1xf32>
      %squeeze3A_161 = vector.extract %slice3A_160[0] : f32 from vector<1xf32>
      %mul3A_162 = vector.broadcast %squeeze3A_161 : f32 to vector<16xf32>
      %mul3A_163 = arith.mulf %mul3A_162, %select_n3A : vector<16xf32>
      %add3A_164 = arith.addf %mul3A_163, %select_n3A_16 : vector<16xf32>
      %swap3A_165 = arith.constant 12 : i32
      %swap3A_166 = arith.index_cast %swap3A_165 : i32 to index
      %swap3A_167 = arith.constant 0 : index
      %swap3A_168 = tpu.vector_load %arg8[%swap3A_166, %swap3A_167] {strides = array<i32>} : memref<128x16xf32, #tpu.memory_space<vmem>>, vector<1x16xf32>,
      %swap3A_169 = vector.shape_cast %swap3A_168 : vector<1x16xf32> to vector<16xf32>
      %swap3A_170 = vector.shape_cast %add3A_164 : vector<16xf32> to vector<1x16xf32>
      tpu.vector_store %arg8[%swap3A_166, %swap3A_167], %swap3A_170 {strides = array<i32>} : memref<128x16xf32, #tpu.memory_space<vmem>>, vector<1x16xf32>,
      %slice3A_171 = vector.extract_strided_slice %get3A_30 {offsets = [13], sizes = [1], strides = [1]} : vector<16xf32> to vector<1xf32>
      %squeeze3A_172 = vector.extract %slice3A_171[0] : f32 from vector<1xf32>
      %mul3A_173 = vector.broadcast %squeeze3A_172 : f32 to vector<16xf32>
      %mul3A_174 = arith.mulf %mul3A_173, %select_n3A : vector<16xf32>
      %add3A_175 = arith.addf %mul3A_174, %select_n3A_16 : vector<16xf32>
      %swap3A_176 = arith.constant 13 : i32
      %swap3A_177 = arith.index_cast %swap3A_176 : i32 to index
      %swap3A_178 = arith.constant 0 : index
      %swap3A_179 = tpu.vector_load %arg8[%swap3A_177, %swap3A_178] {strides = array<i32>} : memref<128x16xf32, #tpu.memory_space<vmem>>, vector<1x16xf32>,
      %swap3A_180 = vector.shape_cast %swap3A_179 : vector<1x16xf32> to vector<16xf32>
      %swap3A_181 = vector.shape_cast %add3A_175 : vector<16xf32> to vector<1x16xf32>
      tpu.vector_store %arg8[%swap3A_177, %swap3A_178], %swap3A_181 {strides = array<i32>} : memref<128x16xf32, #tpu.memory_space<vmem>>, vector<1x16xf32>,
      %slice3A_182 = vector.extract_strided_slice %get3A_30 {offsets = [14], sizes = [1], strides = [1]} : vector<16xf32> to vector<1xf32>
      %squeeze3A_183 = vector.extract %slice3A_182[0] : f32 from vector<1xf32>
      %mul3A_184 = vector.broadcast %squeeze3A_183 : f32 to vector<16xf32>
      %mul3A_185 = arith.mulf %mul3A_184, %select_n3A : vector<16xf32>
      %add3A_186 = arith.addf %mul3A_185, %select_n3A_16 : vector<16xf32>
      %swap3A_187 = arith.constant 14 : i32
      %swap3A_188 = arith.index_cast %swap3A_187 : i32 to index
      %swap3A_189 = arith.constant 0 : index
      %swap3A_190 = tpu.vector_load %arg8[%swap3A_188, %swap3A_189] {strides = array<i32>} : memref<128x16xf32, #tpu.memory_space<vmem>>, vector<1x16xf32>,
      %swap3A_191 = vector.shape_cast %swap3A_190 : vector<1x16xf32> to vector<16xf32>
      %swap3A_192 = vector.shape_cast %add3A_186 : vector<16xf32> to vector<1x16xf32>
      tpu.vector_store %arg8[%swap3A_188, %swap3A_189], %swap3A_192 {strides = array<i32>} : memref<128x16xf32, #tpu.memory_space<vmem>>, vector<1x16xf32>,
      %slice3A_193 = vector.extract_strided_slice %get3A_30 {offsets = [15], sizes = [1], strides = [1]} : vector<16xf32> to vector<1xf32>
      %squeeze3A_194 = vector.extract %slice3A_193[0] : f32 from vector<1xf32>
      %mul3A_195 = vector.broadcast %squeeze3A_194 : f32 to vector<16xf32>
      %mul3A_196 = arith.mulf %mul3A_195, %select_n3A : vector<16xf32>
      %add3A_197 = arith.addf %mul3A_196, %select_n3A_16 : vector<16xf32>
      %swap3A_198 = arith.constant 15 : i32
      %swap3A_199 = arith.index_cast %swap3A_198 : i32 to index
      %swap3A_200 = arith.constant 0 : index
      %swap3A_201 = tpu.vector_load %arg8[%swap3A_199, %swap3A_200] {strides = array<i32>} : memref<128x16xf32, #tpu.memory_space<vmem>>, vector<1x16xf32>,
      %swap3A_202 = vector.shape_cast %swap3A_201 : vector<1x16xf32> to vector<16xf32>
      %swap3A_203 = vector.shape_cast %add3A_197 : vector<16xf32> to vector<1x16xf32>
      tpu.vector_store %arg8[%swap3A_199, %swap3A_200], %swap3A_203 {strides = array<i32>} : memref<128x16xf32, #tpu.memory_space<vmem>>, vector<1x16xf32>,
      %get3A_204 = arith.index_cast %scan3A_27 : i32 to index
      %get3A_205 = arith.constant 16 : index
      %get3A_206 = tpu.vector_load %arg7[%get3A_204, %get3A_205] {strides = array<i32>} : memref<80x128xf32, #tpu.memory_space<vmem>>, vector<1x16xf32>,
      %get3A_207 = vector.shape_cast %get3A_206 : vector<1x16xf32> to vector<16xf32>
      %slice3A_208 = vector.extract_strided_slice %get3A_207 {offsets = [0], sizes = [1], strides = [1]} : vector<16xf32> to vector<1xf32>
      %squeeze3A_209 = vector.extract %slice3A_208[0] : f32 from vector<1xf32>
      %mul3A_210 = vector.broadcast %squeeze3A_209 : f32 to vector<16xf32>
      %mul3A_211 = arith.mulf %mul3A_210, %select_n3A : vector<16xf32>
      %add3A_212 = arith.addf %mul3A_211, %select_n3A_16 : vector<16xf32>
      %swap3A_213 = arith.constant 16 : i32
      %swap3A_214 = arith.index_cast %swap3A_213 : i32 to index
      %swap3A_215 = arith.constant 0 : index
      %swap3A_216 = tpu.vector_load %arg8[%swap3A_214, %swap3A_215] {strides = array<i32>} : memref<128x16xf32, #tpu.memory_space<vmem>>, vector<1x16xf32>,
      %swap3A_217 = vector.shape_cast %swap3A_216 : vector<1x16xf32> to vector<16xf32>
      %swap3A_218 = vector.shape_cast %add3A_212 : vector<16xf32> to vector<1x16xf32>
      tpu.vector_store %arg8[%swap3A_214, %swap3A_215], %swap3A_218 {strides = array<i32>} : memref<128x16xf32, #tpu.memory_space<vmem>>, vector<1x16xf32>,
      %slice3A_219 = vector.extract_strided_slice %get3A_207 {offsets = [1], sizes = [1], strides = [1]} : vector<16xf32> to vector<1xf32>
      %squeeze3A_220 = vector.extract %slice3A_219[0] : f32 from vector<1xf32>
      %mul3A_221 = vector.broadcast %squeeze3A_220 : f32 to vector<16xf32>
      %mul3A_222 = arith.mulf %mul3A_221, %select_n3A : vector<16xf32>
      %add3A_223 = arith.addf %mul3A_222, %select_n3A_16 : vector<16xf32>
      %swap3A_224 = arith.constant 17 : i32
      %swap3A_225 = arith.index_cast %swap3A_224 : i32 to index
      %swap3A_226 = arith.constant 0 : index
      %swap3A_227 = tpu.vector_load %arg8[%swap3A_225, %swap3A_226] {strides = array<i32>} : memref<128x16xf32, #tpu.memory_space<vmem>>, vector<1x16xf32>,
      %swap3A_228 = vector.shape_cast %swap3A_227 : vector<1x16xf32> to vector<16xf32>
      %swap3A_229 = vector.shape_cast %add3A_223 : vector<16xf32> to vector<1x16xf32>
      tpu.vector_store %arg8[%swap3A_225, %swap3A_226], %swap3A_229 {strides = array<i32>} : memref<128x16xf32, #tpu.memory_space<vmem>>, vector<1x16xf32>,
      %slice3A_230 = vector.extract_strided_slice %get3A_207 {offsets = [2], sizes = [1], strides = [1]} : vector<16xf32> to vector<1xf32>
      %squeeze3A_231 = vector.extract %slice3A_230[0] : f32 from vector<1xf32>
      %mul3A_232 = vector.broadcast %squeeze3A_231 : f32 to vector<16xf32>
      %mul3A_233 = arith.mulf %mul3A_232, %select_n3A : vector<16xf32>
      %add3A_234 = arith.addf %mul3A_233, %select_n3A_16 : vector<16xf32>
      %swap3A_235 = arith.constant 18 : i32
      %swap3A_236 = arith.index_cast %swap3A_235 : i32 to index
      %swap3A_237 = arith.constant 0 : index
      %swap3A_238 = tpu.vector_load %arg8[%swap3A_236, %swap3A_237] {strides = array<i32>} : memref<128x16xf32, #tpu.memory_space<vmem>>, vector<1x16xf32>,
      %swap3A_239 = vector.shape_cast %swap3A_238 : vector<1x16xf32> to vector<16xf32>
      %swap3A_240 = vector.shape_cast %add3A_234 : vector<16xf32> to vector<1x16xf32>
      tpu.vector_store %arg8[%swap3A_236, %swap3A_237], %swap3A_240 {strides = array<i32>} : memref<128x16xf32, #tpu.memory_space<vmem>>, vector<1x16xf32>,
      %slice3A_241 = vector.extract_strided_slice %get3A_207 {offsets = [3], sizes = [1], strides = [1]} : vector<16xf32> to vector<1xf32>
      %squeeze3A_242 = vector.extract %slice3A_241[0] : f32 from vector<1xf32>
      %mul3A_243 = vector.broadcast %squeeze3A_242 : f32 to vector<16xf32>
      %mul3A_244 = arith.mulf %mul3A_243, %select_n3A : vector<16xf32>
      %add3A_245 = arith.addf %mul3A_244, %select_n3A_16 : vector<16xf32>
      %swap3A_246 = arith.constant 19 : i32
      %swap3A_247 = arith.index_cast %swap3A_246 : i32 to index
      %swap3A_248 = arith.constant 0 : index
      %swap3A_249 = tpu.vector_load %arg8[%swap3A_247, %swap3A_248] {strides = array<i32>} : memref<128x16xf32, #tpu.memory_space<vmem>>, vector<1x16xf32>,
      %swap3A_250 = vector.shape_cast %swap3A_249 : vector<1x16xf32> to vector<16xf32>
      %swap3A_251 = vector.shape_cast %add3A_245 : vector<16xf32> to vector<1x16xf32>
      tpu.vector_store %arg8[%swap3A_247, %swap3A_248], %swap3A_251 {strides = array<i32>} : memref<128x16xf32, #tpu.memory_space<vmem>>, vector<1x16xf32>,
      %slice3A_252 = vector.extract_strided_slice %get3A_207 {offsets = [4], sizes = [1], strides = [1]} : vector<16xf32> to vector<1xf32>
      %squeeze3A_253 = vector.extract %slice3A_252[0] : f32 from vector<1xf32>
      %mul3A_254 = vector.broadcast %squeeze3A_253 : f32 to vector<16xf32>
      %mul3A_255 = arith.mulf %mul3A_254, %select_n3A : vector<16xf32>
      %add3A_256 = arith.addf %mul3A_255, %select_n3A_16 : vector<16xf32>
      %swap3A_257 = arith.constant 20 : i32
      %swap3A_258 = arith.index_cast %swap3A_257 : i32 to index
      %swap3A_259 = arith.constant 0 : index
      %swap3A_260 = tpu.vector_load %arg8[%swap3A_258, %swap3A_259] {strides = array<i32>} : memref<128x16xf32, #tpu.memory_space<vmem>>, vector<1x16xf32>,
      %swap3A_261 = vector.shape_cast %swap3A_260 : vector<1x16xf32> to vector<16xf32>
      %swap3A_262 = vector.shape_cast %add3A_256 : vector<16xf32> to vector<1x16xf32>
      tpu.vector_store %arg8[%swap3A_258, %swap3A_259], %swap3A_262 {strides = array<i32>} : memref<128x16xf32, #tpu.memory_space<vmem>>, vector<1x16xf32>,
      %slice3A_263 = vector.extract_strided_slice %get3A_207 {offsets = [5], sizes = [1], strides = [1]} : vector<16xf32> to vector<1xf32>
      %squeeze3A_264 = vector.extract %slice3A_263[0] : f32 from vector<1xf32>
      %mul3A_265 = vector.broadcast %squeeze3A_264 : f32 to vector<16xf32>
      %mul3A_266 = arith.mulf %mul3A_265, %select_n3A : vector<16xf32>
      %add3A_267 = arith.addf %mul3A_266, %select_n3A_16 : vector<16xf32>
      %swap3A_268 = arith.constant 21 : i32
      %swap3A_269 = arith.index_cast %swap3A_268 : i32 to index
      %swap3A_270 = arith.constant 0 : index
      %swap3A_271 = tpu.vector_load %arg8[%swap3A_269, %swap3A_270] {strides = array<i32>} : memref<128x16xf32, #tpu.memory_space<vmem>>, vector<1x16xf32>,
      %swap3A_272 = vector.shape_cast %swap3A_271 : vector<1x16xf32> to vector<16xf32>
      %swap3A_273 = vector.shape_cast %add3A_267 : vector<16xf32> to vector<1x16xf32>
      tpu.vector_store %arg8[%swap3A_269, %swap3A_270], %swap3A_273 {strides = array<i32>} : memref<128x16xf32, #tpu.memory_space<vmem>>, vector<1x16xf32>,
      %slice3A_274 = vector.extract_strided_slice %get3A_207 {offsets = [6], sizes = [1], strides = [1]} : vector<16xf32> to vector<1xf32>
      %squeeze3A_275 = vector.extract %slice3A_274[0] : f32 from vector<1xf32>
      %mul3A_276 = vector.broadcast %squeeze3A_275 : f32 to vector<16xf32>
      %mul3A_277 = arith.mulf %mul3A_276, %select_n3A : vector<16xf32>
      %add3A_278 = arith.addf %mul3A_277, %select_n3A_16 : vector<16xf32>
      %swap3A_279 = arith.constant 22 : i32
      %swap3A_280 = arith.index_cast %swap3A_279 : i32 to index
      %swap3A_281 = arith.constant 0 : index
      %swap3A_282 = tpu.vector_load %arg8[%swap3A_280, %swap3A_281] {strides = array<i32>} : memref<128x16xf32, #tpu.memory_space<vmem>>, vector<1x16xf32>,
      %swap3A_283 = vector.shape_cast %swap3A_282 : vector<1x16xf32> to vector<16xf32>
      %swap3A_284 = vector.shape_cast %add3A_278 : vector<16xf32> to vector<1x16xf32>
      tpu.vector_store %arg8[%swap3A_280, %swap3A_281], %swap3A_284 {strides = array<i32>} : memref<128x16xf32, #tpu.memory_space<vmem>>, vector<1x16xf32>,
      %slice3A_285 = vector.extract_strided_slice %get3A_207 {offsets = [7], sizes = [1], strides = [1]} : vector<16xf32> to vector<1xf32>
      %squeeze3A_286 = vector.extract %slice3A_285[0] : f32 from vector<1xf32>
      %mul3A_287 = vector.broadcast %squeeze3A_286 : f32 to vector<16xf32>
      %mul3A_288 = arith.mulf %mul3A_287, %select_n3A : vector<16xf32>
      %add3A_289 = arith.addf %mul3A_288, %select_n3A_16 : vector<16xf32>
      %swap3A_290 = arith.constant 23 : i32
      %swap3A_291 = arith.index_cast %swap3A_290 : i32 to index
      %swap3A_292 = arith.constant 0 : index
      %swap3A_293 = tpu.vector_load %arg8[%swap3A_291, %swap3A_292] {strides = array<i32>} : memref<128x16xf32, #tpu.memory_space<vmem>>, vector<1x16xf32>,
      %swap3A_294 = vector.shape_cast %swap3A_293 : vector<1x16xf32> to vector<16xf32>
      %swap3A_295 = vector.shape_cast %add3A_289 : vector<16xf32> to vector<1x16xf32>
      tpu.vector_store %arg8[%swap3A_291, %swap3A_292], %swap3A_295 {strides = array<i32>} : memref<128x16xf32, #tpu.memory_space<vmem>>, vector<1x16xf32>,
      %slice3A_296 = vector.extract_strided_slice %get3A_207 {offsets = [8], sizes = [1], strides = [1]} : vector<16xf32> to vector<1xf32>
      %squeeze3A_297 = vector.extract %slice3A_296[0] : f32 from vector<1xf32>
      %mul3A_298 = vector.broadcast %squeeze3A_297 : f32 to vector<16xf32>
      %mul3A_299 = arith.mulf %mul3A_298, %select_n3A : vector<16xf32>
      %add3A_300 = arith.addf %mul3A_299, %select_n3A_16 : vector<16xf32>
      %swap3A_301 = arith.constant 24 : i32
      %swap3A_302 = arith.index_cast %swap3A_301 : i32 to index
      %swap3A_303 = arith.constant 0 : index
      %swap3A_304 = tpu.vector_load %arg8[%swap3A_302, %swap3A_303] {strides = array<i32>} : memref<128x16xf32, #tpu.memory_space<vmem>>, vector<1x16xf32>,
      %swap3A_305 = vector.shape_cast %swap3A_304 : vector<1x16xf32> to vector<16xf32>
      %swap3A_306 = vector.shape_cast %add3A_300 : vector<16xf32> to vector<1x16xf32>
      tpu.vector_store %arg8[%swap3A_302, %swap3A_303], %swap3A_306 {strides = array<i32>} : memref<128x16xf32, #tpu.memory_space<vmem>>, vector<1x16xf32>,
      %slice3A_307 = vector.extract_strided_slice %get3A_207 {offsets = [9], sizes = [1], strides = [1]} : vector<16xf32> to vector<1xf32>
      %squeeze3A_308 = vector.extract %slice3A_307[0] : f32 from vector<1xf32>
      %mul3A_309 = vector.broadcast %squeeze3A_308 : f32 to vector<16xf32>
      %mul3A_310 = arith.mulf %mul3A_309, %select_n3A : vector<16xf32>
      %add3A_311 = arith.addf %mul3A_310, %select_n3A_16 : vector<16xf32>
      %swap3A_312 = arith.constant 25 : i32
      %swap3A_313 = arith.index_cast %swap3A_312 : i32 to index
      %swap3A_314 = arith.constant 0 : index
      %swap3A_315 = tpu.vector_load %arg8[%swap3A_313, %swap3A_314] {strides = array<i32>} : memref<128x16xf32, #tpu.memory_space<vmem>>, vector<1x16xf32>,
      %swap3A_316 = vector.shape_cast %swap3A_315 : vector<1x16xf32> to vector<16xf32>
      %swap3A_317 = vector.shape_cast %add3A_311 : vector<16xf32> to vector<1x16xf32>
      tpu.vector_store %arg8[%swap3A_313, %swap3A_314], %swap3A_317 {strides = array<i32>} : memref<128x16xf32, #tpu.memory_space<vmem>>, vector<1x16xf32>,
      %slice3A_318 = vector.extract_strided_slice %get3A_207 {offsets = [10], sizes = [1], strides = [1]} : vector<16xf32> to vector<1xf32>
      %squeeze3A_319 = vector.extract %slice3A_318[0] : f32 from vector<1xf32>
      %mul3A_320 = vector.broadcast %squeeze3A_319 : f32 to vector<16xf32>
      %mul3A_321 = arith.mulf %mul3A_320, %select_n3A : vector<16xf32>
      %add3A_322 = arith.addf %mul3A_321, %select_n3A_16 : vector<16xf32>
      %swap3A_323 = arith.constant 26 : i32
      %swap3A_324 = arith.index_cast %swap3A_323 : i32 to index
      %swap3A_325 = arith.constant 0 : index
      %swap3A_326 = tpu.vector_load %arg8[%swap3A_324, %swap3A_325] {strides = array<i32>} : memref<128x16xf32, #tpu.memory_space<vmem>>, vector<1x16xf32>,
      %swap3A_327 = vector.shape_cast %swap3A_326 : vector<1x16xf32> to vector<16xf32>
      %swap3A_328 = vector.shape_cast %add3A_322 : vector<16xf32> to vector<1x16xf32>
      tpu.vector_store %arg8[%swap3A_324, %swap3A_325], %swap3A_328 {strides = array<i32>} : memref<128x16xf32, #tpu.memory_space<vmem>>, vector<1x16xf32>,
      %slice3A_329 = vector.extract_strided_slice %get3A_207 {offsets = [11], sizes = [1], strides = [1]} : vector<16xf32> to vector<1xf32>
      %squeeze3A_330 = vector.extract %slice3A_329[0] : f32 from vector<1xf32>
      %mul3A_331 = vector.broadcast %squeeze3A_330 : f32 to vector<16xf32>
      %mul3A_332 = arith.mulf %mul3A_331, %select_n3A : vector<16xf32>
      %add3A_333 = arith.addf %mul3A_332, %select_n3A_16 : vector<16xf32>
      %swap3A_334 = arith.constant 27 : i32
      %swap3A_335 = arith.index_cast %swap3A_334 : i32 to index
      %swap3A_336 = arith.constant 0 : index
      %swap3A_337 = tpu.vector_load %arg8[%swap3A_335, %swap3A_336] {strides = array<i32>} : memref<128x16xf32, #tpu.memory_space<vmem>>, vector<1x16xf32>,
      %swap3A_338 = vector.shape_cast %swap3A_337 : vector<1x16xf32> to vector<16xf32>
      %swap3A_339 = vector.shape_cast %add3A_333 : vector<16xf32> to vector<1x16xf32>
      tpu.vector_store %arg8[%swap3A_335, %swap3A_336], %swap3A_339 {strides = array<i32>} : memref<128x16xf32, #tpu.memory_space<vmem>>, vector<1x16xf32>,
      %slice3A_340 = vector.extract_strided_slice %get3A_207 {offsets = [12], sizes = [1], strides = [1]} : vector<16xf32> to vector<1xf32>
      %squeeze3A_341 = vector.extract %slice3A_340[0] : f32 from vector<1xf32>
      %mul3A_342 = vector.broadcast %squeeze3A_341 : f32 to vector<16xf32>
      %mul3A_343 = arith.mulf %mul3A_342, %select_n3A : vector<16xf32>
      %add3A_344 = arith.addf %mul3A_343, %select_n3A_16 : vector<16xf32>
      %swap3A_345 = arith.constant 28 : i32
      %swap3A_346 = arith.index_cast %swap3A_345 : i32 to index
      %swap3A_347 = arith.constant 0 : index
      %swap3A_348 = tpu.vector_load %arg8[%swap3A_346, %swap3A_347] {strides = array<i32>} : memref<128x16xf32, #tpu.memory_space<vmem>>, vector<1x16xf32>,
      %swap3A_349 = vector.shape_cast %swap3A_348 : vector<1x16xf32> to vector<16xf32>
      %swap3A_350 = vector.shape_cast %add3A_344 : vector<16xf32> to vector<1x16xf32>
      tpu.vector_store %arg8[%swap3A_346, %swap3A_347], %swap3A_350 {strides = array<i32>} : memref<128x16xf32, #tpu.memory_space<vmem>>, vector<1x16xf32>,
      %slice3A_351 = vector.extract_strided_slice %get3A_207 {offsets = [13], sizes = [1], strides = [1]} : vector<16xf32> to vector<1xf32>
      %squeeze3A_352 = vector.extract %slice3A_351[0] : f32 from vector<1xf32>
      %mul3A_353 = vector.broadcast %squeeze3A_352 : f32 to vector<16xf32>
      %mul3A_354 = arith.mulf %mul3A_353, %select_n3A : vector<16xf32>
      %add3A_355 = arith.addf %mul3A_354, %select_n3A_16 : vector<16xf32>
      %swap3A_356 = arith.constant 29 : i32
      %swap3A_357 = arith.index_cast %swap3A_356 : i32 to index
      %swap3A_358 = arith.constant 0 : index
      %swap3A_359 = tpu.vector_load %arg8[%swap3A_357, %swap3A_358] {strides = array<i32>} : memref<128x16xf32, #tpu.memory_space<vmem>>, vector<1x16xf32>,
      %swap3A_360 = vector.shape_cast %swap3A_359 : vector<1x16xf32> to vector<16xf32>
      %swap3A_361 = vector.shape_cast %add3A_355 : vector<16xf32> to vector<1x16xf32>
      tpu.vector_store %arg8[%swap3A_357, %swap3A_358], %swap3A_361 {strides = array<i32>} : memref<128x16xf32, #tpu.memory_space<vmem>>, vector<1x16xf32>,
      %slice3A_362 = vector.extract_strided_slice %get3A_207 {offsets = [14], sizes = [1], strides = [1]} : vector<16xf32> to vector<1xf32>
      %squeeze3A_363 = vector.extract %slice3A_362[0] : f32 from vector<1xf32>
      %mul3A_364 = vector.broadcast %squeeze3A_363 : f32 to vector<16xf32>
      %mul3A_365 = arith.mulf %mul3A_364, %select_n3A : vector<16xf32>
      %add3A_366 = arith.addf %mul3A_365, %select_n3A_16 : vector<16xf32>
      %swap3A_367 = arith.constant 30 : i32
      %swap3A_368 = arith.index_cast %swap3A_367 : i32 to index
      %swap3A_369 = arith.constant 0 : index
      %swap3A_370 = tpu.vector_load %arg8[%swap3A_368, %swap3A_369] {strides = array<i32>} : memref<128x16xf32, #tpu.memory_space<vmem>>, vector<1x16xf32>,
      %swap3A_371 = vector.shape_cast %swap3A_370 : vector<1x16xf32> to vector<16xf32>
      %swap3A_372 = vector.shape_cast %add3A_366 : vector<16xf32> to vector<1x16xf32>
      tpu.vector_store %arg8[%swap3A_368, %swap3A_369], %swap3A_372 {strides = array<i32>} : memref<128x16xf32, #tpu.memory_space<vmem>>, vector<1x16xf32>,
      %slice3A_373 = vector.extract_strided_slice %get3A_207 {offsets = [15], sizes = [1], strides = [1]} : vector<16xf32> to vector<1xf32>
      %squeeze3A_374 = vector.extract %slice3A_373[0] : f32 from vector<1xf32>
      %mul3A_375 = vector.broadcast %squeeze3A_374 : f32 to vector<16xf32>
      %mul3A_376 = arith.mulf %mul3A_375, %select_n3A : vector<16xf32>
      %add3A_377 = arith.addf %mul3A_376, %select_n3A_16 : vector<16xf32>
      %swap3A_378 = arith.constant 31 : i32
      %swap3A_379 = arith.index_cast %swap3A_378 : i32 to index
      %swap3A_380 = arith.constant 0 : index
      %swap3A_381 = tpu.vector_load %arg8[%swap3A_379, %swap3A_380] {strides = array<i32>} : memref<128x16xf32, #tpu.memory_space<vmem>>, vector<1x16xf32>,
      %swap3A_382 = vector.shape_cast %swap3A_381 : vector<1x16xf32> to vector<16xf32>
      %swap3A_383 = vector.shape_cast %add3A_377 : vector<16xf32> to vector<1x16xf32>
      tpu.vector_store %arg8[%swap3A_379, %swap3A_380], %swap3A_383 {strides = array<i32>} : memref<128x16xf32, #tpu.memory_space<vmem>>, vector<1x16xf32>,
      %get3A_384 = arith.index_cast %scan3A_27 : i32 to index
      %get3A_385 = arith.constant 32 : index
      %get3A_386 = tpu.vector_load %arg7[%get3A_384, %get3A_385] {strides = array<i32>} : memref<80x128xf32, #tpu.memory_space<vmem>>, vector<1x16xf32>,
      %get3A_387 = vector.shape_cast %get3A_386 : vector<1x16xf32> to vector<16xf32>
      %slice3A_388 = vector.extract_strided_slice %get3A_387 {offsets = [0], sizes = [1], strides = [1]} : vector<16xf32> to vector<1xf32>
      %squeeze3A_389 = vector.extract %slice3A_388[0] : f32 from vector<1xf32>
      %mul3A_390 = vector.broadcast %squeeze3A_389 : f32 to vector<16xf32>
      %mul3A_391 = arith.mulf %mul3A_390, %select_n3A : vector<16xf32>
      %add3A_392 = arith.addf %mul3A_391, %select_n3A_16 : vector<16xf32>
      %swap3A_393 = arith.constant 32 : i32
      %swap3A_394 = arith.index_cast %swap3A_393 : i32 to index
      %swap3A_395 = arith.constant 0 : index
      %swap3A_396 = tpu.vector_load %arg8[%swap3A_394, %swap3A_395] {strides = array<i32>} : memref<128x16xf32, #tpu.memory_space<vmem>>, vector<1x16xf32>,
      %swap3A_397 = vector.shape_cast %swap3A_396 : vector<1x16xf32> to vector<16xf32>
      %swap3A_398 = vector.shape_cast %add3A_392 : vector<16xf32> to vector<1x16xf32>
      tpu.vector_store %arg8[%swap3A_394, %swap3A_395], %swap3A_398 {strides = array<i32>} : memref<128x16xf32, #tpu.memory_space<vmem>>, vector<1x16xf32>,
      %slice3A_399 = vector.extract_strided_slice %get3A_387 {offsets = [1], sizes = [1], strides = [1]} : vector<16xf32> to vector<1xf32>
      %squeeze3A_400 = vector.extract %slice3A_399[0] : f32 from vector<1xf32>
      %mul3A_401 = vector.broadcast %squeeze3A_400 : f32 to vector<16xf32>
      %mul3A_402 = arith.mulf %mul3A_401, %select_n3A : vector<16xf32>
      %add3A_403 = arith.addf %mul3A_402, %select_n3A_16 : vector<16xf32>
      %swap3A_404 = arith.constant 33 : i32
      %swap3A_405 = arith.index_cast %swap3A_404 : i32 to index
      %swap3A_406 = arith.constant 0 : index
      %swap3A_407 = tpu.vector_load %arg8[%swap3A_405, %swap3A_406] {strides = array<i32>} : memref<128x16xf32, #tpu.memory_space<vmem>>, vector<1x16xf32>,
      %swap3A_408 = vector.shape_cast %swap3A_407 : vector<1x16xf32> to vector<16xf32>
      %swap3A_409 = vector.shape_cast %add3A_403 : vector<16xf32> to vector<1x16xf32>
      tpu.vector_store %arg8[%swap3A_405, %swap3A_406], %swap3A_409 {strides = array<i32>} : memref<128x16xf32, #tpu.memory_space<vmem>>, vector<1x16xf32>,
      %slice3A_410 = vector.extract_strided_slice %get3A_387 {offsets = [2], sizes = [1], strides = [1]} : vector<16xf32> to vector<1xf32>
      %squeeze3A_411 = vector.extract %slice3A_410[0] : f32 from vector<1xf32>
      %mul3A_412 = vector.broadcast %squeeze3A_411 : f32 to vector<16xf32>
      %mul3A_413 = arith.mulf %mul3A_412, %select_n3A : vector<16xf32>
      %add3A_414 = arith.addf %mul3A_413, %select_n3A_16 : vector<16xf32>
      %swap3A_415 = arith.constant 34 : i32
      %swap3A_416 = arith.index_cast %swap3A_415 : i32 to index
      %swap3A_417 = arith.constant 0 : index
      %swap3A_418 = tpu.vector_load %arg8[%swap3A_416, %swap3A_417] {strides = array<i32>} : memref<128x16xf32, #tpu.memory_space<vmem>>, vector<1x16xf32>,
      %swap3A_419 = vector.shape_cast %swap3A_418 : vector<1x16xf32> to vector<16xf32>
      %swap3A_420 = vector.shape_cast %add3A_414 : vector<16xf32> to vector<1x16xf32>
      tpu.vector_store %arg8[%swap3A_416, %swap3A_417], %swap3A_420 {strides = array<i32>} : memref<128x16xf32, #tpu.memory_space<vmem>>, vector<1x16xf32>,
      %slice3A_421 = vector.extract_strided_slice %get3A_387 {offsets = [3], sizes = [1], strides = [1]} : vector<16xf32> to vector<1xf32>
      %squeeze3A_422 = vector.extract %slice3A_421[0] : f32 from vector<1xf32>
      %mul3A_423 = vector.broadcast %squeeze3A_422 : f32 to vector<16xf32>
      %mul3A_424 = arith.mulf %mul3A_423, %select_n3A : vector<16xf32>
      %add3A_425 = arith.addf %mul3A_424, %select_n3A_16 : vector<16xf32>
      %swap3A_426 = arith.constant 35 : i32
      %swap3A_427 = arith.index_cast %swap3A_426 : i32 to index
      %swap3A_428 = arith.constant 0 : index
      %swap3A_429 = tpu.vector_load %arg8[%swap3A_427, %swap3A_428] {strides = array<i32>} : memref<128x16xf32, #tpu.memory_space<vmem>>, vector<1x16xf32>,
      %swap3A_430 = vector.shape_cast %swap3A_429 : vector<1x16xf32> to vector<16xf32>
      %swap3A_431 = vector.shape_cast %add3A_425 : vector<16xf32> to vector<1x16xf32>
      tpu.vector_store %arg8[%swap3A_427, %swap3A_428], %swap3A_431 {strides = array<i32>} : memref<128x16xf32, #tpu.memory_space<vmem>>, vector<1x16xf32>,
      %slice3A_432 = vector.extract_strided_slice %get3A_387 {offsets = [4], sizes = [1], strides = [1]} : vector<16xf32> to vector<1xf32>
      %squeeze3A_433 = vector.extract %slice3A_432[0] : f32 from vector<1xf32>
      %mul3A_434 = vector.broadcast %squeeze3A_433 : f32 to vector<16xf32>
      %mul3A_435 = arith.mulf %mul3A_434, %select_n3A : vector<16xf32>
      %add3A_436 = arith.addf %mul3A_435, %select_n3A_16 : vector<16xf32>
      %swap3A_437 = arith.constant 36 : i32
      %swap3A_438 = arith.index_cast %swap3A_437 : i32 to index
      %swap3A_439 = arith.constant 0 : index
      %swap3A_440 = tpu.vector_load %arg8[%swap3A_438, %swap3A_439] {strides = array<i32>} : memref<128x16xf32, #tpu.memory_space<vmem>>, vector<1x16xf32>,
      %swap3A_441 = vector.shape_cast %swap3A_440 : vector<1x16xf32> to vector<16xf32>
      %swap3A_442 = vector.shape_cast %add3A_436 : vector<16xf32> to vector<1x16xf32>
      tpu.vector_store %arg8[%swap3A_438, %swap3A_439], %swap3A_442 {strides = array<i32>} : memref<128x16xf32, #tpu.memory_space<vmem>>, vector<1x16xf32>,
      %slice3A_443 = vector.extract_strided_slice %get3A_387 {offsets = [5], sizes = [1], strides = [1]} : vector<16xf32> to vector<1xf32>
      %squeeze3A_444 = vector.extract %slice3A_443[0] : f32 from vector<1xf32>
      %mul3A_445 = vector.broadcast %squeeze3A_444 : f32 to vector<16xf32>
      %mul3A_446 = arith.mulf %mul3A_445, %select_n3A : vector<16xf32>
      %add3A_447 = arith.addf %mul3A_446, %select_n3A_16 : vector<16xf32>
      %swap3A_448 = arith.constant 37 : i32
      %swap3A_449 = arith.index_cast %swap3A_448 : i32 to index
      %swap3A_450 = arith.constant 0 : index
      %swap3A_451 = tpu.vector_load %arg8[%swap3A_449, %swap3A_450] {strides = array<i32>} : memref<128x16xf32, #tpu.memory_space<vmem>>, vector<1x16xf32>,
      %swap3A_452 = vector.shape_cast %swap3A_451 : vector<1x16xf32> to vector<16xf32>
      %swap3A_453 = vector.shape_cast %add3A_447 : vector<16xf32> to vector<1x16xf32>
      tpu.vector_store %arg8[%swap3A_449, %swap3A_450], %swap3A_453 {strides = array<i32>} : memref<128x16xf32, #tpu.memory_space<vmem>>, vector<1x16xf32>,
      %slice3A_454 = vector.extract_strided_slice %get3A_387 {offsets = [6], sizes = [1], strides = [1]} : vector<16xf32> to vector<1xf32>
      %squeeze3A_455 = vector.extract %slice3A_454[0] : f32 from vector<1xf32>
      %mul3A_456 = vector.broadcast %squeeze3A_455 : f32 to vector<16xf32>
      %mul3A_457 = arith.mulf %mul3A_456, %select_n3A : vector<16xf32>
      %add3A_458 = arith.addf %mul3A_457, %select_n3A_16 : vector<16xf32>
      %swap3A_459 = arith.constant 38 : i32
      %swap3A_460 = arith.index_cast %swap3A_459 : i32 to index
      %swap3A_461 = arith.constant 0 : index
      %swap3A_462 = tpu.vector_load %arg8[%swap3A_460, %swap3A_461] {strides = array<i32>} : memref<128x16xf32, #tpu.memory_space<vmem>>, vector<1x16xf32>,
      %swap3A_463 = vector.shape_cast %swap3A_462 : vector<1x16xf32> to vector<16xf32>
      %swap3A_464 = vector.shape_cast %add3A_458 : vector<16xf32> to vector<1x16xf32>
      tpu.vector_store %arg8[%swap3A_460, %swap3A_461], %swap3A_464 {strides = array<i32>} : memref<128x16xf32, #tpu.memory_space<vmem>>, vector<1x16xf32>,
      %slice3A_465 = vector.extract_strided_slice %get3A_387 {offsets = [7], sizes = [1], strides = [1]} : vector<16xf32> to vector<1xf32>
      %squeeze3A_466 = vector.extract %slice3A_465[0] : f32 from vector<1xf32>
      %mul3A_467 = vector.broadcast %squeeze3A_466 : f32 to vector<16xf32>
      %mul3A_468 = arith.mulf %mul3A_467, %select_n3A : vector<16xf32>
      %add3A_469 = arith.addf %mul3A_468, %select_n3A_16 : vector<16xf32>
      %swap3A_470 = arith.constant 39 : i32
      %swap3A_471 = arith.index_cast %swap3A_470 : i32 to index
      %swap3A_472 = arith.constant 0 : index
      %swap3A_473 = tpu.vector_load %arg8[%swap3A_471, %swap3A_472] {strides = array<i32>} : memref<128x16xf32, #tpu.memory_space<vmem>>, vector<1x16xf32>,
      %swap3A_474 = vector.shape_cast %swap3A_473 : vector<1x16xf32> to vector<16xf32>
      %swap3A_475 = vector.shape_cast %add3A_469 : vector<16xf32> to vector<1x16xf32>
      tpu.vector_store %arg8[%swap3A_471, %swap3A_472], %swap3A_475 {strides = array<i32>} : memref<128x16xf32, #tpu.memory_space<vmem>>, vector<1x16xf32>,
      %slice3A_476 = vector.extract_strided_slice %get3A_387 {offsets = [8], sizes = [1], strides = [1]} : vector<16xf32> to vector<1xf32>
      %squeeze3A_477 = vector.extract %slice3A_476[0] : f32 from vector<1xf32>
      %mul3A_478 = vector.broadcast %squeeze3A_477 : f32 to vector<16xf32>
      %mul3A_479 = arith.mulf %mul3A_478, %select_n3A : vector<16xf32>
      %add3A_480 = arith.addf %mul3A_479, %select_n3A_16 : vector<16xf32>
      %swap3A_481 = arith.constant 40 : i32
      %swap3A_482 = arith.index_cast %swap3A_481 : i32 to index
      %swap3A_483 = arith.constant 0 : index
      %swap3A_484 = tpu.vector_load %arg8[%swap3A_482, %swap3A_483] {strides = array<i32>} : memref<128x16xf32, #tpu.memory_space<vmem>>, vector<1x16xf32>,
      %swap3A_485 = vector.shape_cast %swap3A_484 : vector<1x16xf32> to vector<16xf32>
      %swap3A_486 = vector.shape_cast %add3A_480 : vector<16xf32> to vector<1x16xf32>
      tpu.vector_store %arg8[%swap3A_482, %swap3A_483], %swap3A_486 {strides = array<i32>} : memref<128x16xf32, #tpu.memory_space<vmem>>, vector<1x16xf32>,
      %slice3A_487 = vector.extract_strided_slice %get3A_387 {offsets = [9], sizes = [1], strides = [1]} : vector<16xf32> to vector<1xf32>
      %squeeze3A_488 = vector.extract %slice3A_487[0] : f32 from vector<1xf32>
      %mul3A_489 = vector.broadcast %squeeze3A_488 : f32 to vector<16xf32>
      %mul3A_490 = arith.mulf %mul3A_489, %select_n3A : vector<16xf32>
      %add3A_491 = arith.addf %mul3A_490, %select_n3A_16 : vector<16xf32>
      %swap3A_492 = arith.constant 41 : i32
      %swap3A_493 = arith.index_cast %swap3A_492 : i32 to index
      %swap3A_494 = arith.constant 0 : index
      %swap3A_495 = tpu.vector_load %arg8[%swap3A_493, %swap3A_494] {strides = array<i32>} : memref<128x16xf32, #tpu.memory_space<vmem>>, vector<1x16xf32>,
      %swap3A_496 = vector.shape_cast %swap3A_495 : vector<1x16xf32> to vector<16xf32>
      %swap3A_497 = vector.shape_cast %add3A_491 : vector<16xf32> to vector<1x16xf32>
      tpu.vector_store %arg8[%swap3A_493, %swap3A_494], %swap3A_497 {strides = array<i32>} : memref<128x16xf32, #tpu.memory_space<vmem>>, vector<1x16xf32>,
      %slice3A_498 = vector.extract_strided_slice %get3A_387 {offsets = [10], sizes = [1], strides = [1]} : vector<16xf32> to vector<1xf32>
      %squeeze3A_499 = vector.extract %slice3A_498[0] : f32 from vector<1xf32>
      %mul3A_500 = vector.broadcast %squeeze3A_499 : f32 to vector<16xf32>
      %mul3A_501 = arith.mulf %mul3A_500, %select_n3A : vector<16xf32>
      %add3A_502 = arith.addf %mul3A_501, %select_n3A_16 : vector<16xf32>
      %swap3A_503 = arith.constant 42 : i32
      %swap3A_504 = arith.index_cast %swap3A_503 : i32 to index
      %swap3A_505 = arith.constant 0 : index
      %swap3A_506 = tpu.vector_load %arg8[%swap3A_504, %swap3A_505] {strides = array<i32>} : memref<128x16xf32, #tpu.memory_space<vmem>>, vector<1x16xf32>,
      %swap3A_507 = vector.shape_cast %swap3A_506 : vector<1x16xf32> to vector<16xf32>
      %swap3A_508 = vector.shape_cast %add3A_502 : vector<16xf32> to vector<1x16xf32>
      tpu.vector_store %arg8[%swap3A_504, %swap3A_505], %swap3A_508 {strides = array<i32>} : memref<128x16xf32, #tpu.memory_space<vmem>>, vector<1x16xf32>,
      %slice3A_509 = vector.extract_strided_slice %get3A_387 {offsets = [11], sizes = [1], strides = [1]} : vector<16xf32> to vector<1xf32>
      %squeeze3A_510 = vector.extract %slice3A_509[0] : f32 from vector<1xf32>
      %mul3A_511 = vector.broadcast %squeeze3A_510 : f32 to vector<16xf32>
      %mul3A_512 = arith.mulf %mul3A_511, %select_n3A : vector<16xf32>
      %add3A_513 = arith.addf %mul3A_512, %select_n3A_16 : vector<16xf32>
      %swap3A_514 = arith.constant 43 : i32
      %swap3A_515 = arith.index_cast %swap3A_514 : i32 to index
      %swap3A_516 = arith.constant 0 : index
      %swap3A_517 = tpu.vector_load %arg8[%swap3A_515, %swap3A_516] {strides = array<i32>} : memref<128x16xf32, #tpu.memory_space<vmem>>, vector<1x16xf32>,
      %swap3A_518 = vector.shape_cast %swap3A_517 : vector<1x16xf32> to vector<16xf32>
      %swap3A_519 = vector.shape_cast %add3A_513 : vector<16xf32> to vector<1x16xf32>
      tpu.vector_store %arg8[%swap3A_515, %swap3A_516], %swap3A_519 {strides = array<i32>} : memref<128x16xf32, #tpu.memory_space<vmem>>, vector<1x16xf32>,
      %slice3A_520 = vector.extract_strided_slice %get3A_387 {offsets = [12], sizes = [1], strides = [1]} : vector<16xf32> to vector<1xf32>
      %squeeze3A_521 = vector.extract %slice3A_520[0] : f32 from vector<1xf32>
      %mul3A_522 = vector.broadcast %squeeze3A_521 : f32 to vector<16xf32>
      %mul3A_523 = arith.mulf %mul3A_522, %select_n3A : vector<16xf32>
      %add3A_524 = arith.addf %mul3A_523, %select_n3A_16 : vector<16xf32>
      %swap3A_525 = arith.constant 44 : i32
      %swap3A_526 = arith.index_cast %swap3A_525 : i32 to index
      %swap3A_527 = arith.constant 0 : index
      %swap3A_528 = tpu.vector_load %arg8[%swap3A_526, %swap3A_527] {strides = array<i32>} : memref<128x16xf32, #tpu.memory_space<vmem>>, vector<1x16xf32>,
      %swap3A_529 = vector.shape_cast %swap3A_528 : vector<1x16xf32> to vector<16xf32>
      %swap3A_530 = vector.shape_cast %add3A_524 : vector<16xf32> to vector<1x16xf32>
      tpu.vector_store %arg8[%swap3A_526, %swap3A_527], %swap3A_530 {strides = array<i32>} : memref<128x16xf32, #tpu.memory_space<vmem>>, vector<1x16xf32>,
      %slice3A_531 = vector.extract_strided_slice %get3A_387 {offsets = [13], sizes = [1], strides = [1]} : vector<16xf32> to vector<1xf32>
      %squeeze3A_532 = vector.extract %slice3A_531[0] : f32 from vector<1xf32>
      %mul3A_533 = vector.broadcast %squeeze3A_532 : f32 to vector<16xf32>
      %mul3A_534 = arith.mulf %mul3A_533, %select_n3A : vector<16xf32>
      %add3A_535 = arith.addf %mul3A_534, %select_n3A_16 : vector<16xf32>
      %swap3A_536 = arith.constant 45 : i32
      %swap3A_537 = arith.index_cast %swap3A_536 : i32 to index
      %swap3A_538 = arith.constant 0 : index
      %swap3A_539 = tpu.vector_load %arg8[%swap3A_537, %swap3A_538] {strides = array<i32>} : memref<128x16xf32, #tpu.memory_space<vmem>>, vector<1x16xf32>,
      %swap3A_540 = vector.shape_cast %swap3A_539 : vector<1x16xf32> to vector<16xf32>
      %swap3A_541 = vector.shape_cast %add3A_535 : vector<16xf32> to vector<1x16xf32>
      tpu.vector_store %arg8[%swap3A_537, %swap3A_538], %swap3A_541 {strides = array<i32>} : memref<128x16xf32, #tpu.memory_space<vmem>>, vector<1x16xf32>,
      %slice3A_542 = vector.extract_strided_slice %get3A_387 {offsets = [14], sizes = [1], strides = [1]} : vector<16xf32> to vector<1xf32>
      %squeeze3A_543 = vector.extract %slice3A_542[0] : f32 from vector<1xf32>
      %mul3A_544 = vector.broadcast %squeeze3A_543 : f32 to vector<16xf32>
      %mul3A_545 = arith.mulf %mul3A_544, %select_n3A : vector<16xf32>
      %add3A_546 = arith.addf %mul3A_545, %select_n3A_16 : vector<16xf32>
      %swap3A_547 = arith.constant 46 : i32
      %swap3A_548 = arith.index_cast %swap3A_547 : i32 to index
      %swap3A_549 = arith.constant 0 : index
      %swap3A_550 = tpu.vector_load %arg8[%swap3A_548, %swap3A_549] {strides = array<i32>} : memref<128x16xf32, #tpu.memory_space<vmem>>, vector<1x16xf32>,
      %swap3A_551 = vector.shape_cast %swap3A_550 : vector<1x16xf32> to vector<16xf32>
      %swap3A_552 = vector.shape_cast %add3A_546 : vector<16xf32> to vector<1x16xf32>
      tpu.vector_store %arg8[%swap3A_548, %swap3A_549], %swap3A_552 {strides = array<i32>} : memref<128x16xf32, #tpu.memory_space<vmem>>, vector<1x16xf32>,
      %slice3A_553 = vector.extract_strided_slice %get3A_387 {offsets = [15], sizes = [1], strides = [1]} : vector<16xf32> to vector<1xf32>
      %squeeze3A_554 = vector.extract %slice3A_553[0] : f32 from vector<1xf32>
      %mul3A_555 = vector.broadcast %squeeze3A_554 : f32 to vector<16xf32>
      %mul3A_556 = arith.mulf %mul3A_555, %select_n3A : vector<16xf32>
      %add3A_557 = arith.addf %mul3A_556, %select_n3A_16 : vector<16xf32>
      %swap3A_558 = arith.constant 47 : i32
      %swap3A_559 = arith.index_cast %swap3A_558 : i32 to index
      %swap3A_560 = arith.constant 0 : index
      %swap3A_561 = tpu.vector_load %arg8[%swap3A_559, %swap3A_560] {strides = array<i32>} : memref<128x16xf32, #tpu.memory_space<vmem>>, vector<1x16xf32>,
      %swap3A_562 = vector.shape_cast %swap3A_561 : vector<1x16xf32> to vector<16xf32>
      %swap3A_563 = vector.shape_cast %add3A_557 : vector<16xf32> to vector<1x16xf32>
      tpu.vector_store %arg8[%swap3A_559, %swap3A_560], %swap3A_563 {strides = array<i32>} : memref<128x16xf32, #tpu.memory_space<vmem>>, vector<1x16xf32>,
      %get3A_564 = arith.index_cast %scan3A_27 : i32 to index
      %get3A_565 = arith.constant 48 : index
      %get3A_566 = tpu.vector_load %arg7[%get3A_564, %get3A_565] {strides = array<i32>} : memref<80x128xf32, #tpu.memory_space<vmem>>, vector<1x16xf32>,
      %get3A_567 = vector.shape_cast %get3A_566 : vector<1x16xf32> to vector<16xf32>
      %slice3A_568 = vector.extract_strided_slice %get3A_567 {offsets = [0], sizes = [1], strides = [1]} : vector<16xf32> to vector<1xf32>
      %squeeze3A_569 = vector.extract %slice3A_568[0] : f32 from vector<1xf32>
      %mul3A_570 = vector.broadcast %squeeze3A_569 : f32 to vector<16xf32>
      %mul3A_571 = arith.mulf %mul3A_570, %select_n3A : vector<16xf32>
      %add3A_572 = arith.addf %mul3A_571, %select_n3A_16 : vector<16xf32>
      %swap3A_573 = arith.constant 48 : i32
      %swap3A_574 = arith.index_cast %swap3A_573 : i32 to index
      %swap3A_575 = arith.constant 0 : index
      %swap3A_576 = tpu.vector_load %arg8[%swap3A_574, %swap3A_575] {strides = array<i32>} : memref<128x16xf32, #tpu.memory_space<vmem>>, vector<1x16xf32>,
      %swap3A_577 = vector.shape_cast %swap3A_576 : vector<1x16xf32> to vector<16xf32>
      %swap3A_578 = vector.shape_cast %add3A_572 : vector<16xf32> to vector<1x16xf32>
      tpu.vector_store %arg8[%swap3A_574, %swap3A_575], %swap3A_578 {strides = array<i32>} : memref<128x16xf32, #tpu.memory_space<vmem>>, vector<1x16xf32>,
      %slice3A_579 = vector.extract_strided_slice %get3A_567 {offsets = [1], sizes = [1], strides = [1]} : vector<16xf32> to vector<1xf32>
      %squeeze3A_580 = vector.extract %slice3A_579[0] : f32 from vector<1xf32>
      %mul3A_581 = vector.broadcast %squeeze3A_580 : f32 to vector<16xf32>
      %mul3A_582 = arith.mulf %mul3A_581, %select_n3A : vector<16xf32>
      %add3A_583 = arith.addf %mul3A_582, %select_n3A_16 : vector<16xf32>
      %swap3A_584 = arith.constant 49 : i32
      %swap3A_585 = arith.index_cast %swap3A_584 : i32 to index
      %swap3A_586 = arith.constant 0 : index
      %swap3A_587 = tpu.vector_load %arg8[%swap3A_585, %swap3A_586] {strides = array<i32>} : memref<128x16xf32, #tpu.memory_space<vmem>>, vector<1x16xf32>,
      %swap3A_588 = vector.shape_cast %swap3A_587 : vector<1x16xf32> to vector<16xf32>
      %swap3A_589 = vector.shape_cast %add3A_583 : vector<16xf32> to vector<1x16xf32>
      tpu.vector_store %arg8[%swap3A_585, %swap3A_586], %swap3A_589 {strides = array<i32>} : memref<128x16xf32, #tpu.memory_space<vmem>>, vector<1x16xf32>,
      %slice3A_590 = vector.extract_strided_slice %get3A_567 {offsets = [2], sizes = [1], strides = [1]} : vector<16xf32> to vector<1xf32>
      %squeeze3A_591 = vector.extract %slice3A_590[0] : f32 from vector<1xf32>
      %mul3A_592 = vector.broadcast %squeeze3A_591 : f32 to vector<16xf32>
      %mul3A_593 = arith.mulf %mul3A_592, %select_n3A : vector<16xf32>
      %add3A_594 = arith.addf %mul3A_593, %select_n3A_16 : vector<16xf32>
      %swap3A_595 = arith.constant 50 : i32
      %swap3A_596 = arith.index_cast %swap3A_595 : i32 to index
      %swap3A_597 = arith.constant 0 : index
      %swap3A_598 = tpu.vector_load %arg8[%swap3A_596, %swap3A_597] {strides = array<i32>} : memref<128x16xf32, #tpu.memory_space<vmem>>, vector<1x16xf32>,
      %swap3A_599 = vector.shape_cast %swap3A_598 : vector<1x16xf32> to vector<16xf32>
      %swap3A_600 = vector.shape_cast %add3A_594 : vector<16xf32> to vector<1x16xf32>
      tpu.vector_store %arg8[%swap3A_596, %swap3A_597], %swap3A_600 {strides = array<i32>} : memref<128x16xf32, #tpu.memory_space<vmem>>, vector<1x16xf32>,
      %slice3A_601 = vector.extract_strided_slice %get3A_567 {offsets = [3], sizes = [1], strides = [1]} : vector<16xf32> to vector<1xf32>
      %squeeze3A_602 = vector.extract %slice3A_601[0] : f32 from vector<1xf32>
      %mul3A_603 = vector.broadcast %squeeze3A_602 : f32 to vector<16xf32>
      %mul3A_604 = arith.mulf %mul3A_603, %select_n3A : vector<16xf32>
      %add3A_605 = arith.addf %mul3A_604, %select_n3A_16 : vector<16xf32>
      %swap3A_606 = arith.constant 51 : i32
      %swap3A_607 = arith.index_cast %swap3A_606 : i32 to index
      %swap3A_608 = arith.constant 0 : index
      %swap3A_609 = tpu.vector_load %arg8[%swap3A_607, %swap3A_608] {strides = array<i32>} : memref<128x16xf32, #tpu.memory_space<vmem>>, vector<1x16xf32>,
      %swap3A_610 = vector.shape_cast %swap3A_609 : vector<1x16xf32> to vector<16xf32>
      %swap3A_611 = vector.shape_cast %add3A_605 : vector<16xf32> to vector<1x16xf32>
      tpu.vector_store %arg8[%swap3A_607, %swap3A_608], %swap3A_611 {strides = array<i32>} : memref<128x16xf32, #tpu.memory_space<vmem>>, vector<1x16xf32>,
      %slice3A_612 = vector.extract_strided_slice %get3A_567 {offsets = [4], sizes = [1], strides = [1]} : vector<16xf32> to vector<1xf32>
      %squeeze3A_613 = vector.extract %slice3A_612[0] : f32 from vector<1xf32>
      %mul3A_614 = vector.broadcast %squeeze3A_613 : f32 to vector<16xf32>
      %mul3A_615 = arith.mulf %mul3A_614, %select_n3A : vector<16xf32>
      %add3A_616 = arith.addf %mul3A_615, %select_n3A_16 : vector<16xf32>
      %swap3A_617 = arith.constant 52 : i32
      %swap3A_618 = arith.index_cast %swap3A_617 : i32 to index
      %swap3A_619 = arith.constant 0 : index
      %swap3A_620 = tpu.vector_load %arg8[%swap3A_618, %swap3A_619] {strides = array<i32>} : memref<128x16xf32, #tpu.memory_space<vmem>>, vector<1x16xf32>,
      %swap3A_621 = vector.shape_cast %swap3A_620 : vector<1x16xf32> to vector<16xf32>
      %swap3A_622 = vector.shape_cast %add3A_616 : vector<16xf32> to vector<1x16xf32>
      tpu.vector_store %arg8[%swap3A_618, %swap3A_619], %swap3A_622 {strides = array<i32>} : memref<128x16xf32, #tpu.memory_space<vmem>>, vector<1x16xf32>,
      %slice3A_623 = vector.extract_strided_slice %get3A_567 {offsets = [5], sizes = [1], strides = [1]} : vector<16xf32> to vector<1xf32>
      %squeeze3A_624 = vector.extract %slice3A_623[0] : f32 from vector<1xf32>
      %mul3A_625 = vector.broadcast %squeeze3A_624 : f32 to vector<16xf32>
      %mul3A_626 = arith.mulf %mul3A_625, %select_n3A : vector<16xf32>
      %add3A_627 = arith.addf %mul3A_626, %select_n3A_16 : vector<16xf32>
      %swap3A_628 = arith.constant 53 : i32
      %swap3A_629 = arith.index_cast %swap3A_628 : i32 to index
      %swap3A_630 = arith.constant 0 : index
      %swap3A_631 = tpu.vector_load %arg8[%swap3A_629, %swap3A_630] {strides = array<i32>} : memref<128x16xf32, #tpu.memory_space<vmem>>, vector<1x16xf32>,
      %swap3A_632 = vector.shape_cast %swap3A_631 : vector<1x16xf32> to vector<16xf32>
      %swap3A_633 = vector.shape_cast %add3A_627 : vector<16xf32> to vector<1x16xf32>
      tpu.vector_store %arg8[%swap3A_629, %swap3A_630], %swap3A_633 {strides = array<i32>} : memref<128x16xf32, #tpu.memory_space<vmem>>, vector<1x16xf32>,
      %slice3A_634 = vector.extract_strided_slice %get3A_567 {offsets = [6], sizes = [1], strides = [1]} : vector<16xf32> to vector<1xf32>
      %squeeze3A_635 = vector.extract %slice3A_634[0] : f32 from vector<1xf32>
      %mul3A_636 = vector.broadcast %squeeze3A_635 : f32 to vector<16xf32>
      %mul3A_637 = arith.mulf %mul3A_636, %select_n3A : vector<16xf32>
      %add3A_638 = arith.addf %mul3A_637, %select_n3A_16 : vector<16xf32>
      %swap3A_639 = arith.constant 54 : i32
      %swap3A_640 = arith.index_cast %swap3A_639 : i32 to index
      %swap3A_641 = arith.constant 0 : index
      %swap3A_642 = tpu.vector_load %arg8[%swap3A_640, %swap3A_641] {strides = array<i32>} : memref<128x16xf32, #tpu.memory_space<vmem>>, vector<1x16xf32>,
      %swap3A_643 = vector.shape_cast %swap3A_642 : vector<1x16xf32> to vector<16xf32>
      %swap3A_644 = vector.shape_cast %add3A_638 : vector<16xf32> to vector<1x16xf32>
      tpu.vector_store %arg8[%swap3A_640, %swap3A_641], %swap3A_644 {strides = array<i32>} : memref<128x16xf32, #tpu.memory_space<vmem>>, vector<1x16xf32>,
      %slice3A_645 = vector.extract_strided_slice %get3A_567 {offsets = [7], sizes = [1], strides = [1]} : vector<16xf32> to vector<1xf32>
      %squeeze3A_646 = vector.extract %slice3A_645[0] : f32 from vector<1xf32>
      %mul3A_647 = vector.broadcast %squeeze3A_646 : f32 to vector<16xf32>
      %mul3A_648 = arith.mulf %mul3A_647, %select_n3A : vector<16xf32>
      %add3A_649 = arith.addf %mul3A_648, %select_n3A_16 : vector<16xf32>
      %swap3A_650 = arith.constant 55 : i32
      %swap3A_651 = arith.index_cast %swap3A_650 : i32 to index
      %swap3A_652 = arith.constant 0 : index
      %swap3A_653 = tpu.vector_load %arg8[%swap3A_651, %swap3A_652] {strides = array<i32>} : memref<128x16xf32, #tpu.memory_space<vmem>>, vector<1x16xf32>,
      %swap3A_654 = vector.shape_cast %swap3A_653 : vector<1x16xf32> to vector<16xf32>
      %swap3A_655 = vector.shape_cast %add3A_649 : vector<16xf32> to vector<1x16xf32>
      tpu.vector_store %arg8[%swap3A_651, %swap3A_652], %swap3A_655 {strides = array<i32>} : memref<128x16xf32, #tpu.memory_space<vmem>>, vector<1x16xf32>,
      %slice3A_656 = vector.extract_strided_slice %get3A_567 {offsets = [8], sizes = [1], strides = [1]} : vector<16xf32> to vector<1xf32>
      %squeeze3A_657 = vector.extract %slice3A_656[0] : f32 from vector<1xf32>
      %mul3A_658 = vector.broadcast %squeeze3A_657 : f32 to vector<16xf32>
      %mul3A_659 = arith.mulf %mul3A_658, %select_n3A : vector<16xf32>
      %add3A_660 = arith.addf %mul3A_659, %select_n3A_16 : vector<16xf32>
      %swap3A_661 = arith.constant 56 : i32
      %swap3A_662 = arith.index_cast %swap3A_661 : i32 to index
      %swap3A_663 = arith.constant 0 : index
      %swap3A_664 = tpu.vector_load %arg8[%swap3A_662, %swap3A_663] {strides = array<i32>} : memref<128x16xf32, #tpu.memory_space<vmem>>, vector<1x16xf32>,
      %swap3A_665 = vector.shape_cast %swap3A_664 : vector<1x16xf32> to vector<16xf32>
      %swap3A_666 = vector.shape_cast %add3A_660 : vector<16xf32> to vector<1x16xf32>
      tpu.vector_store %arg8[%swap3A_662, %swap3A_663], %swap3A_666 {strides = array<i32>} : memref<128x16xf32, #tpu.memory_space<vmem>>, vector<1x16xf32>,
      %slice3A_667 = vector.extract_strided_slice %get3A_567 {offsets = [9], sizes = [1], strides = [1]} : vector<16xf32> to vector<1xf32>
      %squeeze3A_668 = vector.extract %slice3A_667[0] : f32 from vector<1xf32>
      %mul3A_669 = vector.broadcast %squeeze3A_668 : f32 to vector<16xf32>
      %mul3A_670 = arith.mulf %mul3A_669, %select_n3A : vector<16xf32>
      %add3A_671 = arith.addf %mul3A_670, %select_n3A_16 : vector<16xf32>
      %swap3A_672 = arith.constant 57 : i32
      %swap3A_673 = arith.index_cast %swap3A_672 : i32 to index
      %swap3A_674 = arith.constant 0 : index
      %swap3A_675 = tpu.vector_load %arg8[%swap3A_673, %swap3A_674] {strides = array<i32>} : memref<128x16xf32, #tpu.memory_space<vmem>>, vector<1x16xf32>,
      %swap3A_676 = vector.shape_cast %swap3A_675 : vector<1x16xf32> to vector<16xf32>
      %swap3A_677 = vector.shape_cast %add3A_671 : vector<16xf32> to vector<1x16xf32>
      tpu.vector_store %arg8[%swap3A_673, %swap3A_674], %swap3A_677 {strides = array<i32>} : memref<128x16xf32, #tpu.memory_space<vmem>>, vector<1x16xf32>,
      %slice3A_678 = vector.extract_strided_slice %get3A_567 {offsets = [10], sizes = [1], strides = [1]} : vector<16xf32> to vector<1xf32>
      %squeeze3A_679 = vector.extract %slice3A_678[0] : f32 from vector<1xf32>
      %mul3A_680 = vector.broadcast %squeeze3A_679 : f32 to vector<16xf32>
      %mul3A_681 = arith.mulf %mul3A_680, %select_n3A : vector<16xf32>
      %add3A_682 = arith.addf %mul3A_681, %select_n3A_16 : vector<16xf32>
      %swap3A_683 = arith.constant 58 : i32
      %swap3A_684 = arith.index_cast %swap3A_683 : i32 to index
      %swap3A_685 = arith.constant 0 : index
      %swap3A_686 = tpu.vector_load %arg8[%swap3A_684, %swap3A_685] {strides = array<i32>} : memref<128x16xf32, #tpu.memory_space<vmem>>, vector<1x16xf32>,
      %swap3A_687 = vector.shape_cast %swap3A_686 : vector<1x16xf32> to vector<16xf32>
      %swap3A_688 = vector.shape_cast %add3A_682 : vector<16xf32> to vector<1x16xf32>
      tpu.vector_store %arg8[%swap3A_684, %swap3A_685], %swap3A_688 {strides = array<i32>} : memref<128x16xf32, #tpu.memory_space<vmem>>, vector<1x16xf32>,
      %slice3A_689 = vector.extract_strided_slice %get3A_567 {offsets = [11], sizes = [1], strides = [1]} : vector<16xf32> to vector<1xf32>
      %squeeze3A_690 = vector.extract %slice3A_689[0] : f32 from vector<1xf32>
      %mul3A_691 = vector.broadcast %squeeze3A_690 : f32 to vector<16xf32>
      %mul3A_692 = arith.mulf %mul3A_691, %select_n3A : vector<16xf32>
      %add3A_693 = arith.addf %mul3A_692, %select_n3A_16 : vector<16xf32>
      %swap3A_694 = arith.constant 59 : i32
      %swap3A_695 = arith.index_cast %swap3A_694 : i32 to index
      %swap3A_696 = arith.constant 0 : index
      %swap3A_697 = tpu.vector_load %arg8[%swap3A_695, %swap3A_696] {strides = array<i32>} : memref<128x16xf32, #tpu.memory_space<vmem>>, vector<1x16xf32>,
      %swap3A_698 = vector.shape_cast %swap3A_697 : vector<1x16xf32> to vector<16xf32>
      %swap3A_699 = vector.shape_cast %add3A_693 : vector<16xf32> to vector<1x16xf32>
      tpu.vector_store %arg8[%swap3A_695, %swap3A_696], %swap3A_699 {strides = array<i32>} : memref<128x16xf32, #tpu.memory_space<vmem>>, vector<1x16xf32>,
      %slice3A_700 = vector.extract_strided_slice %get3A_567 {offsets = [12], sizes = [1], strides = [1]} : vector<16xf32> to vector<1xf32>
      %squeeze3A_701 = vector.extract %slice3A_700[0] : f32 from vector<1xf32>
      %mul3A_702 = vector.broadcast %squeeze3A_701 : f32 to vector<16xf32>
      %mul3A_703 = arith.mulf %mul3A_702, %select_n3A : vector<16xf32>
      %add3A_704 = arith.addf %mul3A_703, %select_n3A_16 : vector<16xf32>
      %swap3A_705 = arith.constant 60 : i32
      %swap3A_706 = arith.index_cast %swap3A_705 : i32 to index
      %swap3A_707 = arith.constant 0 : index
      %swap3A_708 = tpu.vector_load %arg8[%swap3A_706, %swap3A_707] {strides = array<i32>} : memref<128x16xf32, #tpu.memory_space<vmem>>, vector<1x16xf32>,
      %swap3A_709 = vector.shape_cast %swap3A_708 : vector<1x16xf32> to vector<16xf32>
      %swap3A_710 = vector.shape_cast %add3A_704 : vector<16xf32> to vector<1x16xf32>
      tpu.vector_store %arg8[%swap3A_706, %swap3A_707], %swap3A_710 {strides = array<i32>} : memref<128x16xf32, #tpu.memory_space<vmem>>, vector<1x16xf32>,
      %slice3A_711 = vector.extract_strided_slice %get3A_567 {offsets = [13], sizes = [1], strides = [1]} : vector<16xf32> to vector<1xf32>
      %squeeze3A_712 = vector.extract %slice3A_711[0] : f32 from vector<1xf32>
      %mul3A_713 = vector.broadcast %squeeze3A_712 : f32 to vector<16xf32>
      %mul3A_714 = arith.mulf %mul3A_713, %select_n3A : vector<16xf32>
      %add3A_715 = arith.addf %mul3A_714, %select_n3A_16 : vector<16xf32>
      %swap3A_716 = arith.constant 61 : i32
      %swap3A_717 = arith.index_cast %swap3A_716 : i32 to index
      %swap3A_718 = arith.constant 0 : index
      %swap3A_719 = tpu.vector_load %arg8[%swap3A_717, %swap3A_718] {strides = array<i32>} : memref<128x16xf32, #tpu.memory_space<vmem>>, vector<1x16xf32>,
      %swap3A_720 = vector.shape_cast %swap3A_719 : vector<1x16xf32> to vector<16xf32>
      %swap3A_721 = vector.shape_cast %add3A_715 : vector<16xf32> to vector<1x16xf32>
      tpu.vector_store %arg8[%swap3A_717, %swap3A_718], %swap3A_721 {strides = array<i32>} : memref<128x16xf32, #tpu.memory_space<vmem>>, vector<1x16xf32>,
      %slice3A_722 = vector.extract_strided_slice %get3A_567 {offsets = [14], sizes = [1], strides = [1]} : vector<16xf32> to vector<1xf32>
      %squeeze3A_723 = vector.extract %slice3A_722[0] : f32 from vector<1xf32>
      %mul3A_724 = vector.broadcast %squeeze3A_723 : f32 to vector<16xf32>
      %mul3A_725 = arith.mulf %mul3A_724, %select_n3A : vector<16xf32>
      %add3A_726 = arith.addf %mul3A_725, %select_n3A_16 : vector<16xf32>
      %swap3A_727 = arith.constant 62 : i32
      %swap3A_728 = arith.index_cast %swap3A_727 : i32 to index
      %swap3A_729 = arith.constant 0 : index
      %swap3A_730 = tpu.vector_load %arg8[%swap3A_728, %swap3A_729] {strides = array<i32>} : memref<128x16xf32, #tpu.memory_space<vmem>>, vector<1x16xf32>,
      %swap3A_731 = vector.shape_cast %swap3A_730 : vector<1x16xf32> to vector<16xf32>
      %swap3A_732 = vector.shape_cast %add3A_726 : vector<16xf32> to vector<1x16xf32>
      tpu.vector_store %arg8[%swap3A_728, %swap3A_729], %swap3A_732 {strides = array<i32>} : memref<128x16xf32, #tpu.memory_space<vmem>>, vector<1x16xf32>,
      %slice3A_733 = vector.extract_strided_slice %get3A_567 {offsets = [15], sizes = [1], strides = [1]} : vector<16xf32> to vector<1xf32>
      %squeeze3A_734 = vector.extract %slice3A_733[0] : f32 from vector<1xf32>
      %mul3A_735 = vector.broadcast %squeeze3A_734 : f32 to vector<16xf32>
      %mul3A_736 = arith.mulf %mul3A_735, %select_n3A : vector<16xf32>
      %add3A_737 = arith.addf %mul3A_736, %select_n3A_16 : vector<16xf32>
      %swap3A_738 = arith.constant 63 : i32
      %swap3A_739 = arith.index_cast %swap3A_738 : i32 to index
      %swap3A_740 = arith.constant 0 : index
      %swap3A_741 = tpu.vector_load %arg8[%swap3A_739, %swap3A_740] {strides = array<i32>} : memref<128x16xf32, #tpu.memory_space<vmem>>, vector<1x16xf32>,
      %swap3A_742 = vector.shape_cast %swap3A_741 : vector<1x16xf32> to vector<16xf32>
      %swap3A_743 = vector.shape_cast %add3A_737 : vector<16xf32> to vector<1x16xf32>
      tpu.vector_store %arg8[%swap3A_739, %swap3A_740], %swap3A_743 {strides = array<i32>} : memref<128x16xf32, #tpu.memory_space<vmem>>, vector<1x16xf32>,
      %get3A_744 = arith.index_cast %scan3A_27 : i32 to index
      %get3A_745 = arith.constant 64 : index
      %get3A_746 = tpu.vector_load %arg7[%get3A_744, %get3A_745] {strides = array<i32>} : memref<80x128xf32, #tpu.memory_space<vmem>>, vector<1x16xf32>,
      %get3A_747 = vector.shape_cast %get3A_746 : vector<1x16xf32> to vector<16xf32>
      %slice3A_748 = vector.extract_strided_slice %get3A_747 {offsets = [0], sizes = [1], strides = [1]} : vector<16xf32> to vector<1xf32>
      %squeeze3A_749 = vector.extract %slice3A_748[0] : f32 from vector<1xf32>
      %mul3A_750 = vector.broadcast %squeeze3A_749 : f32 to vector<16xf32>
      %mul3A_751 = arith.mulf %mul3A_750, %select_n3A : vector<16xf32>
      %add3A_752 = arith.addf %mul3A_751, %select_n3A_16 : vector<16xf32>
      %swap3A_753 = arith.constant 64 : i32
      %swap3A_754 = arith.index_cast %swap3A_753 : i32 to index
      %swap3A_755 = arith.constant 0 : index
      %swap3A_756 = tpu.vector_load %arg8[%swap3A_754, %swap3A_755] {strides = array<i32>} : memref<128x16xf32, #tpu.memory_space<vmem>>, vector<1x16xf32>,
      %swap3A_757 = vector.shape_cast %swap3A_756 : vector<1x16xf32> to vector<16xf32>
      %swap3A_758 = vector.shape_cast %add3A_752 : vector<16xf32> to vector<1x16xf32>
      tpu.vector_store %arg8[%swap3A_754, %swap3A_755], %swap3A_758 {strides = array<i32>} : memref<128x16xf32, #tpu.memory_space<vmem>>, vector<1x16xf32>,
      %slice3A_759 = vector.extract_strided_slice %get3A_747 {offsets = [1], sizes = [1], strides = [1]} : vector<16xf32> to vector<1xf32>
      %squeeze3A_760 = vector.extract %slice3A_759[0] : f32 from vector<1xf32>
      %mul3A_761 = vector.broadcast %squeeze3A_760 : f32 to vector<16xf32>
      %mul3A_762 = arith.mulf %mul3A_761, %select_n3A : vector<16xf32>
      %add3A_763 = arith.addf %mul3A_762, %select_n3A_16 : vector<16xf32>
      %swap3A_764 = arith.constant 65 : i32
      %swap3A_765 = arith.index_cast %swap3A_764 : i32 to index
      %swap3A_766 = arith.constant 0 : index
      %swap3A_767 = tpu.vector_load %arg8[%swap3A_765, %swap3A_766] {strides = array<i32>} : memref<128x16xf32, #tpu.memory_space<vmem>>, vector<1x16xf32>,
      %swap3A_768 = vector.shape_cast %swap3A_767 : vector<1x16xf32> to vector<16xf32>
      %swap3A_769 = vector.shape_cast %add3A_763 : vector<16xf32> to vector<1x16xf32>
      tpu.vector_store %arg8[%swap3A_765, %swap3A_766], %swap3A_769 {strides = array<i32>} : memref<128x16xf32, #tpu.memory_space<vmem>>, vector<1x16xf32>,
      %slice3A_770 = vector.extract_strided_slice %get3A_747 {offsets = [2], sizes = [1], strides = [1]} : vector<16xf32> to vector<1xf32>
      %squeeze3A_771 = vector.extract %slice3A_770[0] : f32 from vector<1xf32>
      %mul3A_772 = vector.broadcast %squeeze3A_771 : f32 to vector<16xf32>
      %mul3A_773 = arith.mulf %mul3A_772, %select_n3A : vector<16xf32>
      %add3A_774 = arith.addf %mul3A_773, %select_n3A_16 : vector<16xf32>
      %swap3A_775 = arith.constant 66 : i32
      %swap3A_776 = arith.index_cast %swap3A_775 : i32 to index
      %swap3A_777 = arith.constant 0 : index
      %swap3A_778 = tpu.vector_load %arg8[%swap3A_776, %swap3A_777] {strides = array<i32>} : memref<128x16xf32, #tpu.memory_space<vmem>>, vector<1x16xf32>,
      %swap3A_779 = vector.shape_cast %swap3A_778 : vector<1x16xf32> to vector<16xf32>
      %swap3A_780 = vector.shape_cast %add3A_774 : vector<16xf32> to vector<1x16xf32>
      tpu.vector_store %arg8[%swap3A_776, %swap3A_777], %swap3A_780 {strides = array<i32>} : memref<128x16xf32, #tpu.memory_space<vmem>>, vector<1x16xf32>,
      %slice3A_781 = vector.extract_strided_slice %get3A_747 {offsets = [3], sizes = [1], strides = [1]} : vector<16xf32> to vector<1xf32>
      %squeeze3A_782 = vector.extract %slice3A_781[0] : f32 from vector<1xf32>
      %mul3A_783 = vector.broadcast %squeeze3A_782 : f32 to vector<16xf32>
      %mul3A_784 = arith.mulf %mul3A_783, %select_n3A : vector<16xf32>
      %add3A_785 = arith.addf %mul3A_784, %select_n3A_16 : vector<16xf32>
      %swap3A_786 = arith.constant 67 : i32
      %swap3A_787 = arith.index_cast %swap3A_786 : i32 to index
      %swap3A_788 = arith.constant 0 : index
      %swap3A_789 = tpu.vector_load %arg8[%swap3A_787, %swap3A_788] {strides = array<i32>} : memref<128x16xf32, #tpu.memory_space<vmem>>, vector<1x16xf32>,
      %swap3A_790 = vector.shape_cast %swap3A_789 : vector<1x16xf32> to vector<16xf32>
      %swap3A_791 = vector.shape_cast %add3A_785 : vector<16xf32> to vector<1x16xf32>
      tpu.vector_store %arg8[%swap3A_787, %swap3A_788], %swap3A_791 {strides = array<i32>} : memref<128x16xf32, #tpu.memory_space<vmem>>, vector<1x16xf32>,
      %slice3A_792 = vector.extract_strided_slice %get3A_747 {offsets = [4], sizes = [1], strides = [1]} : vector<16xf32> to vector<1xf32>
      %squeeze3A_793 = vector.extract %slice3A_792[0] : f32 from vector<1xf32>
      %mul3A_794 = vector.broadcast %squeeze3A_793 : f32 to vector<16xf32>
      %mul3A_795 = arith.mulf %mul3A_794, %select_n3A : vector<16xf32>
      %add3A_796 = arith.addf %mul3A_795, %select_n3A_16 : vector<16xf32>
      %swap3A_797 = arith.constant 68 : i32
      %swap3A_798 = arith.index_cast %swap3A_797 : i32 to index
      %swap3A_799 = arith.constant 0 : index
      %swap3A_800 = tpu.vector_load %arg8[%swap3A_798, %swap3A_799] {strides = array<i32>} : memref<128x16xf32, #tpu.memory_space<vmem>>, vector<1x16xf32>,
      %swap3A_801 = vector.shape_cast %swap3A_800 : vector<1x16xf32> to vector<16xf32>
      %swap3A_802 = vector.shape_cast %add3A_796 : vector<16xf32> to vector<1x16xf32>
      tpu.vector_store %arg8[%swap3A_798, %swap3A_799], %swap3A_802 {strides = array<i32>} : memref<128x16xf32, #tpu.memory_space<vmem>>, vector<1x16xf32>,
      %slice3A_803 = vector.extract_strided_slice %get3A_747 {offsets = [5], sizes = [1], strides = [1]} : vector<16xf32> to vector<1xf32>
      %squeeze3A_804 = vector.extract %slice3A_803[0] : f32 from vector<1xf32>
      %mul3A_805 = vector.broadcast %squeeze3A_804 : f32 to vector<16xf32>
      %mul3A_806 = arith.mulf %mul3A_805, %select_n3A : vector<16xf32>
      %add3A_807 = arith.addf %mul3A_806, %select_n3A_16 : vector<16xf32>
      %swap3A_808 = arith.constant 69 : i32
      %swap3A_809 = arith.index_cast %swap3A_808 : i32 to index
      %swap3A_810 = arith.constant 0 : index
      %swap3A_811 = tpu.vector_load %arg8[%swap3A_809, %swap3A_810] {strides = array<i32>} : memref<128x16xf32, #tpu.memory_space<vmem>>, vector<1x16xf32>,
      %swap3A_812 = vector.shape_cast %swap3A_811 : vector<1x16xf32> to vector<16xf32>
      %swap3A_813 = vector.shape_cast %add3A_807 : vector<16xf32> to vector<1x16xf32>
      tpu.vector_store %arg8[%swap3A_809, %swap3A_810], %swap3A_813 {strides = array<i32>} : memref<128x16xf32, #tpu.memory_space<vmem>>, vector<1x16xf32>,
      %slice3A_814 = vector.extract_strided_slice %get3A_747 {offsets = [6], sizes = [1], strides = [1]} : vector<16xf32> to vector<1xf32>
      %squeeze3A_815 = vector.extract %slice3A_814[0] : f32 from vector<1xf32>
      %mul3A_816 = vector.broadcast %squeeze3A_815 : f32 to vector<16xf32>
      %mul3A_817 = arith.mulf %mul3A_816, %select_n3A : vector<16xf32>
      %add3A_818 = arith.addf %mul3A_817, %select_n3A_16 : vector<16xf32>
      %swap3A_819 = arith.constant 70 : i32
      %swap3A_820 = arith.index_cast %swap3A_819 : i32 to index
      %swap3A_821 = arith.constant 0 : index
      %swap3A_822 = tpu.vector_load %arg8[%swap3A_820, %swap3A_821] {strides = array<i32>} : memref<128x16xf32, #tpu.memory_space<vmem>>, vector<1x16xf32>,
      %swap3A_823 = vector.shape_cast %swap3A_822 : vector<1x16xf32> to vector<16xf32>
      %swap3A_824 = vector.shape_cast %add3A_818 : vector<16xf32> to vector<1x16xf32>
      tpu.vector_store %arg8[%swap3A_820, %swap3A_821], %swap3A_824 {strides = array<i32>} : memref<128x16xf32, #tpu.memory_space<vmem>>, vector<1x16xf32>,
      %slice3A_825 = vector.extract_strided_slice %get3A_747 {offsets = [7], sizes = [1], strides = [1]} : vector<16xf32> to vector<1xf32>
      %squeeze3A_826 = vector.extract %slice3A_825[0] : f32 from vector<1xf32>
      %mul3A_827 = vector.broadcast %squeeze3A_826 : f32 to vector<16xf32>
      %mul3A_828 = arith.mulf %mul3A_827, %select_n3A : vector<16xf32>
      %add3A_829 = arith.addf %mul3A_828, %select_n3A_16 : vector<16xf32>
      %swap3A_830 = arith.constant 71 : i32
      %swap3A_831 = arith.index_cast %swap3A_830 : i32 to index
      %swap3A_832 = arith.constant 0 : index
      %swap3A_833 = tpu.vector_load %arg8[%swap3A_831, %swap3A_832] {strides = array<i32>} : memref<128x16xf32, #tpu.memory_space<vmem>>, vector<1x16xf32>,
      %swap3A_834 = vector.shape_cast %swap3A_833 : vector<1x16xf32> to vector<16xf32>
      %swap3A_835 = vector.shape_cast %add3A_829 : vector<16xf32> to vector<1x16xf32>
      tpu.vector_store %arg8[%swap3A_831, %swap3A_832], %swap3A_835 {strides = array<i32>} : memref<128x16xf32, #tpu.memory_space<vmem>>, vector<1x16xf32>,
      %slice3A_836 = vector.extract_strided_slice %get3A_747 {offsets = [8], sizes = [1], strides = [1]} : vector<16xf32> to vector<1xf32>
      %squeeze3A_837 = vector.extract %slice3A_836[0] : f32 from vector<1xf32>
      %mul3A_838 = vector.broadcast %squeeze3A_837 : f32 to vector<16xf32>
      %mul3A_839 = arith.mulf %mul3A_838, %select_n3A : vector<16xf32>
      %add3A_840 = arith.addf %mul3A_839, %select_n3A_16 : vector<16xf32>
      %swap3A_841 = arith.constant 72 : i32
      %swap3A_842 = arith.index_cast %swap3A_841 : i32 to index
      %swap3A_843 = arith.constant 0 : index
      %swap3A_844 = tpu.vector_load %arg8[%swap3A_842, %swap3A_843] {strides = array<i32>} : memref<128x16xf32, #tpu.memory_space<vmem>>, vector<1x16xf32>,
      %swap3A_845 = vector.shape_cast %swap3A_844 : vector<1x16xf32> to vector<16xf32>
      %swap3A_846 = vector.shape_cast %add3A_840 : vector<16xf32> to vector<1x16xf32>
      tpu.vector_store %arg8[%swap3A_842, %swap3A_843], %swap3A_846 {strides = array<i32>} : memref<128x16xf32, #tpu.memory_space<vmem>>, vector<1x16xf32>,
      %slice3A_847 = vector.extract_strided_slice %get3A_747 {offsets = [9], sizes = [1], strides = [1]} : vector<16xf32> to vector<1xf32>
      %squeeze3A_848 = vector.extract %slice3A_847[0] : f32 from vector<1xf32>
      %mul3A_849 = vector.broadcast %squeeze3A_848 : f32 to vector<16xf32>
      %mul3A_850 = arith.mulf %mul3A_849, %select_n3A : vector<16xf32>
      %add3A_851 = arith.addf %mul3A_850, %select_n3A_16 : vector<16xf32>
      %swap3A_852 = arith.constant 73 : i32
      %swap3A_853 = arith.index_cast %swap3A_852 : i32 to index
      %swap3A_854 = arith.constant 0 : index
      %swap3A_855 = tpu.vector_load %arg8[%swap3A_853, %swap3A_854] {strides = array<i32>} : memref<128x16xf32, #tpu.memory_space<vmem>>, vector<1x16xf32>,
      %swap3A_856 = vector.shape_cast %swap3A_855 : vector<1x16xf32> to vector<16xf32>
      %swap3A_857 = vector.shape_cast %add3A_851 : vector<16xf32> to vector<1x16xf32>
      tpu.vector_store %arg8[%swap3A_853, %swap3A_854], %swap3A_857 {strides = array<i32>} : memref<128x16xf32, #tpu.memory_space<vmem>>, vector<1x16xf32>,
      %slice3A_858 = vector.extract_strided_slice %get3A_747 {offsets = [10], sizes = [1], strides = [1]} : vector<16xf32> to vector<1xf32>
      %squeeze3A_859 = vector.extract %slice3A_858[0] : f32 from vector<1xf32>
      %mul3A_860 = vector.broadcast %squeeze3A_859 : f32 to vector<16xf32>
      %mul3A_861 = arith.mulf %mul3A_860, %select_n3A : vector<16xf32>
      %add3A_862 = arith.addf %mul3A_861, %select_n3A_16 : vector<16xf32>
      %swap3A_863 = arith.constant 74 : i32
      %swap3A_864 = arith.index_cast %swap3A_863 : i32 to index
      %swap3A_865 = arith.constant 0 : index
      %swap3A_866 = tpu.vector_load %arg8[%swap3A_864, %swap3A_865] {strides = array<i32>} : memref<128x16xf32, #tpu.memory_space<vmem>>, vector<1x16xf32>,
      %swap3A_867 = vector.shape_cast %swap3A_866 : vector<1x16xf32> to vector<16xf32>
      %swap3A_868 = vector.shape_cast %add3A_862 : vector<16xf32> to vector<1x16xf32>
      tpu.vector_store %arg8[%swap3A_864, %swap3A_865], %swap3A_868 {strides = array<i32>} : memref<128x16xf32, #tpu.memory_space<vmem>>, vector<1x16xf32>,
      %slice3A_869 = vector.extract_strided_slice %get3A_747 {offsets = [11], sizes = [1], strides = [1]} : vector<16xf32> to vector<1xf32>
      %squeeze3A_870 = vector.extract %slice3A_869[0] : f32 from vector<1xf32>
      %mul3A_871 = vector.broadcast %squeeze3A_870 : f32 to vector<16xf32>
      %mul3A_872 = arith.mulf %mul3A_871, %select_n3A : vector<16xf32>
      %add3A_873 = arith.addf %mul3A_872, %select_n3A_16 : vector<16xf32>
      %swap3A_874 = arith.constant 75 : i32
      %swap3A_875 = arith.index_cast %swap3A_874 : i32 to index
      %swap3A_876 = arith.constant 0 : index
      %swap3A_877 = tpu.vector_load %arg8[%swap3A_875, %swap3A_876] {strides = array<i32>} : memref<128x16xf32, #tpu.memory_space<vmem>>, vector<1x16xf32>,
      %swap3A_878 = vector.shape_cast %swap3A_877 : vector<1x16xf32> to vector<16xf32>
      %swap3A_879 = vector.shape_cast %add3A_873 : vector<16xf32> to vector<1x16xf32>
      tpu.vector_store %arg8[%swap3A_875, %swap3A_876], %swap3A_879 {strides = array<i32>} : memref<128x16xf32, #tpu.memory_space<vmem>>, vector<1x16xf32>,
      %slice3A_880 = vector.extract_strided_slice %get3A_747 {offsets = [12], sizes = [1], strides = [1]} : vector<16xf32> to vector<1xf32>
      %squeeze3A_881 = vector.extract %slice3A_880[0] : f32 from vector<1xf32>
      %mul3A_882 = vector.broadcast %squeeze3A_881 : f32 to vector<16xf32>
      %mul3A_883 = arith.mulf %mul3A_882, %select_n3A : vector<16xf32>
      %add3A_884 = arith.addf %mul3A_883, %select_n3A_16 : vector<16xf32>
      %swap3A_885 = arith.constant 76 : i32
      %swap3A_886 = arith.index_cast %swap3A_885 : i32 to index
      %swap3A_887 = arith.constant 0 : index
      %swap3A_888 = tpu.vector_load %arg8[%swap3A_886, %swap3A_887] {strides = array<i32>} : memref<128x16xf32, #tpu.memory_space<vmem>>, vector<1x16xf32>,
      %swap3A_889 = vector.shape_cast %swap3A_888 : vector<1x16xf32> to vector<16xf32>
      %swap3A_890 = vector.shape_cast %add3A_884 : vector<16xf32> to vector<1x16xf32>
      tpu.vector_store %arg8[%swap3A_886, %swap3A_887], %swap3A_890 {strides = array<i32>} : memref<128x16xf32, #tpu.memory_space<vmem>>, vector<1x16xf32>,
      %slice3A_891 = vector.extract_strided_slice %get3A_747 {offsets = [13], sizes = [1], strides = [1]} : vector<16xf32> to vector<1xf32>
      %squeeze3A_892 = vector.extract %slice3A_891[0] : f32 from vector<1xf32>
      %mul3A_893 = vector.broadcast %squeeze3A_892 : f32 to vector<16xf32>
      %mul3A_894 = arith.mulf %mul3A_893, %select_n3A : vector<16xf32>
      %add3A_895 = arith.addf %mul3A_894, %select_n3A_16 : vector<16xf32>
      %swap3A_896 = arith.constant 77 : i32
      %swap3A_897 = arith.index_cast %swap3A_896 : i32 to index
      %swap3A_898 = arith.constant 0 : index
      %swap3A_899 = tpu.vector_load %arg8[%swap3A_897, %swap3A_898] {strides = array<i32>} : memref<128x16xf32, #tpu.memory_space<vmem>>, vector<1x16xf32>,
      %swap3A_900 = vector.shape_cast %swap3A_899 : vector<1x16xf32> to vector<16xf32>
      %swap3A_901 = vector.shape_cast %add3A_895 : vector<16xf32> to vector<1x16xf32>
      tpu.vector_store %arg8[%swap3A_897, %swap3A_898], %swap3A_901 {strides = array<i32>} : memref<128x16xf32, #tpu.memory_space<vmem>>, vector<1x16xf32>,
      %slice3A_902 = vector.extract_strided_slice %get3A_747 {offsets = [14], sizes = [1], strides = [1]} : vector<16xf32> to vector<1xf32>
      %squeeze3A_903 = vector.extract %slice3A_902[0] : f32 from vector<1xf32>
      %mul3A_904 = vector.broadcast %squeeze3A_903 : f32 to vector<16xf32>
      %mul3A_905 = arith.mulf %mul3A_904, %select_n3A : vector<16xf32>
      %add3A_906 = arith.addf %mul3A_905, %select_n3A_16 : vector<16xf32>
      %swap3A_907 = arith.constant 78 : i32
      %swap3A_908 = arith.index_cast %swap3A_907 : i32 to index
      %swap3A_909 = arith.constant 0 : index
      %swap3A_910 = tpu.vector_load %arg8[%swap3A_908, %swap3A_909] {strides = array<i32>} : memref<128x16xf32, #tpu.memory_space<vmem>>, vector<1x16xf32>,
      %swap3A_911 = vector.shape_cast %swap3A_910 : vector<1x16xf32> to vector<16xf32>
      %swap3A_912 = vector.shape_cast %add3A_906 : vector<16xf32> to vector<1x16xf32>
      tpu.vector_store %arg8[%swap3A_908, %swap3A_909], %swap3A_912 {strides = array<i32>} : memref<128x16xf32, #tpu.memory_space<vmem>>, vector<1x16xf32>,
      %slice3A_913 = vector.extract_strided_slice %get3A_747 {offsets = [15], sizes = [1], strides = [1]} : vector<16xf32> to vector<1xf32>
      %squeeze3A_914 = vector.extract %slice3A_913[0] : f32 from vector<1xf32>
      %mul3A_915 = vector.broadcast %squeeze3A_914 : f32 to vector<16xf32>
      %mul3A_916 = arith.mulf %mul3A_915, %select_n3A : vector<16xf32>
      %add3A_917 = arith.addf %mul3A_916, %select_n3A_16 : vector<16xf32>
      %swap3A_918 = arith.constant 79 : i32
      %swap3A_919 = arith.index_cast %swap3A_918 : i32 to index
      %swap3A_920 = arith.constant 0 : index
      %swap3A_921 = tpu.vector_load %arg8[%swap3A_919, %swap3A_920] {strides = array<i32>} : memref<128x16xf32, #tpu.memory_space<vmem>>, vector<1x16xf32>,
      %swap3A_922 = vector.shape_cast %swap3A_921 : vector<1x16xf32> to vector<16xf32>
      %swap3A_923 = vector.shape_cast %add3A_917 : vector<16xf32> to vector<1x16xf32>
      tpu.vector_store %arg8[%swap3A_919, %swap3A_920], %swap3A_923 {strides = array<i32>} : memref<128x16xf32, #tpu.memory_space<vmem>>, vector<1x16xf32>,
      %get3A_924 = arith.index_cast %scan3A_27 : i32 to index
      %get3A_925 = arith.constant 80 : index
      %get3A_926 = tpu.vector_load %arg7[%get3A_924, %get3A_925] {strides = array<i32>} : memref<80x128xf32, #tpu.memory_space<vmem>>, vector<1x16xf32>,
      %get3A_927 = vector.shape_cast %get3A_926 : vector<1x16xf32> to vector<16xf32>
      %slice3A_928 = vector.extract_strided_slice %get3A_927 {offsets = [0], sizes = [1], strides = [1]} : vector<16xf32> to vector<1xf32>
      %squeeze3A_929 = vector.extract %slice3A_928[0] : f32 from vector<1xf32>
      %mul3A_930 = vector.broadcast %squeeze3A_929 : f32 to vector<16xf32>
      %mul3A_931 = arith.mulf %mul3A_930, %select_n3A : vector<16xf32>
      %add3A_932 = arith.addf %mul3A_931, %select_n3A_16 : vector<16xf32>
      %swap3A_933 = arith.constant 80 : i32
      %swap3A_934 = arith.index_cast %swap3A_933 : i32 to index
      %swap3A_935 = arith.constant 0 : index
      %swap3A_936 = tpu.vector_load %arg8[%swap3A_934, %swap3A_935] {strides = array<i32>} : memref<128x16xf32, #tpu.memory_space<vmem>>, vector<1x16xf32>,
      %swap3A_937 = vector.shape_cast %swap3A_936 : vector<1x16xf32> to vector<16xf32>
      %swap3A_938 = vector.shape_cast %add3A_932 : vector<16xf32> to vector<1x16xf32>
      tpu.vector_store %arg8[%swap3A_934, %swap3A_935], %swap3A_938 {strides = array<i32>} : memref<128x16xf32, #tpu.memory_space<vmem>>, vector<1x16xf32>,
      %slice3A_939 = vector.extract_strided_slice %get3A_927 {offsets = [1], sizes = [1], strides = [1]} : vector<16xf32> to vector<1xf32>
      %squeeze3A_940 = vector.extract %slice3A_939[0] : f32 from vector<1xf32>
      %mul3A_941 = vector.broadcast %squeeze3A_940 : f32 to vector<16xf32>
      %mul3A_942 = arith.mulf %mul3A_941, %select_n3A : vector<16xf32>
      %add3A_943 = arith.addf %mul3A_942, %select_n3A_16 : vector<16xf32>
      %swap3A_944 = arith.constant 81 : i32
      %swap3A_945 = arith.index_cast %swap3A_944 : i32 to index
      %swap3A_946 = arith.constant 0 : index
      %swap3A_947 = tpu.vector_load %arg8[%swap3A_945, %swap3A_946] {strides = array<i32>} : memref<128x16xf32, #tpu.memory_space<vmem>>, vector<1x16xf32>,
      %swap3A_948 = vector.shape_cast %swap3A_947 : vector<1x16xf32> to vector<16xf32>
      %swap3A_949 = vector.shape_cast %add3A_943 : vector<16xf32> to vector<1x16xf32>
      tpu.vector_store %arg8[%swap3A_945, %swap3A_946], %swap3A_949 {strides = array<i32>} : memref<128x16xf32, #tpu.memory_space<vmem>>, vector<1x16xf32>,
      %slice3A_950 = vector.extract_strided_slice %get3A_927 {offsets = [2], sizes = [1], strides = [1]} : vector<16xf32> to vector<1xf32>
      %squeeze3A_951 = vector.extract %slice3A_950[0] : f32 from vector<1xf32>
      %mul3A_952 = vector.broadcast %squeeze3A_951 : f32 to vector<16xf32>
      %mul3A_953 = arith.mulf %mul3A_952, %select_n3A : vector<16xf32>
      %add3A_954 = arith.addf %mul3A_953, %select_n3A_16 : vector<16xf32>
      %swap3A_955 = arith.constant 82 : i32
      %swap3A_956 = arith.index_cast %swap3A_955 : i32 to index
      %swap3A_957 = arith.constant 0 : index
      %swap3A_958 = tpu.vector_load %arg8[%swap3A_956, %swap3A_957] {strides = array<i32>} : memref<128x16xf32, #tpu.memory_space<vmem>>, vector<1x16xf32>,
      %swap3A_959 = vector.shape_cast %swap3A_958 : vector<1x16xf32> to vector<16xf32>
      %swap3A_960 = vector.shape_cast %add3A_954 : vector<16xf32> to vector<1x16xf32>
      tpu.vector_store %arg8[%swap3A_956, %swap3A_957], %swap3A_960 {strides = array<i32>} : memref<128x16xf32, #tpu.memory_space<vmem>>, vector<1x16xf32>,
      %slice3A_961 = vector.extract_strided_slice %get3A_927 {offsets = [3], sizes = [1], strides = [1]} : vector<16xf32> to vector<1xf32>
      %squeeze3A_962 = vector.extract %slice3A_961[0] : f32 from vector<1xf32>
      %mul3A_963 = vector.broadcast %squeeze3A_962 : f32 to vector<16xf32>
      %mul3A_964 = arith.mulf %mul3A_963, %select_n3A : vector<16xf32>
      %add3A_965 = arith.addf %mul3A_964, %select_n3A_16 : vector<16xf32>
      %swap3A_966 = arith.constant 83 : i32
      %swap3A_967 = arith.index_cast %swap3A_966 : i32 to index
      %swap3A_968 = arith.constant 0 : index
      %swap3A_969 = tpu.vector_load %arg8[%swap3A_967, %swap3A_968] {strides = array<i32>} : memref<128x16xf32, #tpu.memory_space<vmem>>, vector<1x16xf32>,
      %swap3A_970 = vector.shape_cast %swap3A_969 : vector<1x16xf32> to vector<16xf32>
      %swap3A_971 = vector.shape_cast %add3A_965 : vector<16xf32> to vector<1x16xf32>
      tpu.vector_store %arg8[%swap3A_967, %swap3A_968], %swap3A_971 {strides = array<i32>} : memref<128x16xf32, #tpu.memory_space<vmem>>, vector<1x16xf32>,
      %slice3A_972 = vector.extract_strided_slice %get3A_927 {offsets = [4], sizes = [1], strides = [1]} : vector<16xf32> to vector<1xf32>
      %squeeze3A_973 = vector.extract %slice3A_972[0] : f32 from vector<1xf32>
      %mul3A_974 = vector.broadcast %squeeze3A_973 : f32 to vector<16xf32>
      %mul3A_975 = arith.mulf %mul3A_974, %select_n3A : vector<16xf32>
      %add3A_976 = arith.addf %mul3A_975, %select_n3A_16 : vector<16xf32>
      %swap3A_977 = arith.constant 84 : i32
      %swap3A_978 = arith.index_cast %swap3A_977 : i32 to index
      %swap3A_979 = arith.constant 0 : index
      %swap3A_980 = tpu.vector_load %arg8[%swap3A_978, %swap3A_979] {strides = array<i32>} : memref<128x16xf32, #tpu.memory_space<vmem>>, vector<1x16xf32>,
      %swap3A_981 = vector.shape_cast %swap3A_980 : vector<1x16xf32> to vector<16xf32>
      %swap3A_982 = vector.shape_cast %add3A_976 : vector<16xf32> to vector<1x16xf32>
      tpu.vector_store %arg8[%swap3A_978, %swap3A_979], %swap3A_982 {strides = array<i32>} : memref<128x16xf32, #tpu.memory_space<vmem>>, vector<1x16xf32>,
      %slice3A_983 = vector.extract_strided_slice %get3A_927 {offsets = [5], sizes = [1], strides = [1]} : vector<16xf32> to vector<1xf32>
      %squeeze3A_984 = vector.extract %slice3A_983[0] : f32 from vector<1xf32>
      %mul3A_985 = vector.broadcast %squeeze3A_984 : f32 to vector<16xf32>
      %mul3A_986 = arith.mulf %mul3A_985, %select_n3A : vector<16xf32>
      %add3A_987 = arith.addf %mul3A_986, %select_n3A_16 : vector<16xf32>
      %swap3A_988 = arith.constant 85 : i32
      %swap3A_989 = arith.index_cast %swap3A_988 : i32 to index
      %swap3A_990 = arith.constant 0 : index
      %swap3A_991 = tpu.vector_load %arg8[%swap3A_989, %swap3A_990] {strides = array<i32>} : memref<128x16xf32, #tpu.memory_space<vmem>>, vector<1x16xf32>,
      %swap3A_992 = vector.shape_cast %swap3A_991 : vector<1x16xf32> to vector<16xf32>
      %swap3A_993 = vector.shape_cast %add3A_987 : vector<16xf32> to vector<1x16xf32>
      tpu.vector_store %arg8[%swap3A_989, %swap3A_990], %swap3A_993 {strides = array<i32>} : memref<128x16xf32, #tpu.memory_space<vmem>>, vector<1x16xf32>,
      %slice3A_994 = vector.extract_strided_slice %get3A_927 {offsets = [6], sizes = [1], strides = [1]} : vector<16xf32> to vector<1xf32>
      %squeeze3A_995 = vector.extract %slice3A_994[0] : f32 from vector<1xf32>
      %mul3A_996 = vector.broadcast %squeeze3A_995 : f32 to vector<16xf32>
      %mul3A_997 = arith.mulf %mul3A_996, %select_n3A : vector<16xf32>
      %add3A_998 = arith.addf %mul3A_997, %select_n3A_16 : vector<16xf32>
      %swap3A_999 = arith.constant 86 : i32
      %swap3A_1000 = arith.index_cast %swap3A_999 : i32 to index
      %swap3A_1001 = arith.constant 0 : index
      %swap3A_1002 = tpu.vector_load %arg8[%swap3A_1000, %swap3A_1001] {strides = array<i32>} : memref<128x16xf32, #tpu.memory_space<vmem>>, vector<1x16xf32>,
      %swap3A_1003 = vector.shape_cast %swap3A_1002 : vector<1x16xf32> to vector<16xf32>
      %swap3A_1004 = vector.shape_cast %add3A_998 : vector<16xf32> to vector<1x16xf32>
      tpu.vector_store %arg8[%swap3A_1000, %swap3A_1001], %swap3A_1004 {strides = array<i32>} : memref<128x16xf32, #tpu.memory_space<vmem>>, vector<1x16xf32>,
      %slice3A_1005 = vector.extract_strided_slice %get3A_927 {offsets = [7], sizes = [1], strides = [1]} : vector<16xf32> to vector<1xf32>
      %squeeze3A_1006 = vector.extract %slice3A_1005[0] : f32 from vector<1xf32>
      %mul3A_1007 = vector.broadcast %squeeze3A_1006 : f32 to vector<16xf32>
      %mul3A_1008 = arith.mulf %mul3A_1007, %select_n3A : vector<16xf32>
      %add3A_1009 = arith.addf %mul3A_1008, %select_n3A_16 : vector<16xf32>
      %swap3A_1010 = arith.constant 87 : i32
      %swap3A_1011 = arith.index_cast %swap3A_1010 : i32 to index
      %swap3A_1012 = arith.constant 0 : index
      %swap3A_1013 = tpu.vector_load %arg8[%swap3A_1011, %swap3A_1012] {strides = array<i32>} : memref<128x16xf32, #tpu.memory_space<vmem>>, vector<1x16xf32>,
      %swap3A_1014 = vector.shape_cast %swap3A_1013 : vector<1x16xf32> to vector<16xf32>
      %swap3A_1015 = vector.shape_cast %add3A_1009 : vector<16xf32> to vector<1x16xf32>
      tpu.vector_store %arg8[%swap3A_1011, %swap3A_1012], %swap3A_1015 {strides = array<i32>} : memref<128x16xf32, #tpu.memory_space<vmem>>, vector<1x16xf32>,
      %slice3A_1016 = vector.extract_strided_slice %get3A_927 {offsets = [8], sizes = [1], strides = [1]} : vector<16xf32> to vector<1xf32>
      %squeeze3A_1017 = vector.extract %slice3A_1016[0] : f32 from vector<1xf32>
      %mul3A_1018 = vector.broadcast %squeeze3A_1017 : f32 to vector<16xf32>
      %mul3A_1019 = arith.mulf %mul3A_1018, %select_n3A : vector<16xf32>
      %add3A_1020 = arith.addf %mul3A_1019, %select_n3A_16 : vector<16xf32>
      %swap3A_1021 = arith.constant 88 : i32
      %swap3A_1022 = arith.index_cast %swap3A_1021 : i32 to index
      %swap3A_1023 = arith.constant 0 : index
      %swap3A_1024 = tpu.vector_load %arg8[%swap3A_1022, %swap3A_1023] {strides = array<i32>} : memref<128x16xf32, #tpu.memory_space<vmem>>, vector<1x16xf32>,
      %swap3A_1025 = vector.shape_cast %swap3A_1024 : vector<1x16xf32> to vector<16xf32>
      %swap3A_1026 = vector.shape_cast %add3A_1020 : vector<16xf32> to vector<1x16xf32>
      tpu.vector_store %arg8[%swap3A_1022, %swap3A_1023], %swap3A_1026 {strides = array<i32>} : memref<128x16xf32, #tpu.memory_space<vmem>>, vector<1x16xf32>,
      %slice3A_1027 = vector.extract_strided_slice %get3A_927 {offsets = [9], sizes = [1], strides = [1]} : vector<16xf32> to vector<1xf32>
      %squeeze3A_1028 = vector.extract %slice3A_1027[0] : f32 from vector<1xf32>
      %mul3A_1029 = vector.broadcast %squeeze3A_1028 : f32 to vector<16xf32>
      %mul3A_1030 = arith.mulf %mul3A_1029, %select_n3A : vector<16xf32>
      %add3A_1031 = arith.addf %mul3A_1030, %select_n3A_16 : vector<16xf32>
      %swap3A_1032 = arith.constant 89 : i32
      %swap3A_1033 = arith.index_cast %swap3A_1032 : i32 to index
      %swap3A_1034 = arith.constant 0 : index
      %swap3A_1035 = tpu.vector_load %arg8[%swap3A_1033, %swap3A_1034] {strides = array<i32>} : memref<128x16xf32, #tpu.memory_space<vmem>>, vector<1x16xf32>,
      %swap3A_1036 = vector.shape_cast %swap3A_1035 : vector<1x16xf32> to vector<16xf32>
      %swap3A_1037 = vector.shape_cast %add3A_1031 : vector<16xf32> to vector<1x16xf32>
      tpu.vector_store %arg8[%swap3A_1033, %swap3A_1034], %swap3A_1037 {strides = array<i32>} : memref<128x16xf32, #tpu.memory_space<vmem>>, vector<1x16xf32>,
      %slice3A_1038 = vector.extract_strided_slice %get3A_927 {offsets = [10], sizes = [1], strides = [1]} : vector<16xf32> to vector<1xf32>
      %squeeze3A_1039 = vector.extract %slice3A_1038[0] : f32 from vector<1xf32>
      %mul3A_1040 = vector.broadcast %squeeze3A_1039 : f32 to vector<16xf32>
      %mul3A_1041 = arith.mulf %mul3A_1040, %select_n3A : vector<16xf32>
      %add3A_1042 = arith.addf %mul3A_1041, %select_n3A_16 : vector<16xf32>
      %swap3A_1043 = arith.constant 90 : i32
      %swap3A_1044 = arith.index_cast %swap3A_1043 : i32 to index
      %swap3A_1045 = arith.constant 0 : index
      %swap3A_1046 = tpu.vector_load %arg8[%swap3A_1044, %swap3A_1045] {strides = array<i32>} : memref<128x16xf32, #tpu.memory_space<vmem>>, vector<1x16xf32>,
      %swap3A_1047 = vector.shape_cast %swap3A_1046 : vector<1x16xf32> to vector<16xf32>
      %swap3A_1048 = vector.shape_cast %add3A_1042 : vector<16xf32> to vector<1x16xf32>
      tpu.vector_store %arg8[%swap3A_1044, %swap3A_1045], %swap3A_1048 {strides = array<i32>} : memref<128x16xf32, #tpu.memory_space<vmem>>, vector<1x16xf32>,
      %slice3A_1049 = vector.extract_strided_slice %get3A_927 {offsets = [11], sizes = [1], strides = [1]} : vector<16xf32> to vector<1xf32>
      %squeeze3A_1050 = vector.extract %slice3A_1049[0] : f32 from vector<1xf32>
      %mul3A_1051 = vector.broadcast %squeeze3A_1050 : f32 to vector<16xf32>
      %mul3A_1052 = arith.mulf %mul3A_1051, %select_n3A : vector<16xf32>
      %add3A_1053 = arith.addf %mul3A_1052, %select_n3A_16 : vector<16xf32>
      %swap3A_1054 = arith.constant 91 : i32
      %swap3A_1055 = arith.index_cast %swap3A_1054 : i32 to index
      %swap3A_1056 = arith.constant 0 : index
      %swap3A_1057 = tpu.vector_load %arg8[%swap3A_1055, %swap3A_1056] {strides = array<i32>} : memref<128x16xf32, #tpu.memory_space<vmem>>, vector<1x16xf32>,
      %swap3A_1058 = vector.shape_cast %swap3A_1057 : vector<1x16xf32> to vector<16xf32>
      %swap3A_1059 = vector.shape_cast %add3A_1053 : vector<16xf32> to vector<1x16xf32>
      tpu.vector_store %arg8[%swap3A_1055, %swap3A_1056], %swap3A_1059 {strides = array<i32>} : memref<128x16xf32, #tpu.memory_space<vmem>>, vector<1x16xf32>,
      %slice3A_1060 = vector.extract_strided_slice %get3A_927 {offsets = [12], sizes = [1], strides = [1]} : vector<16xf32> to vector<1xf32>
      %squeeze3A_1061 = vector.extract %slice3A_1060[0] : f32 from vector<1xf32>
      %mul3A_1062 = vector.broadcast %squeeze3A_1061 : f32 to vector<16xf32>
      %mul3A_1063 = arith.mulf %mul3A_1062, %select_n3A : vector<16xf32>
      %add3A_1064 = arith.addf %mul3A_1063, %select_n3A_16 : vector<16xf32>
      %swap3A_1065 = arith.constant 92 : i32
      %swap3A_1066 = arith.index_cast %swap3A_1065 : i32 to index
      %swap3A_1067 = arith.constant 0 : index
      %swap3A_1068 = tpu.vector_load %arg8[%swap3A_1066, %swap3A_1067] {strides = array<i32>} : memref<128x16xf32, #tpu.memory_space<vmem>>, vector<1x16xf32>,
      %swap3A_1069 = vector.shape_cast %swap3A_1068 : vector<1x16xf32> to vector<16xf32>
      %swap3A_1070 = vector.shape_cast %add3A_1064 : vector<16xf32> to vector<1x16xf32>
      tpu.vector_store %arg8[%swap3A_1066, %swap3A_1067], %swap3A_1070 {strides = array<i32>} : memref<128x16xf32, #tpu.memory_space<vmem>>, vector<1x16xf32>,
      %slice3A_1071 = vector.extract_strided_slice %get3A_927 {offsets = [13], sizes = [1], strides = [1]} : vector<16xf32> to vector<1xf32>
      %squeeze3A_1072 = vector.extract %slice3A_1071[0] : f32 from vector<1xf32>
      %mul3A_1073 = vector.broadcast %squeeze3A_1072 : f32 to vector<16xf32>
      %mul3A_1074 = arith.mulf %mul3A_1073, %select_n3A : vector<16xf32>
      %add3A_1075 = arith.addf %mul3A_1074, %select_n3A_16 : vector<16xf32>
      %swap3A_1076 = arith.constant 93 : i32
      %swap3A_1077 = arith.index_cast %swap3A_1076 : i32 to index
      %swap3A_1078 = arith.constant 0 : index
      %swap3A_1079 = tpu.vector_load %arg8[%swap3A_1077, %swap3A_1078] {strides = array<i32>} : memref<128x16xf32, #tpu.memory_space<vmem>>, vector<1x16xf32>,
      %swap3A_1080 = vector.shape_cast %swap3A_1079 : vector<1x16xf32> to vector<16xf32>
      %swap3A_1081 = vector.shape_cast %add3A_1075 : vector<16xf32> to vector<1x16xf32>
      tpu.vector_store %arg8[%swap3A_1077, %swap3A_1078], %swap3A_1081 {strides = array<i32>} : memref<128x16xf32, #tpu.memory_space<vmem>>, vector<1x16xf32>,
      %slice3A_1082 = vector.extract_strided_slice %get3A_927 {offsets = [14], sizes = [1], strides = [1]} : vector<16xf32> to vector<1xf32>
      %squeeze3A_1083 = vector.extract %slice3A_1082[0] : f32 from vector<1xf32>
      %mul3A_1084 = vector.broadcast %squeeze3A_1083 : f32 to vector<16xf32>
      %mul3A_1085 = arith.mulf %mul3A_1084, %select_n3A : vector<16xf32>
      %add3A_1086 = arith.addf %mul3A_1085, %select_n3A_16 : vector<16xf32>
      %swap3A_1087 = arith.constant 94 : i32
      %swap3A_1088 = arith.index_cast %swap3A_1087 : i32 to index
      %swap3A_1089 = arith.constant 0 : index
      %swap3A_1090 = tpu.vector_load %arg8[%swap3A_1088, %swap3A_1089] {strides = array<i32>} : memref<128x16xf32, #tpu.memory_space<vmem>>, vector<1x16xf32>,
      %swap3A_1091 = vector.shape_cast %swap3A_1090 : vector<1x16xf32> to vector<16xf32>
      %swap3A_1092 = vector.shape_cast %add3A_1086 : vector<16xf32> to vector<1x16xf32>
      tpu.vector_store %arg8[%swap3A_1088, %swap3A_1089], %swap3A_1092 {strides = array<i32>} : memref<128x16xf32, #tpu.memory_space<vmem>>, vector<1x16xf32>,
      %slice3A_1093 = vector.extract_strided_slice %get3A_927 {offsets = [15], sizes = [1], strides = [1]} : vector<16xf32> to vector<1xf32>
      %squeeze3A_1094 = vector.extract %slice3A_1093[0] : f32 from vector<1xf32>
      %mul3A_1095 = vector.broadcast %squeeze3A_1094 : f32 to vector<16xf32>
      %mul3A_1096 = arith.mulf %mul3A_1095, %select_n3A : vector<16xf32>
      %add3A_1097 = arith.addf %mul3A_1096, %select_n3A_16 : vector<16xf32>
      %swap3A_1098 = arith.constant 95 : i32
      %swap3A_1099 = arith.index_cast %swap3A_1098 : i32 to index
      %swap3A_1100 = arith.constant 0 : index
      %swap3A_1101 = tpu.vector_load %arg8[%swap3A_1099, %swap3A_1100] {strides = array<i32>} : memref<128x16xf32, #tpu.memory_space<vmem>>, vector<1x16xf32>,
      %swap3A_1102 = vector.shape_cast %swap3A_1101 : vector<1x16xf32> to vector<16xf32>
      %swap3A_1103 = vector.shape_cast %add3A_1097 : vector<16xf32> to vector<1x16xf32>
      tpu.vector_store %arg8[%swap3A_1099, %swap3A_1100], %swap3A_1103 {strides = array<i32>} : memref<128x16xf32, #tpu.memory_space<vmem>>, vector<1x16xf32>,
      %get3A_1104 = arith.index_cast %scan3A_27 : i32 to index
      %get3A_1105 = arith.constant 96 : index
      %get3A_1106 = tpu.vector_load %arg7[%get3A_1104, %get3A_1105] {strides = array<i32>} : memref<80x128xf32, #tpu.memory_space<vmem>>, vector<1x16xf32>,
      %get3A_1107 = vector.shape_cast %get3A_1106 : vector<1x16xf32> to vector<16xf32>
      %slice3A_1108 = vector.extract_strided_slice %get3A_1107 {offsets = [0], sizes = [1], strides = [1]} : vector<16xf32> to vector<1xf32>
      %squeeze3A_1109 = vector.extract %slice3A_1108[0] : f32 from vector<1xf32>
      %mul3A_1110 = vector.broadcast %squeeze3A_1109 : f32 to vector<16xf32>
      %mul3A_1111 = arith.mulf %mul3A_1110, %select_n3A : vector<16xf32>
      %add3A_1112 = arith.addf %mul3A_1111, %select_n3A_16 : vector<16xf32>
      %swap3A_1113 = arith.constant 96 : i32
      %swap3A_1114 = arith.index_cast %swap3A_1113 : i32 to index
      %swap3A_1115 = arith.constant 0 : index
      %swap3A_1116 = tpu.vector_load %arg8[%swap3A_1114, %swap3A_1115] {strides = array<i32>} : memref<128x16xf32, #tpu.memory_space<vmem>>, vector<1x16xf32>,
      %swap3A_1117 = vector.shape_cast %swap3A_1116 : vector<1x16xf32> to vector<16xf32>
      %swap3A_1118 = vector.shape_cast %add3A_1112 : vector<16xf32> to vector<1x16xf32>
      tpu.vector_store %arg8[%swap3A_1114, %swap3A_1115], %swap3A_1118 {strides = array<i32>} : memref<128x16xf32, #tpu.memory_space<vmem>>, vector<1x16xf32>,
      %slice3A_1119 = vector.extract_strided_slice %get3A_1107 {offsets = [1], sizes = [1], strides = [1]} : vector<16xf32> to vector<1xf32>
      %squeeze3A_1120 = vector.extract %slice3A_1119[0] : f32 from vector<1xf32>
      %mul3A_1121 = vector.broadcast %squeeze3A_1120 : f32 to vector<16xf32>
      %mul3A_1122 = arith.mulf %mul3A_1121, %select_n3A : vector<16xf32>
      %add3A_1123 = arith.addf %mul3A_1122, %select_n3A_16 : vector<16xf32>
      %swap3A_1124 = arith.constant 97 : i32
      %swap3A_1125 = arith.index_cast %swap3A_1124 : i32 to index
      %swap3A_1126 = arith.constant 0 : index
      %swap3A_1127 = tpu.vector_load %arg8[%swap3A_1125, %swap3A_1126] {strides = array<i32>} : memref<128x16xf32, #tpu.memory_space<vmem>>, vector<1x16xf32>,
      %swap3A_1128 = vector.shape_cast %swap3A_1127 : vector<1x16xf32> to vector<16xf32>
      %swap3A_1129 = vector.shape_cast %add3A_1123 : vector<16xf32> to vector<1x16xf32>
      tpu.vector_store %arg8[%swap3A_1125, %swap3A_1126], %swap3A_1129 {strides = array<i32>} : memref<128x16xf32, #tpu.memory_space<vmem>>, vector<1x16xf32>,
      %slice3A_1130 = vector.extract_strided_slice %get3A_1107 {offsets = [2], sizes = [1], strides = [1]} : vector<16xf32> to vector<1xf32>
      %squeeze3A_1131 = vector.extract %slice3A_1130[0] : f32 from vector<1xf32>
      %mul3A_1132 = vector.broadcast %squeeze3A_1131 : f32 to vector<16xf32>
      %mul3A_1133 = arith.mulf %mul3A_1132, %select_n3A : vector<16xf32>
      %add3A_1134 = arith.addf %mul3A_1133, %select_n3A_16 : vector<16xf32>
      %swap3A_1135 = arith.constant 98 : i32
      %swap3A_1136 = arith.index_cast %swap3A_1135 : i32 to index
      %swap3A_1137 = arith.constant 0 : index
      %swap3A_1138 = tpu.vector_load %arg8[%swap3A_1136, %swap3A_1137] {strides = array<i32>} : memref<128x16xf32, #tpu.memory_space<vmem>>, vector<1x16xf32>,
      %swap3A_1139 = vector.shape_cast %swap3A_1138 : vector<1x16xf32> to vector<16xf32>
      %swap3A_1140 = vector.shape_cast %add3A_1134 : vector<16xf32> to vector<1x16xf32>
      tpu.vector_store %arg8[%swap3A_1136, %swap3A_1137], %swap3A_1140 {strides = array<i32>} : memref<128x16xf32, #tpu.memory_space<vmem>>, vector<1x16xf32>,
      %slice3A_1141 = vector.extract_strided_slice %get3A_1107 {offsets = [3], sizes = [1], strides = [1]} : vector<16xf32> to vector<1xf32>
      %squeeze3A_1142 = vector.extract %slice3A_1141[0] : f32 from vector<1xf32>
      %mul3A_1143 = vector.broadcast %squeeze3A_1142 : f32 to vector<16xf32>
      %mul3A_1144 = arith.mulf %mul3A_1143, %select_n3A : vector<16xf32>
      %add3A_1145 = arith.addf %mul3A_1144, %select_n3A_16 : vector<16xf32>
      %swap3A_1146 = arith.constant 99 : i32
      %swap3A_1147 = arith.index_cast %swap3A_1146 : i32 to index
      %swap3A_1148 = arith.constant 0 : index
      %swap3A_1149 = tpu.vector_load %arg8[%swap3A_1147, %swap3A_1148] {strides = array<i32>} : memref<128x16xf32, #tpu.memory_space<vmem>>, vector<1x16xf32>,
      %swap3A_1150 = vector.shape_cast %swap3A_1149 : vector<1x16xf32> to vector<16xf32>
      %swap3A_1151 = vector.shape_cast %add3A_1145 : vector<16xf32> to vector<1x16xf32>
      tpu.vector_store %arg8[%swap3A_1147, %swap3A_1148], %swap3A_1151 {strides = array<i32>} : memref<128x16xf32, #tpu.memory_space<vmem>>, vector<1x16xf32>,
      %slice3A_1152 = vector.extract_strided_slice %get3A_1107 {offsets = [4], sizes = [1], strides = [1]} : vector<16xf32> to vector<1xf32>
      %squeeze3A_1153 = vector.extract %slice3A_1152[0] : f32 from vector<1xf32>
      %mul3A_1154 = vector.broadcast %squeeze3A_1153 : f32 to vector<16xf32>
      %mul3A_1155 = arith.mulf %mul3A_1154, %select_n3A : vector<16xf32>
      %add3A_1156 = arith.addf %mul3A_1155, %select_n3A_16 : vector<16xf32>
      %swap3A_1157 = arith.constant 100 : i32
      %swap3A_1158 = arith.index_cast %swap3A_1157 : i32 to index
      %swap3A_1159 = arith.constant 0 : index
      %swap3A_1160 = tpu.vector_load %arg8[%swap3A_1158, %swap3A_1159] {strides = array<i32>} : memref<128x16xf32, #tpu.memory_space<vmem>>, vector<1x16xf32>,
      %swap3A_1161 = vector.shape_cast %swap3A_1160 : vector<1x16xf32> to vector<16xf32>
      %swap3A_1162 = vector.shape_cast %add3A_1156 : vector<16xf32> to vector<1x16xf32>
      tpu.vector_store %arg8[%swap3A_1158, %swap3A_1159], %swap3A_1162 {strides = array<i32>} : memref<128x16xf32, #tpu.memory_space<vmem>>, vector<1x16xf32>,
      %slice3A_1163 = vector.extract_strided_slice %get3A_1107 {offsets = [5], sizes = [1], strides = [1]} : vector<16xf32> to vector<1xf32>
      %squeeze3A_1164 = vector.extract %slice3A_1163[0] : f32 from vector<1xf32>
      %mul3A_1165 = vector.broadcast %squeeze3A_1164 : f32 to vector<16xf32>
      %mul3A_1166 = arith.mulf %mul3A_1165, %select_n3A : vector<16xf32>
      %add3A_1167 = arith.addf %mul3A_1166, %select_n3A_16 : vector<16xf32>
      %swap3A_1168 = arith.constant 101 : i32
      %swap3A_1169 = arith.index_cast %swap3A_1168 : i32 to index
      %swap3A_1170 = arith.constant 0 : index
      %swap3A_1171 = tpu.vector_load %arg8[%swap3A_1169, %swap3A_1170] {strides = array<i32>} : memref<128x16xf32, #tpu.memory_space<vmem>>, vector<1x16xf32>,
      %swap3A_1172 = vector.shape_cast %swap3A_1171 : vector<1x16xf32> to vector<16xf32>
      %swap3A_1173 = vector.shape_cast %add3A_1167 : vector<16xf32> to vector<1x16xf32>
      tpu.vector_store %arg8[%swap3A_1169, %swap3A_1170], %swap3A_1173 {strides = array<i32>} : memref<128x16xf32, #tpu.memory_space<vmem>>, vector<1x16xf32>,
      %slice3A_1174 = vector.extract_strided_slice %get3A_1107 {offsets = [6], sizes = [1], strides = [1]} : vector<16xf32> to vector<1xf32>
      %squeeze3A_1175 = vector.extract %slice3A_1174[0] : f32 from vector<1xf32>
      %mul3A_1176 = vector.broadcast %squeeze3A_1175 : f32 to vector<16xf32>
      %mul3A_1177 = arith.mulf %mul3A_1176, %select_n3A : vector<16xf32>
      %add3A_1178 = arith.addf %mul3A_1177, %select_n3A_16 : vector<16xf32>
      %swap3A_1179 = arith.constant 102 : i32
      %swap3A_1180 = arith.index_cast %swap3A_1179 : i32 to index
      %swap3A_1181 = arith.constant 0 : index
      %swap3A_1182 = tpu.vector_load %arg8[%swap3A_1180, %swap3A_1181] {strides = array<i32>} : memref<128x16xf32, #tpu.memory_space<vmem>>, vector<1x16xf32>,
      %swap3A_1183 = vector.shape_cast %swap3A_1182 : vector<1x16xf32> to vector<16xf32>
      %swap3A_1184 = vector.shape_cast %add3A_1178 : vector<16xf32> to vector<1x16xf32>
      tpu.vector_store %arg8[%swap3A_1180, %swap3A_1181], %swap3A_1184 {strides = array<i32>} : memref<128x16xf32, #tpu.memory_space<vmem>>, vector<1x16xf32>,
      %slice3A_1185 = vector.extract_strided_slice %get3A_1107 {offsets = [7], sizes = [1], strides = [1]} : vector<16xf32> to vector<1xf32>
      %squeeze3A_1186 = vector.extract %slice3A_1185[0] : f32 from vector<1xf32>
      %mul3A_1187 = vector.broadcast %squeeze3A_1186 : f32 to vector<16xf32>
      %mul3A_1188 = arith.mulf %mul3A_1187, %select_n3A : vector<16xf32>
      %add3A_1189 = arith.addf %mul3A_1188, %select_n3A_16 : vector<16xf32>
      %swap3A_1190 = arith.constant 103 : i32
      %swap3A_1191 = arith.index_cast %swap3A_1190 : i32 to index
      %swap3A_1192 = arith.constant 0 : index
      %swap3A_1193 = tpu.vector_load %arg8[%swap3A_1191, %swap3A_1192] {strides = array<i32>} : memref<128x16xf32, #tpu.memory_space<vmem>>, vector<1x16xf32>,
      %swap3A_1194 = vector.shape_cast %swap3A_1193 : vector<1x16xf32> to vector<16xf32>
      %swap3A_1195 = vector.shape_cast %add3A_1189 : vector<16xf32> to vector<1x16xf32>
      tpu.vector_store %arg8[%swap3A_1191, %swap3A_1192], %swap3A_1195 {strides = array<i32>} : memref<128x16xf32, #tpu.memory_space<vmem>>, vector<1x16xf32>,
      %slice3A_1196 = vector.extract_strided_slice %get3A_1107 {offsets = [8], sizes = [1], strides = [1]} : vector<16xf32> to vector<1xf32>
      %squeeze3A_1197 = vector.extract %slice3A_1196[0] : f32 from vector<1xf32>
      %mul3A_1198 = vector.broadcast %squeeze3A_1197 : f32 to vector<16xf32>
      %mul3A_1199 = arith.mulf %mul3A_1198, %select_n3A : vector<16xf32>
      %add3A_1200 = arith.addf %mul3A_1199, %select_n3A_16 : vector<16xf32>
      %swap3A_1201 = arith.constant 104 : i32
      %swap3A_1202 = arith.index_cast %swap3A_1201 : i32 to index
      %swap3A_1203 = arith.constant 0 : index
      %swap3A_1204 = tpu.vector_load %arg8[%swap3A_1202, %swap3A_1203] {strides = array<i32>} : memref<128x16xf32, #tpu.memory_space<vmem>>, vector<1x16xf32>,
      %swap3A_1205 = vector.shape_cast %swap3A_1204 : vector<1x16xf32> to vector<16xf32>
      %swap3A_1206 = vector.shape_cast %add3A_1200 : vector<16xf32> to vector<1x16xf32>
      tpu.vector_store %arg8[%swap3A_1202, %swap3A_1203], %swap3A_1206 {strides = array<i32>} : memref<128x16xf32, #tpu.memory_space<vmem>>, vector<1x16xf32>,
      %slice3A_1207 = vector.extract_strided_slice %get3A_1107 {offsets = [9], sizes = [1], strides = [1]} : vector<16xf32> to vector<1xf32>
      %squeeze3A_1208 = vector.extract %slice3A_1207[0] : f32 from vector<1xf32>
      %mul3A_1209 = vector.broadcast %squeeze3A_1208 : f32 to vector<16xf32>
      %mul3A_1210 = arith.mulf %mul3A_1209, %select_n3A : vector<16xf32>
      %add3A_1211 = arith.addf %mul3A_1210, %select_n3A_16 : vector<16xf32>
      %swap3A_1212 = arith.constant 105 : i32
      %swap3A_1213 = arith.index_cast %swap3A_1212 : i32 to index
      %swap3A_1214 = arith.constant 0 : index
      %swap3A_1215 = tpu.vector_load %arg8[%swap3A_1213, %swap3A_1214] {strides = array<i32>} : memref<128x16xf32, #tpu.memory_space<vmem>>, vector<1x16xf32>,
      %swap3A_1216 = vector.shape_cast %swap3A_1215 : vector<1x16xf32> to vector<16xf32>
      %swap3A_1217 = vector.shape_cast %add3A_1211 : vector<16xf32> to vector<1x16xf32>
      tpu.vector_store %arg8[%swap3A_1213, %swap3A_1214], %swap3A_1217 {strides = array<i32>} : memref<128x16xf32, #tpu.memory_space<vmem>>, vector<1x16xf32>,
      %slice3A_1218 = vector.extract_strided_slice %get3A_1107 {offsets = [10], sizes = [1], strides = [1]} : vector<16xf32> to vector<1xf32>
      %squeeze3A_1219 = vector.extract %slice3A_1218[0] : f32 from vector<1xf32>
      %mul3A_1220 = vector.broadcast %squeeze3A_1219 : f32 to vector<16xf32>
      %mul3A_1221 = arith.mulf %mul3A_1220, %select_n3A : vector<16xf32>
      %add3A_1222 = arith.addf %mul3A_1221, %select_n3A_16 : vector<16xf32>
      %swap3A_1223 = arith.constant 106 : i32
      %swap3A_1224 = arith.index_cast %swap3A_1223 : i32 to index
      %swap3A_1225 = arith.constant 0 : index
      %swap3A_1226 = tpu.vector_load %arg8[%swap3A_1224, %swap3A_1225] {strides = array<i32>} : memref<128x16xf32, #tpu.memory_space<vmem>>, vector<1x16xf32>,
      %swap3A_1227 = vector.shape_cast %swap3A_1226 : vector<1x16xf32> to vector<16xf32>
      %swap3A_1228 = vector.shape_cast %add3A_1222 : vector<16xf32> to vector<1x16xf32>
      tpu.vector_store %arg8[%swap3A_1224, %swap3A_1225], %swap3A_1228 {strides = array<i32>} : memref<128x16xf32, #tpu.memory_space<vmem>>, vector<1x16xf32>,
      %slice3A_1229 = vector.extract_strided_slice %get3A_1107 {offsets = [11], sizes = [1], strides = [1]} : vector<16xf32> to vector<1xf32>
      %squeeze3A_1230 = vector.extract %slice3A_1229[0] : f32 from vector<1xf32>
      %mul3A_1231 = vector.broadcast %squeeze3A_1230 : f32 to vector<16xf32>
      %mul3A_1232 = arith.mulf %mul3A_1231, %select_n3A : vector<16xf32>
      %add3A_1233 = arith.addf %mul3A_1232, %select_n3A_16 : vector<16xf32>
      %swap3A_1234 = arith.constant 107 : i32
      %swap3A_1235 = arith.index_cast %swap3A_1234 : i32 to index
      %swap3A_1236 = arith.constant 0 : index
      %swap3A_1237 = tpu.vector_load %arg8[%swap3A_1235, %swap3A_1236] {strides = array<i32>} : memref<128x16xf32, #tpu.memory_space<vmem>>, vector<1x16xf32>,
      %swap3A_1238 = vector.shape_cast %swap3A_1237 : vector<1x16xf32> to vector<16xf32>
      %swap3A_1239 = vector.shape_cast %add3A_1233 : vector<16xf32> to vector<1x16xf32>
      tpu.vector_store %arg8[%swap3A_1235, %swap3A_1236], %swap3A_1239 {strides = array<i32>} : memref<128x16xf32, #tpu.memory_space<vmem>>, vector<1x16xf32>,
      %slice3A_1240 = vector.extract_strided_slice %get3A_1107 {offsets = [12], sizes = [1], strides = [1]} : vector<16xf32> to vector<1xf32>
      %squeeze3A_1241 = vector.extract %slice3A_1240[0] : f32 from vector<1xf32>
      %mul3A_1242 = vector.broadcast %squeeze3A_1241 : f32 to vector<16xf32>
      %mul3A_1243 = arith.mulf %mul3A_1242, %select_n3A : vector<16xf32>
      %add3A_1244 = arith.addf %mul3A_1243, %select_n3A_16 : vector<16xf32>
      %swap3A_1245 = arith.constant 108 : i32
      %swap3A_1246 = arith.index_cast %swap3A_1245 : i32 to index
      %swap3A_1247 = arith.constant 0 : index
      %swap3A_1248 = tpu.vector_load %arg8[%swap3A_1246, %swap3A_1247] {strides = array<i32>} : memref<128x16xf32, #tpu.memory_space<vmem>>, vector<1x16xf32>,
      %swap3A_1249 = vector.shape_cast %swap3A_1248 : vector<1x16xf32> to vector<16xf32>
      %swap3A_1250 = vector.shape_cast %add3A_1244 : vector<16xf32> to vector<1x16xf32>
      tpu.vector_store %arg8[%swap3A_1246, %swap3A_1247], %swap3A_1250 {strides = array<i32>} : memref<128x16xf32, #tpu.memory_space<vmem>>, vector<1x16xf32>,
      %slice3A_1251 = vector.extract_strided_slice %get3A_1107 {offsets = [13], sizes = [1], strides = [1]} : vector<16xf32> to vector<1xf32>
      %squeeze3A_1252 = vector.extract %slice3A_1251[0] : f32 from vector<1xf32>
      %mul3A_1253 = vector.broadcast %squeeze3A_1252 : f32 to vector<16xf32>
      %mul3A_1254 = arith.mulf %mul3A_1253, %select_n3A : vector<16xf32>
      %add3A_1255 = arith.addf %mul3A_1254, %select_n3A_16 : vector<16xf32>
      %swap3A_1256 = arith.constant 109 : i32
      %swap3A_1257 = arith.index_cast %swap3A_1256 : i32 to index
      %swap3A_1258 = arith.constant 0 : index
      %swap3A_1259 = tpu.vector_load %arg8[%swap3A_1257, %swap3A_1258] {strides = array<i32>} : memref<128x16xf32, #tpu.memory_space<vmem>>, vector<1x16xf32>,
      %swap3A_1260 = vector.shape_cast %swap3A_1259 : vector<1x16xf32> to vector<16xf32>
      %swap3A_1261 = vector.shape_cast %add3A_1255 : vector<16xf32> to vector<1x16xf32>
      tpu.vector_store %arg8[%swap3A_1257, %swap3A_1258], %swap3A_1261 {strides = array<i32>} : memref<128x16xf32, #tpu.memory_space<vmem>>, vector<1x16xf32>,
      %slice3A_1262 = vector.extract_strided_slice %get3A_1107 {offsets = [14], sizes = [1], strides = [1]} : vector<16xf32> to vector<1xf32>
      %squeeze3A_1263 = vector.extract %slice3A_1262[0] : f32 from vector<1xf32>
      %mul3A_1264 = vector.broadcast %squeeze3A_1263 : f32 to vector<16xf32>
      %mul3A_1265 = arith.mulf %mul3A_1264, %select_n3A : vector<16xf32>
      %add3A_1266 = arith.addf %mul3A_1265, %select_n3A_16 : vector<16xf32>
      %swap3A_1267 = arith.constant 110 : i32
      %swap3A_1268 = arith.index_cast %swap3A_1267 : i32 to index
      %swap3A_1269 = arith.constant 0 : index
      %swap3A_1270 = tpu.vector_load %arg8[%swap3A_1268, %swap3A_1269] {strides = array<i32>} : memref<128x16xf32, #tpu.memory_space<vmem>>, vector<1x16xf32>,
      %swap3A_1271 = vector.shape_cast %swap3A_1270 : vector<1x16xf32> to vector<16xf32>
      %swap3A_1272 = vector.shape_cast %add3A_1266 : vector<16xf32> to vector<1x16xf32>
      tpu.vector_store %arg8[%swap3A_1268, %swap3A_1269], %swap3A_1272 {strides = array<i32>} : memref<128x16xf32, #tpu.memory_space<vmem>>, vector<1x16xf32>,
      %slice3A_1273 = vector.extract_strided_slice %get3A_1107 {offsets = [15], sizes = [1], strides = [1]} : vector<16xf32> to vector<1xf32>
      %squeeze3A_1274 = vector.extract %slice3A_1273[0] : f32 from vector<1xf32>
      %mul3A_1275 = vector.broadcast %squeeze3A_1274 : f32 to vector<16xf32>
      %mul3A_1276 = arith.mulf %mul3A_1275, %select_n3A : vector<16xf32>
      %add3A_1277 = arith.addf %mul3A_1276, %select_n3A_16 : vector<16xf32>
      %swap3A_1278 = arith.constant 111 : i32
      %swap3A_1279 = arith.index_cast %swap3A_1278 : i32 to index
      %swap3A_1280 = arith.constant 0 : index
      %swap3A_1281 = tpu.vector_load %arg8[%swap3A_1279, %swap3A_1280] {strides = array<i32>} : memref<128x16xf32, #tpu.memory_space<vmem>>, vector<1x16xf32>,
      %swap3A_1282 = vector.shape_cast %swap3A_1281 : vector<1x16xf32> to vector<16xf32>
      %swap3A_1283 = vector.shape_cast %add3A_1277 : vector<16xf32> to vector<1x16xf32>
      tpu.vector_store %arg8[%swap3A_1279, %swap3A_1280], %swap3A_1283 {strides = array<i32>} : memref<128x16xf32, #tpu.memory_space<vmem>>, vector<1x16xf32>,
      %get3A_1284 = arith.index_cast %scan3A_27 : i32 to index
      %get3A_1285 = arith.constant 112 : index
      %get3A_1286 = tpu.vector_load %arg7[%get3A_1284, %get3A_1285] {strides = array<i32>} : memref<80x128xf32, #tpu.memory_space<vmem>>, vector<1x16xf32>,
      %get3A_1287 = vector.shape_cast %get3A_1286 : vector<1x16xf32> to vector<16xf32>
      %slice3A_1288 = vector.extract_strided_slice %get3A_1287 {offsets = [0], sizes = [1], strides = [1]} : vector<16xf32> to vector<1xf32>
      %squeeze3A_1289 = vector.extract %slice3A_1288[0] : f32 from vector<1xf32>
      %mul3A_1290 = vector.broadcast %squeeze3A_1289 : f32 to vector<16xf32>
      %mul3A_1291 = arith.mulf %mul3A_1290, %select_n3A : vector<16xf32>
      %add3A_1292 = arith.addf %mul3A_1291, %select_n3A_16 : vector<16xf32>
      %swap3A_1293 = arith.constant 112 : i32
      %swap3A_1294 = arith.index_cast %swap3A_1293 : i32 to index
      %swap3A_1295 = arith.constant 0 : index
      %swap3A_1296 = tpu.vector_load %arg8[%swap3A_1294, %swap3A_1295] {strides = array<i32>} : memref<128x16xf32, #tpu.memory_space<vmem>>, vector<1x16xf32>,
      %swap3A_1297 = vector.shape_cast %swap3A_1296 : vector<1x16xf32> to vector<16xf32>
      %swap3A_1298 = vector.shape_cast %add3A_1292 : vector<16xf32> to vector<1x16xf32>
      tpu.vector_store %arg8[%swap3A_1294, %swap3A_1295], %swap3A_1298 {strides = array<i32>} : memref<128x16xf32, #tpu.memory_space<vmem>>, vector<1x16xf32>,
      %slice3A_1299 = vector.extract_strided_slice %get3A_1287 {offsets = [1], sizes = [1], strides = [1]} : vector<16xf32> to vector<1xf32>
      %squeeze3A_1300 = vector.extract %slice3A_1299[0] : f32 from vector<1xf32>
      %mul3A_1301 = vector.broadcast %squeeze3A_1300 : f32 to vector<16xf32>
      %mul3A_1302 = arith.mulf %mul3A_1301, %select_n3A : vector<16xf32>
      %add3A_1303 = arith.addf %mul3A_1302, %select_n3A_16 : vector<16xf32>
      %swap3A_1304 = arith.constant 113 : i32
      %swap3A_1305 = arith.index_cast %swap3A_1304 : i32 to index
      %swap3A_1306 = arith.constant 0 : index
      %swap3A_1307 = tpu.vector_load %arg8[%swap3A_1305, %swap3A_1306] {strides = array<i32>} : memref<128x16xf32, #tpu.memory_space<vmem>>, vector<1x16xf32>,
      %swap3A_1308 = vector.shape_cast %swap3A_1307 : vector<1x16xf32> to vector<16xf32>
      %swap3A_1309 = vector.shape_cast %add3A_1303 : vector<16xf32> to vector<1x16xf32>
      tpu.vector_store %arg8[%swap3A_1305, %swap3A_1306], %swap3A_1309 {strides = array<i32>} : memref<128x16xf32, #tpu.memory_space<vmem>>, vector<1x16xf32>,
      %slice3A_1310 = vector.extract_strided_slice %get3A_1287 {offsets = [2], sizes = [1], strides = [1]} : vector<16xf32> to vector<1xf32>
      %squeeze3A_1311 = vector.extract %slice3A_1310[0] : f32 from vector<1xf32>
      %mul3A_1312 = vector.broadcast %squeeze3A_1311 : f32 to vector<16xf32>
      %mul3A_1313 = arith.mulf %mul3A_1312, %select_n3A : vector<16xf32>
      %add3A_1314 = arith.addf %mul3A_1313, %select_n3A_16 : vector<16xf32>
      %swap3A_1315 = arith.constant 114 : i32
      %swap3A_1316 = arith.index_cast %swap3A_1315 : i32 to index
      %swap3A_1317 = arith.constant 0 : index
      %swap3A_1318 = tpu.vector_load %arg8[%swap3A_1316, %swap3A_1317] {strides = array<i32>} : memref<128x16xf32, #tpu.memory_space<vmem>>, vector<1x16xf32>,
      %swap3A_1319 = vector.shape_cast %swap3A_1318 : vector<1x16xf32> to vector<16xf32>
      %swap3A_1320 = vector.shape_cast %add3A_1314 : vector<16xf32> to vector<1x16xf32>
      tpu.vector_store %arg8[%swap3A_1316, %swap3A_1317], %swap3A_1320 {strides = array<i32>} : memref<128x16xf32, #tpu.memory_space<vmem>>, vector<1x16xf32>,
      %slice3A_1321 = vector.extract_strided_slice %get3A_1287 {offsets = [3], sizes = [1], strides = [1]} : vector<16xf32> to vector<1xf32>
      %squeeze3A_1322 = vector.extract %slice3A_1321[0] : f32 from vector<1xf32>
      %mul3A_1323 = vector.broadcast %squeeze3A_1322 : f32 to vector<16xf32>
      %mul3A_1324 = arith.mulf %mul3A_1323, %select_n3A : vector<16xf32>
      %add3A_1325 = arith.addf %mul3A_1324, %select_n3A_16 : vector<16xf32>
      %swap3A_1326 = arith.constant 115 : i32
      %swap3A_1327 = arith.index_cast %swap3A_1326 : i32 to index
      %swap3A_1328 = arith.constant 0 : index
      %swap3A_1329 = tpu.vector_load %arg8[%swap3A_1327, %swap3A_1328] {strides = array<i32>} : memref<128x16xf32, #tpu.memory_space<vmem>>, vector<1x16xf32>,
      %swap3A_1330 = vector.shape_cast %swap3A_1329 : vector<1x16xf32> to vector<16xf32>
      %swap3A_1331 = vector.shape_cast %add3A_1325 : vector<16xf32> to vector<1x16xf32>
      tpu.vector_store %arg8[%swap3A_1327, %swap3A_1328], %swap3A_1331 {strides = array<i32>} : memref<128x16xf32, #tpu.memory_space<vmem>>, vector<1x16xf32>,
      %slice3A_1332 = vector.extract_strided_slice %get3A_1287 {offsets = [4], sizes = [1], strides = [1]} : vector<16xf32> to vector<1xf32>
      %squeeze3A_1333 = vector.extract %slice3A_1332[0] : f32 from vector<1xf32>
      %mul3A_1334 = vector.broadcast %squeeze3A_1333 : f32 to vector<16xf32>
      %mul3A_1335 = arith.mulf %mul3A_1334, %select_n3A : vector<16xf32>
      %add3A_1336 = arith.addf %mul3A_1335, %select_n3A_16 : vector<16xf32>
      %swap3A_1337 = arith.constant 116 : i32
      %swap3A_1338 = arith.index_cast %swap3A_1337 : i32 to index
      %swap3A_1339 = arith.constant 0 : index
      %swap3A_1340 = tpu.vector_load %arg8[%swap3A_1338, %swap3A_1339] {strides = array<i32>} : memref<128x16xf32, #tpu.memory_space<vmem>>, vector<1x16xf32>,
      %swap3A_1341 = vector.shape_cast %swap3A_1340 : vector<1x16xf32> to vector<16xf32>
      %swap3A_1342 = vector.shape_cast %add3A_1336 : vector<16xf32> to vector<1x16xf32>
      tpu.vector_store %arg8[%swap3A_1338, %swap3A_1339], %swap3A_1342 {strides = array<i32>} : memref<128x16xf32, #tpu.memory_space<vmem>>, vector<1x16xf32>,
      %slice3A_1343 = vector.extract_strided_slice %get3A_1287 {offsets = [5], sizes = [1], strides = [1]} : vector<16xf32> to vector<1xf32>
      %squeeze3A_1344 = vector.extract %slice3A_1343[0] : f32 from vector<1xf32>
      %mul3A_1345 = vector.broadcast %squeeze3A_1344 : f32 to vector<16xf32>
      %mul3A_1346 = arith.mulf %mul3A_1345, %select_n3A : vector<16xf32>
      %add3A_1347 = arith.addf %mul3A_1346, %select_n3A_16 : vector<16xf32>
      %swap3A_1348 = arith.constant 117 : i32
      %swap3A_1349 = arith.index_cast %swap3A_1348 : i32 to index
      %swap3A_1350 = arith.constant 0 : index
      %swap3A_1351 = tpu.vector_load %arg8[%swap3A_1349, %swap3A_1350] {strides = array<i32>} : memref<128x16xf32, #tpu.memory_space<vmem>>, vector<1x16xf32>,
      %swap3A_1352 = vector.shape_cast %swap3A_1351 : vector<1x16xf32> to vector<16xf32>
      %swap3A_1353 = vector.shape_cast %add3A_1347 : vector<16xf32> to vector<1x16xf32>
      tpu.vector_store %arg8[%swap3A_1349, %swap3A_1350], %swap3A_1353 {strides = array<i32>} : memref<128x16xf32, #tpu.memory_space<vmem>>, vector<1x16xf32>,
      %slice3A_1354 = vector.extract_strided_slice %get3A_1287 {offsets = [6], sizes = [1], strides = [1]} : vector<16xf32> to vector<1xf32>
      %squeeze3A_1355 = vector.extract %slice3A_1354[0] : f32 from vector<1xf32>
      %mul3A_1356 = vector.broadcast %squeeze3A_1355 : f32 to vector<16xf32>
      %mul3A_1357 = arith.mulf %mul3A_1356, %select_n3A : vector<16xf32>
      %add3A_1358 = arith.addf %mul3A_1357, %select_n3A_16 : vector<16xf32>
      %swap3A_1359 = arith.constant 118 : i32
      %swap3A_1360 = arith.index_cast %swap3A_1359 : i32 to index
      %swap3A_1361 = arith.constant 0 : index
      %swap3A_1362 = tpu.vector_load %arg8[%swap3A_1360, %swap3A_1361] {strides = array<i32>} : memref<128x16xf32, #tpu.memory_space<vmem>>, vector<1x16xf32>,
      %swap3A_1363 = vector.shape_cast %swap3A_1362 : vector<1x16xf32> to vector<16xf32>
      %swap3A_1364 = vector.shape_cast %add3A_1358 : vector<16xf32> to vector<1x16xf32>
      tpu.vector_store %arg8[%swap3A_1360, %swap3A_1361], %swap3A_1364 {strides = array<i32>} : memref<128x16xf32, #tpu.memory_space<vmem>>, vector<1x16xf32>,
      %slice3A_1365 = vector.extract_strided_slice %get3A_1287 {offsets = [7], sizes = [1], strides = [1]} : vector<16xf32> to vector<1xf32>
      %squeeze3A_1366 = vector.extract %slice3A_1365[0] : f32 from vector<1xf32>
      %mul3A_1367 = vector.broadcast %squeeze3A_1366 : f32 to vector<16xf32>
      %mul3A_1368 = arith.mulf %mul3A_1367, %select_n3A : vector<16xf32>
      %add3A_1369 = arith.addf %mul3A_1368, %select_n3A_16 : vector<16xf32>
      %swap3A_1370 = arith.constant 119 : i32
      %swap3A_1371 = arith.index_cast %swap3A_1370 : i32 to index
      %swap3A_1372 = arith.constant 0 : index
      %swap3A_1373 = tpu.vector_load %arg8[%swap3A_1371, %swap3A_1372] {strides = array<i32>} : memref<128x16xf32, #tpu.memory_space<vmem>>, vector<1x16xf32>,
      %swap3A_1374 = vector.shape_cast %swap3A_1373 : vector<1x16xf32> to vector<16xf32>
      %swap3A_1375 = vector.shape_cast %add3A_1369 : vector<16xf32> to vector<1x16xf32>
      tpu.vector_store %arg8[%swap3A_1371, %swap3A_1372], %swap3A_1375 {strides = array<i32>} : memref<128x16xf32, #tpu.memory_space<vmem>>, vector<1x16xf32>,
      %slice3A_1376 = vector.extract_strided_slice %get3A_1287 {offsets = [8], sizes = [1], strides = [1]} : vector<16xf32> to vector<1xf32>
      %squeeze3A_1377 = vector.extract %slice3A_1376[0] : f32 from vector<1xf32>
      %mul3A_1378 = vector.broadcast %squeeze3A_1377 : f32 to vector<16xf32>
      %mul3A_1379 = arith.mulf %mul3A_1378, %select_n3A : vector<16xf32>
      %add3A_1380 = arith.addf %mul3A_1379, %select_n3A_16 : vector<16xf32>
      %swap3A_1381 = arith.constant 120 : i32
      %swap3A_1382 = arith.index_cast %swap3A_1381 : i32 to index
      %swap3A_1383 = arith.constant 0 : index
      %swap3A_1384 = tpu.vector_load %arg8[%swap3A_1382, %swap3A_1383] {strides = array<i32>} : memref<128x16xf32, #tpu.memory_space<vmem>>, vector<1x16xf32>,
      %swap3A_1385 = vector.shape_cast %swap3A_1384 : vector<1x16xf32> to vector<16xf32>
      %swap3A_1386 = vector.shape_cast %add3A_1380 : vector<16xf32> to vector<1x16xf32>
      tpu.vector_store %arg8[%swap3A_1382, %swap3A_1383], %swap3A_1386 {strides = array<i32>} : memref<128x16xf32, #tpu.memory_space<vmem>>, vector<1x16xf32>,
      %slice3A_1387 = vector.extract_strided_slice %get3A_1287 {offsets = [9], sizes = [1], strides = [1]} : vector<16xf32> to vector<1xf32>
      %squeeze3A_1388 = vector.extract %slice3A_1387[0] : f32 from vector<1xf32>
      %mul3A_1389 = vector.broadcast %squeeze3A_1388 : f32 to vector<16xf32>
      %mul3A_1390 = arith.mulf %mul3A_1389, %select_n3A : vector<16xf32>
      %add3A_1391 = arith.addf %mul3A_1390, %select_n3A_16 : vector<16xf32>
      %swap3A_1392 = arith.constant 121 : i32
      %swap3A_1393 = arith.index_cast %swap3A_1392 : i32 to index
      %swap3A_1394 = arith.constant 0 : index
      %swap3A_1395 = tpu.vector_load %arg8[%swap3A_1393, %swap3A_1394] {strides = array<i32>} : memref<128x16xf32, #tpu.memory_space<vmem>>, vector<1x16xf32>,
      %swap3A_1396 = vector.shape_cast %swap3A_1395 : vector<1x16xf32> to vector<16xf32>
      %swap3A_1397 = vector.shape_cast %add3A_1391 : vector<16xf32> to vector<1x16xf32>
      tpu.vector_store %arg8[%swap3A_1393, %swap3A_1394], %swap3A_1397 {strides = array<i32>} : memref<128x16xf32, #tpu.memory_space<vmem>>, vector<1x16xf32>,
      %slice3A_1398 = vector.extract_strided_slice %get3A_1287 {offsets = [10], sizes = [1], strides = [1]} : vector<16xf32> to vector<1xf32>
      %squeeze3A_1399 = vector.extract %slice3A_1398[0] : f32 from vector<1xf32>
      %mul3A_1400 = vector.broadcast %squeeze3A_1399 : f32 to vector<16xf32>
      %mul3A_1401 = arith.mulf %mul3A_1400, %select_n3A : vector<16xf32>
      %add3A_1402 = arith.addf %mul3A_1401, %select_n3A_16 : vector<16xf32>
      %swap3A_1403 = arith.constant 122 : i32
      %swap3A_1404 = arith.index_cast %swap3A_1403 : i32 to index
      %swap3A_1405 = arith.constant 0 : index
      %swap3A_1406 = tpu.vector_load %arg8[%swap3A_1404, %swap3A_1405] {strides = array<i32>} : memref<128x16xf32, #tpu.memory_space<vmem>>, vector<1x16xf32>,
      %swap3A_1407 = vector.shape_cast %swap3A_1406 : vector<1x16xf32> to vector<16xf32>
      %swap3A_1408 = vector.shape_cast %add3A_1402 : vector<16xf32> to vector<1x16xf32>
      tpu.vector_store %arg8[%swap3A_1404, %swap3A_1405], %swap3A_1408 {strides = array<i32>} : memref<128x16xf32, #tpu.memory_space<vmem>>, vector<1x16xf32>,
      %slice3A_1409 = vector.extract_strided_slice %get3A_1287 {offsets = [11], sizes = [1], strides = [1]} : vector<16xf32> to vector<1xf32>
      %squeeze3A_1410 = vector.extract %slice3A_1409[0] : f32 from vector<1xf32>
      %mul3A_1411 = vector.broadcast %squeeze3A_1410 : f32 to vector<16xf32>
      %mul3A_1412 = arith.mulf %mul3A_1411, %select_n3A : vector<16xf32>
      %add3A_1413 = arith.addf %mul3A_1412, %select_n3A_16 : vector<16xf32>
      %swap3A_1414 = arith.constant 123 : i32
      %swap3A_1415 = arith.index_cast %swap3A_1414 : i32 to index
      %swap3A_1416 = arith.constant 0 : index
      %swap3A_1417 = tpu.vector_load %arg8[%swap3A_1415, %swap3A_1416] {strides = array<i32>} : memref<128x16xf32, #tpu.memory_space<vmem>>, vector<1x16xf32>,
      %swap3A_1418 = vector.shape_cast %swap3A_1417 : vector<1x16xf32> to vector<16xf32>
      %swap3A_1419 = vector.shape_cast %add3A_1413 : vector<16xf32> to vector<1x16xf32>
      tpu.vector_store %arg8[%swap3A_1415, %swap3A_1416], %swap3A_1419 {strides = array<i32>} : memref<128x16xf32, #tpu.memory_space<vmem>>, vector<1x16xf32>,
      %slice3A_1420 = vector.extract_strided_slice %get3A_1287 {offsets = [12], sizes = [1], strides = [1]} : vector<16xf32> to vector<1xf32>
      %squeeze3A_1421 = vector.extract %slice3A_1420[0] : f32 from vector<1xf32>
      %mul3A_1422 = vector.broadcast %squeeze3A_1421 : f32 to vector<16xf32>
      %mul3A_1423 = arith.mulf %mul3A_1422, %select_n3A : vector<16xf32>
      %add3A_1424 = arith.addf %mul3A_1423, %select_n3A_16 : vector<16xf32>
      %swap3A_1425 = arith.constant 124 : i32
      %swap3A_1426 = arith.index_cast %swap3A_1425 : i32 to index
      %swap3A_1427 = arith.constant 0 : index
      %swap3A_1428 = tpu.vector_load %arg8[%swap3A_1426, %swap3A_1427] {strides = array<i32>} : memref<128x16xf32, #tpu.memory_space<vmem>>, vector<1x16xf32>,
      %swap3A_1429 = vector.shape_cast %swap3A_1428 : vector<1x16xf32> to vector<16xf32>
      %swap3A_1430 = vector.shape_cast %add3A_1424 : vector<16xf32> to vector<1x16xf32>
      tpu.vector_store %arg8[%swap3A_1426, %swap3A_1427], %swap3A_1430 {strides = array<i32>} : memref<128x16xf32, #tpu.memory_space<vmem>>, vector<1x16xf32>,
      %slice3A_1431 = vector.extract_strided_slice %get3A_1287 {offsets = [13], sizes = [1], strides = [1]} : vector<16xf32> to vector<1xf32>
      %squeeze3A_1432 = vector.extract %slice3A_1431[0] : f32 from vector<1xf32>
      %mul3A_1433 = vector.broadcast %squeeze3A_1432 : f32 to vector<16xf32>
      %mul3A_1434 = arith.mulf %mul3A_1433, %select_n3A : vector<16xf32>
      %add3A_1435 = arith.addf %mul3A_1434, %select_n3A_16 : vector<16xf32>
      %swap3A_1436 = arith.constant 125 : i32
      %swap3A_1437 = arith.index_cast %swap3A_1436 : i32 to index
      %swap3A_1438 = arith.constant 0 : index
      %swap3A_1439 = tpu.vector_load %arg8[%swap3A_1437, %swap3A_1438] {strides = array<i32>} : memref<128x16xf32, #tpu.memory_space<vmem>>, vector<1x16xf32>,
      %swap3A_1440 = vector.shape_cast %swap3A_1439 : vector<1x16xf32> to vector<16xf32>
      %swap3A_1441 = vector.shape_cast %add3A_1435 : vector<16xf32> to vector<1x16xf32>
      tpu.vector_store %arg8[%swap3A_1437, %swap3A_1438], %swap3A_1441 {strides = array<i32>} : memref<128x16xf32, #tpu.memory_space<vmem>>, vector<1x16xf32>,
      %slice3A_1442 = vector.extract_strided_slice %get3A_1287 {offsets = [14], sizes = [1], strides = [1]} : vector<16xf32> to vector<1xf32>
      %squeeze3A_1443 = vector.extract %slice3A_1442[0] : f32 from vector<1xf32>
      %mul3A_1444 = vector.broadcast %squeeze3A_1443 : f32 to vector<16xf32>
      %mul3A_1445 = arith.mulf %mul3A_1444, %select_n3A : vector<16xf32>
      %add3A_1446 = arith.addf %mul3A_1445, %select_n3A_16 : vector<16xf32>
      %swap3A_1447 = arith.constant 126 : i32
      %swap3A_1448 = arith.index_cast %swap3A_1447 : i32 to index
      %swap3A_1449 = arith.constant 0 : index
      %swap3A_1450 = tpu.vector_load %arg8[%swap3A_1448, %swap3A_1449] {strides = array<i32>} : memref<128x16xf32, #tpu.memory_space<vmem>>, vector<1x16xf32>,
      %swap3A_1451 = vector.shape_cast %swap3A_1450 : vector<1x16xf32> to vector<16xf32>
      %swap3A_1452 = vector.shape_cast %add3A_1446 : vector<16xf32> to vector<1x16xf32>
      tpu.vector_store %arg8[%swap3A_1448, %swap3A_1449], %swap3A_1452 {strides = array<i32>} : memref<128x16xf32, #tpu.memory_space<vmem>>, vector<1x16xf32>,
      %slice3A_1453 = vector.extract_strided_slice %get3A_1287 {offsets = [15], sizes = [1], strides = [1]} : vector<16xf32> to vector<1xf32>
      %squeeze3A_1454 = vector.extract %slice3A_1453[0] : f32 from vector<1xf32>
      %mul3A_1455 = vector.broadcast %squeeze3A_1454 : f32 to vector<16xf32>
      %mul3A_1456 = arith.mulf %mul3A_1455, %select_n3A : vector<16xf32>
      %add3A_1457 = arith.addf %mul3A_1456, %select_n3A_16 : vector<16xf32>
      %swap3A_1458 = arith.constant 127 : i32
      %swap3A_1459 = arith.index_cast %swap3A_1458 : i32 to index
      %swap3A_1460 = arith.constant 0 : index
      %swap3A_1461 = tpu.vector_load %arg8[%swap3A_1459, %swap3A_1460] {strides = array<i32>} : memref<128x16xf32, #tpu.memory_space<vmem>>, vector<1x16xf32>,
      %swap3A_1462 = vector.shape_cast %swap3A_1461 : vector<1x16xf32> to vector<16xf32>
      %swap3A_1463 = vector.shape_cast %add3A_1457 : vector<16xf32> to vector<1x16xf32>
      tpu.vector_store %arg8[%swap3A_1459, %swap3A_1460], %swap3A_1463 {strides = array<i32>} : memref<128x16xf32, #tpu.memory_space<vmem>>, vector<1x16xf32>,
      "tpu.region"() ({
        %run_scoped3A = tpu.sem_alloc : memref<!tpu.dma_semaphore, #tpu.memory_space<semaphore_mem>>
        %dma_start3A = arith.constant 0 : i32
        %dma_start3A_1464 = tpu.memref_slice %arg6[%scan3A_27, %dma_start3A] : memref<80x128xi32, #tpu.memory_space<vmem>> -> memref<1x128xi32, #tpu.memory_space<vmem>>
        %dma_start3A_1465 = tpu.memref_squeeze %dma_start3A_1464 : memref<1x128xi32, #tpu.memory_space<vmem>> -> memref<128xi32, #tpu.memory_space<vmem>>
        %dma_start3A_1466 = arith.constant 0 : i32
        %dma_start3A_1467 = arith.constant 0 : i32
        %dma_start3A_1468 = tpu.memref_slice %arg9[%dma_start3A_1466, %dma_start3A_1467] : memref<10240x16xf32, #tpu.memory_space<vmem_shared>> -> memref<10240x16xf32, #tpu.memory_space<vmem_shared>>
        tpu.enqueue_indirect_dma source(%arg8 : memref<128x16xf32, #tpu.memory_space<vmem>>) target(%dma_start3A_1468 : memref<10240x16xf32, #tpu.memory_space<vmem_shared>>) offsets(%dma_start3A_1465 : memref<128xi32, #tpu.memory_space<vmem>>) semaphore(%run_scoped3A : memref<!tpu.dma_semaphore, #tpu.memory_space<semaphore_mem>>) {add = true}
        %dma_wait3A = arith.constant 0 : i32
        %dma_wait3A_1469 = tpu.memref_slice %arg6[%scan3A_27, %dma_wait3A] : memref<80x128xi32, #tpu.memory_space<vmem>> -> memref<1x128xi32, #tpu.memory_space<vmem>>
        %dma_wait3A_1470 = tpu.memref_squeeze %dma_wait3A_1469 : memref<1x128xi32, #tpu.memory_space<vmem>> -> memref<128xi32, #tpu.memory_space<vmem>>
        %dma_wait3A_1471 = arith.constant 0 : i32
        %dma_wait3A_1472 = arith.constant 0 : i32
        %dma_wait3A_1473 = tpu.memref_slice %arg9[%dma_wait3A_1471, %dma_wait3A_1472] : memref<10240x16xf32, #tpu.memory_space<vmem_shared>> -> memref<10240x16xf32, #tpu.memory_space<vmem_shared>>
        tpu.wait_indirect_dma semaphore(%run_scoped3A : memref<!tpu.dma_semaphore, #tpu.memory_space<semaphore_mem>>) src(%arg8 : memref<128x16xf32, #tpu.memory_space<vmem>>) dst(%dma_wait3A_1473 : memref<10240x16xf32, #tpu.memory_space<vmem_shared>>)
        tpu.yield
      }) : () -> ()
    }
    %scan3A_21 = arith.constant 80 : i32
    %barrier3A_22 = arith.constant 0 : index
    tpu.barrier barrier_id(%barrier3A_22)
    %mul3A_23 = arith.constant 640 : i32
    %mul3A_24 = arith.muli %arg1, %mul3A_23 : i32
    %mul3A_25 = arith.constant 640 : i32
    %mul3A_26 = arith.muli %arg1, %mul3A_25 : i32
    "tpu.region"() ({
      %run_scoped3A = tpu.sem_alloc : memref<!tpu.dma_semaphore, #tpu.memory_space<semaphore_mem>>
      %dma_start3A = arith.constant 0 : i32
      %dma_start3A_27 = tpu.memref_slice %arg5[%arg0, %mul3A_26, %dma_start3A] : memref<2x10240x16xf32, #tpu.memory_space<hbm>> -> memref<1x640x16xf32, #tpu.memory_space<hbm>>
      %dma_start3A_28 = tpu.memref_squeeze %dma_start3A_27 : memref<1x640x16xf32, #tpu.memory_space<hbm>> -> memref<640x16xf32, #tpu.memory_space<hbm>>
      %dma_start3A_29 = arith.constant 0 : i32
      %dma_start3A_30 = tpu.memref_slice %arg9[%mul3A_24, %dma_start3A_29] : memref<10240x16xf32, #tpu.memory_space<vmem_shared>> -> memref<640x16xf32, #tpu.memory_space<vmem_shared>>
      tpu.enqueue_dma source(%dma_start3A_30 : memref<640x16xf32, #tpu.memory_space<vmem_shared>>) target(%dma_start3A_28 : memref<640x16xf32, #tpu.memory_space<hbm>>) target_semaphore(%run_scoped3A : memref<!tpu.dma_semaphore, #tpu.memory_space<semaphore_mem>>)
      %dma_wait3A = arith.constant 0 : i32
      %dma_wait3A_31 = tpu.memref_slice %arg5[%arg0, %mul3A_26, %dma_wait3A] : memref<2x10240x16xf32, #tpu.memory_space<hbm>> -> memref<1x640x16xf32, #tpu.memory_space<hbm>>
      %dma_wait3A_32 = tpu.memref_squeeze %dma_wait3A_31 : memref<1x640x16xf32, #tpu.memory_space<hbm>> -> memref<640x16xf32, #tpu.memory_space<hbm>>
      %dma_wait3A_33 = arith.constant 0 : i32
      %dma_wait3A_34 = tpu.memref_slice %arg9[%mul3A_24, %dma_wait3A_33] : memref<10240x16xf32, #tpu.memory_space<vmem_shared>> -> memref<640x16xf32, #tpu.memory_space<vmem_shared>>
      tpu.wait_dma2 semaphore(%run_scoped3A : memref<!tpu.dma_semaphore, #tpu.memory_space<semaphore_mem>>) src(%dma_wait3A_34 : memref<640x16xf32, #tpu.memory_space<vmem_shared>>) dst(%dma_wait3A_32 : memref<640x16xf32, #tpu.memory_space<hbm>>)
      tpu.yield
    }) : () -> ()
    return
  }
}

module attributes {stable_mosaic.version = 14 : i64} {
  func.func @_tc1_body(%arg0: memref<2x10240x16xf32, #tpu.memory_space<vmem>>, %arg1: memref<10000x4xf32, #tpu.memory_space<vmem>>, %arg2: memref<10000x1xf32, #tpu.memory_space<vmem>>, %arg3: memref<10000x1xf32, #tpu.memory_space<vmem>>, %arg4: memref<10240x16xf32, #tpu.memory_space<vmem>>) attributes {dimension_semantics = [], scalar_prefetch = 0 : i64, scratch_operands = 0 : i64, tpu.core_type = #tpu.core_type<tc>} {
    %get3A = arith.constant 0 : index
    %get3A_0 = arith.constant 0 : index
    %get3A_1 = arith.constant 0 : index
    %get3A_2 = vector.load %arg0[%get3A, %get3A_0, %get3A_1] : memref<2x10240x16xf32, #tpu.memory_space<vmem>>, vector<2x10240x16xf32>
    %slice3A = vector.extract_strided_slice %get3A_2 {offsets = [0, 0, 0], sizes = [1, 10000, 1], strides = [1, 1, 1]} : vector<2x10240x16xf32> to vector<1x10000x1xf32>
    %squeeze3A = vector.shape_cast %slice3A : vector<1x10000x1xf32> to vector<10000x1xf32>
    %slice3A_3 = vector.extract_strided_slice %get3A_2 {offsets = [1, 0, 0], sizes = [1, 10000, 1], strides = [1, 1, 1]} : vector<2x10240x16xf32> to vector<1x10000x1xf32>
    %squeeze3A_4 = vector.shape_cast %slice3A_3 : vector<1x10000x1xf32> to vector<10000x1xf32>
    %add3A = arith.addf %squeeze3A, %squeeze3A_4 : vector<10000x1xf32>
    %add3A_5 = arith.constant 1.000000e+00 : f32
    %add3A_6 = vector.broadcast %add3A_5 : f32 to vector<10000x1xf32>
    %add3A_7 = arith.addf %add3A, %add3A_6 : vector<10000x1xf32>
    %slice3A_8 = vector.extract_strided_slice %get3A_2 {offsets = [0, 0, 1], sizes = [1, 10000, 1], strides = [1, 1, 1]} : vector<2x10240x16xf32> to vector<1x10000x1xf32>
    %squeeze3A_9 = vector.shape_cast %slice3A_8 : vector<1x10000x1xf32> to vector<10000x1xf32>
    %slice3A_10 = vector.extract_strided_slice %get3A_2 {offsets = [1, 0, 1], sizes = [1, 10000, 1], strides = [1, 1, 1]} : vector<2x10240x16xf32> to vector<1x10000x1xf32>
    %squeeze3A_11 = vector.shape_cast %slice3A_10 : vector<1x10000x1xf32> to vector<10000x1xf32>
    %add3A_12 = arith.addf %squeeze3A_9, %squeeze3A_11 : vector<10000x1xf32>
    %add3A_13 = arith.constant 1.000000e+00 : f32
    %add3A_14 = vector.broadcast %add3A_13 : f32 to vector<10000x1xf32>
    %add3A_15 = arith.addf %add3A_12, %add3A_14 : vector<10000x1xf32>
    %gt3A = arith.constant 0.000000e+00 : f32
    %gt3A_16 = vector.broadcast %gt3A : f32 to vector<10000x1xf32>
    %gt3A_17 = arith.cmpf ogt, %add3A_7, %gt3A_16 : vector<10000x1xf32>
    %max3A = arith.constant 9.99999996E-13 : f32
    %max3A_18 = vector.broadcast %max3A : f32 to vector<10000x1xf32>
    %max3A_19 = arith.maximumf %add3A_7, %max3A_18 : vector<10000x1xf32>
    %rsqrt3A = math.rsqrt %max3A_19 : vector<10000x1xf32>
    %jit3A = arith.constant 0.000000e+00 : f32
    %broadcast_in_dim3A = vector.broadcast %jit3A : f32 to vector<10000x1xf32>
    %select_n3A = arith.select %gt3A_17, %rsqrt3A, %broadcast_in_dim3A : vector<10000x1xi1>, vector<10000x1xf32>
    %gt3A_20 = arith.constant 0.000000e+00 : f32
    %gt3A_21 = vector.broadcast %gt3A_20 : f32 to vector<10000x1xf32>
    %gt3A_22 = arith.cmpf ogt, %add3A_15, %gt3A_21 : vector<10000x1xf32>
    %max3A_23 = arith.constant 9.99999996E-13 : f32
    %max3A_24 = vector.broadcast %max3A_23 : f32 to vector<10000x1xf32>
    %max3A_25 = arith.maximumf %add3A_15, %max3A_24 : vector<10000x1xf32>
    %rsqrt3A_26 = math.rsqrt %max3A_25 : vector<10000x1xf32>
    %jit3A_27 = arith.constant 0.000000e+00 : f32
    %broadcast_in_dim3A_28 = vector.broadcast %jit3A_27 : f32 to vector<10000x1xf32>
    %select_n3A_29 = arith.select %gt3A_22, %rsqrt3A_26, %broadcast_in_dim3A_28 : vector<10000x1xi1>, vector<10000x1xf32>
    %swap3A = arith.constant 0 : index
    %swap3A_30 = arith.constant 0 : index
    %swap3A_31 = vector.load %arg2[%swap3A, %swap3A_30] : memref<10000x1xf32, #tpu.memory_space<vmem>>, vector<10000x1xf32>
    tpu.vector_store %arg2[%swap3A, %swap3A_30], %select_n3A {strides = array<i32>} : memref<10000x1xf32, #tpu.memory_space<vmem>>, vector<10000x1xf32>,
    %swap3A_32 = arith.constant 0 : index
    %swap3A_33 = arith.constant 0 : index
    %swap3A_34 = vector.load %arg3[%swap3A_32, %swap3A_33] : memref<10000x1xf32, #tpu.memory_space<vmem>>, vector<10000x1xf32>
    tpu.vector_store %arg3[%swap3A_32, %swap3A_33], %select_n3A_29 {strides = array<i32>} : memref<10000x1xf32, #tpu.memory_space<vmem>>, vector<10000x1xf32>,
    %get3A_35 = arith.constant 0 : index
    %get3A_36 = arith.constant 0 : index
    %get3A_37 = vector.load %arg1[%get3A_35, %get3A_36] : memref<10000x4xf32, #tpu.memory_space<vmem>>, vector<10000x4xf32>
    %mul3A = vector.broadcast %select_n3A : vector<10000x1xf32> to vector<10000x4xf32>
    %mul3A_38 = arith.mulf %get3A_37, %mul3A : vector<10000x4xf32>
    %swap3A_39 = arith.constant 0 : index
    %swap3A_40 = arith.constant 0 : index
    %swap3A_41 = vector.load %arg4[%swap3A_39, %swap3A_40] : memref<10240x16xf32, #tpu.memory_space<vmem>>, vector<10000x4xf32>
    tpu.vector_store %arg4[%swap3A_39, %swap3A_40], %mul3A_38 {strides = array<i32>} : memref<10240x16xf32, #tpu.memory_space<vmem>>, vector<10000x4xf32>,
    %broadcast_in_dim3A_42 = arith.constant 0.000000e+00 : f32
    %broadcast_in_dim3A_43 = vector.broadcast %broadcast_in_dim3A_42 : f32 to vector<10000x12xf32>
    %swap3A_44 = arith.constant 0 : index
    %swap3A_45 = arith.constant 4 : index
    %swap3A_46 = vector.load %arg4[%swap3A_44, %swap3A_45] : memref<10240x16xf32, #tpu.memory_space<vmem>>, vector<10000x12xf32>
    tpu.vector_store %arg4[%swap3A_44, %swap3A_45], %broadcast_in_dim3A_43 {strides = array<i32>} : memref<10240x16xf32, #tpu.memory_space<vmem>>, vector<10000x12xf32>,
    %broadcast_in_dim3A_47 = arith.constant 0.000000e+00 : f32
    %broadcast_in_dim3A_48 = vector.broadcast %broadcast_in_dim3A_47 : f32 to vector<240x16xf32>
    %swap3A_49 = arith.constant 10000 : index
    %swap3A_50 = arith.constant 0 : index
    %swap3A_51 = vector.load %arg4[%swap3A_49, %swap3A_50] : memref<10240x16xf32, #tpu.memory_space<vmem>>, vector<240x16xf32>
    tpu.vector_store %arg4[%swap3A_49, %swap3A_50], %broadcast_in_dim3A_48 {strides = array<i32>} : memref<10240x16xf32, #tpu.memory_space<vmem>>, vector<240x16xf32>,
    return
  }
}

module attributes {stable_mosaic.version = 14 : i64} {
  func.func @_tc2_body(%arg0: memref<10000x4xf32, #tpu.memory_space<vmem>>, %arg1: memref<10000x4xf32, #tpu.memory_space<vmem>>, %arg2: memref<10000x1xf32, #tpu.memory_space<vmem>>, %arg3: memref<10000x1xf32, #tpu.memory_space<vmem>>, %arg4: memref<4x128xf32, #tpu.memory_space<vmem>>, %arg5: memref<1x128xf32, #tpu.memory_space<vmem>>, %arg6: memref<1x128xf32, #tpu.memory_space<vmem>>, %arg7: memref<1x128xf32, #tpu.memory_space<vmem>>, %arg8: memref<10000x128xf32, #tpu.memory_space<vmem>>) attributes {dimension_semantics = [], scalar_prefetch = 0 : i64, scratch_operands = 0 : i64, tpu.core_type = #tpu.core_type<tc>} {
    %get3A = arith.constant 0 : index
    %get3A_0 = arith.constant 0 : index
    %get3A_1 = vector.load %arg0[%get3A, %get3A_0] : memref<10000x4xf32, #tpu.memory_space<vmem>>, vector<10000x4xf32>
    %get3A_2 = arith.constant 0 : index
    %get3A_3 = arith.constant 0 : index
    %get3A_4 = vector.load %arg2[%get3A_2, %get3A_3] : memref<10000x1xf32, #tpu.memory_space<vmem>>, vector<10000x1xf32>
    %mul3A = vector.broadcast %get3A_4 : vector<10000x1xf32> to vector<10000x4xf32>
    %mul3A_5 = arith.mulf %mul3A, %get3A_1 : vector<10000x4xf32>
    %mul3A_6 = arith.mulf %get3A_4, %get3A_4 : vector<10000x1xf32>
    %get3A_7 = arith.constant 0 : index
    %get3A_8 = arith.constant 0 : index
    %get3A_9 = vector.load %arg1[%get3A_7, %get3A_8] : memref<10000x4xf32, #tpu.memory_space<vmem>>, vector<10000x4xf32>
    %mul3A_10 = vector.broadcast %mul3A_6 : vector<10000x1xf32> to vector<10000x4xf32>
    %mul3A_11 = arith.mulf %mul3A_10, %get3A_9 : vector<10000x4xf32>
    %add3A = arith.addf %mul3A_5, %mul3A_11 : vector<10000x4xf32>
    %get3A_12 = arith.constant 0 : index
    %get3A_13 = arith.constant 0 : index
    %get3A_14 = vector.load %arg4[%get3A_12, %get3A_13] : memref<4x128xf32, #tpu.memory_space<vmem>>, vector<4x128xf32>
    %dot_general3A = arith.constant dense<0.000000e+00> : vector<10000x128xf32>
    %dot_general3A_15 = tpu.matmul %add3A, %get3A_14, %dot_general3A {dimension_numbers = #tpu.dot_dimension_numbers<[1], [0], [0], [1], [0, 0, 1, 1], [], []>, transpose_lhs_hint = false} : vector<10000x4xf32>, vector<4x128xf32>, vector<10000x128xf32> -> vector<10000x128xf32>
    %get3A_16 = arith.constant 0 : index
    %get3A_17 = arith.constant 0 : index
    %get3A_18 = vector.load %arg5[%get3A_16, %get3A_17] : memref<1x128xf32, #tpu.memory_space<vmem>>, vector<1x128xf32>
    %add3A_19 = vector.broadcast %get3A_18 : vector<1x128xf32> to vector<10000x128xf32>
    %add3A_20 = arith.addf %dot_general3A_15, %add3A_19 : vector<10000x128xf32>
    %max3A = arith.constant 0.000000e+00 : f32
    %max3A_21 = vector.broadcast %max3A : f32 to vector<10000x128xf32>
    %max3A_22 = arith.maximumf %add3A_20, %max3A_21 : vector<10000x128xf32>
    %reduce_sum3A = arith.constant dense<0.000000e+00> : vector<128xf32>
    %reduce_sum3A_23 = vector.multi_reduction <add>, %max3A_22, %reduce_sum3A [0] : vector<10000x128xf32> to vector<128xf32>
    %broadcast_in_dim3A = vector.shape_cast %reduce_sum3A_23 : vector<128xf32> to vector<1x128xf32>
    %div3A = arith.constant 1.000000e+04 : f32
    %div3A_24 = vector.broadcast %div3A : f32 to vector<1x128xf32>
    %div3A_25 = arith.divf %broadcast_in_dim3A, %div3A_24 : vector<1x128xf32>
    %sub3A = vector.broadcast %div3A_25 : vector<1x128xf32> to vector<10000x128xf32>
    %sub3A_26 = arith.subf %max3A_22, %sub3A : vector<10000x128xf32>
    %mul3A_27 = arith.mulf %sub3A_26, %sub3A_26 : vector<10000x128xf32>
    %reduce_sum3A_28 = arith.constant dense<0.000000e+00> : vector<128xf32>
    %reduce_sum3A_29 = vector.multi_reduction <add>, %mul3A_27, %reduce_sum3A_28 [0] : vector<10000x128xf32> to vector<128xf32>
    %broadcast_in_dim3A_30 = vector.shape_cast %reduce_sum3A_29 : vector<128xf32> to vector<1x128xf32>
    %div3A_31 = arith.constant 1.000000e+04 : f32
    %div3A_32 = vector.broadcast %div3A_31 : f32 to vector<1x128xf32>
    %div3A_33 = arith.divf %broadcast_in_dim3A_30, %div3A_32 : vector<1x128xf32>
    %add3A_34 = arith.constant 9.99999974E-6 : f32
    %add3A_35 = vector.broadcast %add3A_34 : f32 to vector<1x128xf32>
    %add3A_36 = arith.addf %div3A_33, %add3A_35 : vector<1x128xf32>
    %rsqrt3A = math.rsqrt %add3A_36 : vector<1x128xf32>
    %mul3A_37 = vector.broadcast %rsqrt3A : vector<1x128xf32> to vector<10000x128xf32>
    %mul3A_38 = arith.mulf %sub3A_26, %mul3A_37 : vector<10000x128xf32>
    %get3A_39 = arith.constant 0 : index
    %get3A_40 = arith.constant 0 : index
    %get3A_41 = vector.load %arg6[%get3A_39, %get3A_40] : memref<1x128xf32, #tpu.memory_space<vmem>>, vector<1x128xf32>
    %mul3A_42 = vector.broadcast %get3A_41 : vector<1x128xf32> to vector<10000x128xf32>
    %mul3A_43 = arith.mulf %mul3A_38, %mul3A_42 : vector<10000x128xf32>
    %get3A_44 = arith.constant 0 : index
    %get3A_45 = arith.constant 0 : index
    %get3A_46 = vector.load %arg7[%get3A_44, %get3A_45] : memref<1x128xf32, #tpu.memory_space<vmem>>, vector<1x128xf32>
    %add3A_47 = vector.broadcast %get3A_46 : vector<1x128xf32> to vector<10000x128xf32>
    %add3A_48 = arith.addf %mul3A_43, %add3A_47 : vector<10000x128xf32>
    %get3A_49 = arith.constant 0 : index
    %get3A_50 = arith.constant 0 : index
    %get3A_51 = vector.load %arg3[%get3A_49, %get3A_50] : memref<10000x1xf32, #tpu.memory_space<vmem>>, vector<10000x1xf32>
    %mul3A_52 = vector.broadcast %get3A_51 : vector<10000x1xf32> to vector<10000x128xf32>
    %mul3A_53 = arith.mulf %add3A_48, %mul3A_52 : vector<10000x128xf32>
    %swap3A = arith.constant 0 : index
    %swap3A_54 = arith.constant 0 : index
    %swap3A_55 = vector.load %arg8[%swap3A, %swap3A_54] : memref<10000x128xf32, #tpu.memory_space<vmem>>, vector<10000x128xf32>
    tpu.vector_store %arg8[%swap3A, %swap3A_54], %mul3A_53 {strides = array<i32>} : memref<10000x128xf32, #tpu.memory_space<vmem>>, vector<10000x128xf32>,
    return
  }
}

module attributes {stable_mosaic.version = 14 : i64} {
  func.func @_tc3_body(%arg0: memref<10000x128xf32, #tpu.memory_space<vmem>>, %arg1: memref<10000x128xf32, #tpu.memory_space<vmem>>, %arg2: memref<10000x1xf32, #tpu.memory_space<vmem>>, %arg3: memref<10000x1xi32, #tpu.memory_space<vmem>>, %arg4: memref<128x256xf32, #tpu.memory_space<vmem>>, %arg5: memref<1x256xf32, #tpu.memory_space<vmem>>, %arg6: memref<1x256xf32, #tpu.memory_space<vmem>>, %arg7: memref<1x256xf32, #tpu.memory_space<vmem>>, %arg8: memref<256x512xf32, #tpu.memory_space<vmem>>, %arg9: memref<1x512xf32, #tpu.memory_space<vmem>>, %arg10: memref<512x64xf32, #tpu.memory_space<vmem>>, %arg11: memref<1x64xf32, #tpu.memory_space<vmem>>, %arg12: memref<64x1xf32, #tpu.memory_space<vmem>>, %arg13: memref<1x1xf32, #tpu.memory_space<vmem>>, %arg14: memref<64x1xf32, #tpu.memory_space<vmem>>) attributes {dimension_semantics = [], scalar_prefetch = 0 : i64, scratch_operands = 0 : i64, tpu.core_type = #tpu.core_type<tc>} {
    %get3A = arith.constant 0 : index
    %get3A_0 = arith.constant 0 : index
    %get3A_1 = vector.load %arg0[%get3A, %get3A_0] : memref<10000x128xf32, #tpu.memory_space<vmem>>, vector<10000x128xf32>
    %get3A_2 = arith.constant 0 : index
    %get3A_3 = arith.constant 0 : index
    %get3A_4 = vector.load %arg1[%get3A_2, %get3A_3] : memref<10000x128xf32, #tpu.memory_space<vmem>>, vector<10000x128xf32>
    %add3A = arith.addf %get3A_1, %get3A_4 : vector<10000x128xf32>
    %get3A_5 = arith.constant 0 : index
    %get3A_6 = arith.constant 0 : index
    %get3A_7 = vector.load %arg2[%get3A_5, %get3A_6] : memref<10000x1xf32, #tpu.memory_space<vmem>>, vector<10000x1xf32>
    %mul3A = vector.broadcast %get3A_7 : vector<10000x1xf32> to vector<10000x128xf32>
    %mul3A_8 = arith.mulf %mul3A, %add3A : vector<10000x128xf32>
    %get3A_9 = arith.constant 0 : index
    %get3A_10 = arith.constant 0 : index
    %get3A_11 = vector.load %arg4[%get3A_9, %get3A_10] : memref<128x256xf32, #tpu.memory_space<vmem>>, vector<128x256xf32>
    %dot_general3A = arith.constant dense<0.000000e+00> : vector<10000x256xf32>
    %dot_general3A_12 = tpu.matmul %mul3A_8, %get3A_11, %dot_general3A {dimension_numbers = #tpu.dot_dimension_numbers<[1], [0], [0], [1], [0, 0, 1, 1], [], []>, transpose_lhs_hint = false} : vector<10000x128xf32>, vector<128x256xf32>, vector<10000x256xf32> -> vector<10000x256xf32>
    %get3A_13 = arith.constant 0 : index
    %get3A_14 = arith.constant 0 : index
    %get3A_15 = vector.load %arg5[%get3A_13, %get3A_14] : memref<1x256xf32, #tpu.memory_space<vmem>>, vector<1x256xf32>
    %add3A_16 = vector.broadcast %get3A_15 : vector<1x256xf32> to vector<10000x256xf32>
    %add3A_17 = arith.addf %dot_general3A_12, %add3A_16 : vector<10000x256xf32>
    %max3A = arith.constant 0.000000e+00 : f32
    %max3A_18 = vector.broadcast %max3A : f32 to vector<10000x256xf32>
    %max3A_19 = arith.maximumf %add3A_17, %max3A_18 : vector<10000x256xf32>
    %reduce_sum3A = arith.constant dense<0.000000e+00> : vector<256xf32>
    %reduce_sum3A_20 = vector.multi_reduction <add>, %max3A_19, %reduce_sum3A [0] : vector<10000x256xf32> to vector<256xf32>
    %broadcast_in_dim3A = vector.shape_cast %reduce_sum3A_20 : vector<256xf32> to vector<1x256xf32>
    %div3A = arith.constant 1.000000e+04 : f32
    %div3A_21 = vector.broadcast %div3A : f32 to vector<1x256xf32>
    %div3A_22 = arith.divf %broadcast_in_dim3A, %div3A_21 : vector<1x256xf32>
    %sub3A = vector.broadcast %div3A_22 : vector<1x256xf32> to vector<10000x256xf32>
    %sub3A_23 = arith.subf %max3A_19, %sub3A : vector<10000x256xf32>
    %mul3A_24 = arith.mulf %sub3A_23, %sub3A_23 : vector<10000x256xf32>
    %reduce_sum3A_25 = arith.constant dense<0.000000e+00> : vector<256xf32>
    %reduce_sum3A_26 = vector.multi_reduction <add>, %mul3A_24, %reduce_sum3A_25 [0] : vector<10000x256xf32> to vector<256xf32>
    %broadcast_in_dim3A_27 = vector.shape_cast %reduce_sum3A_26 : vector<256xf32> to vector<1x256xf32>
    %div3A_28 = arith.constant 1.000000e+04 : f32
    %div3A_29 = vector.broadcast %div3A_28 : f32 to vector<1x256xf32>
    %div3A_30 = arith.divf %broadcast_in_dim3A_27, %div3A_29 : vector<1x256xf32>
    %add3A_31 = arith.constant 9.99999974E-6 : f32
    %add3A_32 = vector.broadcast %add3A_31 : f32 to vector<1x256xf32>
    %add3A_33 = arith.addf %div3A_30, %add3A_32 : vector<1x256xf32>
    %rsqrt3A = math.rsqrt %add3A_33 : vector<1x256xf32>
    %mul3A_34 = vector.broadcast %rsqrt3A : vector<1x256xf32> to vector<10000x256xf32>
    %mul3A_35 = arith.mulf %sub3A_23, %mul3A_34 : vector<10000x256xf32>
    %get3A_36 = arith.constant 0 : index
    %get3A_37 = arith.constant 0 : index
    %get3A_38 = vector.load %arg6[%get3A_36, %get3A_37] : memref<1x256xf32, #tpu.memory_space<vmem>>, vector<1x256xf32>
    %mul3A_39 = vector.broadcast %get3A_38 : vector<1x256xf32> to vector<10000x256xf32>
    %mul3A_40 = arith.mulf %mul3A_35, %mul3A_39 : vector<10000x256xf32>
    %get3A_41 = arith.constant 0 : index
    %get3A_42 = arith.constant 0 : index
    %get3A_43 = vector.load %arg7[%get3A_41, %get3A_42] : memref<1x256xf32, #tpu.memory_space<vmem>>, vector<1x256xf32>
    %add3A_44 = vector.broadcast %get3A_43 : vector<1x256xf32> to vector<10000x256xf32>
    %add3A_45 = arith.addf %mul3A_40, %add3A_44 : vector<10000x256xf32>
    %iota3A = tpu.iota {dimensions = array<i32: 1>} : vector<10000x64xi32>
    %get3A_46 = arith.constant 0 : index
    %get3A_47 = arith.constant 0 : index
    %get3A_48 = vector.load %arg3[%get3A_46, %get3A_47] : memref<10000x1xi32, #tpu.memory_space<vmem>>, vector<10000x1xi32>
    %eq3A = vector.broadcast %get3A_48 : vector<10000x1xi32> to vector<10000x64xi32>
    %eq3A_49 = arith.cmpi eq, %eq3A, %iota3A : vector<10000x64xi32>
    %convert_element_type3A = arith.extui %eq3A_49 : vector<10000x64xi1> to vector<10000x64xi32>
    %convert_element_type3A_50 = arith.sitofp %convert_element_type3A : vector<10000x64xi32> to vector<10000x64xf32>
    %dot_general3A_51 = arith.constant dense<0.000000e+00> : vector<64x256xf32>
    %dot_general3A_52 = tpu.matmul %convert_element_type3A_50, %add3A_45, %dot_general3A_51 {dimension_numbers = #tpu.dot_dimension_numbers<[0], [0], [1], [1], [0, 1, 1, 1], [], []>, transpose_lhs_hint = false} : vector<10000x64xf32>, vector<10000x256xf32>, vector<64x256xf32> -> vector<64x256xf32>
    %get3A_53 = arith.constant 0 : index
    %get3A_54 = arith.constant 0 : index
    %get3A_55 = vector.load %arg8[%get3A_53, %get3A_54] : memref<256x512xf32, #tpu.memory_space<vmem>>, vector<256x512xf32>
    %dot_general3A_56 = arith.constant dense<0.000000e+00> : vector<64x512xf32>
    %dot_general3A_57 = tpu.matmul %dot_general3A_52, %get3A_55, %dot_general3A_56 {dimension_numbers = #tpu.dot_dimension_numbers<[1], [0], [0], [1], [0, 0, 1, 1], [], []>, transpose_lhs_hint = false} : vector<64x256xf32>, vector<256x512xf32>, vector<64x512xf32> -> vector<64x512xf32>
    %get3A_58 = arith.constant 0 : index
    %get3A_59 = arith.constant 0 : index
    %get3A_60 = vector.load %arg9[%get3A_58, %get3A_59] : memref<1x512xf32, #tpu.memory_space<vmem>>, vector<1x512xf32>
    %add3A_61 = vector.broadcast %get3A_60 : vector<1x512xf32> to vector<64x512xf32>
    %add3A_62 = arith.addf %dot_general3A_57, %add3A_61 : vector<64x512xf32>
    %max3A_63 = arith.constant 0.000000e+00 : f32
    %max3A_64 = vector.broadcast %max3A_63 : f32 to vector<64x512xf32>
    %max3A_65 = arith.maximumf %add3A_62, %max3A_64 : vector<64x512xf32>
    %get3A_66 = arith.constant 0 : index
    %get3A_67 = arith.constant 0 : index
    %get3A_68 = vector.load %arg10[%get3A_66, %get3A_67] : memref<512x64xf32, #tpu.memory_space<vmem>>, vector<512x64xf32>
    %dot_general3A_69 = arith.constant dense<0.000000e+00> : vector<64x64xf32>
    %dot_general3A_70 = tpu.matmul %max3A_65, %get3A_68, %dot_general3A_69 {dimension_numbers = #tpu.dot_dimension_numbers<[1], [0], [0], [1], [0, 0, 1, 1], [], []>, transpose_lhs_hint = false} : vector<64x512xf32>, vector<512x64xf32>, vector<64x64xf32> -> vector<64x64xf32>
    %get3A_71 = arith.constant 0 : index
    %get3A_72 = arith.constant 0 : index
    %get3A_73 = vector.load %arg11[%get3A_71, %get3A_72] : memref<1x64xf32, #tpu.memory_space<vmem>>, vector<1x64xf32>
    %add3A_74 = vector.broadcast %get3A_73 : vector<1x64xf32> to vector<64x64xf32>
    %add3A_75 = arith.addf %dot_general3A_70, %add3A_74 : vector<64x64xf32>
    %max3A_76 = arith.constant 0.000000e+00 : f32
    %max3A_77 = vector.broadcast %max3A_76 : f32 to vector<64x64xf32>
    %max3A_78 = arith.maximumf %add3A_75, %max3A_77 : vector<64x64xf32>
    %get3A_79 = arith.constant 0 : index
    %get3A_80 = arith.constant 0 : index
    %get3A_81 = vector.load %arg12[%get3A_79, %get3A_80] : memref<64x1xf32, #tpu.memory_space<vmem>>, vector<64x1xf32>
    %dot_general3A_82 = arith.constant dense<0.000000e+00> : vector<64x1xf32>
    %dot_general3A_83 = tpu.matmul %max3A_78, %get3A_81, %dot_general3A_82 {dimension_numbers = #tpu.dot_dimension_numbers<[1], [0], [0], [1], [0, 0, 1, 1], [], []>, transpose_lhs_hint = false} : vector<64x64xf32>, vector<64x1xf32>, vector<64x1xf32> -> vector<64x1xf32>
    %get3A_84 = arith.constant 0 : index
    %get3A_85 = arith.constant 0 : index
    %get3A_86 = vector.load %arg13[%get3A_84, %get3A_85] : memref<1x1xf32, #tpu.memory_space<vmem>>, vector<1x1xf32>
    %add3A_87 = vector.broadcast %get3A_86 : vector<1x1xf32> to vector<64x1xf32>
    %add3A_88 = arith.addf %dot_general3A_83, %add3A_87 : vector<64x1xf32>
    %reduce_max3A = arith.constant dense<0xFF800000> : vector<64xf32>
    %reduce_max3A_89 = vector.multi_reduction <maximumf>, %add3A_88, %reduce_max3A [1] : vector<64x1xf32> to vector<64xf32>
    %broadcast_in_dim3A_90 = vector.shape_cast %reduce_max3A_89 : vector<64xf32> to vector<64x1xf32>
    %sub3A_91 = arith.subf %add3A_88, %broadcast_in_dim3A_90 : vector<64x1xf32>
    %exp3A = math.exp %sub3A_91 : vector<64x1xf32>
    %reduce_sum3A_92 = arith.constant dense<0.000000e+00> : vector<64xf32>
    %reduce_sum3A_93 = vector.multi_reduction <add>, %exp3A, %reduce_sum3A_92 [1] : vector<64x1xf32> to vector<64xf32>
    %broadcast_in_dim3A_94 = vector.shape_cast %reduce_sum3A_93 : vector<64xf32> to vector<64x1xf32>
    %log3A = math.log %broadcast_in_dim3A_94 : vector<64x1xf32>
    %sub3A_95 = arith.subf %sub3A_91, %log3A : vector<64x1xf32>
    %swap3A = arith.constant 0 : index
    %swap3A_96 = arith.constant 0 : index
    %swap3A_97 = vector.load %arg14[%swap3A, %swap3A_96] : memref<64x1xf32, #tpu.memory_space<vmem>>, vector<64x1xf32>
    tpu.vector_store %arg14[%swap3A, %swap3A_96], %sub3A_95 {strides = array<i32>} : memref<64x1xf32, #tpu.memory_space<vmem>>, vector<64x1xf32>,
    return
  }
}

</mosaic_0001>

<sc_bundles>
// kernel: kernel.6.cloned.1.call-start
scs
__scs_entry_jumppad:
0x0: {  	(pc) =	sbr.rel $0x88, $3  }
0x1: {  	(tag) =	ssettag $0x0;
	lr =	simm.s32 $0x1  }
0x2: {  	[smem:$0x3F8F] =	sst lr;
	_ =	strace $0xD0000000  }
0x3: {  	_ = 	snop  }
0x4: {  	_ = 	snop  }
0x5: {  	_ = 	snop  }
0x6: {  	_ = 	snop  }
0x7: {  	_ = 	snop  }
__scs_overlays_trampoline_lowered:
0x8: {  	[smem:$0x3F9E] =	sst s0  }
0x9: {  	[smem:$0x3F9F] =	sst s1  }
0xa: {  	[smem:$0x3FA0] =	sst s2  }
0xb: {  	[smem:$0x3FA1] =	sst s3  }
0xc: {  	[smem:$0x3FA2] =	sst s4  }
0xd: {  	[smem:$0x3FA3] =	sst s5  }
0xe: {  	[smem:$0x3FA4] =	sst s6  }
0xf: {  	[smem:$0x3FA5] =	sst s7  }
0x10: {  	[smem:$0x3FA6] =	sst s8  }
0x11: {  	[smem:$0x3FA7] =	sst s9;
	s0 =	simm.s32 @!p0 $0x0  }
0x12: {  	s1 =	sld [smem:$0x3F8D];
	s0 =	simm.s32 @p0 $0x1  }
0x13: {  	[smem:$0x3FA8] =	sst s0;
	s0 =	simm.s32 @!p1 $0x0  }
0x14: {  	s2 =	sld [smem:$0x3F8C];
	s0 =	simm.s32 @p1 $0x1  }
0x15: {  	[smem:$0x3FA9] =	sst s0;
	s0 =	simm.s32 @!p2 $0x0  }
0x16: {  	s3 =	sld [smem:$0x3FDB];
	s0 =	simm.s32 @p2 $0x1  }
0x17: {  	s4 =	simm.s32 $0x1BF5;
	[smem:$0x3FAB] =	sst s0  }
0x18: {  	s0 =	sld [smem:$0x3F8E];
	_ =	swait.ge [sflag:s4], $0x0  }
0x19: {  	s7 =	sld [smem:$0x3F8F]  }
0x1a: {  	s8 =	sadd.s32 $0xFFFFE003, lr  }
0x1b: {  	s9 =	sadd.s32 $0xFFFFFEF7, lr;
	s5 =	simm.s32 $0xFFFFFFFF;
	p2 =	slt.u32 s8, $0xFFFFF086  }
0x1c: {  	p1 =	slt.u32 s9, $0xF7A;
	s5 =	simm.s32 @!p2 $0x0  }
0x1d: {  	s5 =	simm.s32 @p1 $0x1;
	p0 =	seq.s32 s7, s2  }
0x1e: {  	s7 =	smul.u32 @!p0 $0xF7A, s2;
	p2 =	seq.s32 @!p0 s5, $0x0  }
0x1f: {  	s9 =	smul.u32 $0xF7A, s1;
	s8 =	simm.s32 @!p0 $0x1BF5;
	p2 =	por !p2, p0  }
0x20: {  	[sflag:s8] =	ssyncset.s32 @!p0 $0xFFFFF086;
	s6 =	sadd.s32 @!p0 s3, s7;
	s7 =	simm.s32 @!p0 $0x108  }
0x21: {  	s3 =	sadd.s32 s3, s9;
	s6 =	sadd.s32 @!p0 $0x88, s6;
	s7 =	simm.s32 @p2 $0x1082  }
0x22: {  	[simem:s7], [sflag:s8] =	dma.local @!p0 [hbm:s6], $0xF7A  }
0x23: {  	s9 =	sor.u32 $0xD0000000, s2;
	s6 =	simm.s32 $0x108;
	_ =	swait.ge @!p0 [sflag:s8], $0x0  }
0x24: {  	s3 =	sadd.s32 $0x88, s3;
	s6 =	simm.s32 @!p1 $0x1082;
	[sflag:s4] =	ssyncset.s32 $0xFFFFF086  }
0x25: {  	[simem:s6], [sflag:s4] =	dma.local [hbm:s3], $0xF7A  }
0x26: {  	[smem:$0x3F8F] =	sst s1;
	(tag) =	ssettag s2;
	_ =	strace s9  }
0x27: {  	s1 =	sld [smem:$0x3F9F]  }
0x28: {  	s2 =	sld [smem:$0x3FA0]  }
0x29: {  	s4 =	sld [smem:$0x3FA2]  }
0x2a: {  	p0 =	seq.s32 s5, $0x0;
	s5 =	sld [smem:$0x3FA3]  }
0x2b: {  	s6 =	sld [smem:$0x3FA4]  }
0x2c: {  	s7 =	sld [smem:$0x3FA5]  }
0x2d: {  	s3 =	simm.s32 $0x108;
	s8 =	sld [smem:$0x3FA6]  }
0x2e: {  	s3 =	simm.s32 @!p0 $0x1082;
	s9 =	sld [smem:$0x3FA7]  }
0x2f: {  	lr =	sadd.s32 s0, s3;
	s0 =	sld [smem:$0x3F9E]  }
0x30: {  	s3 =	sld [smem:$0x3FA1]  }
0x31: {  	[smem:$0x3FAA] =	sst s10  }
0x32: {  	s10 =	sld [smem:$0x3FA8];
	_ =	sdelay $0x3  }
0x33: {  	p0 =	seq.s32 s10, $0x1;
	s10 =	sld [smem:$0x3FAA];
	_ =	sdelay $0x3  }
0x34: {  	[smem:$0x3FAA] =	sst s10  }
0x35: {  	s10 =	sld [smem:$0x3FA9];
	_ =	sdelay $0x3  }
0x36: {  	p1 =	seq.s32 s10, $0x1;
	s10 =	sld [smem:$0x3FAA];
	_ =	sdelay $0x3  }
0x37: {  	[smem:$0x3FAA] =	sst s10  }
0x38: {  	s10 =	sld [smem:$0x3FAB]  }
0x39: {  	_ = 	snop;
	(pc) =	sbr.ind lr, $3  }
0x3a: {  	_ = 	snop  }
0x3b: {  	_ = 	snop  }
0x3c: {  	p2 =	seq.s32 s10, $0x1;
	s10 =	sld [smem:$0x3FAA]  }
0x3d: {  	_ =	shalt  }
0x3e: {  	_ =	shalt  }
0x3f: {  	_ =	shalt  }
0x40: {  	_ =	shalt  }
0x41: {  	_ =	shalt  }
0x42: {  	_ =	shalt  }
0x43: {  	_ =	shalt  }
0x44: {  	_ =	shalt  }
0x45: {  	_ =	shalt  }
0x46: {  	_ =	shalt  }
0x47: {  	_ =	shalt  }
0x48: {  	_ =	shalt  }
0x49: {  	_ =	shalt  }
0x4a: {  	_ =	shalt  }
0x4b: {  	_ =	shalt  }
0x4c: {  	_ =	shalt  }
0x4d: {  	_ =	shalt  }
0x4e: {  	_ =	shalt  }
0x4f: {  	_ =	shalt  }
0x50: {  	_ =	shalt  }
0x51: {  	_ =	shalt  }
0x52: {  	_ =	shalt  }
0x53: {  	_ =	shalt  }
0x54: {  	_ =	shalt  }
0x55: {  	_ =	shalt  }
0x56: {  	_ =	shalt  }
0x57: {  	_ =	shalt  }
0x58: {  	_ =	shalt  }
0x59: {  	_ =	shalt  }
0x5a: {  	_ =	shalt  }
0x5b: {  	_ =	shalt  }
0x5c: {  	_ =	shalt  }
0x5d: {  	_ =	shalt  }
0x5e: {  	_ =	shalt  }
0x5f: {  	_ =	shalt  }
0x60: {  	_ =	shalt  }
0x61: {  	_ =	shalt  }
0x62: {  	_ =	shalt  }
0x63: {  	_ =	shalt  }
0x64: {  	_ =	shalt  }
0x65: {  	_ =	shalt  }
0x66: {  	_ =	shalt  }
0x67: {  	_ =	shalt  }
0x68: {  	_ =	shalt  }
0x69: {  	_ =	shalt  }
0x6a: {  	_ =	shalt  }
0x6b: {  	_ =	shalt  }
0x6c: {  	_ =	shalt  }
0x6d: {  	_ =	shalt  }
0x6e: {  	_ =	shalt  }
0x6f: {  	_ =	shalt  }
0x70: {  	_ =	shalt  }
0x71: {  	_ =	shalt  }
0x72: {  	_ =	shalt  }
0x73: {  	_ =	shalt  }
0x74: {  	_ =	shalt  }
0x75: {  	_ =	shalt  }
0x76: {  	_ =	shalt  }
0x77: {  	_ =	shalt  }
0x78: {  	_ =	shalt  }
0x79: {  	_ =	shalt  }
0x7a: {  	_ =	shalt  }
0x7b: {  	_ =	shalt  }
0x7c: {  	_ =	shalt  }
0x7d: {  	_ =	shalt  }
0x7e: {  	_ =	shalt  }
0x7f: {  	_ =	shalt  }
0x80: {  	_ =	shalt  }
0x81: {  	_ =	shalt  }
0x82: {  	_ =	shalt  }
0x83: {  	_ =	shalt  }
0x84: {  	_ =	shalt  }
0x85: {  	_ =	shalt  }
0x86: {  	_ =	shalt  }
0x87: {  	_ =	shalt  }
.Lfunc_end0:
.L_simem_size_0:
called_computation.2_lowered:
.L_overlay_start_0:
0x88: {  	s2 =	sld [smem:$0x3FD9]  }
0x89: {  	s3 =	sld [smem:$0x3FFE];
	_ =	sdelay $0x1  }
0x8a: {  	s1 =	srdreg.scid  }
0x8b: {  	s0 =	sand.u32 $0x1, s1  }
0x8c: {  	s16 =	sshll.u32 s0, $0xA;
	s2 =	sadd.s32 s3, s2  }
0x8d: {  	s2 =	sadd.s32 s2, s16  }
0x8e: {  	[smem:$0x3FB6] =	sst s2  }
0x8f: {  	_ = 	snop  }
0x90: {  	(tm) =	ssettm $0x1  }
0x91: {  	s17 =	sld [smem:$0x3FFB];
	_ =	sdelay $0x3  }
0x92: {  	_ =	strace s17  }
0x93: {  	s2 =	sld [smem:$0x3FFC];
	_ =	sdelay $0x3  }
0x94: {  	_ =	strace s2  }
0x95: {  	s2 =	sld [smem:$0x3FFD];
	_ =	sdelay $0x3  }
0x96: {  	_ =	strace s2  }
0x97: {  	_ =	strace $0x8FFFFFFF  }
0x98: {  	s18 =	sld [smem:$0x3FDB];
	_ =	sdelay $0x1  }
0x99: {  	s19 =	simm.s32 $_scs_section_size  }
0x9a: {  	s4 =	simm.s32 $_size__tile_overlayer_lowered;
	s5 =	simm.s32 $_tile_overlayer_lowered  }
0x9b: {  	s22 =	simm.s32 $0x1BFF;
	s21 =	sshll.u32 s5, $0x1;
	s2 =	sadd.s32 s19, s18  }
0x9c: {  	s6 =	simm.s32 $0x0;
	s20 =	sshll.u32 s4, $0x1;
	s4 =	sadd.s32 s21, s2  }
0x9d: {  	[timem:s6], [sflag:s22] =	dma.local [hbm:s4], s20  }
0x9e: {  	_ =	swait.ge [sflag:s22], s20  }
0x9f: {  	s3 =	ssub.s32 $0x0, s20;
	[sflag:s22] =	ssyncset.done $0x0  }
0xa0: {  	[sflag:s22] =	ssyncadd.s32 s3;
	_ =	sdelay $0x1  }
0xa1: {  	s23 =	simm.s32 $0x1B8B  }
0xa2: {  	_ =	swait.ge [sflag:s23], $0x1  }
0xa3: {  	[sflag:s23] =	ssyncset.done $0x0  }
0xa4: {  	s25 =	simm.s32 $0x1B8E;
	s24 =	sld [smem:$0x3FFE];
	[sflag:s23] =	ssyncadd.s32 $0xFFFFFFFF  }
0xa5: {  	s26 =	simm.s32 $execute0_lowered;
	[smem:$0x3FD2] =	sst s25  }
0xa6: {  	s4 =	sshll.u32 s26, $0x1;
	_ =	strace $0x80000046;
	[dreg:$0x1] =	wrdreg $0xFFFFFFFF  }
0xa7: {  	s28 =	simm.s32 $_size_execute0_lowered;
	s2 =	sadd.s32 s2, s4;
	[dreg:$0x0] =	wrdreg $0x0  }
0xa8: {  	s4 =	sshll.u32 s28, $0x1;
	[dreg:$0x2] =	wrdreg s2  }
0xa9: {  	[dreg:$0x3] =	wrdreg s4  }
0xaa: {  	[dreg:$0x4] =	wrdreg $0xC0  }
0xab: {  	_ =	task [dreg:s6], $0x5FFFF  }
0xac: {  	[dreg:$0x1] =	wrdreg $0xFFFFFFFF  }
0xad: {  	[dreg:$0x0] =	wrdreg $0x60  }
0xae: {  	[dreg:$0x2] =	wrdreg s24  }
0xaf: {  	[dreg:$0x3] =	wrdreg $0x90000  }
0xb0: {  	[dreg:$0x4] =	wrdreg $0x9  }
0xb1: {  	_ =	task.clear_ibuf [dreg:s6], $0x5FFFF;
	_ =	strace $0x90000046  }
0xb2: {  	s29 =	simm.s32 $0x9;
	_ =	strace $0x80000048  }
0xb3: {  	_ =	swait.ge [sflag:s29], $0x1  }
0xb4: {  	[sflag:s29] =	ssyncadd.s32 $0xFFFFFFFF  }
0xb5: {  	_ =	strace $0x90000048  }
0xb6: {  	_ =	sfence  }
0xb7: {  	s30 =	sld [smem:$0x0];
	_ =	sdelay $0x2  }
0xb8: {  	s31 =	sshll.u32 s1, $0xD;
	s1 =	sshrl.u32 s1, $0x2  }
0xb9: {  	s3 =	sand.u32 $0x4000, s31;
	s1 =	sadd.s32 s1, s30  }
0xba: {  	s0 =	sor.u32 s3, s0;
	s1 =	sshll.u32 s1, $0x11  }
0xbb: {  	s0 =	sor.u32 s1, s0  }
0xbc: {  	s0 =	sadd.s32 $0x8F2B, s0  }
0xbd: {  	[sflag:s0] =	ssyncadd.remote.s32 $0x1  }
0xbe: {  	_ =	sfence.sel $0xFFFF  }
0xbf: {  	[dreg:$0x0] =	wrdreg $0xFFFFFFFF;
	(pc) =	sbr.abs _section_cstart, $3  }
0xc0: {  	[dreg:$0x1] =	wrdreg $0xFFFFFFFF  }
0xc1: {  	_ =	task.clear_ibuf [dreg:s6], $0x2FFFF;
	_ =	strace $0x9FFFFFFF  }
0xc2: {  	(tm) =	ssettm $0x7FFFFFFF  }
0xc3: {  	_ =	shalt  }
tec
execute0_lowered:
.L_overlay_start_1:
0x0: {  	(tag) =	ssettag $0x1  }
0x1: {  	s5 =	rddreg [dreg:$0x0]  }
0x2: {  	s0 =	srdreg.scid;
	s2 =	rddreg [dreg:$0x1]  }
0x3: {  	s3 =	simm.s32 $0x0;
	s4 =	sand.u32 $0x1, s0;
	s0 =	stileid.u32  }
0x4: {  	s13 =	simm.s32 $0x80;
	s14 =	simm.s32 $0x5000;
	s7 =	smul.u32 $0x14000, s0  }
0x5: {  	s15 =	simm.s32 $0x0;
	[smem:$0x7FF] =	sst s3;
	s8 =	smul.u32 $0x140000, s4  }
0x6: {  	s1 =	sshll.u32 s4, $0x4;
	s28 =	smul.u32 $0x50000, s0;
	s4 =	ssub.s32 $0x2, s4  }
0x7: {  	s31 =	sshll.u32 s0, $0x6;
	s1 =	sor.u32 s0, s1;
	s29 =	sshrl.u32 s4, $0x1  }
0x8: {  	s6 =	smul.u32 $0x500, s1;
	s1 =	rddreg [dreg:$0x2];
	_ =	strace $0x80000047  }
0x9: {  	s26 =	sshrl.u32 s7, $0x3;
	s7 =	sadd.s32 s7, s8;
	s30 =	sshrl.u32 s28, $0x2  }
0xa: {  	s11 =	ssub.s32 s4, s29;
	s7 =	sshrl.u32 s7, $0x3;
	s12 =	sadd.s32 s30, s2  }
0xb: {  	s9 =	sadd.s32 s6, s5;
	s6 =	sadd.s32 s26, s5;
	s10 =	sadd.s32 s7, s5  }
0xc: {  	s5 =	sor.u32 $0x1C01, s31;
	s4 =	sadd.s32 $0x20000, s6;
	s6 =	sadd.s32 $0x2200, s9  }
0xd: {  	vm0 =	vcmask $0x300;
	v1 =	vimm.f32 $0.0e+00;
	vm1 =	vcmask $0x704;
	s7 =	sadd.s32 $0x16000, s9;
	s8 =	sadd.s32 $0x48000, s10;
	s9 =	smax.u32 s11, $0x1  }
0xe: {  	v0 =	vsel vm0, $0x3F800000, v1;
	v1 =	vsel vm1, $0x3F800000, v1;
	s10 =	sshrl.u32 s12, $0x3;
	s11 =	simm.s32 $0x1;
	s12 =	simm.s32 $0x2800  }
.LBB2_1:
0xf: {  	[spmem:s10], [sflag:s5] =	dma.local [hbm:s4], $0x2800  }
0x10: {  	_ =	swait.ge [sflag:s11], $0x2800  }
0x11: {  	[sflag:s11] =	ssyncset.done $0x0  }
0x12: {  	[sflag:s11] =	ssyncadd.s32 $0xFFFFD800  }
0x13: {  	[tilespmem:s3], [sflag:$0x1] =	stream.linear.gather [hbm4b:s6+s3], $0x2800, $0x38;
	[tilespmem:$0xB800] =	vst v63  }
0x14: {  	_ =	swait.ge [sflag:s11], $0x2800  }
0x15: {  	[sflag:s11] =	ssyncset.done $0x0  }
0x16: {  	[sflag:s11] =	ssyncadd.s32 $0xFFFFD800  }
0x17: {  	[tilespmem:s12], [sflag:$0x1] =	stream.linear.gather [hbm4b:s7+s3], $0x2800, $0x38;
	[tilespmem:$0xB800] =	vst v63  }
0x18: {  	_ =	swait.ge [sflag:s11], $0x2800  }
0x19: {  	[sflag:s11] =	ssyncset.done $0x0  }
0x1a: {  	[sflag:s11] =	ssyncadd.s32 $0xFFFFD800  }
0x1b: {  	s16 =	simm.s32 $0x0;
	[bflag:$0x0] =	sbarrier.arrive $0xFFFF  }
.LBB2_2:
0x1c: {  	s17 =	sshra.s32 s16, $0x2  }
0x1d: {  	v2 =	vld [tilespmem:s17+$0x2800];
	_ =	sdelay $0x4  }
0x1e: {  	v3 =	vbroadcast v2, $0x0  }
0x1f: {  	v4 =	vbroadcast v2, $0x1;
	v5 =	vbroadcast v2, $0x2  }
0x20: {  	v6 =	vbroadcast v2, $0x3;
	v3 =	vmul.f32 v0, v3  }
0x21: {  	v7 =	vbroadcast v2, $0x4;
	v4 =	vmul.f32 v0, v4  }
0x22: {  	v8 =	vbroadcast v2, $0x5;
	v6 =	vmul.f32 v0, v6;
	v3 =	vadd.f32 v1, v3  }
0x23: {  	v33 =	vbroadcast v2, $0x6;
	v5 =	vmul.f32 v0, v5;
	v4 =	vadd.f32 v1, v4  }
0x24: {  	v36 =	vbroadcast v2, $0x7;
	v35 =	vmul.f32 v0, v8;
	v34 =	vadd.f32 v1, v6;
	[tilespmem:$0x5000] =	vst v3  }
0x25: {  	v38 =	vbroadcast v2, $0x8;
	v32 =	vmul.f32 v0, v7;
	v3 =	vadd.f32 v1, v5;
	[tilespmem:$0x5080] =	vst v4  }
0x26: {  	v41 =	vbroadcast v2, $0x9;
	v40 =	vmul.f32 v0, v36;
	v39 =	vadd.f32 v1, v35;
	[tilespmem:$0x5180] =	vst v34  }
0x27: {  	v43 =	vbroadcast v2, $0xA;
	v37 =	vmul.f32 v0, v33;
	[tilespmem:$0x5100] =	vst v3;
	v3 =	vadd.f32 v1, v32  }
0x28: {  	v46 =	vbroadcast v2, $0xB;
	v45 =	vmul.f32 v0, v41;
	v44 =	vadd.f32 v1, v40;
	[tilespmem:$0x5280] =	vst v39  }
0x29: {  	v48 =	vbroadcast v2, $0xC;
	v42 =	vmul.f32 v0, v38;
	[tilespmem:$0x5200] =	vst v3;
	v3 =	vadd.f32 v1, v37  }
0x2a: {  	v51 =	vbroadcast v2, $0xD;
	v50 =	vmul.f32 v0, v46;
	v49 =	vadd.f32 v1, v45;
	[tilespmem:$0x5380] =	vst v44  }
0x2b: {  	v53 =	vbroadcast v2, $0xE;
	v47 =	vmul.f32 v0, v43;
	[tilespmem:$0x5300] =	vst v3;
	v3 =	vadd.f32 v1, v42  }
0x2c: {  	v2 =	vbroadcast v2, $0xF;
	v55 =	vmul.f32 v0, v51;
	v54 =	vadd.f32 v1, v50;
	[tilespmem:$0x5480] =	vst v49  }
0x2d: {  	v52 =	vmul.f32 v0, v48;
	[tilespmem:$0x5400] =	vst v3;
	v3 =	vadd.f32 v1, v47  }
0x2e: {  	v2 =	vmul.f32 v0, v2;
	v57 =	vadd.f32 v1, v55;
	[tilespmem:$0x5580] =	vst v54  }
0x2f: {  	v56 =	vmul.f32 v0, v53;
	[tilespmem:$0x5500] =	vst v3;
	v3 =	vadd.f32 v1, v52  }
0x30: {  	v2 =	vadd.f32 v1, v2;
	[tilespmem:$0x5680] =	vst v57  }
0x31: {  	[tilespmem:$0x5600] =	vst v3;
	v3 =	vadd.f32 v1, v56  }
0x32: {  	[tilespmem:$0x5780] =	vst v2  }
0x33: {  	[tilespmem:$0x5700] =	vst v3  }
0x34: {  	v2 =	vld [tilespmem:s17+$0x2810];
	_ =	sdelay $0x4  }
0x35: {  	v3 =	vbroadcast v2, $0x0  }
0x36: {  	v58 =	vbroadcast v2, $0x1;
	v59 =	vbroadcast v2, $0x2  }
0x37: {  	v60 =	vbroadcast v2, $0x3;
	v3 =	vmul.f32 v0, v3  }
0x38: {  	v61 =	vbroadcast v2, $0x4;
	v4 =	vmul.f32 v0, v58  }
0x39: {  	v62 =	vbroadcast v2, $0x5;
	v6 =	vmul.f32 v0, v60;
	v3 =	vadd.f32 v1, v3  }
0x3a: {  	v12 =	vbroadcast v2, $0x6;
	v5 =	vmul.f32 v0, v59;
	v4 =	vadd.f32 v1, v4  }
0x3b: {  	v15 =	vbroadcast v2, $0x7;
	v14 =	vmul.f32 v0, v62;
	v13 =	vadd.f32 v1, v6;
	[tilespmem:$0x5800] =	vst v3  }
0x3c: {  	v17 =	vbroadcast v2, $0x8;
	v63 =	vmul.f32 v0, v61;
	v3 =	vadd.f32 v1, v5;
	[tilespmem:$0x5880] =	vst v4  }
0x3d: {  	v20 =	vbroadcast v2, $0x9;
	v19 =	vmul.f32 v0, v15;
	v18 =	vadd.f32 v1, v14;
	[tilespmem:$0x5980] =	vst v13  }
0x3e: {  	v22 =	vbroadcast v2, $0xA;
	v16 =	vmul.f32 v0, v12;
	[tilespmem:$0x5900] =	vst v3;
	v3 =	vadd.f32 v1, v63  }
0x3f: {  	v25 =	vbroadcast v2, $0xB;
	v24 =	vmul.f32 v0, v20;
	v23 =	vadd.f32 v1, v19;
	[tilespmem:$0x5A80] =	vst v18  }
0x40: {  	v27 =	vbroadcast v2, $0xC;
	v21 =	vmul.f32 v0, v17;
	[tilespmem:$0x5A00] =	vst v3;
	v3 =	vadd.f32 v1, v16  }
0x41: {  	v30 =	vbroadcast v2, $0xD;
	v29 =	vmul.f32 v0, v25;
	v28 =	vadd.f32 v1, v24;
	[tilespmem:$0x5B80] =	vst v23  }
0x42: {  	v32 =	vbroadcast v2, $0xE;
	v26 =	vmul.f32 v0, v22;
	[tilespmem:$0x5B00] =	vst v3;
	v3 =	vadd.f32 v1, v21  }
0x43: {  	v2 =	vbroadcast v2, $0xF;
	v34 =	vmul.f32 v0, v30;
	v33 =	vadd.f32 v1, v29;
	[tilespmem:$0x5C80] =	vst v28  }
0x44: {  	v31 =	vmul.f32 v0, v27;
	[tilespmem:$0x5C00] =	vst v3;
	v3 =	vadd.f32 v1, v26  }
0x45: {  	v2 =	vmul.f32 v0, v2;
	v36 =	vadd.f32 v1, v34;
	[tilespmem:$0x5D80] =	vst v33  }
0x46: {  	v35 =	vmul.f32 v0, v32;
	[tilespmem:$0x5D00] =	vst v3;
	v3 =	vadd.f32 v1, v31  }
0x47: {  	v2 =	vadd.f32 v1, v2;
	[tilespmem:$0x5E80] =	vst v36  }
0x48: {  	[tilespmem:$0x5E00] =	vst v3;
	v3 =	vadd.f32 v1, v35  }
0x49: {  	[tilespmem:$0x5F80] =	vst v2  }
0x4a: {  	[tilespmem:$0x5F00] =	vst v3  }
0x4b: {  	v2 =	vld [tilespmem:s17+$0x2820];
	_ =	sdelay $0x4  }
0x4c: {  	v3 =	vbroadcast v2, $0x0  }
0x4d: {  	v37 =	vbroadcast v2, $0x1;
	v38 =	vbroadcast v2, $0x2  }
0x4e: {  	v39 =	vbroadcast v2, $0x3;
	v3 =	vmul.f32 v0, v3  }
0x4f: {  	v40 =	vbroadcast v2, $0x4;
	v4 =	vmul.f32 v0, v37  }
0x50: {  	v41 =	vbroadcast v2, $0x5;
	v6 =	vmul.f32 v0, v39;
	v3 =	vadd.f32 v1, v3  }
0x51: {  	v43 =	vbroadcast v2, $0x6;
	v5 =	vmul.f32 v0, v38;
	v4 =	vadd.f32 v1, v4  }
0x52: {  	v46 =	vbroadcast v2, $0x7;
	v45 =	vmul.f32 v0, v41;
	v44 =	vadd.f32 v1, v6;
	[tilespmem:$0x6000] =	vst v3  }
0x53: {  	v48 =	vbroadcast v2, $0x8;
	v42 =	vmul.f32 v0, v40;
	v3 =	vadd.f32 v1, v5;
	[tilespmem:$0x6080] =	vst v4  }
0x54: {  	v51 =	vbroadcast v2, $0x9;
	v50 =	vmul.f32 v0, v46;
	v49 =	vadd.f32 v1, v45;
	[tilespmem:$0x6180] =	vst v44  }
0x55: {  	v53 =	vbroadcast v2, $0xA;
	v47 =	vmul.f32 v0, v43;
	[tilespmem:$0x6100] =	vst v3;
	v3 =	vadd.f32 v1, v42  }
0x56: {  	v56 =	vbroadcast v2, $0xB;
	v55 =	vmul.f32 v0, v51;
	v54 =	vadd.f32 v1, v50;
	[tilespmem:$0x6280] =	vst v49  }
0x57: {  	v58 =	vbroadcast v2, $0xC;
	v52 =	vmul.f32 v0, v48;
	[tilespmem:$0x6200] =	vst v3;
	v3 =	vadd.f32 v1, v47  }
0x58: {  	v61 =	vbroadcast v2, $0xD;
	v60 =	vmul.f32 v0, v56;
	v59 =	vadd.f32 v1, v55;
	[tilespmem:$0x6380] =	vst v54  }
0x59: {  	v63 =	vbroadcast v2, $0xE;
	v57 =	vmul.f32 v0, v53;
	[tilespmem:$0x6300] =	vst v3;
	v3 =	vadd.f32 v1, v52  }
0x5a: {  	v2 =	vbroadcast v2, $0xF;
	v10 =	vmul.f32 v0, v61;
	v9 =	vadd.f32 v1, v60;
	[tilespmem:$0x6480] =	vst v59  }
0x5b: {  	v62 =	vmul.f32 v0, v58;
	[tilespmem:$0x6400] =	vst v3;
	v3 =	vadd.f32 v1, v57  }
0x5c: {  	v2 =	vmul.f32 v0, v2;
	v12 =	vadd.f32 v1, v10;
	[tilespmem:$0x6580] =	vst v9  }
0x5d: {  	v11 =	vmul.f32 v0, v63;
	[tilespmem:$0x6500] =	vst v3;
	v3 =	vadd.f32 v1, v62  }
0x5e: {  	v2 =	vadd.f32 v1, v2;
	[tilespmem:$0x6680] =	vst v12  }
0x5f: {  	[tilespmem:$0x6600] =	vst v3;
	v3 =	vadd.f32 v1, v11  }
0x60: {  	[tilespmem:$0x6780] =	vst v2  }
0x61: {  	[tilespmem:$0x6700] =	vst v3  }
0x62: {  	v2 =	vld [tilespmem:s17+$0x2830];
	_ =	sdelay $0x4  }
0x63: {  	v3 =	vbroadcast v2, $0x0  }
0x64: {  	v13 =	vbroadcast v2, $0x1;
	v14 =	vbroadcast v2, $0x2  }
0x65: {  	v15 =	vbroadcast v2, $0x3;
	v3 =	vmul.f32 v0, v3  }
0x66: {  	v16 =	vbroadcast v2, $0x4;
	v4 =	vmul.f32 v0, v13  }
0x67: {  	v17 =	vbroadcast v2, $0x5;
	v6 =	vmul.f32 v0, v15;
	v3 =	vadd.f32 v1, v3  }
0x68: {  	v19 =	vbroadcast v2, $0x6;
	v5 =	vmul.f32 v0, v14;
	v4 =	vadd.f32 v1, v4  }
0x69: {  	v22 =	vbroadcast v2, $0x7;
	v21 =	vmul.f32 v0, v17;
	v20 =	vadd.f32 v1, v6;
	[tilespmem:$0x6800] =	vst v3  }
0x6a: {  	v24 =	vbroadcast v2, $0x8;
	v18 =	vmul.f32 v0, v16;
	v3 =	vadd.f32 v1, v5;
	[tilespmem:$0x6880] =	vst v4  }
0x6b: {  	v27 =	vbroadcast v2, $0x9;
	v26 =	vmul.f32 v0, v22;
	v25 =	vadd.f32 v1, v21;
	[tilespmem:$0x6980] =	vst v20  }
0x6c: {  	v29 =	vbroadcast v2, $0xA;
	v23 =	vmul.f32 v0, v19;
	[tilespmem:$0x6900] =	vst v3;
	v3 =	vadd.f32 v1, v18  }
0x6d: {  	v32 =	vbroadcast v2, $0xB;
	v31 =	vmul.f32 v0, v27;
	v30 =	vadd.f32 v1, v26;
	[tilespmem:$0x6A80] =	vst v25  }
0x6e: {  	v34 =	vbroadcast v2, $0xC;
	v28 =	vmul.f32 v0, v24;
	[tilespmem:$0x6A00] =	vst v3;
	v3 =	vadd.f32 v1, v23  }
0x6f: {  	v37 =	vbroadcast v2, $0xD;
	v36 =	vmul.f32 v0, v32;
	v35 =	vadd.f32 v1, v31;
	[tilespmem:$0x6B80] =	vst v30  }
0x70: {  	v39 =	vbroadcast v2, $0xE;
	v33 =	vmul.f32 v0, v29;
	[tilespmem:$0x6B00] =	vst v3;
	v3 =	vadd.f32 v1, v28  }
0x71: {  	v2 =	vbroadcast v2, $0xF;
	v41 =	vmul.f32 v0, v37;
	v40 =	vadd.f32 v1, v36;
	[tilespmem:$0x6C80] =	vst v35  }
0x72: {  	v38 =	vmul.f32 v0, v34;
	[tilespmem:$0x6C00] =	vst v3;
	v3 =	vadd.f32 v1, v33  }
0x73: {  	v2 =	vmul.f32 v0, v2;
	v43 =	vadd.f32 v1, v41;
	[tilespmem:$0x6D80] =	vst v40  }
0x74: {  	v42 =	vmul.f32 v0, v39;
	[tilespmem:$0x6D00] =	vst v3;
	v3 =	vadd.f32 v1, v38  }
0x75: {  	v2 =	vadd.f32 v1, v2;
	[tilespmem:$0x6E80] =	vst v43  }
0x76: {  	[tilespmem:$0x6E00] =	vst v3;
	v3 =	vadd.f32 v1, v42  }
0x77: {  	[tilespmem:$0x6F80] =	vst v2  }
0x78: {  	[tilespmem:$0x6F00] =	vst v3  }
0x79: {  	v2 =	vld [tilespmem:s17+$0x2840];
	_ =	sdelay $0x4  }
0x7a: {  	v3 =	vbroadcast v2, $0x0  }
0x7b: {  	v44 =	vbroadcast v2, $0x1;
	v45 =	vbroadcast v2, $0x2  }
0x7c: {  	v46 =	vbroadcast v2, $0x3;
	v3 =	vmul.f32 v0, v3  }
0x7d: {  	v47 =	vbroadcast v2, $0x4;
	v4 =	vmul.f32 v0, v44  }
0x7e: {  	v48 =	vbroadcast v2, $0x5;
	v6 =	vmul.f32 v0, v46;
	v3 =	vadd.f32 v1, v3  }
0x7f: {  	v50 =	vbroadcast v2, $0x6;
	v5 =	vmul.f32 v0, v45;
	v4 =	vadd.f32 v1, v4  }
0x80: {  	v53 =	vbroadcast v2, $0x7;
	v52 =	vmul.f32 v0, v48;
	v51 =	vadd.f32 v1, v6;
	[tilespmem:$0x7000] =	vst v3  }
0x81: {  	v55 =	vbroadcast v2, $0x8;
	v49 =	vmul.f32 v0, v47;
	v3 =	vadd.f32 v1, v5;
	[tilespmem:$0x7080] =	vst v4  }
0x82: {  	v58 =	vbroadcast v2, $0x9;
	v57 =	vmul.f32 v0, v53;
	v56 =	vadd.f32 v1, v52;
	[tilespmem:$0x7180] =	vst v51  }
0x83: {  	v60 =	vbroadcast v2, $0xA;
	v54 =	vmul.f32 v0, v50;
	[tilespmem:$0x7100] =	vst v3;
	v3 =	vadd.f32 v1, v49  }
0x84: {  	v63 =	vbroadcast v2, $0xB;
	v62 =	vmul.f32 v0, v58;
	v61 =	vadd.f32 v1, v57;
	[tilespmem:$0x7280] =	vst v56  }
0x85: {  	v13 =	vbroadcast v2, $0xC;
	v59 =	vmul.f32 v0, v55;
	[tilespmem:$0x7200] =	vst v3;
	v3 =	vadd.f32 v1, v54  }
0x86: {  	v16 =	vbroadcast v2, $0xD;
	v15 =	vmul.f32 v0, v63;
	v14 =	vadd.f32 v1, v62;
	[tilespmem:$0x7380] =	vst v61  }
0x87: {  	v18 =	vbroadcast v2, $0xE;
	v12 =	vmul.f32 v0, v60;
	[tilespmem:$0x7300] =	vst v3;
	v3 =	vadd.f32 v1, v59  }
0x88: {  	v2 =	vbroadcast v2, $0xF;
	v20 =	vmul.f32 v0, v16;
	v19 =	vadd.f32 v1, v15;
	[tilespmem:$0x7480] =	vst v14  }
0x89: {  	v17 =	vmul.f32 v0, v13;
	[tilespmem:$0x7400] =	vst v3;
	v3 =	vadd.f32 v1, v12  }
0x8a: {  	v2 =	vmul.f32 v0, v2;
	v22 =	vadd.f32 v1, v20;
	[tilespmem:$0x7580] =	vst v19  }
0x8b: {  	v21 =	vmul.f32 v0, v18;
	[tilespmem:$0x7500] =	vst v3;
	v3 =	vadd.f32 v1, v17  }
0x8c: {  	v2 =	vadd.f32 v1, v2;
	[tilespmem:$0x7680] =	vst v22  }
0x8d: {  	[tilespmem:$0x7600] =	vst v3;
	v3 =	vadd.f32 v1, v21  }
0x8e: {  	[tilespmem:$0x7780] =	vst v2  }
0x8f: {  	[tilespmem:$0x7700] =	vst v3  }
0x90: {  	v2 =	vld [tilespmem:s17+$0x2850];
	_ =	sdelay $0x4  }
0x91: {  	v3 =	vbroadcast v2, $0x0  }
0x92: {  	v23 =	vbroadcast v2, $0x1;
	v24 =	vbroadcast v2, $0x2  }
0x93: {  	v25 =	vbroadcast v2, $0x3;
	v3 =	vmul.f32 v0, v3  }
0x94: {  	v26 =	vbroadcast v2, $0x4;
	v4 =	vmul.f32 v0, v23  }
0x95: {  	v27 =	vbroadcast v2, $0x5;
	v6 =	vmul.f32 v0, v25;
	v3 =	vadd.f32 v1, v3  }
0x96: {  	v29 =	vbroadcast v2, $0x6;
	v5 =	vmul.f32 v0, v24;
	v4 =	vadd.f32 v1, v4  }
0x97: {  	v32 =	vbroadcast v2, $0x7;
	v31 =	vmul.f32 v0, v27;
	v30 =	vadd.f32 v1, v6;
	[tilespmem:$0x7800] =	vst v3  }
0x98: {  	v34 =	vbroadcast v2, $0x8;
	v28 =	vmul.f32 v0, v26;
	v3 =	vadd.f32 v1, v5;
	[tilespmem:$0x7880] =	vst v4  }
0x99: {  	v37 =	vbroadcast v2, $0x9;
	v36 =	vmul.f32 v0, v32;
	v35 =	vadd.f32 v1, v31;
	[tilespmem:$0x7980] =	vst v30  }
0x9a: {  	v39 =	vbroadcast v2, $0xA;
	v33 =	vmul.f32 v0, v29;
	[tilespmem:$0x7900] =	vst v3;
	v3 =	vadd.f32 v1, v28  }
0x9b: {  	v42 =	vbroadcast v2, $0xB;
	v41 =	vmul.f32 v0, v37;
	v40 =	vadd.f32 v1, v36;
	[tilespmem:$0x7A80] =	vst v35  }
0x9c: {  	v44 =	vbroadcast v2, $0xC;
	v38 =	vmul.f32 v0, v34;
	[tilespmem:$0x7A00] =	vst v3;
	v3 =	vadd.f32 v1, v33  }
0x9d: {  	v47 =	vbroadcast v2, $0xD;
	v46 =	vmul.f32 v0, v42;
	v45 =	vadd.f32 v1, v41;
	[tilespmem:$0x7B80] =	vst v40  }
0x9e: {  	v49 =	vbroadcast v2, $0xE;
	v43 =	vmul.f32 v0, v39;
	[tilespmem:$0x7B00] =	vst v3;
	v3 =	vadd.f32 v1, v38  }
0x9f: {  	v2 =	vbroadcast v2, $0xF;
	v51 =	vmul.f32 v0, v47;
	v50 =	vadd.f32 v1, v46;
	[tilespmem:$0x7C80] =	vst v45  }
0xa0: {  	v48 =	vmul.f32 v0, v44;
	[tilespmem:$0x7C00] =	vst v3;
	v3 =	vadd.f32 v1, v43  }
0xa1: {  	v2 =	vmul.f32 v0, v2;
	v53 =	vadd.f32 v1, v51;
	[tilespmem:$0x7D80] =	vst v50  }
0xa2: {  	v52 =	vmul.f32 v0, v49;
	[tilespmem:$0x7D00] =	vst v3;
	v3 =	vadd.f32 v1, v48  }
0xa3: {  	v2 =	vadd.f32 v1, v2;
	[tilespmem:$0x7E80] =	vst v53  }
0xa4: {  	[tilespmem:$0x7E00] =	vst v3;
	v3 =	vadd.f32 v1, v52  }
0xa5: {  	[tilespmem:$0x7F80] =	vst v2  }
0xa6: {  	[tilespmem:$0x7F00] =	vst v3  }
0xa7: {  	v2 =	vld [tilespmem:s17+$0x2860];
	_ =	sdelay $0x4  }
0xa8: {  	v3 =	vbroadcast v2, $0x0  }
0xa9: {  	v54 =	vbroadcast v2, $0x1;
	v55 =	vbroadcast v2, $0x2  }
0xaa: {  	v56 =	vbroadcast v2, $0x3;
	v3 =	vmul.f32 v0, v3  }
0xab: {  	v57 =	vbroadcast v2, $0x4;
	v4 =	vmul.f32 v0, v54  }
0xac: {  	v58 =	vbroadcast v2, $0x5;
	v6 =	vmul.f32 v0, v56;
	v3 =	vadd.f32 v1, v3  }
0xad: {  	v60 =	vbroadcast v2, $0x6;
	v5 =	vmul.f32 v0, v55;
	v4 =	vadd.f32 v1, v4  }
0xae: {  	v63 =	vbroadcast v2, $0x7;
	v62 =	vmul.f32 v0, v58;
	v61 =	vadd.f32 v1, v6;
	[tilespmem:$0x8000] =	vst v3  }
0xaf: {  	v13 =	vbroadcast v2, $0x8;
	v59 =	vmul.f32 v0, v57;
	v3 =	vadd.f32 v1, v5;
	[tilespmem:$0x8080] =	vst v4  }
0xb0: {  	v16 =	vbroadcast v2, $0x9;
	v15 =	vmul.f32 v0, v63;
	v14 =	vadd.f32 v1, v62;
	[tilespmem:$0x8180] =	vst v61  }
0xb1: {  	v18 =	vbroadcast v2, $0xA;
	v12 =	vmul.f32 v0, v60;
	[tilespmem:$0x8100] =	vst v3;
	v3 =	vadd.f32 v1, v59  }
0xb2: {  	v21 =	vbroadcast v2, $0xB;
	v20 =	vmul.f32 v0, v16;
	v19 =	vadd.f32 v1, v15;
	[tilespmem:$0x8280] =	vst v14  }
0xb3: {  	v23 =	vbroadcast v2, $0xC;
	v17 =	vmul.f32 v0, v13;
	[tilespmem:$0x8200] =	vst v3;
	v3 =	vadd.f32 v1, v12  }
0xb4: {  	v26 =	vbroadcast v2, $0xD;
	v25 =	vmul.f32 v0, v21;
	v24 =	vadd.f32 v1, v20;
	[tilespmem:$0x8380] =	vst v19  }
0xb5: {  	v28 =	vbroadcast v2, $0xE;
	v22 =	vmul.f32 v0, v18;
	[tilespmem:$0x8300] =	vst v3;
	v3 =	vadd.f32 v1, v17  }
0xb6: {  	v2 =	vbroadcast v2, $0xF;
	v30 =	vmul.f32 v0, v26;
	v29 =	vadd.f32 v1, v25;
	[tilespmem:$0x8480] =	vst v24  }
0xb7: {  	v27 =	vmul.f32 v0, v23;
	[tilespmem:$0x8400] =	vst v3;
	v3 =	vadd.f32 v1, v22  }
0xb8: {  	v2 =	vmul.f32 v0, v2;
	v32 =	vadd.f32 v1, v30;
	[tilespmem:$0x8580] =	vst v29  }
0xb9: {  	v31 =	vmul.f32 v0, v28;
	[tilespmem:$0x8500] =	vst v3;
	v3 =	vadd.f32 v1, v27  }
0xba: {  	v2 =	vadd.f32 v1, v2;
	[tilespmem:$0x8680] =	vst v32  }
0xbb: {  	[tilespmem:$0x8600] =	vst v3;
	v3 =	vadd.f32 v1, v31  }
0xbc: {  	[tilespmem:$0x8780] =	vst v2  }
0xbd: {  	[tilespmem:$0x8700] =	vst v3  }
0xbe: {  	v2 =	vld [tilespmem:s17+$0x2870];
	_ =	sdelay $0x4  }
0xbf: {  	v3 =	vbroadcast v2, $0x0  }
0xc0: {  	v33 =	vbroadcast v2, $0x1;
	v34 =	vbroadcast v2, $0x2  }
0xc1: {  	v35 =	vbroadcast v2, $0x3;
	v3 =	vmul.f32 v0, v3  }
0xc2: {  	v36 =	vbroadcast v2, $0x4;
	v4 =	vmul.f32 v0, v33  }
0xc3: {  	v37 =	vbroadcast v2, $0x5;
	v6 =	vmul.f32 v0, v35;
	v3 =	vadd.f32 v1, v3  }
0xc4: {  	v39 =	vbroadcast v2, $0x6;
	v5 =	vmul.f32 v0, v34;
	v4 =	vadd.f32 v1, v4  }
0xc5: {  	v42 =	vbroadcast v2, $0x7;
	v41 =	vmul.f32 v0, v37;
	v40 =	vadd.f32 v1, v6;
	[tilespmem:$0x8800] =	vst v3  }
0xc6: {  	v44 =	vbroadcast v2, $0x8;
	v38 =	vmul.f32 v0, v36;
	v3 =	vadd.f32 v1, v5;
	[tilespmem:$0x8880] =	vst v4  }
0xc7: {  	v47 =	vbroadcast v2, $0x9;
	v46 =	vmul.f32 v0, v42;
	v45 =	vadd.f32 v1, v41;
	[tilespmem:$0x8980] =	vst v40  }
0xc8: {  	v49 =	vbroadcast v2, $0xA;
	v43 =	vmul.f32 v0, v39;
	[tilespmem:$0x8900] =	vst v3;
	v3 =	vadd.f32 v1, v38  }
0xc9: {  	v52 =	vbroadcast v2, $0xB;
	v51 =	vmul.f32 v0, v47;
	v50 =	vadd.f32 v1, v46;
	[tilespmem:$0x8A80] =	vst v45  }
0xca: {  	v54 =	vbroadcast v2, $0xC;
	v48 =	vmul.f32 v0, v44;
	[tilespmem:$0x8A00] =	vst v3;
	v3 =	vadd.f32 v1, v43  }
0xcb: {  	v57 =	vbroadcast v2, $0xD;
	v56 =	vmul.f32 v0, v52;
	v55 =	vadd.f32 v1, v51;
	[tilespmem:$0x8B80] =	vst v50  }
0xcc: {  	v59 =	vbroadcast v2, $0xE;
	v53 =	vmul.f32 v0, v49;
	[tilespmem:$0x8B00] =	vst v3;
	v3 =	vadd.f32 v1, v48  }
0xcd: {  	v2 =	vbroadcast v2, $0xF;
	v61 =	vmul.f32 v0, v57;
	v60 =	vadd.f32 v1, v56;
	[tilespmem:$0x8C80] =	vst v55  }
0xce: {  	v58 =	vmul.f32 v0, v54;
	[tilespmem:$0x8C00] =	vst v3;
	v3 =	vadd.f32 v1, v53  }
0xcf: {  	v2 =	vmul.f32 v0, v2;
	v63 =	vadd.f32 v1, v61;
	[tilespmem:$0x8D80] =	vst v60  }
0xd0: {  	v62 =	vmul.f32 v0, v59;
	[tilespmem:$0x8D00] =	vst v3;
	v3 =	vadd.f32 v1, v58  }
0xd1: {  	v2 =	vadd.f32 v1, v2;
	[tilespmem:$0x8E80] =	vst v63  }
0xd2: {  	[tilespmem:$0x8E00] =	vst v3;
	v3 =	vadd.f32 v1, v62  }
0xd3: {  	p0 =	sne.s32 s16, $0x9E00;
	[tilespmem:$0x8F80] =	vst v2  }
.Ltmp0:
0xd4: {  	[tilespmem:$0x8F00] =	vst v3;
	(pc) =	sbr.rel @p0 .LBB2_2-.Ltmp0, $4  }
0xd5: {  	[spmem:s2] =	stream.indirect.scatter.add.f32 [tilespmem:s14], [sflag:$0x1], $0x10, s17, s13, $0xb8;
	[tilespmem:$0xB800] =	vst v63  }
0xd6: {  	_ =	swait.ge [sflag:s11], $0x800  }
0xd7: {  	[sflag:s11] =	ssyncset.done $0x0  }
0xd8: {  	s16 =	sadd.s32 $0x200, s16;
	[sflag:s11] =	ssyncadd.s32 $0xFFFFF800  }
0xd9: {  	s15 =	sadd.s32 $0x1, s15  }
0xda: {  	p0 =	sne.s32 s15, s9  }
.Ltmp1:
0xdb: {  	[bflag:$0x0] =	sbarrier.arrive $0xFFFF;
	(pc) =	sbr.rel @p0 .LBB2_1-.Ltmp1, $4  }
0xdc: {  	[hbm:s8], [sflag:s5] =	dma.local [spmem:s10], $0x2800  }
0xdd: {  	_ =	swait.ge [sflag:s11], $0x2800  }
0xde: {  	[sflag:s11] =	ssyncset.done $0x0  }
0xdf: {  	[sflag:s11] =	ssyncadd.s32 $0xFFFFD800  }
0xe0: {  	_ =	sfence.sel $0x180000  }
0xe1: {  	[bflag:$0x0] =	sbarrier.arrive $0xFFFF  }
0xe2: {  	p0 =	sne.s32 s0, $0x0;
	_ =	strace $0x90000047  }
0xe3: {  	s0 =	sadd.s32 @!p0 $0x100000, s1;
	[bflag:$0x2] =	sbarrier.arrive $0xFFFF  }
0xe4: {  	[sflag:s0] =	ssyncadd.tile.s32 @!p0 $0x1;
	_ =	shalt  }
.Lfunc_end2:
_tile_overlayer_lowered:
.L_overlay_start_2:
0xe5: {  	(tag) =	ssettag $0x2  }
0xe6: {  	s0 =	rddreg [dreg:$0x0];
	s2 =	stileid.u32  }
0xe7: {  	s1 =	rddreg [dreg:$0x1];
	p0 =	sne.s32 s2, $0x0  }
0xe8: {  	s3 =	rddreg [dreg:$0x2];
	[bflag:$0x3] =	sbarrier.arrive $0xFFFF;
	s2 =	simm.s32 @!p0 $0x1C01  }
0xe9: {  	[timem:s3], [sflag:s2] =	dma.local @!p0 [hbm:s0], s1  }
0xea: {  	s0 =	simm.s32 @!p0 $0x1  }
0xeb: {  	_ =	swait.ge @!p0 [sflag:s0], s1  }
0xec: {  	s1 =	ssub.s32 @!p0 $0x0, s1;
	[sflag:s0] =	ssyncset.done @!p0 $0x0  }
0xed: {  	[sflag:s0] =	ssyncadd.s32 @!p0 s1  }
0xee: {  	[bflag:$0x3] =	sbarrier.arrive $0xFFFF  }
0xef: {  	_ =	shalt  }

// kernel: scatter_offload_async_start.1
scs
__scs_entry_jumppad:
0x0: {  	(pc) =	sbr.rel $0x88, $3  }
0x1: {  	(tag) =	ssettag $0x0;
	lr =	simm.s32 $0x1  }
0x2: {  	[smem:$0x3F8F] =	sst lr;
	_ =	strace $0xD0000000  }
0x3: {  	_ = 	snop  }
0x4: {  	_ = 	snop  }
0x5: {  	_ = 	snop  }
0x6: {  	_ = 	snop  }
0x7: {  	_ = 	snop  }
__scs_overlays_trampoline_lowered:
0x8: {  	[smem:$0x3F9E] =	sst s0  }
0x9: {  	[smem:$0x3F9F] =	sst s1  }
0xa: {  	[smem:$0x3FA0] =	sst s2  }
0xb: {  	[smem:$0x3FA1] =	sst s3  }
0xc: {  	[smem:$0x3FA2] =	sst s4  }
0xd: {  	[smem:$0x3FA3] =	sst s5  }
0xe: {  	[smem:$0x3FA4] =	sst s6  }
0xf: {  	[smem:$0x3FA5] =	sst s7  }
0x10: {  	[smem:$0x3FA6] =	sst s8  }
0x11: {  	[smem:$0x3FA7] =	sst s9;
	s0 =	simm.s32 @!p0 $0x0  }
0x12: {  	s1 =	sld [smem:$0x3F8D];
	s0 =	simm.s32 @p0 $0x1  }
0x13: {  	[smem:$0x3FA8] =	sst s0;
	s0 =	simm.s32 @!p1 $0x0  }
0x14: {  	s2 =	sld [smem:$0x3F8C];
	s0 =	simm.s32 @p1 $0x1  }
0x15: {  	[smem:$0x3FA9] =	sst s0;
	s0 =	simm.s32 @!p2 $0x0  }
0x16: {  	s3 =	sld [smem:$0x3FDB];
	s0 =	simm.s32 @p2 $0x1  }
0x17: {  	s4 =	simm.s32 $0x1BF5;
	[smem:$0x3FAB] =	sst s0  }
0x18: {  	s0 =	sld [smem:$0x3F8E];
	_ =	swait.ge [sflag:s4], $0x0  }
0x19: {  	s7 =	sld [smem:$0x3F8F]  }
0x1a: {  	s8 =	sadd.s32 $0xFFFFE003, lr  }
0x1b: {  	s9 =	sadd.s32 $0xFFFFFEF7, lr;
	s5 =	simm.s32 $0xFFFFFFFF;
	p2 =	slt.u32 s8, $0xFFFFF086  }
0x1c: {  	p1 =	slt.u32 s9, $0xF7A;
	s5 =	simm.s32 @!p2 $0x0  }
0x1d: {  	s5 =	simm.s32 @p1 $0x1;
	p0 =	seq.s32 s7, s2  }
0x1e: {  	s7 =	smul.u32 @!p0 $0xF7A, s2;
	p2 =	seq.s32 @!p0 s5, $0x0  }
0x1f: {  	s9 =	smul.u32 $0xF7A, s1;
	s8 =	simm.s32 @!p0 $0x1BF5;
	p2 =	por !p2, p0  }
0x20: {  	[sflag:s8] =	ssyncset.s32 @!p0 $0xFFFFF086;
	s6 =	sadd.s32 @!p0 s3, s7;
	s7 =	simm.s32 @!p0 $0x108  }
0x21: {  	s3 =	sadd.s32 s3, s9;
	s6 =	sadd.s32 @!p0 $0x88, s6;
	s7 =	simm.s32 @p2 $0x1082  }
0x22: {  	[simem:s7], [sflag:s8] =	dma.local @!p0 [hbm:s6], $0xF7A  }
0x23: {  	s9 =	sor.u32 $0xD0000000, s2;
	s6 =	simm.s32 $0x108;
	_ =	swait.ge @!p0 [sflag:s8], $0x0  }
0x24: {  	s3 =	sadd.s32 $0x88, s3;
	s6 =	simm.s32 @!p1 $0x1082;
	[sflag:s4] =	ssyncset.s32 $0xFFFFF086  }
0x25: {  	[simem:s6], [sflag:s4] =	dma.local [hbm:s3], $0xF7A  }
0x26: {  	[smem:$0x3F8F] =	sst s1;
	(tag) =	ssettag s2;
	_ =	strace s9  }
0x27: {  	s1 =	sld [smem:$0x3F9F]  }
0x28: {  	s2 =	sld [smem:$0x3FA0]  }
0x29: {  	s4 =	sld [smem:$0x3FA2]  }
0x2a: {  	p0 =	seq.s32 s5, $0x0;
	s5 =	sld [smem:$0x3FA3]  }
0x2b: {  	s6 =	sld [smem:$0x3FA4]  }
0x2c: {  	s7 =	sld [smem:$0x3FA5]  }
0x2d: {  	s3 =	simm.s32 $0x108;
	s8 =	sld [smem:$0x3FA6]  }
0x2e: {  	s3 =	simm.s32 @!p0 $0x1082;
	s9 =	sld [smem:$0x3FA7]  }
0x2f: {  	lr =	sadd.s32 s0, s3;
	s0 =	sld [smem:$0x3F9E]  }
0x30: {  	s3 =	sld [smem:$0x3FA1]  }
0x31: {  	[smem:$0x3FAA] =	sst s10  }
0x32: {  	s10 =	sld [smem:$0x3FA8];
	_ =	sdelay $0x3  }
0x33: {  	p0 =	seq.s32 s10, $0x1;
	s10 =	sld [smem:$0x3FAA];
	_ =	sdelay $0x3  }
0x34: {  	[smem:$0x3FAA] =	sst s10  }
0x35: {  	s10 =	sld [smem:$0x3FA9];
	_ =	sdelay $0x3  }
0x36: {  	p1 =	seq.s32 s10, $0x1;
	s10 =	sld [smem:$0x3FAA];
	_ =	sdelay $0x3  }
0x37: {  	[smem:$0x3FAA] =	sst s10  }
0x38: {  	s10 =	sld [smem:$0x3FAB]  }
0x39: {  	_ = 	snop;
	(pc) =	sbr.ind lr, $3  }
0x3a: {  	_ = 	snop  }
0x3b: {  	_ = 	snop  }
0x3c: {  	p2 =	seq.s32 s10, $0x1;
	s10 =	sld [smem:$0x3FAA]  }
0x3d: {  	_ =	shalt  }
0x3e: {  	_ =	shalt  }
0x3f: {  	_ =	shalt  }
0x40: {  	_ =	shalt  }
0x41: {  	_ =	shalt  }
0x42: {  	_ =	shalt  }
0x43: {  	_ =	shalt  }
0x44: {  	_ =	shalt  }
0x45: {  	_ =	shalt  }
0x46: {  	_ =	shalt  }
0x47: {  	_ =	shalt  }
0x48: {  	_ =	shalt  }
0x49: {  	_ =	shalt  }
0x4a: {  	_ =	shalt  }
0x4b: {  	_ =	shalt  }
0x4c: {  	_ =	shalt  }
0x4d: {  	_ =	shalt  }
0x4e: {  	_ =	shalt  }
0x4f: {  	_ =	shalt  }
0x50: {  	_ =	shalt  }
0x51: {  	_ =	shalt  }
0x52: {  	_ =	shalt  }
0x53: {  	_ =	shalt  }
0x54: {  	_ =	shalt  }
0x55: {  	_ =	shalt  }
0x56: {  	_ =	shalt  }
0x57: {  	_ =	shalt  }
0x58: {  	_ =	shalt  }
0x59: {  	_ =	shalt  }
0x5a: {  	_ =	shalt  }
0x5b: {  	_ =	shalt  }
0x5c: {  	_ =	shalt  }
0x5d: {  	_ =	shalt  }
0x5e: {  	_ =	shalt  }
0x5f: {  	_ =	shalt  }
0x60: {  	_ =	shalt  }
0x61: {  	_ =	shalt  }
0x62: {  	_ =	shalt  }
0x63: {  	_ =	shalt  }
0x64: {  	_ =	shalt  }
0x65: {  	_ =	shalt  }
0x66: {  	_ =	shalt  }
0x67: {  	_ =	shalt  }
0x68: {  	_ =	shalt  }
0x69: {  	_ =	shalt  }
0x6a: {  	_ =	shalt  }
0x6b: {  	_ =	shalt  }
0x6c: {  	_ =	shalt  }
0x6d: {  	_ =	shalt  }
0x6e: {  	_ =	shalt  }
0x6f: {  	_ =	shalt  }
0x70: {  	_ =	shalt  }
0x71: {  	_ =	shalt  }
0x72: {  	_ =	shalt  }
0x73: {  	_ =	shalt  }
0x74: {  	_ =	shalt  }
0x75: {  	_ =	shalt  }
0x76: {  	_ =	shalt  }
0x77: {  	_ =	shalt  }
0x78: {  	_ =	shalt  }
0x79: {  	_ =	shalt  }
0x7a: {  	_ =	shalt  }
0x7b: {  	_ =	shalt  }
0x7c: {  	_ =	shalt  }
0x7d: {  	_ =	shalt  }
0x7e: {  	_ =	shalt  }
0x7f: {  	_ =	shalt  }
0x80: {  	_ =	shalt  }
0x81: {  	_ =	shalt  }
0x82: {  	_ =	shalt  }
0x83: {  	_ =	shalt  }
0x84: {  	_ =	shalt  }
0x85: {  	_ =	shalt  }
0x86: {  	_ =	shalt  }
0x87: {  	_ =	shalt  }
.Lfunc_end0:
.L_simem_size_0:
called_computation.1_lowered:
.L_overlay_start_0:
0x88: {  	s2 =	sld [smem:$0x3FD9]  }
0x89: {  	s3 =	sld [smem:$0x3FFE];
	_ =	sdelay $0x1  }
0x8a: {  	s1 =	srdreg.scid  }
0x8b: {  	s0 =	sand.u32 $0x1, s1  }
0x8c: {  	s15 =	sshll.u32 s0, $0xA;
	s2 =	sadd.s32 s3, s2  }
0x8d: {  	s2 =	sadd.s32 s2, s15  }
0x8e: {  	[smem:$0x3FB6] =	sst s2  }
0x8f: {  	_ = 	snop  }
0x90: {  	(tm) =	ssettm $0x1  }
0x91: {  	s16 =	sld [smem:$0x3FFB];
	_ =	sdelay $0x3  }
0x92: {  	_ =	strace s16  }
0x93: {  	s2 =	sld [smem:$0x3FFC];
	_ =	sdelay $0x3  }
0x94: {  	_ =	strace s2  }
0x95: {  	s2 =	sld [smem:$0x3FFD];
	_ =	sdelay $0x3  }
0x96: {  	_ =	strace s2  }
0x97: {  	_ =	strace $0x8FFFFFFF  }
0x98: {  	s17 =	sld [smem:$0x3FDB];
	_ =	sdelay $0x1  }
0x99: {  	s18 =	simm.s32 $_scs_section_size  }
0x9a: {  	s4 =	simm.s32 $_size__tile_overlayer_lowered;
	s5 =	simm.s32 $_tile_overlayer_lowered  }
0x9b: {  	s21 =	simm.s32 $0x1BFF;
	s20 =	sshll.u32 s5, $0x1;
	s2 =	sadd.s32 s18, s17  }
0x9c: {  	s6 =	simm.s32 $0x0;
	s19 =	sshll.u32 s4, $0x1;
	s4 =	sadd.s32 s20, s2  }
0x9d: {  	[timem:s6], [sflag:s21] =	dma.local [hbm:s4], s19  }
0x9e: {  	_ =	swait.ge [sflag:s21], s19  }
0x9f: {  	s3 =	ssub.s32 $0x0, s19;
	[sflag:s21] =	ssyncset.done $0x0  }
0xa0: {  	[sflag:s21] =	ssyncadd.s32 s3;
	_ =	sdelay $0x1  }
0xa1: {  	s22 =	simm.s32 $0x1B8B  }
0xa2: {  	_ =	swait.ge [sflag:s22], $0x1  }
0xa3: {  	[sflag:s22] =	ssyncset.done $0x0  }
0xa4: {  	s23 =	sld [smem:$0x3FFE];
	[sflag:s22] =	ssyncadd.s32 $0xFFFFFFFF  }
0xa5: {  	s25 =	simm.s32 $0x1B8E;
	s24 =	sld [smem:$0x0]  }
0xa6: {  	s26 =	simm.s32 $execute0_lowered;
	[smem:$0x3FD2] =	sst s25  }
0xa7: {  	s5 =	sshll.u32 s26, $0x1;
	_ =	strace $0x8000004C;
	[dreg:$0x1] =	wrdreg $0xFFFFFFFF  }
0xa8: {  	s28 =	simm.s32 $_size_execute0_lowered;
	s2 =	sadd.s32 s2, s5;
	[dreg:$0x0] =	wrdreg $0x0  }
0xa9: {  	s5 =	sshll.u32 s28, $0x1;
	[dreg:$0x2] =	wrdreg s2  }
0xaa: {  	[dreg:$0x3] =	wrdreg s5  }
0xab: {  	[dreg:$0x4] =	wrdreg $0xC0  }
0xac: {  	_ =	task [dreg:s6], $0x5FFFF  }
0xad: {  	[dreg:$0x1] =	wrdreg $0xFFFFFFFF  }
0xae: {  	[dreg:$0x0] =	wrdreg $0x60  }
0xaf: {  	[dreg:$0x2] =	wrdreg s23  }
0xb0: {  	[dreg:$0x3] =	wrdreg s1  }
0xb1: {  	[dreg:$0x4] =	wrdreg s24  }
0xb2: {  	[dreg:$0x5] =	wrdreg $0x9  }
0xb3: {  	_ =	task.clear_ibuf [dreg:s6], $0x6FFFF;
	_ =	strace $0x9000004C  }
0xb4: {  	s29 =	simm.s32 $0x9;
	_ =	strace $0x8000004E  }
0xb5: {  	_ =	swait.ge [sflag:s29], $0x1  }
0xb6: {  	[sflag:s29] =	ssyncadd.s32 $0xFFFFFFFF  }
0xb7: {  	_ =	strace $0x9000004E  }
0xb8: {  	_ =	sfence  }
0xb9: {  	s30 =	sld [smem:$0x0];
	_ =	sdelay $0x2  }
0xba: {  	s31 =	sshll.u32 s1, $0xD;
	s1 =	sshrl.u32 s1, $0x2  }
0xbb: {  	s3 =	sand.u32 $0x4000, s31;
	s1 =	sadd.s32 s1, s30  }
0xbc: {  	s0 =	sor.u32 s3, s0;
	s1 =	sshll.u32 s1, $0x11  }
0xbd: {  	s0 =	sor.u32 s1, s0  }
0xbe: {  	s0 =	sadd.s32 $0x8F2B, s0  }
0xbf: {  	[sflag:s0] =	ssyncadd.remote.s32 $0x1  }
0xc0: {  	_ =	sfence.sel $0xFFFF  }
0xc1: {  	[dreg:$0x0] =	wrdreg $0xFFFFFFFF;
	(pc) =	sbr.abs _section_cstart, $3  }
0xc2: {  	[dreg:$0x1] =	wrdreg $0xFFFFFFFF  }
0xc3: {  	_ =	task.clear_ibuf [dreg:s6], $0x2FFFF;
	_ =	strace $0x9FFFFFFF  }
0xc4: {  	(tm) =	ssettm $0x7FFFFFFF  }
0xc5: {  	_ =	shalt  }
tec
execute0_lowered:
.L_overlay_start_1:
0x0: {  	(tag) =	ssettag $0x1  }
0x1: {  	s2 =	rddreg [dreg:$0x0]  }
0x2: {  	s3 =	rddreg [dreg:$0x1];
	_ =	strace $0x8000004D;
	s0 =	simm.s32 $0x1  }
0x3: {  	v0 =	vimm.s32 $0x0;
	[sflag:s0] =	ssyncpa.u1 $0x0;
	s0 =	simm.s32 $0x108  }
0x4: {  	[tilespmem:s0+$0x70] =	vst v0  }
0x5: {  	[tilespmem:s0+$0x60] =	vst v0  }
0x6: {  	[tilespmem:s0+$0x50] =	vst v0  }
0x7: {  	[tilespmem:s0+$0x40] =	vst v0  }
0x8: {  	[tilespmem:s0+$0x30] =	vst v0  }
0x9: {  	s1 =	sadd.s32 $0x64400, s2;
	s15 =	sadd.s32 $0xBF200, s2;
	s6 =	sadd.s32 $0xD2E00, s2;
	[tilespmem:s0+$0x20] =	vst v0  }
0xa: {  	s14 =	sadd.s32 $0xC9000, s2;
	s5 =	sand.u32 $0x1, s3;
	s3 =	simm.s32 $0x40;
	[tilespmem:s0+$0x10] =	vst v0  }
.LBB2_1:
0xb: {  	s3 =	sadd.s32 $0x40, s3;
	[tilespmem:s0+$0x0] =	vst v0;
	s0 =	sadd.s32 $0x80, s0  }
0xc: {  	p0 =	slt.u32 s3, $0x3C40;
	[tilespmem:s0+$0x70] =	vst v0  }
0xd: {  	[tilespmem:s0+$0x60] =	vst v0  }
.Ltmp0:
0xe: {  	[tilespmem:s0+$0x50] =	vst v0;
	(pc) =	sbr.rel @p0 .LBB2_1-.Ltmp0, $4  }
0xf: {  	[tilespmem:s0+$0x40] =	vst v0  }
0x10: {  	[tilespmem:s0+$0x30] =	vst v0  }
0x11: {  	[tilespmem:s0+$0x20] =	vst v0  }
0x12: {  	[tilespmem:s0+$0x10] =	vst v0  }
0x13: {  	s9 =	stileid.u32  }
0x14: {  	s2 =	smul.u32 $0x29, s9  }
0x15: {  	s3 =	smin.u32 s9, $0xB  }
0x16: {  	s2 =	sadd.s32 s3, s2  }
0x17: {  	p0 =	slt.u32 s9, $0xB;
	s7 =	smul.u32 $0xF0, s2;
	s2 =	simm.s32 $0x2760  }
0x18: {  	s2 =	simm.s32 @!p0 $0x2670  }
0x19: {  	s2 =	sadd.s32 s2, s7  }
0x1a: {  	s8 =	smin.u32 s2, $0x27100  }
0x1b: {  	s2 =	ssub.s32 s8, s7  }
0x1c: {  	p0 =	sgt.s32 s2, $0x0  }
0x1d: {  	s29 =	simm.s32 $0x2;
	s10 =	simm.s32 $0x9;
	s2 =	simm.s32 @!p0 $0x0  }
0x1e: {  	s4 =	simm.s32 $0xA;
	s11 =	simm.s32 $0xB;
	s28 =	smulhi.u32 $0x88888889, s2  }
0x1f: {  	[dreg:$0x4] =	wrdreg s5;
	s31 =	smul.u32 $0x4E20, s5;
	s12 =	simm.s32 $0x1  }
0x20: {  	s22 =	simm.s32 $0x0;
	s18 =	simm.s32 $0xC;
	s30 =	sshrl.u32 s28, $0x7  }
0x21: {  	s20 =	simm.s32 $0x0;
	s21 =	simm.s32 $0x0;
	s3 =	smul.u32 $0xF0, s30  }
.Ltmp1:
0x22: {  	[tilespmem:s0+$0x0] =	vst v0;
	v0 =	vimm.s32 $0xFFFFFFFF;
	[sflag:s29] =	ssyncpa.u1 $0x0;
	s16 =	sshll.u32 s9, $0x8;
	(pc) =	sbr.rel .LBB2_3-.Ltmp1, $4  }
0x23: {  	[tilespmem:$0xF208] =	vst v0;
	[sflag:s10] =	ssyncpa.u1 $0x0;
	p0 =	sne.s32 s2, s3;
	s2 =	simm.s32 $0x1  }
0x24: {  	s14 =	sadd.s32 s31, s14;
	[sflag:s4] =	ssyncpa.u1 $0x0;
	s2 =	simm.s32 @!p0 $0x0  }
0x25: {  	s15 =	sadd.s32 s31, s15;
	[sflag:s11] =	ssyncpa.u1 $0x0;
	s13 =	sadd.s32 s2, s30  }
0x26: {  	v0 =	vlaneseq.u32;
	s19 =	smov.u32 s7;
	p0 =	por $0x0, $0x0;
	s17 =	sadd.s32 $0x1, s13  }
.LBB2_18:
0x27: {  	s0 =	sshrl.u32 s31, $0x2  }
.LBB2_20:
0x28: {  	_ =	swait.ge [sflag:s18], s0  }
0x29: {  	s31 =	ssub.s32 $0x0, s0;
	v1 =	vmov s24;
	vm0 =	veq.s32 v0, $0x0;
	[sflag:s18] =	ssyncset.done $0x0  }
0x2a: {  	vm15 =	veq.s32 v0, $0x2;
	v1 =	vsel vm0, s30, v1;
	[sflag:s18] =	ssyncadd.s32 s31  }
0x2b: {  	v1 =	vsel vm15, s22, v1;
	[sflag:s18] =	ssyncpa.u1 $0x1  }
0x2c: {  	[tilespmem:$0xF208] =	vst v1  }
.LBB2_21:
0x2d: {  	s0 =	sadd.s32 $0xF0, s19  }
0x2e: {  	s2 =	smov.u32 s7;
	p1 =	slt.s32 s0, s8  }
0x2f: {  	s2 =	smov.u32 @p1 s0;
	p1 =	sne.s32 s21, s17  }
.Ltmp2:
0x30: {  	_ = 	snop;
	(pc) =	sbr.rel @!p1 .LBB2_22-.Ltmp2, $3  }
0x31: {  	_ =	sdelay $0x1  }
0x32: {  	s22 =	smov.u32 s20;
	s31 =	sadd.s32 $0x1, s21;
	s20 =	smov.u32 s19  }
0x33: {  	p0 =	por !p0, !p0;
	s21 =	smov.u32 s31;
	s19 =	smov.u32 s2  }
.LBB2_3:
0x34: {  	p1 =	sge.u32 s21, s13  }
0x35: {  	s0 =	smulhi.u32 @!p1 $0xAAAAAAAB, s21  }
0x36: {  	s2 =	smov.u32 s19;
	p2 =	sgt.s32 @!p1 s19, $0x27010  }
0x37: {  	s3 =	sshra.s32 @!p1 s19, $0x1F;
	p2 =	por !p2, p1;
	s0 =	sshrl.u32 @!p1 s0, $0x1  }
0x38: {  	s3 =	sand.u32 @!p1 s3, s19;
	s2 =	simm.s32 @p2 $0x27010;
	s0 =	smul.u32 @!p1 $0x3, s0  }
0x39: {  	s2 =	ssub.s32 @!p1 s2, s3  }
0x3a: {  	s2 =	sadd.s32 @!p1 $0xFFFD8FF0, s2;
	s0 =	ssub.s32 @!p1 s21, s0  }
0x3b: {  	s3 =	sshll.u32 @!p1 s2, $0x2;
	p2 =	sgt.s32 @!p1 s2, $0xEF;
	s0 =	smul.u32 @!p1 $0x3C0, s0  }
0x3c: {  	s4 =	sand.u32 @!p1 $0x7, s19;
	s2 =	ssub.s32 @!p1 $0x3C0, s3;
	p2 =	por !p2, p1  }
0x3d: {  	s3 =	sshrl.u32 @!p1 s19, $0x3;
	s2 =	sshrl.u32 @!p1 s2, $0x2;
	s0 =	sshrl.u32 @!p1 s0, $0x2  }
0x3e: {  	s3 =	sadd.s32 @!p1 s3, s14;
	s2 =	simm.s32 @!p2 $0x0;
	s0 =	sadd.s32 @!p1 $0x10248, s0  }
0x3f: {  	[tilespmem:s0], [sflag:$0xA] =	stream.linear.gather @!p1 [hbm4b:s3+s4], s2, $0x38;
	[tilespmem:$0x1F6F8] =	vst v63  }
0x40: {  	s0 =	sadd.s32 $0xFFFFFFFF, s21  }
0x41: {  	p1 =	sge.u32 s0, s13  }
0x42: {  	p2 =	sgt.s32 @!p1 s20, $0x27010  }
0x43: {  	s2 =	smov.u32 s20;
	s3 =	sshra.s32 @!p1 s20, $0x1F;
	p2 =	por !p2, p1  }
0x44: {  	s3 =	sand.u32 @!p1 s3, s20;
	s2 =	simm.s32 @p2 $0x27010  }
0x45: {  	s2 =	ssub.s32 @!p1 s2, s3  }
0x46: {  	s2 =	sadd.s32 @!p1 $0xFFFD8FF0, s2  }
0x47: {  	s4 =	sand.u32 @!p1 $0x1, s0;
	s3 =	sshll.u32 @!p1 s2, $0x2  }
0x48: {  	p2 =	sgt.s32 @!p1 s2, $0xEF;
	s2 =	ssub.s32 @!p1 $0x3C0, s3;
	s3 =	smulhi.u32 @!p1 $0xAAAAAAAB, s0  }
0x49: {  	s23 =	smul.u32 @!p1 $0x3C0, s4;
	p2 =	por !p2, p1;
	s2 =	sshrl.u32 @!p1 s2, $0x2  }
0x4a: {  	s5 =	simm.s32 @!p1 $0xA;
	s2 =	simm.s32 @!p2 $0x0;
	s3 =	sshrl.u32 @!p1 s3, $0x1  }
0x4b: {  	s23 =	sshrl.u32 @!p1 s23, $0x2;
	_ =	swait.ge @!p1 [sflag:s5], s2;
	s3 =	smul.u32 @!p1 $0x3, s3  }
0x4c: {  	s23 =	sadd.s32 @!p1 $0x10518, s23;
	s24 =	ssub.s32 @!p1 $0x0, s2;
	[sflag:s5] =	ssyncset.done @!p1 $0x0  }
0x4d: {  	[sflag:s5] =	ssyncadd.s32 @!p1 s24;
	s5 =	sshrl.u32 @!p1 s20, $0x3;
	s0 =	ssub.s32 @!p1 s0, s3  }
0x4e: {  	s24 =	sand.u32 @!p1 $0x7, s20;
	s5 =	sadd.s32 @!p1 s5, s15;
	s0 =	smul.u32 @!p1 $0x3C0, s0  }
0x4f: {  	[tilespmem:s23], [sflag:$0xB] =	stream.linear.gather @!p1 [hbm4b:s5+s24], s2, $0x38;
	[tilespmem:$0x1F6F8] =	vst v63  }
0x50: {  	s3 =	ssub.s32 @!p1 $0x27100, s20;
	s2 =	smul.u32 @!p1 $0x1E000, s4  }
0x51: {  	p2 =	slt.s32 @!p1 s3, $0xF0  }
0x52: {  	p2 =	por !p2, p1;
	s0 =	sshrl.u32 @!p1 s0, $0x2;
	s2 =	sshrl.u32 @!p1 s2, $0x2  }
0x53: {  	s3 =	simm.s32 @p2 $0xF0;
	s0 =	sadd.s32 @!p1 $0x10248, s0;
	s2 =	sor.u32 @!p1 $0x106F8, s2  }
0x54: {  	[tilespmem:s2], [sflag:$0x9] =	stream.indirect.gather @!p1 [hbm4b:s6+s3], $0x80, s0, s3, $0xb8;
	[tilespmem:$0x1F6F8] =	vst v63  }
0x55: {  	p1 =	slt.u32 s21, $0x2  }
.Ltmp3:
0x56: {  	_ = 	snop;
	(pc) =	sbr.rel @p1 .LBB2_21-.Ltmp3, $1  }
0x57: {  	_ =	sdelay $0x3  }
0x58: {  	p1 =	sgt.s32 s22, $0x27010  }
0x59: {  	s0 =	smov.u32 s22;
	s2 =	sshra.s32 s22, $0x1F;
	s3 =	ssub.s32 $0x27100, s22  }
0x5a: {  	s0 =	simm.s32 @!p1 $0x27010;
	s2 =	sand.u32 s2, s22;
	p1 =	slt.s32 s3, $0xF0  }
0x5b: {  	s0 =	ssub.s32 s0, s2;
	s3 =	simm.s32 @!p1 $0xF0  }
0x5c: {  	s0 =	sadd.s32 $0xFFFD8FF0, s0;
	s25 =	sshll.u32 s3, $0x7  }
0x5d: {  	s26 =	sshll.u32 s0, $0x2;
	s2 =	sand.u32 $0x3FFFFF80, s25  }
0x5e: {  	p1 =	sgt.s32 s0, $0xEF;
	s29 =	ssub.s32 $0x3C0, s26;
	_ =	swait.ge [sflag:s10], s2  }
0x5f: {  	s2 =	ssub.s32 $0x0, s2;
	[sflag:s10] =	ssyncset.done $0x0;
	s0 =	sshrl.u32 s29, $0x2  }
0x60: {  	[sflag:s10] =	ssyncadd.s32 s2;
	s0 =	simm.s32 @p1 $0x0  }
0x61: {  	_ =	swait.ge [sflag:s11], s0  }
0x62: {  	s0 =	ssub.s32 $0x0, s0;
	[sflag:s11] =	ssyncset.done $0x0  }
0x63: {  	[sflag:s11] =	ssyncadd.s32 s0  }
0x64: {  	v1 =	vld [tilespmem:$0xF208];
	_ =	sdelay $0x4  }
0x65: {  	(v2sf) =	vpush v1, $0x0  }
0x66: {  	(v2sf) =	vpush v1, $0x1  }
0x67: {  	(v2sf) =	vpush v1, $0x2;
	_ =	sdelay $0x3  }
0x68: {  	s0 =	sadd.s32 $0xF0, s22  }
0x69: {  	s2 =	ssub.s32 $0x4E200, s22;
	p1 =	slt.s32 s8, s0  }
0x6a: {  	s0 =	smov.u32 @p1 s8;
	p1 =	sgt.s32 s2, $0x0  }
0x6b: {  	s26 =	ssub.s32 s0, s22;
	s2 =	simm.s32 @!p1 $0x0  }
0x6c: {  	p1 =	slt.s32 s2, s26  }
0x6d: {  	s26 =	smov.u32 @p1 s2  }
0x6e: {  	s25 =	simm.s32 $0x1;
	p1 =	slt.s32 s26, $0x1  }
.Ltmp4:
0x6f: {  	s25 =	simm.s32 @!p0 $0x0;
	(pc) =	sbr.rel @p1 .LBB2_8-.Ltmp4, $4  }
0x70: {  	s31 =	smul.u32 $0x3C0, s25  }
0x71: {  	s28 =	spop (v2sf)  }
0x72: {  	s0 =	sshrl.u32 s31, $0x2;
	s30 =	spop (v2sf)  }
0x73: {  	s23 =	sadd.s32 $0x10518, s0;
	s22 =	spop (v2sf)  }
0x74: {  	s0 =	smin.u32 s26, $0x10  }
0x75: {  	v1 =	vmov s0  }
0x76: {  	p2 =	sgt.s32 s26, $0x10;
	vm1 =	vgt.u32 v1, v0  }
.Ltmp5:
0x77: {  	_ = 	snop;
	(pc) =	sbr.rel @!p2 .LBB2_7-.Ltmp5, $2  }
0x78: {  	_ =	sdelay $0x2  }
0x79: {  	s4 =	simm.s32 $0x10;
	s24 =	sadd.s32 $0xFFFFFFF0, s26;
	s0 =	smov.u32 s23;
	vm0 =	vmmov vm1  }
.LBB2_6:
0x7a: {  	s2 =	smin.u32 s24, $0x10;
	s4 =	sadd.s32 $0x10, s4;
	v1 =	vld.msk [tilespmem:s0+$0x0 ss:$0x1], vm1  }
0x7b: {  	v2 =	vmov s2;
	p2 =	slt.s32 s4, s26  }
0x7c: {  	vm1 =	vgt.u32 v2, v0  }
.Ltmp6:
0x7d: {  	(pc) =	sbr.rel @p2 .LBB2_6-.Ltmp6, $3  }
0x7e: {  	_ =	sdelay $0x1  }
0x7f: {  	v1 =	vshll.u32 v1, $0x4  }
0x80: {  	s24 =	sadd.s32 $0xFFFFFFF0, s24;
	[tilespmem:s0+$0x0] =	vst.msk vm0, v1;
	s0 =	sadd.s32 $0x10, s0;
	vm0 =	vmmov vm1  }
.LBB2_7:
0x81: {  	_ =	sdelay $0x4  }
0x82: {  	v1 =	vld.msk [tilespmem:s0+$0x0 ss:$0x1], vm1;
	_ =	sdelay $0x4  }
0x83: {  	v1 =	vshll.u32 v1, $0x4  }
0x84: {  	[tilespmem:s0+$0x0] =	vst.msk vm0, v1  }
.LBB2_8:
0x85: {  	s0 =	sand.u32 $0x1, s21  }
0x86: {  	s0 =	smul.u32 $0xF0, s0  }
0x87: {  	p2 =	sne.s32 s30, $0xFFFFFFFF  }
0x88: {  	v1 =	vld.msk @!p2 [tilespmem:s0+$0x10518], $0x1;
	_ =	sdelay $0x4  }
0x89: {  	(v2sf) =	vpush @!p2 v1, $0x0;
	_ =	sdelay $0xc  }
.Ltmp7:
0x8a: {  	_ = 	snop;
	(pc) =	sbr.rel @p1 .LBB2_19-.Ltmp7, $4  }
0x8b: {  	_ = 	snop  }
0x8c: {  	s29 =	spop @!p2 (v2sf)  }
0x8d: {  	s22 =	simm.s32 @!p2 $0x0;
	s24 =	smov.u32 s29  }
0x8e: {  	[sflag:s18] =	ssyncpa.u1 $0x0;
	s29 =	smov.u32 @p2 s28;
	s24 =	smov.u32 @p2 s30  }
0x8f: {  	v1 =	vld.msk [tilespmem:s23+$0x0], $0x1;
	_ =	sdelay $0x4  }
0x90: {  	(v2sf) =	vpush v1, $0x0;
	_ =	sdelay $0xe  }
0x91: {  	s2 =	smul.u32 $0x1E000, s25;
	s0 =	spop (v2sf)  }
0x92: {  	s26 =	ssub.s32 $0x0, s26;
	p1 =	seq.s32 s29, s0  }
0x93: {  	s30 =	sadd.s32 $0x1, s26;
	s2 =	sshrl.u32 s2, $0x2;
	p2 =	sgt.s32 @!p1 s29, $0x0  }
0x94: {  	s25 =	sor.u32 $0x10738, s2;
	s2 =	smov.u32 s29;
	p2 =	por !p2, p1  }
0x95: {  	s2 =	simm.s32 @p2 $0x0;
	p2 =	seq.s32 s30, $0x0  }
.Ltmp8:
0x96: {  	_ = 	snop;
	(pc) =	sbr.rel @p2 .LBB2_11-.Ltmp8, $4  }
0x97: {  	_ = 	snop  }
0x98: {  	s28 =	simm.s32 $0x0;
	s31 =	sadd.s32 $0x1, s23;
	s2 =	smin.u32 @!p1 s2, $0x270F0  }
0x99: {  	s4 =	simm.s32 @!p1 $0x1;
	s5 =	simm.s32 @!p1 $0x7988;
	s3 =	sand.u32 @!p1 $0x3FFF8, s2  }
0x9a: {  	s4 =	smov.u32 @p1 s28;
	s2 =	sand.u32 @!p1 $0x7, s2;
	s3 =	sadd.s32 @!p1 s1, s3  }
.LBB2_10:
0x9b: {  	s9 =	smov.u32 s4  }
0x9c: {  	[tilespmem:s5], [sflag:$0x2] =	stream.linear.gather @!p1 [hbm4b:s3+s2], $0x80, $0x38;
	[tilespmem:$0x1F6F8] =	vst v63  }
0x9d: {  	s30 =	sadd.s32 $0x1, s30;
	s2 =	smov.u32 s0;
	v1 =	vld.msk [tilespmem:s31+$0x0], $0x1  }
0x9e: {  	p2 =	seq.s32 s30, $0x0;
	_ =	sdelay $0x3  }
0x9f: {  	(v2sf) =	vpush v1, $0x0;
	_ =	sdelay $0xe  }
0xa0: {  	s0 =	spop (v2sf)  }
0xa1: {  	p1 =	seq.s32 s2, s0  }
0xa2: {  	p3 =	sgt.s32 @!p1 s2, $0x0;
	s3 =	sshll.u32 @!p1 s4, $0x9;
	s4 =	sadd.s32 @!p1 $0x1, s4  }
.Ltmp9:
0xa3: {  	p3 =	por !p3, p1;
	s3 =	sshra.s32 @!p1 s3, $0x2;
	(pc) =	sbr.rel @!p2 .LBB2_10-.Ltmp9, $4  }
0xa4: {  	s4 =	smov.u32 @p1 s9;
	s2 =	simm.s32 @p3 $0x0;
	s5 =	sadd.s32 @!p1 $0x7988, s3  }
0xa5: {  	s2 =	smin.u32 @!p1 s2, $0x270F0  }
0xa6: {  	s3 =	sand.u32 @!p1 $0x3FFF8, s2;
	s2 =	sand.u32 @!p1 $0x7, s2  }
0xa7: {  	s31 =	sadd.s32 $0x1, s31;
	s3 =	sadd.s32 @!p1 s1, s3  }
.LBB2_11:
0xa8: {  	[tilespmem:s5], [sflag:$0x2] =	stream.linear.gather @!p1 [hbm4b:s3+s2], $0x80, $0x38;
	[tilespmem:$0x1F6F8] =	vst v63  }
.Ltmp10:
0xa9: {  	s0 =	sshll.u32 s4, $0x7;
	(pc) =	sbr.rel .LBB2_12-.Ltmp10, $4  }
0xaa: {  	s30 =	simm.s32 $0x2;
	s0 =	sand.u32 $0x3FFFFF80, s0  }
0xab: {  	_ =	swait.ge [sflag:s30], s0  }
0xac: {  	s0 =	ssub.s32 $0x0, s0;
	[sflag:s30] =	ssyncset.done $0x0  }
0xad: {  	s31 =	simm.s32 $0x0;
	[sflag:s30] =	ssyncadd.s32 s0  }
.LBB2_13:
0xae: {  	v1 =	vld [tilespmem:s25+$0xFFFFFFC0];
	_ =	sdelay $0x3  }
0xaf: {  	s0 =	sshra.s32 s0, $0x2  }
0xb0: {  	[tilespmem:s0+$0x108] =	vst.add.f32.msk $0xffff, v1  }
0xb1: {  	v1 =	vld [tilespmem:s25+$0xFFFFFFD0];
	_ =	sdelay $0x4  }
0xb2: {  	[tilespmem:s0+$0x118] =	vst.add.f32.msk $0xffff, v1  }
0xb3: {  	v1 =	vld [tilespmem:s25+$0xFFFFFFE0];
	_ =	sdelay $0x4  }
0xb4: {  	[tilespmem:s0+$0x128] =	vst.add.f32.msk $0xffff, v1  }
0xb5: {  	v1 =	vld [tilespmem:s25+$0xFFFFFFF0];
	_ =	sdelay $0x4  }
0xb6: {  	[tilespmem:s0+$0x138] =	vst.add.f32.msk $0xffff, v1  }
0xb7: {  	v1 =	vld [tilespmem:s25+$0x0];
	_ =	sdelay $0x4  }
0xb8: {  	[tilespmem:s0+$0x148] =	vst.add.f32.msk $0xffff, v1  }
0xb9: {  	v1 =	vld [tilespmem:s25+$0x10];
	_ =	sdelay $0x4  }
0xba: {  	[tilespmem:s0+$0x158] =	vst.add.f32.msk $0xffff, v1  }
0xbb: {  	v1 =	vld [tilespmem:s25+$0x20];
	_ =	sdelay $0x4  }
0xbc: {  	[tilespmem:s0+$0x168] =	vst.add.f32.msk $0xffff, v1  }
0xbd: {  	v1 =	vld [tilespmem:s25+$0x30];
	_ =	sdelay $0x4  }
0xbe: {  	[tilespmem:s0+$0x178] =	vst.add.f32.msk $0xffff, v1  }
.LBB2_17:
0xbf: {  	s26 =	sadd.s32 $0x1, s26  }
0xc0: {  	p1 =	seq.s32 s26, $0x0  }
.Ltmp11:
0xc1: {  	_ = 	snop;
	(pc) =	sbr.rel @p1 .LBB2_18-.Ltmp11, $2  }
0xc2: {  	_ =	sdelay $0x2  }
0xc3: {  	s23 =	sadd.s32 $0x1, s23;
	s25 =	sadd.s32 $0x80, s25;
	s29 =	smov.u32 s30  }
.LBB2_12:
0xc4: {  	v1 =	vld.msk [tilespmem:s23+$0x0], $0x1;
	_ =	sdelay $0x4  }
0xc5: {  	(v2sf) =	vpush v1, $0x0;
	_ =	sdelay $0xe  }
0xc6: {  	s30 =	spop (v2sf)  }
0xc7: {  	p1 =	sne.s32 s29, s30  }
.Ltmp12:
0xc8: {  	_ = 	snop;
	(pc) =	sbr.rel @!p1 .LBB2_13-.Ltmp12, $2  }
0xc9: {  	_ =	sdelay $0x2  }
0xca: {  	s0 =	sshll.u32 s22, $0x9  }
0xcb: {  	p1 =	seq.s32 s29, s24  }
.Ltmp13:
0xcc: {  	_ = 	snop;
	(pc) =	sbr.rel @!p1 .LBB2_15-.Ltmp13, $1  }
0xcd: {  	_ =	sdelay $0x3  }
0xce: {  	s0 =	sshra.s32 s0, $0x2  }
.Ltmp14:
0xcf: {  	s0 =	sadd.s32 $0x108, s0;
	(pc) =	sbr.rel .LBB2_16-.Ltmp14, $4  }
0xd0: {  	[spmem:s16] =	stream.linear.scatter [tilespmem:s0], [sflag:$0x1], $0x80, $0x38;
	[tilespmem:$0x1F6F8] =	vst v63  }
0xd1: {  	_ =	swait.ge [sflag:s12], $0x80  }
0xd2: {  	[sflag:s12] =	ssyncset.done $0x0  }
0xd3: {  	[sflag:s12] =	ssyncadd.s32 $0xFFFFFF80  }
.LBB2_15:
0xd4: {  	s2 =	sshll.u32 s28, $0x9  }
0xd5: {  	s2 =	sshra.s32 s2, $0x2  }
0xd6: {  	v1 =	vld [tilespmem:s2+$0x7988];
	_ =	sdelay $0x3  }
0xd7: {  	s0 =	sshra.s32 s0, $0x2  }
0xd8: {  	[tilespmem:s0+$0x108] =	vst.add.f32.msk $0xffff, v1  }
0xd9: {  	v1 =	vld [tilespmem:s2+$0x7998];
	_ =	sdelay $0x4  }
0xda: {  	[tilespmem:s0+$0x118] =	vst.add.f32.msk $0xffff, v1  }
0xdb: {  	v1 =	vld [tilespmem:s2+$0x79A8];
	_ =	sdelay $0x4  }
0xdc: {  	[tilespmem:s0+$0x128] =	vst.add.f32.msk $0xffff, v1  }
0xdd: {  	v1 =	vld [tilespmem:s2+$0x79B8];
	_ =	sdelay $0x4  }
0xde: {  	[tilespmem:s0+$0x138] =	vst.add.f32.msk $0xffff, v1  }
0xdf: {  	v1 =	vld [tilespmem:s2+$0x79C8];
	_ =	sdelay $0x4  }
0xe0: {  	[tilespmem:s0+$0x148] =	vst.add.f32.msk $0xffff, v1  }
0xe1: {  	v1 =	vld [tilespmem:s2+$0x79D8];
	_ =	sdelay $0x4  }
0xe2: {  	[tilespmem:s0+$0x158] =	vst.add.f32.msk $0xffff, v1  }
0xe3: {  	v1 =	vld [tilespmem:s2+$0x79E8];
	_ =	sdelay $0x4  }
0xe4: {  	[tilespmem:s0+$0x168] =	vst.add.f32.msk $0xffff, v1  }
0xe5: {  	v1 =	vld [tilespmem:s2+$0x79F8];
	_ =	sdelay $0x2  }
0xe6: {  	p1 =	sgt.u32 s29, $0x270F0  }
0xe7: {  	s2 =	sand.u32 @!p1 $0x3FFF8, s29  }
0xe8: {  	s3 =	sadd.s32 $0x108, s0;
	[tilespmem:s0+$0x178] =	vst.add.f32.msk $0xffff, v1;
	s0 =	sadd.s32 @!p1 s1, s2;
	s2 =	sand.u32 @!p1 $0x7, s29  }
0xe9: {  	[hbm4b:s0+s2] =	stream.linear.scatter @!p1 [tilespmem:s3], [sflag:$0xC], $0x80, $0x38;
	[tilespmem:$0x1F6F8] =	vst v63  }
0xea: {  	s0 =	simm.s32 $0x0  }
0xeb: {  	s0 =	simm.s32 @!p1 $0x200  }
0xec: {  	s31 =	sadd.s32 s0, s31  }
.LBB2_16:
0xed: {  	s0 =	sadd.s32 $0x1, s22  }
0xee: {  	s2 =	smulhi.u32 $0x88888889, s0;
	_ =	sdelay $0x1  }
0xef: {  	v1 =	vld [tilespmem:s25+$0xFFFFFFC0];
	s2 =	sshrl.u32 s2, $0x7  }
0xf0: {  	s2 =	smul.u32 $0xF0, s2;
	_ =	sdelay $0x1  }
0xf1: {  	s22 =	ssub.s32 s0, s2  }
0xf2: {  	s0 =	sshll.u32 s22, $0x7  }
0xf3: {  	[tilespmem:s0+$0x108] =	vst v1  }
0xf4: {  	v1 =	vld [tilespmem:s25+$0xFFFFFFD0];
	_ =	sdelay $0x4  }
0xf5: {  	[tilespmem:s0+$0x118] =	vst v1  }
0xf6: {  	v1 =	vld [tilespmem:s25+$0xFFFFFFE0];
	_ =	sdelay $0x4  }
0xf7: {  	[tilespmem:s0+$0x128] =	vst v1  }
0xf8: {  	v1 =	vld [tilespmem:s25+$0xFFFFFFF0];
	_ =	sdelay $0x4  }
0xf9: {  	[tilespmem:s0+$0x138] =	vst v1  }
0xfa: {  	v1 =	vld [tilespmem:s25+$0x0];
	_ =	sdelay $0x4  }
0xfb: {  	[tilespmem:s0+$0x148] =	vst v1  }
0xfc: {  	v1 =	vld [tilespmem:s25+$0x10];
	_ =	sdelay $0x4  }
0xfd: {  	[tilespmem:s0+$0x158] =	vst v1  }
0xfe: {  	v1 =	vld [tilespmem:s25+$0x20];
	_ =	sdelay $0x4  }
0xff: {  	[tilespmem:s0+$0x168] =	vst v1  }
0x100: {  	v1 =	vld [tilespmem:s25+$0x30]  }
.Ltmp15:
0x101: {  	_ = 	snop;
	(pc) =	sbr.rel .LBB2_17-.Ltmp15, $2  }
0x102: {  	_ =	sdelay $0x2  }
0x103: {  	s28 =	sadd.s32 $0x1, s28;
	[tilespmem:s0+$0x178] =	vst v1  }
.LBB2_19:
.Ltmp16:
0x104: {  	(pc) =	sbr.rel .LBB2_20-.Ltmp16, $4  }
0x105: {  	_ = 	snop  }
0x106: {  	s0 =	simm.s32 $0x2  }
0x107: {  	_ =	swait.ge [sflag:s0], $0x0  }
0x108: {  	s30 =	smov.u32 s29;
	[sflag:s0] =	ssyncset.done $0x0;
	s0 =	simm.s32 $0x0  }
.LBB2_22:
0x109: {  	_ =	sfence.sel $0x180000  }
0x10a: {  	s0 =	simm.s32 $0x9;
	[bflag:$0x0] =	sbarrier.arrive $0xFFFF  }
0x10b: {  	s24 =	simm.s32 $0xA;
	[sflag:s0] =	ssyncpa.u1 $0x1  }
0x10c: {  	s25 =	simm.s32 $0xB;
	[sflag:s24] =	ssyncpa.u1 $0x1  }
0x10d: {  	s26 =	simm.s32 $0x2;
	[sflag:s25] =	ssyncpa.u1 $0x1  }
0x10e: {  	[sflag:s26] =	ssyncpa.u1 $0x1  }
0x10f: {  	v0 =	vld [tilespmem:$0xF208];
	_ =	sdelay $0x4  }
0x110: {  	(v2sf) =	vpush v0, $0x0  }
0x111: {  	(v2sf) =	vpush v0, $0x1;
	_ =	sdelay $0x1  }
0x112: {  	(v2sf) =	vpush v0, $0x2;
	_ =	sdelay $0xb  }
0x113: {  	s0 =	spop (v2sf)  }
0x114: {  	s2 =	spop (v2sf)  }
0x115: {  	s3 =	smov.u32 s0;
	p0 =	sne.s32 s0, s2  }
0x116: {  	s4 =	spop (v2sf);
	s3 =	simm.s32 @!p0 $0xFFFFFFFF  }
0x117: {  	v2 =	vimm.s32 $0x1;
	v3 =	vlaneseq.u32;
	p0 =	seq.s32 s4, $0xFFFFFFFF;
	v1 =	vmov s3  }
0x118: {  	s16 =	stileid.u32;
	v0 =	vperm.xlane v0, v2;
	p1 =	sne.s32 @!p0 s0, s2;
	v1 =	vperm.xlane v1, v3  }
0x119: {  	vm0 =	vcmask $0x3F04;
	s6 =	simm.s32 $0xF208;
	s0 =	simm.s32 @!p0 $0x1;
	p1 =	por !p1, p0  }
0x11a: {  	s3 =	sshll.u32 s16, $0x1;
	s2 =	sshll.u32 @!p0 s4, $0x9;
	s0 =	simm.s32 @p1 $0x0;
	v0 =	vsel vm0, v1, v0  }
0x11b: {  	s5 =	sor.u32 $0x1000, s3;
	s2 =	sshra.s32 @!p0 s2, $0x2;
	s0 =	sor.u32 @!p0 s0, s3;
	[tilespmem:$0xF208] =	vst v0  }
0x11c: {  	[spmem:s5] =	stream.linear.scatter [tilespmem:s6], [sflag:$0x1], $0x2, $0x38;
	[tilespmem:$0x1F6F8] =	vst v63  }
0x11d: {  	s2 =	sadd.s32 @!p0 $0x108, s2;
	s0 =	sshll.u32 @!p0 s0, $0x7  }
0x11e: {  	[spmem:s0] =	stream.linear.scatter @!p0 [tilespmem:s2], [sflag:$0x1], $0x80, $0x38;
	[tilespmem:$0x1F6F8] =	vst v63  }
0x11f: {  	s0 =	simm.s32 @!p0 $0x82  }
0x120: {  	s28 =	simm.s32 $0x1;
	s0 =	simm.s32 @p0 $0x2  }
0x121: {  	_ =	swait.ge [sflag:s28], s0  }
0x122: {  	s0 =	ssub.s32 $0x0, s0;
	[sflag:s28] =	ssyncset.done $0x0  }
0x123: {  	p0 =	sne.s32 s16, $0x0;
	[sflag:s28] =	ssyncadd.s32 s0  }
.Ltmp17:
0x124: {  	_ =	sfence.stream.spmem;
	(pc) =	sbr.rel @p0 .LBB2_39-.Ltmp17, $4  }
0x125: {  	s29 =	simm.s32 $0x3;
	[bflag:$0x0] =	sbarrier.arrive $0xFFFF  }
0x126: {  	s30 =	simm.s32 $0x4;
	[sflag:s29] =	ssyncpa.u1 $0x1  }
0x127: {  	s31 =	simm.s32 $0x3C;
	[sflag:s30] =	ssyncpa.u1 $0x1  }
0x128: {  	s15 =	rddreg [dreg:$0x4];
	[sflag:s31] =	ssyncpa.u1 $0x1  }
0x129: {  	_ =	sfence.stream.spmem;
	s0 =	simm.s32 $0x5  }
0x12a: {  	s2 =	simm.s32 $0x1000;
	s3 =	simm.s32 $0xF218;
	[sflag:s0] =	ssyncpa.u1 $0x0  }
0x12b: {  	[tilespmem:s3], [sflag:$0x5] =	stream.linear.gather [spmem:s2], $0x20, $0x38;
	[tilespmem:$0x1F6F8] =	vst v63  }
0x12c: {  	s26 =	simm.s32 $0x0;
	s28 =	simm.s32 $0xF238  }
0x12d: {  	[tilespmem:s28], [sflag:$0x5] =	stream.linear.gather [spmem:s26], $0x1000, $0x38;
	[tilespmem:$0x1F6F8] =	vst v63  }
0x12e: {  	_ =	swait.ge [sflag:s0], $0x1020  }
0x12f: {  	[sflag:s0] =	ssyncset.done $0x0  }
0x130: {  	s29 =	simm.s32 $0x0;
	[sflag:s0] =	ssyncadd.s32 $0xFFFFEFE0  }
0x131: {  	v0 =	vld.msk [tilespmem:s29+$0xF218], $0x1;
	_ =	sdelay $0x1  }
0x132: {  	s30 =	simm.s32 $0x1  }
0x133: {  	v1 =	vld.msk [tilespmem:s30+$0xF218], $0x1;
	_ =	sdelay $0x1  }
0x134: {  	(v2sf) =	vpush v0, $0x0;
	_ =	sdelay $0x2  }
0x135: {  	(v2sf) =	vpush v1, $0x0;
	_ =	sdelay $0x2  }
0x136: {  	s31 =	simm.s32 $0x2  }
0x137: {  	v0 =	vld.msk [tilespmem:s31+$0xF218], $0x1;
	_ =	sdelay $0x2  }
0x138: {  	s4 =	simm.s32 $0xFFFFFFFF;
	s5 =	simm.s32 $0xFFFFFFFF;
	s0 =	simm.s32 $0xC  }
.LBB2_24:
0x139: {  	s2 =	smov.u32 s5;
	s3 =	smov.u32 s4  }
0x13a: {  	s4 =	sshra.s32 s0, $0x2;
	p1 =	sne.s32 s0, $0x7C;
	s0 =	sadd.s32 $0x4, s0;
	(v2sf) =	vpush v0, $0x0  }
0x13b: {  	v0 =	vld.msk [tilespmem:s4+$0xF218], $0x1  }
.Ltmp18:
0x13c: {  	(pc) =	sbr.rel @p1 .LBB2_24-.Ltmp18, $4  }
0x13d: {  	s5 =	spop (v2sf)  }
0x13e: {  	p2 =	sne.s32 s3, $0xFFFFFFFF;
	s4 =	smov.u32 s5  }
0x13f: {  	p3 =	seq.s32 s5, $0xFFFFFFFF;
	s4 =	smov.u32 @p2 s3  }
0x140: {  	s5 =	smov.u32 @p3 s2;
	s4 =	smov.u32 @p3 s3  }
0x141: {  	(v2sf) =	vpush v0, $0x0;
	_ =	sdelay $0x8  }
0x142: {  	s0 =	spop (v2sf)  }
0x143: {  	p1 =	sne.s32 s4, $0xFFFFFFFF;
	s2 =	smov.u32 s0  }
0x144: {  	s9 =	simm.s32 $0x6;
	p2 =	seq.s32 s0, $0xFFFFFFFF;
	s2 =	smov.u32 @p1 s4  }
0x145: {  	s6 =	simm.s32 $0x0;
	s2 =	smov.u32 @p2 s4;
	s3 =	spop (v2sf)  }
0x146: {  	s0 =	smov.u32 @p2 s5;
	p1 =	sne.s32 s2, $0xFFFFFFFF;
	s4 =	smov.u32 s3  }
.Ltmp19:
0x147: {  	p2 =	seq.s32 s3, $0xFFFFFFFF;
	s4 =	smov.u32 @p1 s2;
	(pc) =	sbr.rel .LBB2_26-.Ltmp19, $4  }
0x148: {  	s10 =	simm.s32 $0xF188;
	s4 =	smov.u32 @p2 s2;
	s7 =	spop (v2sf)  }
0x149: {  	s11 =	simm.s32 $0x0;
	p1 =	sne.s32 s4, $0xFFFFFFFF;
	s8 =	smov.u32 s7  }
0x14a: {  	s3 =	smov.u32 @p2 s0;
	p2 =	seq.s32 s7, $0xFFFFFFFF;
	s8 =	smov.u32 @p1 s4  }
0x14b: {  	[sflag:s9] =	ssyncpa.u1 $0x0;
	s7 =	smov.u32 @p2 s3;
	s8 =	smov.u32 @p2 s4  }
.LBB2_32:
0x14c: {  	p1 =	sgt.u32 s12, $0x270F0  }
0x14d: {  	p2 =	seq.s32 @!p1 s12, s8  }
0x14e: {  	p1 =	por p1, p2  }
0x14f: {  	p2 =	sne.s32 @!p1 s12, s7  }
0x150: {  	p1 =	por p1, !p2  }
0x151: {  	s0 =	sshll.u32 @p1 s11, $0x9  }
0x152: {  	s0 =	sand.u32 @!p1 $0x3FFF8, s12  }
0x153: {  	s2 =	sand.u32 @!p1 $0x7, s12;
	s0 =	sadd.s32 @!p1 s1, s0  }
0x154: {  	[tilespmem:s10], [sflag:$0x6] =	stream.linear.gather @!p1 [hbm4b:s0+s2], $0x80, $0x38;
	[tilespmem:$0x1F6F8] =	vst v63  }
0x155: {  	_ =	swait.ge @!p1 [sflag:s9], $0x80  }
0x156: {  	[sflag:s9] =	ssyncset.done @!p1 $0x0  }
0x157: {  	[sflag:s9] =	ssyncadd.s32 @!p1 $0xFFFFFF80  }
0x158: {  	v1 =	vld @!p1 [tilespmem:$0xF188];
	_ =	sdelay $0x2  }
0x159: {  	s0 =	sshll.u32 @!p1 s11, $0x9  }
0x15a: {  	s2 =	sshrl.u32 @!p1 s0, $0x2  }
0x15b: {  	[tilespmem:s2+$0xF238] =	vst.add.f32.msk @!p1 $0xffff, v1  }
0x15c: {  	v1 =	vld @!p1 [tilespmem:$0xF198];
	_ =	sdelay $0x4  }
0x15d: {  	[tilespmem:s2+$0xF248] =	vst.add.f32.msk @!p1 $0xffff, v1  }
0x15e: {  	v1 =	vld @!p1 [tilespmem:$0xF1A8];
	_ =	sdelay $0x4  }
0x15f: {  	[tilespmem:s2+$0xF258] =	vst.add.f32.msk @!p1 $0xffff, v1  }
0x160: {  	v1 =	vld @!p1 [tilespmem:$0xF1B8];
	_ =	sdelay $0x4  }
0x161: {  	[tilespmem:s2+$0xF268] =	vst.add.f32.msk @!p1 $0xffff, v1  }
0x162: {  	v1 =	vld @!p1 [tilespmem:$0xF1C8];
	_ =	sdelay $0x4  }
0x163: {  	[tilespmem:s2+$0xF278] =	vst.add.f32.msk @!p1 $0xffff, v1  }
0x164: {  	v1 =	vld @!p1 [tilespmem:$0xF1D8];
	_ =	sdelay $0x4  }
0x165: {  	[tilespmem:s2+$0xF288] =	vst.add.f32.msk @!p1 $0xffff, v1  }
0x166: {  	v1 =	vld @!p1 [tilespmem:$0xF1E8];
	_ =	sdelay $0x4  }
0x167: {  	[tilespmem:s2+$0xF298] =	vst.add.f32.msk @!p1 $0xffff, v1  }
0x168: {  	v1 =	vld @!p1 [tilespmem:$0xF1F8];
	_ =	sdelay $0x4  }
0x169: {  	[tilespmem:s2+$0xF2A8] =	vst.add.f32.msk @!p1 $0xffff, v1  }
0x16a: {  	s0 =	sshrl.u32 s0, $0x2;
	[tilespmem:s6+$0xF218] =	vst.msk $0x1, v0  }
0x16b: {  	v0 =	vld [tilespmem:s0+$0xF238];
	_ =	sdelay $0x2  }
0x16c: {  	s31 =	sshll.u32 s6, $0x9  }
0x16d: {  	s2 =	sshra.s32 s31, $0x2  }
0x16e: {  	[tilespmem:s2+$0xF238] =	vst v0  }
0x16f: {  	v0 =	vld [tilespmem:s0+$0xF248];
	_ =	sdelay $0x4  }
0x170: {  	[tilespmem:s2+$0xF248] =	vst v0  }
0x171: {  	v0 =	vld [tilespmem:s0+$0xF258];
	_ =	sdelay $0x4  }
0x172: {  	[tilespmem:s2+$0xF258] =	vst v0  }
0x173: {  	v0 =	vld [tilespmem:s0+$0xF268];
	_ =	sdelay $0x4  }
0x174: {  	[tilespmem:s2+$0xF268] =	vst v0  }
0x175: {  	v0 =	vld [tilespmem:s0+$0xF278];
	_ =	sdelay $0x4  }
0x176: {  	[tilespmem:s2+$0xF278] =	vst v0  }
0x177: {  	v0 =	vld [tilespmem:s0+$0xF288];
	_ =	sdelay $0x4  }
0x178: {  	[tilespmem:s2+$0xF288] =	vst v0  }
0x179: {  	v0 =	vld [tilespmem:s0+$0xF298];
	_ =	sdelay $0x4  }
0x17a: {  	[tilespmem:s2+$0xF298] =	vst v0  }
0x17b: {  	v0 =	vld [tilespmem:s0+$0xF2A8];
	_ =	sdelay $0x4  }
0x17c: {  	s6 =	sadd.s32 $0x1, s6;
	[tilespmem:s2+$0xF2A8] =	vst v0  }
.LBB2_33:
0x17d: {  	s11 =	sadd.s32 $0x1, s11  }
0x17e: {  	p1 =	sne.s32 s11, $0x20  }
.Ltmp20:
0x17f: {  	_ = 	snop;
	(pc) =	sbr.rel @!p1 .LBB2_34-.Ltmp20, $1  }
0x180: {  	_ =	sdelay $0x3  }
.LBB2_26:
0x181: {  	v0 =	vld.msk [tilespmem:s11+$0xF218], $0x1;
	_ =	sdelay $0x4  }
0x182: {  	(v2sf) =	vpush v0, $0x0;
	_ =	sdelay $0xe  }
0x183: {  	s12 =	spop (v2sf)  }
0x184: {  	p1 =	seq.s32 s12, $0xFFFFFFFF  }
.Ltmp21:
0x185: {  	_ = 	snop;
	(pc) =	sbr.rel @p1 .LBB2_33-.Ltmp21, $1  }
0x186: {  	_ =	sdelay $0x3  }
0x187: {  	p1 =	slt.s32 s6, $0x1  }
.Ltmp22:
0x188: {  	_ = 	snop;
	(pc) =	sbr.rel @p1 .LBB2_32-.Ltmp22, $1  }
0x189: {  	_ =	sdelay $0x3  }
0x18a: {  	s13 =	simm.s32 $0xF218;
	p1 =	por $0x0, $0x0  }
0x18b: {  	v1 =	vld.msk @!p1 [tilespmem:s13+$0x0], $0x1;
	_ =	sdelay $0x4  }
0x18c: {  	(v2sf) =	vpush @!p1 v1, $0x0;
	_ =	sdelay $0xd  }
0x18d: {  	p3 =	sne.s32 s6, $0x1  }
.Ltmp23:
0x18e: {  	s0 =	spop @!p1 (v2sf);
	(pc) =	sbr.rel @!p3 .LBB2_30-.Ltmp23, $4  }
0x18f: {  	p2 =	seq.s32 @!p1 s12, s0  }
0x190: {  	s14 =	simm.s32 $0x0;
	p2 =	por !p2, p1  }
0x191: {  	s2 =	simm.s32 $0xFFFFFFFF;
	s14 =	simm.s32 @p2 $0xFFFFFFFF  }
0x192: {  	s0 =	simm.s32 $0x1;
	s14 =	smov.u32 @p1 s2  }
.LBB2_29:
0x193: {  	s2 =	smov.u32 s14;
	p1 =	sne.s32 s14, $0xFFFFFFFF  }
0x194: {  	s13 =	sadd.s32 $0x1, s13;
	s14 =	smov.u32 s0;
	s0 =	sadd.s32 $0x1, s0  }
0x195: {  	p2 =	sne.s32 s6, s0;
	v1 =	vld.msk @!p1 [tilespmem:s13+$0x0], $0x1;
	_ =	sdelay $0x4  }
0x196: {  	(v2sf) =	vpush @!p1 v1, $0x0;
	_ =	sdelay $0xe  }
.Ltmp24:
0x197: {  	s3 =	spop @!p1 (v2sf);
	(pc) =	sbr.rel @p2 .LBB2_29-.Ltmp24, $4  }
0x198: {  	p3 =	seq.s32 @!p1 s12, s3  }
0x199: {  	p3 =	por !p3, p1  }
0x19a: {  	s14 =	simm.s32 @p3 $0xFFFFFFFF  }
0x19b: {  	s14 =	smov.u32 @p1 s2  }
.LBB2_30:
0x19c: {  	p1 =	seq.s32 s14, $0xFFFFFFFF  }
.Ltmp25:
0x19d: {  	_ = 	snop;
	(pc) =	sbr.rel @p1 .LBB2_32-.Ltmp25, $1  }
0x19e: {  	_ =	sdelay $0x3  }
0x19f: {  	s0 =	sshll.u32 s11, $0x7  }
0x1a0: {  	s0 =	sand.u32 $0x3FFFFF80, s0  }
0x1a1: {  	v0 =	vld [tilespmem:s0+$0xF238];
	_ =	sdelay $0x2  }
0x1a2: {  	s2 =	sshll.u32 s14, $0x9  }
0x1a3: {  	s2 =	sshra.s32 s2, $0x2  }
0x1a4: {  	[tilespmem:s2+$0xF238] =	vst.add.f32.msk $0xffff, v0  }
0x1a5: {  	v0 =	vld [tilespmem:s0+$0xF248];
	_ =	sdelay $0x4  }
0x1a6: {  	[tilespmem:s2+$0xF248] =	vst.add.f32.msk $0xffff, v0  }
0x1a7: {  	v0 =	vld [tilespmem:s0+$0xF258];
	_ =	sdelay $0x4  }
0x1a8: {  	[tilespmem:s2+$0xF258] =	vst.add.f32.msk $0xffff, v0  }
0x1a9: {  	v0 =	vld [tilespmem:s0+$0xF268];
	_ =	sdelay $0x4  }
0x1aa: {  	[tilespmem:s2+$0xF268] =	vst.add.f32.msk $0xffff, v0  }
0x1ab: {  	v0 =	vld [tilespmem:s0+$0xF278];
	_ =	sdelay $0x4  }
0x1ac: {  	[tilespmem:s2+$0xF278] =	vst.add.f32.msk $0xffff, v0  }
0x1ad: {  	v0 =	vld [tilespmem:s0+$0xF288];
	_ =	sdelay $0x4  }
0x1ae: {  	[tilespmem:s2+$0xF288] =	vst.add.f32.msk $0xffff, v0  }
0x1af: {  	v0 =	vld [tilespmem:s0+$0xF298];
	_ =	sdelay $0x4  }
0x1b0: {  	[tilespmem:s2+$0xF298] =	vst.add.f32.msk $0xffff, v0  }
0x1b1: {  	v0 =	vld [tilespmem:s0+$0xF2A8]  }
.Ltmp26:
0x1b2: {  	_ = 	snop;
	(pc) =	sbr.rel .LBB2_33-.Ltmp26, $2  }
0x1b3: {  	_ =	sdelay $0x2  }
0x1b4: {  	[tilespmem:s2+$0xF2A8] =	vst.add.f32.msk $0xffff, v0  }
.LBB2_34:
0x1b5: {  	s0 =	simm.s32 $0x6;
	p1 =	seq.s32 s6, $0x0  }
0x1b6: {  	[sflag:s0] =	ssyncpa.u1 $0x1;
	v0 =	vimm.s32 @p1 $0xFFFFFFFF  }
0x1b7: {  	s9 =	sadd.s32 $0xFFFFFFFF, s6;
	[tilespmem:$0x10238] =	vst @p1 v0  }
0x1b8: {  	v0 =	vld.msk @!p1 [tilespmem:s9+$0xF218], $0x1;
	_ =	sdelay $0x1  }
0x1b9: {  	v1 =	vld.msk @!p1 [tilespmem:$0xF218], $0x1;
	_ =	sdelay $0x2  }
0x1ba: {  	p2 =	seq.s32 @!p1 s9, $0x0;
	v0 =	vbroadcast @!p1 v0, $0x0  }
0x1bb: {  	vm0 =	vmmov @!p1 $0x1;
	p2 =	por !p2, p1  }
0x1bc: {  	v1 =	vnsel @!p1 vm0, $0xFFFFFFFF, v1;
	vm0 =	vcmask @!p1 $0x308;
	v0 =	vpsel !p2, $0xFFFFFFFF, v0  }
0x1bd: {  	p2 =	sne.s32 @!p1 s8, s7;
	v0 =	vsel @!p1 vm0, v1, v0  }
0x1be: {  	s0 =	simm.s32 @!p1 $0xF238;
	s2 =	simm.s32 @!p1 $0x0;
	p3 =	por !p2, p1;
	[tilespmem:$0x10238] =	vst @!p1 v0  }
0x1bf: {  	[spmem:s2] =	stream.linear.scatter @!p1 [tilespmem:s0], [sflag:$0x1], $0x80, $0x38;
	[tilespmem:$0x1F6F8] =	vst v63  }
0x1c0: {  	s0 =	sshll.u32 @!p3 s9, $0x9  }
0x1c1: {  	s0 =	sshra.s32 @!p3 s0, $0x2  }
0x1c2: {  	s2 =	simm.s32 @!p3 $0x80;
	s0 =	sadd.s32 @!p3 $0xF238, s0  }
0x1c3: {  	[spmem:s2] =	stream.linear.scatter @!p3 [tilespmem:s0], [sflag:$0x1], $0x80, $0x38;
	[tilespmem:$0x1F6F8] =	vst v63  }
0x1c4: {  	s0 =	simm.s32 @!p3 $0x1  }
0x1c5: {  	_ =	swait.ge @!p3 [sflag:s0], $0x100  }
0x1c6: {  	p1 =	por p2, p1;
	[sflag:s0] =	ssyncset.done @!p3 $0x0  }
0x1c7: {  	[sflag:s0] =	ssyncadd.s32 @!p3 $0xFFFFFF00;
	s0 =	simm.s32 @!p1 $0x1  }
0x1c8: {  	_ =	swait.ge @!p1 [sflag:s0], $0x80  }
0x1c9: {  	s29 =	simm.s32 $0x10238;
	[sflag:s0] =	ssyncset.done @!p1 $0x0  }
0x1ca: {  	s30 =	simm.s32 $0x1000;
	s31 =	simm.s32 $0x1;
	[sflag:s0] =	ssyncadd.s32 @!p1 $0xFFFFFF80  }
0x1cb: {  	[spmem:s30] =	stream.linear.scatter [tilespmem:s29], [sflag:$0x1], $0x10, $0x38;
	[tilespmem:$0x1F6F8] =	vst v63  }
0x1cc: {  	_ =	swait.ge [sflag:s31], $0x10  }
0x1cd: {  	[sflag:s31] =	ssyncset.done $0x0  }
0x1ce: {  	p1 =	seq.s32 s15, $0x0;
	s8 =	rddreg [dreg:$0x1];
	[sflag:s31] =	ssyncadd.s32 $0xFFFFFFF0  }
0x1cf: {  	s2 =	sshll.u32 @p1 s8, $0xE;
	s7 =	rddreg [dreg:$0x2]  }
0x1d0: {  	s0 =	sadd.s32 @p1 $0x15C3C, s2;
	s2 =	sshll.u32 @p1 s7, $0x11  }
0x1d1: {  	_ =	sfence.stream.spmem;
	s0 =	sor.u32 @p1 s2, s0  }
0x1d2: {  	[sflag:s0] =	ssyncadd.remote.s32 @p1 $0x1;
	s0 =	simm.s32 @p1 $0x4  }
0x1d3: {  	s3 =	simm.s32 @!p1 $0x3C;
	s2 =	sand.u32 $0xFFFFFFFE, s8;
	_ =	swait.ge @p1 [sflag:s0], $0x22  }
0x1d4: {  	s4 =	simm.s32 @!p1 $0x0;
	s2 =	sadd.s32 @!p1 $0x4, s2;
	[sflag:s0] =	ssyncset.done @p1 $0x0  }
0x1d5: {  	s5 =	simm.s32 @!p1 $0x100;
	[sflag:s0] =	ssyncadd.s32 @p1 $0xFFFFFFDE;
	s0 =	sshll.u32 @!p1 s2, $0x1A  }
0x1d6: {  	s2 =	sshll.u32 @!p1 s2, $0xD;
	s0 =	sor.u32 @!p1 s0, s7;
	_ =	swait.eq @!p1 [sflag:s3], $0x1  }
0x1d7: {  	s2 =	sor.u32 @!p1 $0x1C04, s2;
	s3 =	simm.s32 @!p1 $0x1C03;
	s0 =	sor.u32 @!p1 $0x80004000, s0  }
0x1d8: {  	[spmem:s5], [sflag:s2] =	dma.general @!p1 [spmem:s4], [sflag:s3], length:$0x20, [dreg:$0x0], stride_count:$0x0, ici_dest:s0, dma_misc:DstOpCode:WRITE  }
0x1d9: {  	p2 =	slt.s32 s9, $0x2;
	s4 =	simm.s32 @!p1 $0x200;
	s5 =	simm.s32 @!p1 $0x202  }
0x1da: {  	[spmem:s5], [sflag:s2] =	dma.general @!p1 [spmem:s4], [sflag:s3], length:$0x2, [dreg:$0x0], stride_count:$0x0, ici_dest:s0, dma_misc:DstOpCode:WRITE  }
.Ltmp27:
0x1db: {  	s0 =	simm.s32 @!p1 $0x3;
	(pc) =	sbr.rel @p2 .LBB2_38-.Ltmp27, $4  }
0x1dc: {  	s2 =	sshll.u32 @!p1 s8, $0xE;
	_ =	swait.ge @!p1 [sflag:s0], $0x22  }
0x1dd: {  	s3 =	sshll.u32 @!p1 s7, $0x11;
	s2 =	sadd.s32 @!p1 $0x11C3C, s2;
	[sflag:s0] =	ssyncset.done @!p1 $0x0  }
0x1de: {  	[sflag:s0] =	ssyncadd.s32 @!p1 $0xFFFFFFDE;
	s0 =	sor.u32 @!p1 s3, s2  }
0x1df: {  	[sflag:s0] =	ssyncadd.remote.s32 @!p1 $0xFFFFFFFF;
	s0 =	simm.s32 $0x0  }
0x1e0: {  	s0 =	simm.s32 $0xF219  }
0x1e1: {  	v0 =	vld.msk [tilespmem:s0+$0x0], $0x1;
	_ =	sdelay $0x4  }
0x1e2: {  	(v2sf) =	vpush v0, $0x0;
	_ =	sdelay $0xb  }
0x1e3: {  	s31 =	sadd.s32 $0xFFFFFFFE, s6  }
0x1e4: {  	s0 =	sadd.s32 $0xFFFFFFFF, s31  }
0x1e5: {  	p2 =	sne.s32 s0, $0x0  }
.Ltmp28:
0x1e6: {  	s2 =	spop (v2sf);
	(pc) =	sbr.rel @!p2 .LBB2_37-.Ltmp28, $4  }
0x1e7: {  	s4 =	simm.s32 $0xF2B8;
	s7 =	simm.s32 $0x0;
	p1 =	sgt.u32 s2, $0x270F0  }
0x1e8: {  	s5 =	simm.s32 $0x0;
	s6 =	simm.s32 $0xF21A;
	s3 =	sand.u32 @!p1 $0x3FFF8, s2  }
0x1e9: {  	s2 =	sand.u32 @!p1 $0x7, s2;
	s7 =	simm.s32 @!p1 $0x200;
	s3 =	sadd.s32 @!p1 s1, s3  }
0x1ea: {  	[hbm4b:s3+s2] =	stream.linear.scatter @!p1 [tilespmem:s4], [sflag:$0x5], $0x80, $0x38;
	[tilespmem:$0x1F6F8] =	vst v63  }
.LBB2_36:
0x1eb: {  	v0 =	vld.msk [tilespmem:s6+$0x0], $0x1;
	s0 =	sadd.s32 $0xFFFFFFFF, s0;
	s5 =	sadd.s32 s5, s7  }
0x1ec: {  	p1 =	sne.s32 s0, $0x0;
	_ =	sdelay $0x3  }
0x1ed: {  	(v2sf) =	vpush v0, $0x0;
	_ =	sdelay $0xe  }
.Ltmp29:
0x1ee: {  	s2 =	spop (v2sf);
	(pc) =	sbr.rel @p1 .LBB2_36-.Ltmp29, $4  }
0x1ef: {  	s7 =	simm.s32 $0x0;
	p2 =	sgt.u32 s2, $0x270F0  }
0x1f0: {  	s4 =	sadd.s32 $0x80, s4;
	s7 =	simm.s32 @!p2 $0x200;
	s3 =	sand.u32 @!p2 $0x3FFF8, s2  }
0x1f1: {  	s6 =	sadd.s32 $0x1, s6;
	s2 =	sand.u32 @!p2 $0x7, s2;
	s3 =	sadd.s32 @!p2 s1, s3  }
0x1f2: {  	[hbm4b:s3+s2] =	stream.linear.scatter @!p2 [tilespmem:s4], [sflag:$0x5], $0x80, $0x38;
	[tilespmem:$0x1F6F8] =	vst v63  }
.LBB2_37:
0x1f3: {  	s0 =	sadd.s32 s5, s7  }
0x1f4: {  	s0 =	sshrl.u32 s0, $0x2  }
.LBB2_38:
0x1f5: {  	s2 =	simm.s32 $0x5  }
0x1f6: {  	_ =	swait.ge [sflag:s2], s0  }
0x1f7: {  	s31 =	ssub.s32 $0x0, s0;
	[sflag:s2] =	ssyncset.done $0x0  }
0x1f8: {  	[sflag:s2] =	ssyncadd.s32 s31  }
0x1f9: {  	[sflag:s2] =	ssyncpa.u1 $0x1  }
.LBB2_39:
0x1fa: {  	s0 =	sor.u32 s15, s16  }
0x1fb: {  	p1 =	sne.s32 s0, $0x0  }
.Ltmp30:
0x1fc: {  	_ = 	snop;
	(pc) =	sbr.rel @p1 .LBB2_54-.Ltmp30, $3  }
0x1fd: {  	_ =	sdelay $0x1  }
0x1fe: {  	[bflag:$0x0] =	sbarrier.arrive $0xFFFF  }
0x1ff: {  	_ =	sfence  }
0x200: {  	s0 =	simm.s32 $0x7  }
0x201: {  	s2 =	simm.s32 $0x1000;
	s3 =	simm.s32 $0xF218;
	[sflag:s0] =	ssyncpa.u1 $0x0  }
0x202: {  	[tilespmem:s3], [sflag:$0x7] =	stream.linear.gather [spmem:s2], $0x20, $0x38;
	[tilespmem:$0x1F6F8] =	vst v63  }
0x203: {  	s30 =	simm.s32 $0xF238;
	s2 =	simm.s32 $0x0  }
0x204: {  	[tilespmem:s30], [sflag:$0x7] =	stream.linear.gather [spmem:s2], $0x1000, $0x38;
	[tilespmem:$0x1F6F8] =	vst v63  }
.Ltmp31:
0x205: {  	_ = 	snop;
	(pc) =	sbr.rel .LBB2_41-.Ltmp31, $4  }
0x206: {  	_ =	swait.ge [sflag:s0], $0x1020  }
0x207: {  	[sflag:s0] =	ssyncset.done $0x0  }
0x208: {  	s31 =	simm.s32 $0x8;
	[sflag:s0] =	ssyncadd.s32 $0xFFFFEFE0  }
0x209: {  	s3 =	simm.s32 $0x0;
	[sflag:s31] =	ssyncpa.u1 $0x0  }
.LBB2_47:
0x20a: {  	p1 =	slt.u32 s4, $0x270F1  }
0x20b: {  	s0 =	sand.u32 @p1 $0x3FFF8, s4  }
0x20c: {  	s4 =	sand.u32 @p1 $0x7, s4;
	s5 =	simm.s32 @p1 $0xF188;
	s0 =	sadd.s32 @p1 s1, s0  }
0x20d: {  	[tilespmem:s5], [sflag:$0x8] =	stream.linear.gather @p1 [hbm4b:s0+s4], $0x80, $0x38;
	[tilespmem:$0x1F6F8] =	vst v63  }
0x20e: {  	s0 =	simm.s32 @p1 $0x8  }
0x20f: {  	_ =	swait.ge @p1 [sflag:s0], $0x80  }
0x210: {  	[sflag:s0] =	ssyncset.done @p1 $0x0  }
0x211: {  	[sflag:s0] =	ssyncadd.s32 @p1 $0xFFFFFF80  }
0x212: {  	v1 =	vld @p1 [tilespmem:$0xF188];
	_ =	sdelay $0x2  }
0x213: {  	s0 =	sshll.u32 @p1 s3, $0x9  }
0x214: {  	s4 =	sshrl.u32 @p1 s0, $0x2  }
0x215: {  	[tilespmem:s4+$0xF238] =	vst.add.f32.msk @p1 $0xffff, v1  }
0x216: {  	v1 =	vld @p1 [tilespmem:$0xF198];
	_ =	sdelay $0x4  }
0x217: {  	[tilespmem:s4+$0xF248] =	vst.add.f32.msk @p1 $0xffff, v1  }
0x218: {  	v1 =	vld @p1 [tilespmem:$0xF1A8];
	_ =	sdelay $0x4  }
0x219: {  	[tilespmem:s4+$0xF258] =	vst.add.f32.msk @p1 $0xffff, v1  }
0x21a: {  	v1 =	vld @p1 [tilespmem:$0xF1B8];
	_ =	sdelay $0x4  }
0x21b: {  	[tilespmem:s4+$0xF268] =	vst.add.f32.msk @p1 $0xffff, v1  }
0x21c: {  	v1 =	vld @p1 [tilespmem:$0xF1C8];
	_ =	sdelay $0x4  }
0x21d: {  	[tilespmem:s4+$0xF278] =	vst.add.f32.msk @p1 $0xffff, v1  }
0x21e: {  	v1 =	vld @p1 [tilespmem:$0xF1D8];
	_ =	sdelay $0x4  }
0x21f: {  	[tilespmem:s4+$0xF288] =	vst.add.f32.msk @p1 $0xffff, v1  }
0x220: {  	v1 =	vld @p1 [tilespmem:$0xF1E8];
	_ =	sdelay $0x4  }
0x221: {  	[tilespmem:s4+$0xF298] =	vst.add.f32.msk @p1 $0xffff, v1  }
0x222: {  	v1 =	vld @p1 [tilespmem:$0xF1F8];
	_ =	sdelay $0x3  }
0x223: {  	s5 =	sshll.u32 @!p1 s3, $0x9  }
0x224: {  	s5 =	smov.u32 @p1 s0;
	[tilespmem:s4+$0xF2A8] =	vst.add.f32.msk @p1 $0xffff, v1  }
0x225: {  	s0 =	sshrl.u32 s5, $0x2;
	[tilespmem:s2+$0xF218] =	vst.msk $0x1, v0  }
0x226: {  	v0 =	vld [tilespmem:s0+$0xF238];
	_ =	sdelay $0x2  }
0x227: {  	s31 =	sshll.u32 s2, $0x9  }
0x228: {  	s4 =	sshra.s32 s31, $0x2  }
0x229: {  	[tilespmem:s4+$0xF238] =	vst v0  }
0x22a: {  	v0 =	vld [tilespmem:s0+$0xF248];
	_ =	sdelay $0x4  }
0x22b: {  	[tilespmem:s4+$0xF248] =	vst v0  }
0x22c: {  	v0 =	vld [tilespmem:s0+$0xF258];
	_ =	sdelay $0x4  }
0x22d: {  	[tilespmem:s4+$0xF258] =	vst v0  }
0x22e: {  	v0 =	vld [tilespmem:s0+$0xF268];
	_ =	sdelay $0x4  }
0x22f: {  	[tilespmem:s4+$0xF268] =	vst v0  }
0x230: {  	v0 =	vld [tilespmem:s0+$0xF278];
	_ =	sdelay $0x4  }
0x231: {  	[tilespmem:s4+$0xF278] =	vst v0  }
0x232: {  	v0 =	vld [tilespmem:s0+$0xF288];
	_ =	sdelay $0x4  }
0x233: {  	[tilespmem:s4+$0xF288] =	vst v0  }
0x234: {  	v0 =	vld [tilespmem:s0+$0xF298];
	_ =	sdelay $0x4  }
0x235: {  	[tilespmem:s4+$0xF298] =	vst v0  }
0x236: {  	v0 =	vld [tilespmem:s0+$0xF2A8];
	_ =	sdelay $0x4  }
0x237: {  	s2 =	sadd.s32 $0x1, s2;
	[tilespmem:s4+$0xF2A8] =	vst v0  }
.LBB2_48:
0x238: {  	s3 =	sadd.s32 $0x1, s3  }
0x239: {  	p1 =	sne.s32 s3, $0x20  }
.Ltmp32:
0x23a: {  	_ = 	snop;
	(pc) =	sbr.rel @!p1 .LBB2_49-.Ltmp32, $1  }
0x23b: {  	_ =	sdelay $0x3  }
.LBB2_41:
0x23c: {  	v0 =	vld.msk [tilespmem:s3+$0xF218], $0x1;
	_ =	sdelay $0x4  }
0x23d: {  	(v2sf) =	vpush v0, $0x0;
	_ =	sdelay $0xe  }
0x23e: {  	s4 =	spop (v2sf)  }
0x23f: {  	p1 =	seq.s32 s4, $0xFFFFFFFF  }
.Ltmp33:
0x240: {  	_ = 	snop;
	(pc) =	sbr.rel @p1 .LBB2_48-.Ltmp33, $1  }
0x241: {  	_ =	sdelay $0x3  }
0x242: {  	p1 =	slt.s32 s2, $0x1  }
.Ltmp34:
0x243: {  	_ = 	snop;
	(pc) =	sbr.rel @p1 .LBB2_47-.Ltmp34, $1  }
0x244: {  	_ =	sdelay $0x3  }
0x245: {  	s5 =	simm.s32 $0xF218;
	p1 =	por $0x0, $0x0  }
0x246: {  	v1 =	vld.msk @!p1 [tilespmem:s5+$0x0], $0x1;
	_ =	sdelay $0x4  }
0x247: {  	(v2sf) =	vpush @!p1 v1, $0x0;
	_ =	sdelay $0xd  }
0x248: {  	p3 =	sne.s32 s2, $0x1  }
.Ltmp35:
0x249: {  	s0 =	spop @!p1 (v2sf);
	(pc) =	sbr.rel @!p3 .LBB2_45-.Ltmp35, $4  }
0x24a: {  	p2 =	seq.s32 @!p1 s4, s0  }
0x24b: {  	s6 =	simm.s32 $0x0;
	p2 =	por !p2, p1  }
0x24c: {  	s7 =	simm.s32 $0xFFFFFFFF;
	s6 =	simm.s32 @p2 $0xFFFFFFFF  }
0x24d: {  	s0 =	simm.s32 $0x1;
	s6 =	smov.u32 @p1 s7  }
.LBB2_44:
0x24e: {  	s7 =	smov.u32 s6;
	p1 =	sne.s32 s6, $0xFFFFFFFF  }
0x24f: {  	s5 =	sadd.s32 $0x1, s5;
	s6 =	smov.u32 s0;
	s0 =	sadd.s32 $0x1, s0  }
0x250: {  	p2 =	sne.s32 s2, s0;
	v1 =	vld.msk @!p1 [tilespmem:s5+$0x0], $0x1;
	_ =	sdelay $0x4  }
0x251: {  	(v2sf) =	vpush @!p1 v1, $0x0;
	_ =	sdelay $0xe  }
.Ltmp36:
0x252: {  	s8 =	spop @!p1 (v2sf);
	(pc) =	sbr.rel @p2 .LBB2_44-.Ltmp36, $4  }
0x253: {  	p3 =	seq.s32 @!p1 s4, s8  }
0x254: {  	p3 =	por !p3, p1  }
0x255: {  	s6 =	simm.s32 @p3 $0xFFFFFFFF  }
0x256: {  	s6 =	smov.u32 @p1 s7  }
.LBB2_45:
0x257: {  	p1 =	seq.s32 s6, $0xFFFFFFFF  }
.Ltmp37:
0x258: {  	_ = 	snop;
	(pc) =	sbr.rel @p1 .LBB2_47-.Ltmp37, $1  }
0x259: {  	_ =	sdelay $0x3  }
0x25a: {  	s0 =	sshll.u32 s3, $0x7  }
0x25b: {  	s0 =	sand.u32 $0x3FFFFF80, s0  }
0x25c: {  	v0 =	vld [tilespmem:s0+$0xF238];
	_ =	sdelay $0x2  }
0x25d: {  	s4 =	sshll.u32 s6, $0x9  }
0x25e: {  	s4 =	sshra.s32 s4, $0x2  }
0x25f: {  	[tilespmem:s4+$0xF238] =	vst.add.f32.msk $0xffff, v0  }
0x260: {  	v0 =	vld [tilespmem:s0+$0xF248];
	_ =	sdelay $0x4  }
0x261: {  	[tilespmem:s4+$0xF248] =	vst.add.f32.msk $0xffff, v0  }
0x262: {  	v0 =	vld [tilespmem:s0+$0xF258];
	_ =	sdelay $0x4  }
0x263: {  	[tilespmem:s4+$0xF258] =	vst.add.f32.msk $0xffff, v0  }
0x264: {  	v0 =	vld [tilespmem:s0+$0xF268];
	_ =	sdelay $0x4  }
0x265: {  	[tilespmem:s4+$0xF268] =	vst.add.f32.msk $0xffff, v0  }
0x266: {  	v0 =	vld [tilespmem:s0+$0xF278];
	_ =	sdelay $0x4  }
0x267: {  	[tilespmem:s4+$0xF278] =	vst.add.f32.msk $0xffff, v0  }
0x268: {  	v0 =	vld [tilespmem:s0+$0xF288];
	_ =	sdelay $0x4  }
0x269: {  	[tilespmem:s4+$0xF288] =	vst.add.f32.msk $0xffff, v0  }
0x26a: {  	v0 =	vld [tilespmem:s0+$0xF298];
	_ =	sdelay $0x4  }
0x26b: {  	[tilespmem:s4+$0xF298] =	vst.add.f32.msk $0xffff, v0  }
0x26c: {  	v0 =	vld [tilespmem:s0+$0xF2A8]  }
.Ltmp38:
0x26d: {  	_ = 	snop;
	(pc) =	sbr.rel .LBB2_48-.Ltmp38, $2  }
0x26e: {  	_ =	sdelay $0x2  }
0x26f: {  	[tilespmem:s4+$0xF2A8] =	vst.add.f32.msk $0xffff, v0  }
.LBB2_49:
0x270: {  	p1 =	slt.s32 s2, $0x1  }
.Ltmp39:
0x271: {  	_ = 	snop;
	(pc) =	sbr.rel @p1 .LBB2_53-.Ltmp39, $3  }
0x272: {  	_ =	sdelay $0x1  }
0x273: {  	s0 =	simm.s32 $0x8  }
0x274: {  	s3 =	simm.s32 $0x0;
	[sflag:s0] =	ssyncpa.u1 $0x1  }
0x275: {  	s0 =	simm.s32 $0xF218  }
0x276: {  	v0 =	vld.msk [tilespmem:s0+$0x0], $0x1;
	_ =	sdelay $0x4  }
0x277: {  	(v2sf) =	vpush v0, $0x0;
	_ =	sdelay $0xe  }
0x278: {  	s0 =	sadd.s32 $0xFFFFFFFF, s2;
	s5 =	spop (v2sf)  }
0x279: {  	p2 =	sne.s32 s0, $0x0;
	p1 =	sgt.u32 s5, $0x270F0  }
.Ltmp40:
0x27a: {  	s6 =	sand.u32 @!p1 $0x3FFF8, s5;
	(pc) =	sbr.rel @!p2 .LBB2_52-.Ltmp40, $4  }
0x27b: {  	s4 =	simm.s32 $0xF238;
	s5 =	sand.u32 @!p1 $0x7, s5;
	s2 =	sadd.s32 @!p1 s1, s6  }
0x27c: {  	[hbm4b:s2+s5] =	stream.linear.scatter @!p1 [tilespmem:s4], [sflag:$0x7], $0x80, $0x38;
	[tilespmem:$0x1F6F8] =	vst v63  }
0x27d: {  	s5 =	simm.s32 $0x0  }
0x27e: {  	s2 =	simm.s32 $0xF219;
	s5 =	simm.s32 @!p1 $0x200  }
.LBB2_51:
0x27f: {  	v0 =	vld.msk [tilespmem:s2+$0x0], $0x1;
	s0 =	sadd.s32 $0xFFFFFFFF, s0;
	s3 =	sadd.s32 s3, s5  }
0x280: {  	p1 =	sne.s32 s0, $0x0;
	_ =	sdelay $0x3  }
0x281: {  	(v2sf) =	vpush v0, $0x0;
	_ =	sdelay $0xe  }
.Ltmp41:
0x282: {  	s6 =	spop (v2sf);
	(pc) =	sbr.rel @p1 .LBB2_51-.Ltmp41, $4  }
0x283: {  	s5 =	simm.s32 $0x0;
	p2 =	sgt.u32 s6, $0x270F0  }
0x284: {  	s4 =	sadd.s32 $0x80, s4;
	s5 =	simm.s32 @!p2 $0x200;
	s7 =	sand.u32 @!p2 $0x3FFF8, s6  }
0x285: {  	s2 =	sadd.s32 $0x1, s2;
	s6 =	sand.u32 @!p2 $0x7, s6;
	s7 =	sadd.s32 @!p2 s1, s7  }
0x286: {  	[hbm4b:s7+s6] =	stream.linear.scatter @!p2 [tilespmem:s4], [sflag:$0x7], $0x80, $0x38;
	[tilespmem:$0x1F6F8] =	vst v63  }
.LBB2_52:
0x287: {  	s0 =	sadd.s32 s3, s5  }
0x288: {  	s3 =	sshrl.u32 s0, $0x2  }
.LBB2_53:
0x289: {  	s0 =	simm.s32 $0x7  }
0x28a: {  	_ =	swait.ge [sflag:s0], s3  }
0x28b: {  	s1 =	ssub.s32 $0x0, s3;
	[sflag:s0] =	ssyncset.done $0x0  }
0x28c: {  	[sflag:s0] =	ssyncadd.s32 s1  }
0x28d: {  	[sflag:s0] =	ssyncpa.u1 $0x1  }
.LBB2_54:
0x28e: {  	_ =	sfence;
	s0 =	simm.s32 $0x1  }
0x28f: {  	[sflag:s0] =	ssyncpa.u1 $0x1  }
0x290: {  	_ =	strace $0x9000004D  }
0x291: {  	[bflag:$0x2] =	sbarrier.arrive $0xFFFF  }
0x292: {  	s0 =	rddreg [dreg:$0x3]  }
0x293: {  	s0 =	sadd.s32 @!p0 $0x100000, s0  }
0x294: {  	[sflag:s0] =	ssyncadd.tile.s32 @!p0 $0x1;
	_ =	shalt  }
.Lfunc_end2:
_tile_overlayer_lowered:
.L_overlay_start_2:
0x295: {  	(tag) =	ssettag $0x2  }
0x296: {  	s0 =	rddreg [dreg:$0x0];
	s2 =	stileid.u32  }
0x297: {  	s1 =	rddreg [dreg:$0x1];
	p0 =	sne.s32 s2, $0x0  }
0x298: {  	s3 =	rddreg [dreg:$0x2];
	[bflag:$0x3] =	sbarrier.arrive $0xFFFF;
	s2 =	simm.s32 @!p0 $0x1C01  }
0x299: {  	[timem:s3], [sflag:s2] =	dma.local @!p0 [hbm:s0], s1  }
0x29a: {  	s0 =	simm.s32 @!p0 $0x1  }
0x29b: {  	_ =	swait.ge @!p0 [sflag:s0], s1  }
0x29c: {  	s1 =	ssub.s32 @!p0 $0x0, s1;
	[sflag:s0] =	ssyncset.done @!p0 $0x0  }
0x29d: {  	[sflag:s0] =	ssyncadd.s32 @!p0 s1  }
0x29e: {  	[bflag:$0x3] =	sbarrier.arrive $0xFFFF  }
0x29f: {  	_ =	shalt  }

// kernel: scatter_offload_async_start
scs
__scs_entry_jumppad:
0x0: {  	(pc) =	sbr.rel $0x88, $3  }
0x1: {  	(tag) =	ssettag $0x0;
	lr =	simm.s32 $0x1  }
0x2: {  	[smem:$0x3F8F] =	sst lr;
	_ =	strace $0xD0000000  }
0x3: {  	_ = 	snop  }
0x4: {  	_ = 	snop  }
0x5: {  	_ = 	snop  }
0x6: {  	_ = 	snop  }
0x7: {  	_ = 	snop  }
__scs_overlays_trampoline_lowered:
0x8: {  	[smem:$0x3F9E] =	sst s0  }
0x9: {  	[smem:$0x3F9F] =	sst s1  }
0xa: {  	[smem:$0x3FA0] =	sst s2  }
0xb: {  	[smem:$0x3FA1] =	sst s3  }
0xc: {  	[smem:$0x3FA2] =	sst s4  }
0xd: {  	[smem:$0x3FA3] =	sst s5  }
0xe: {  	[smem:$0x3FA4] =	sst s6  }
0xf: {  	[smem:$0x3FA5] =	sst s7  }
0x10: {  	[smem:$0x3FA6] =	sst s8  }
0x11: {  	[smem:$0x3FA7] =	sst s9;
	s0 =	simm.s32 @!p0 $0x0  }
0x12: {  	s1 =	sld [smem:$0x3F8D];
	s0 =	simm.s32 @p0 $0x1  }
0x13: {  	[smem:$0x3FA8] =	sst s0;
	s0 =	simm.s32 @!p1 $0x0  }
0x14: {  	s2 =	sld [smem:$0x3F8C];
	s0 =	simm.s32 @p1 $0x1  }
0x15: {  	[smem:$0x3FA9] =	sst s0;
	s0 =	simm.s32 @!p2 $0x0  }
0x16: {  	s3 =	sld [smem:$0x3FDB];
	s0 =	simm.s32 @p2 $0x1  }
0x17: {  	s4 =	simm.s32 $0x1BF5;
	[smem:$0x3FAB] =	sst s0  }
0x18: {  	s0 =	sld [smem:$0x3F8E];
	_ =	swait.ge [sflag:s4], $0x0  }
0x19: {  	s7 =	sld [smem:$0x3F8F]  }
0x1a: {  	s8 =	sadd.s32 $0xFFFFE003, lr  }
0x1b: {  	s9 =	sadd.s32 $0xFFFFFEF7, lr;
	s5 =	simm.s32 $0xFFFFFFFF;
	p2 =	slt.u32 s8, $0xFFFFF086  }
0x1c: {  	p1 =	slt.u32 s9, $0xF7A;
	s5 =	simm.s32 @!p2 $0x0  }
0x1d: {  	s5 =	simm.s32 @p1 $0x1;
	p0 =	seq.s32 s7, s2  }
0x1e: {  	s7 =	smul.u32 @!p0 $0xF7A, s2;
	p2 =	seq.s32 @!p0 s5, $0x0  }
0x1f: {  	s9 =	smul.u32 $0xF7A, s1;
	s8 =	simm.s32 @!p0 $0x1BF5;
	p2 =	por !p2, p0  }
0x20: {  	[sflag:s8] =	ssyncset.s32 @!p0 $0xFFFFF086;
	s6 =	sadd.s32 @!p0 s3, s7;
	s7 =	simm.s32 @!p0 $0x108  }
0x21: {  	s3 =	sadd.s32 s3, s9;
	s6 =	sadd.s32 @!p0 $0x88, s6;
	s7 =	simm.s32 @p2 $0x1082  }
0x22: {  	[simem:s7], [sflag:s8] =	dma.local @!p0 [hbm:s6], $0xF7A  }
0x23: {  	s9 =	sor.u32 $0xD0000000, s2;
	s6 =	simm.s32 $0x108;
	_ =	swait.ge @!p0 [sflag:s8], $0x0  }
0x24: {  	s3 =	sadd.s32 $0x88, s3;
	s6 =	simm.s32 @!p1 $0x1082;
	[sflag:s4] =	ssyncset.s32 $0xFFFFF086  }
0x25: {  	[simem:s6], [sflag:s4] =	dma.local [hbm:s3], $0xF7A  }
0x26: {  	[smem:$0x3F8F] =	sst s1;
	(tag) =	ssettag s2;
	_ =	strace s9  }
0x27: {  	s1 =	sld [smem:$0x3F9F]  }
0x28: {  	s2 =	sld [smem:$0x3FA0]  }
0x29: {  	s4 =	sld [smem:$0x3FA2]  }
0x2a: {  	p0 =	seq.s32 s5, $0x0;
	s5 =	sld [smem:$0x3FA3]  }
0x2b: {  	s6 =	sld [smem:$0x3FA4]  }
0x2c: {  	s7 =	sld [smem:$0x3FA5]  }
0x2d: {  	s3 =	simm.s32 $0x108;
	s8 =	sld [smem:$0x3FA6]  }
0x2e: {  	s3 =	simm.s32 @!p0 $0x1082;
	s9 =	sld [smem:$0x3FA7]  }
0x2f: {  	lr =	sadd.s32 s0, s3;
	s0 =	sld [smem:$0x3F9E]  }
0x30: {  	s3 =	sld [smem:$0x3FA1]  }
0x31: {  	[smem:$0x3FAA] =	sst s10  }
0x32: {  	s10 =	sld [smem:$0x3FA8];
	_ =	sdelay $0x3  }
0x33: {  	p0 =	seq.s32 s10, $0x1;
	s10 =	sld [smem:$0x3FAA];
	_ =	sdelay $0x3  }
0x34: {  	[smem:$0x3FAA] =	sst s10  }
0x35: {  	s10 =	sld [smem:$0x3FA9];
	_ =	sdelay $0x3  }
0x36: {  	p1 =	seq.s32 s10, $0x1;
	s10 =	sld [smem:$0x3FAA];
	_ =	sdelay $0x3  }
0x37: {  	[smem:$0x3FAA] =	sst s10  }
0x38: {  	s10 =	sld [smem:$0x3FAB]  }
0x39: {  	_ = 	snop;
	(pc) =	sbr.ind lr, $3  }
0x3a: {  	_ = 	snop  }
0x3b: {  	_ = 	snop  }
0x3c: {  	p2 =	seq.s32 s10, $0x1;
	s10 =	sld [smem:$0x3FAA]  }
0x3d: {  	_ =	shalt  }
0x3e: {  	_ =	shalt  }
0x3f: {  	_ =	shalt  }
0x40: {  	_ =	shalt  }
0x41: {  	_ =	shalt  }
0x42: {  	_ =	shalt  }
0x43: {  	_ =	shalt  }
0x44: {  	_ =	shalt  }
0x45: {  	_ =	shalt  }
0x46: {  	_ =	shalt  }
0x47: {  	_ =	shalt  }
0x48: {  	_ =	shalt  }
0x49: {  	_ =	shalt  }
0x4a: {  	_ =	shalt  }
0x4b: {  	_ =	shalt  }
0x4c: {  	_ =	shalt  }
0x4d: {  	_ =	shalt  }
0x4e: {  	_ =	shalt  }
0x4f: {  	_ =	shalt  }
0x50: {  	_ =	shalt  }
0x51: {  	_ =	shalt  }
0x52: {  	_ =	shalt  }
0x53: {  	_ =	shalt  }
0x54: {  	_ =	shalt  }
0x55: {  	_ =	shalt  }
0x56: {  	_ =	shalt  }
0x57: {  	_ =	shalt  }
0x58: {  	_ =	shalt  }
0x59: {  	_ =	shalt  }
0x5a: {  	_ =	shalt  }
0x5b: {  	_ =	shalt  }
0x5c: {  	_ =	shalt  }
0x5d: {  	_ =	shalt  }
0x5e: {  	_ =	shalt  }
0x5f: {  	_ =	shalt  }
0x60: {  	_ =	shalt  }
0x61: {  	_ =	shalt  }
0x62: {  	_ =	shalt  }
0x63: {  	_ =	shalt  }
0x64: {  	_ =	shalt  }
0x65: {  	_ =	shalt  }
0x66: {  	_ =	shalt  }
0x67: {  	_ =	shalt  }
0x68: {  	_ =	shalt  }
0x69: {  	_ =	shalt  }
0x6a: {  	_ =	shalt  }
0x6b: {  	_ =	shalt  }
0x6c: {  	_ =	shalt  }
0x6d: {  	_ =	shalt  }
0x6e: {  	_ =	shalt  }
0x6f: {  	_ =	shalt  }
0x70: {  	_ =	shalt  }
0x71: {  	_ =	shalt  }
0x72: {  	_ =	shalt  }
0x73: {  	_ =	shalt  }
0x74: {  	_ =	shalt  }
0x75: {  	_ =	shalt  }
0x76: {  	_ =	shalt  }
0x77: {  	_ =	shalt  }
0x78: {  	_ =	shalt  }
0x79: {  	_ =	shalt  }
0x7a: {  	_ =	shalt  }
0x7b: {  	_ =	shalt  }
0x7c: {  	_ =	shalt  }
0x7d: {  	_ =	shalt  }
0x7e: {  	_ =	shalt  }
0x7f: {  	_ =	shalt  }
0x80: {  	_ =	shalt  }
0x81: {  	_ =	shalt  }
0x82: {  	_ =	shalt  }
0x83: {  	_ =	shalt  }
0x84: {  	_ =	shalt  }
0x85: {  	_ =	shalt  }
0x86: {  	_ =	shalt  }
0x87: {  	_ =	shalt  }
.Lfunc_end0:
.L_simem_size_0:
called_computation_lowered:
.L_overlay_start_0:
0x88: {  	s2 =	sld [smem:$0x3FD9]  }
0x89: {  	s3 =	sld [smem:$0x3FFE];
	_ =	sdelay $0x1  }
0x8a: {  	s1 =	srdreg.scid  }
0x8b: {  	s0 =	sand.u32 $0x1, s1  }
0x8c: {  	s15 =	sshll.u32 s0, $0xA;
	s2 =	sadd.s32 s3, s2  }
0x8d: {  	s2 =	sadd.s32 s2, s15  }
0x8e: {  	[smem:$0x3FB6] =	sst s2  }
0x8f: {  	_ = 	snop  }
0x90: {  	(tm) =	ssettm $0x1  }
0x91: {  	s16 =	sld [smem:$0x3FFB];
	_ =	sdelay $0x3  }
0x92: {  	_ =	strace s16  }
0x93: {  	s2 =	sld [smem:$0x3FFC];
	_ =	sdelay $0x3  }
0x94: {  	_ =	strace s2  }
0x95: {  	s2 =	sld [smem:$0x3FFD];
	_ =	sdelay $0x3  }
0x96: {  	_ =	strace s2  }
0x97: {  	_ =	strace $0x8FFFFFFF  }
0x98: {  	s17 =	sld [smem:$0x3FDB];
	_ =	sdelay $0x1  }
0x99: {  	s18 =	simm.s32 $_scs_section_size  }
0x9a: {  	s4 =	simm.s32 $_size__tile_overlayer_lowered;
	s5 =	simm.s32 $_tile_overlayer_lowered  }
0x9b: {  	s21 =	simm.s32 $0x1BFF;
	s20 =	sshll.u32 s5, $0x1;
	s2 =	sadd.s32 s18, s17  }
0x9c: {  	s6 =	simm.s32 $0x0;
	s19 =	sshll.u32 s4, $0x1;
	s4 =	sadd.s32 s20, s2  }
0x9d: {  	[timem:s6], [sflag:s21] =	dma.local [hbm:s4], s19  }
0x9e: {  	_ =	swait.ge [sflag:s21], s19  }
0x9f: {  	s3 =	ssub.s32 $0x0, s19;
	[sflag:s21] =	ssyncset.done $0x0  }
0xa0: {  	[sflag:s21] =	ssyncadd.s32 s3;
	_ =	sdelay $0x1  }
0xa1: {  	s22 =	simm.s32 $0x1B8B  }
0xa2: {  	_ =	swait.ge [sflag:s22], $0x1  }
0xa3: {  	[sflag:s22] =	ssyncset.done $0x0  }
0xa4: {  	s23 =	sld [smem:$0x3FFE];
	[sflag:s22] =	ssyncadd.s32 $0xFFFFFFFF  }
0xa5: {  	s25 =	simm.s32 $0x1B8E;
	s24 =	sld [smem:$0x0]  }
0xa6: {  	s26 =	simm.s32 $execute0_lowered;
	[smem:$0x3FD2] =	sst s25  }
0xa7: {  	s5 =	sshll.u32 s26, $0x1;
	_ =	strace $0x80000049;
	[dreg:$0x1] =	wrdreg $0xFFFFFFFF  }
0xa8: {  	s28 =	simm.s32 $_size_execute0_lowered;
	s2 =	sadd.s32 s2, s5;
	[dreg:$0x0] =	wrdreg $0x0  }
0xa9: {  	s5 =	sshll.u32 s28, $0x1;
	[dreg:$0x2] =	wrdreg s2  }
0xaa: {  	[dreg:$0x3] =	wrdreg s5  }
0xab: {  	[dreg:$0x4] =	wrdreg $0xC0  }
0xac: {  	_ =	task [dreg:s6], $0x5FFFF  }
0xad: {  	[dreg:$0x1] =	wrdreg $0xFFFFFFFF  }
0xae: {  	[dreg:$0x0] =	wrdreg $0x60  }
0xaf: {  	[dreg:$0x2] =	wrdreg s23  }
0xb0: {  	[dreg:$0x3] =	wrdreg s1  }
0xb1: {  	[dreg:$0x4] =	wrdreg s24  }
0xb2: {  	[dreg:$0x5] =	wrdreg $0x9  }
0xb3: {  	_ =	task.clear_ibuf [dreg:s6], $0x6FFFF;
	_ =	strace $0x90000049  }
0xb4: {  	s29 =	simm.s32 $0x9;
	_ =	strace $0x8000004B  }
0xb5: {  	_ =	swait.ge [sflag:s29], $0x1  }
0xb6: {  	[sflag:s29] =	ssyncadd.s32 $0xFFFFFFFF  }
0xb7: {  	_ =	strace $0x9000004B  }
0xb8: {  	_ =	sfence  }
0xb9: {  	s30 =	sld [smem:$0x0];
	_ =	sdelay $0x2  }
0xba: {  	s31 =	sshll.u32 s1, $0xD;
	s1 =	sshrl.u32 s1, $0x2  }
0xbb: {  	s3 =	sand.u32 $0x4000, s31;
	s1 =	sadd.s32 s1, s30  }
0xbc: {  	s0 =	sor.u32 s3, s0;
	s1 =	sshll.u32 s1, $0x11  }
0xbd: {  	s0 =	sor.u32 s1, s0  }
0xbe: {  	s0 =	sadd.s32 $0x8F2B, s0  }
0xbf: {  	[sflag:s0] =	ssyncadd.remote.s32 $0x1  }
0xc0: {  	_ =	sfence.sel $0xFFFF  }
0xc1: {  	[dreg:$0x0] =	wrdreg $0xFFFFFFFF;
	(pc) =	sbr.abs _section_cstart, $3  }
0xc2: {  	[dreg:$0x1] =	wrdreg $0xFFFFFFFF  }
0xc3: {  	_ =	task.clear_ibuf [dreg:s6], $0x2FFFF;
	_ =	strace $0x9FFFFFFF  }
0xc4: {  	(tm) =	ssettm $0x7FFFFFFF  }
0xc5: {  	_ =	shalt  }
tec
execute0_lowered:
.L_overlay_start_1:
0x0: {  	(tag) =	ssettag $0x1  }
0x1: {  	s11 =	rddreg [dreg:$0x0]  }
0x2: {  	s2 =	rddreg [dreg:$0x1];
	_ =	strace $0x8000004A;
	s12 =	simm.s32 $0x1  }
0x3: {  	v0 =	vimm.s32 $0x0;
	[sflag:s12] =	ssyncpa.u1 $0x0  }
0x4: {  	[tilespmem:$0x28] =	vst v0  }
0x5: {  	[tilespmem:$0x38] =	vst v0  }
0x6: {  	[tilespmem:$0x48] =	vst v0  }
0x7: {  	[tilespmem:$0x58] =	vst v0  }
0x8: {  	[tilespmem:$0x68] =	vst v0  }
0x9: {  	[tilespmem:$0x78] =	vst v0  }
0xa: {  	[tilespmem:$0x88] =	vst v0  }
0xb: {  	[tilespmem:$0x98] =	vst v0  }
0xc: {  	[tilespmem:$0xA8] =	vst v0  }
0xd: {  	[tilespmem:$0xB8] =	vst v0  }
0xe: {  	[tilespmem:$0xC8] =	vst v0  }
0xf: {  	[tilespmem:$0xD8] =	vst v0  }
0x10: {  	[tilespmem:$0xE8] =	vst v0  }
0x11: {  	[tilespmem:$0xF8] =	vst v0  }
0x12: {  	[tilespmem:$0x108] =	vst v0  }
0x13: {  	[tilespmem:$0x118] =	vst v0  }
0x14: {  	[tilespmem:$0x128] =	vst v0  }
0x15: {  	[tilespmem:$0x138] =	vst v0  }
0x16: {  	[tilespmem:$0x148] =	vst v0  }
0x17: {  	[tilespmem:$0x158] =	vst v0  }
0x18: {  	[tilespmem:$0x168] =	vst v0  }
0x19: {  	[tilespmem:$0x178] =	vst v0  }
0x1a: {  	[tilespmem:$0x188] =	vst v0  }
0x1b: {  	[tilespmem:$0x198] =	vst v0  }
0x1c: {  	[tilespmem:$0x1A8] =	vst v0  }
0x1d: {  	[tilespmem:$0x1B8] =	vst v0  }
0x1e: {  	[tilespmem:$0x1C8] =	vst v0  }
0x1f: {  	[tilespmem:$0x1D8] =	vst v0  }
0x20: {  	[tilespmem:$0x1E8] =	vst v0  }
0x21: {  	[tilespmem:$0x1F8] =	vst v0  }
0x22: {  	[tilespmem:$0x208] =	vst v0  }
0x23: {  	[tilespmem:$0x218] =	vst v0  }
0x24: {  	[tilespmem:$0x228] =	vst v0  }
0x25: {  	[tilespmem:$0x238] =	vst v0  }
0x26: {  	[tilespmem:$0x248] =	vst v0  }
0x27: {  	[tilespmem:$0x258] =	vst v0  }
0x28: {  	[tilespmem:$0x268] =	vst v0  }
0x29: {  	[tilespmem:$0x278] =	vst v0  }
0x2a: {  	[tilespmem:$0x288] =	vst v0  }
0x2b: {  	[tilespmem:$0x298] =	vst v0  }
0x2c: {  	[tilespmem:$0x2A8] =	vst v0  }
0x2d: {  	[tilespmem:$0x2B8] =	vst v0  }
0x2e: {  	[tilespmem:$0x2C8] =	vst v0  }
0x2f: {  	[tilespmem:$0x2D8] =	vst v0  }
0x30: {  	[tilespmem:$0x2E8] =	vst v0  }
0x31: {  	[tilespmem:$0x2F8] =	vst v0  }
0x32: {  	[tilespmem:$0x308] =	vst v0  }
0x33: {  	[tilespmem:$0x318] =	vst v0  }
0x34: {  	[tilespmem:$0x328] =	vst v0  }
0x35: {  	[tilespmem:$0x338] =	vst v0  }
0x36: {  	[tilespmem:$0x348] =	vst v0  }
0x37: {  	[tilespmem:$0x358] =	vst v0  }
0x38: {  	[tilespmem:$0x368] =	vst v0  }
0x39: {  	[tilespmem:$0x378] =	vst v0  }
0x3a: {  	[tilespmem:$0x388] =	vst v0  }
0x3b: {  	[tilespmem:$0x398] =	vst v0  }
0x3c: {  	[tilespmem:$0x3A8] =	vst v0  }
0x3d: {  	[tilespmem:$0x3B8] =	vst v0  }
0x3e: {  	[tilespmem:$0x3C8] =	vst v0  }
0x3f: {  	[tilespmem:$0x3D8] =	vst v0  }
0x40: {  	[tilespmem:$0x3E8] =	vst v0  }
0x41: {  	[tilespmem:$0x3F8] =	vst v0  }
0x42: {  	[tilespmem:$0x408] =	vst v0  }
0x43: {  	[tilespmem:$0x418] =	vst v0  }
0x44: {  	[tilespmem:$0x428] =	vst v0  }
0x45: {  	[tilespmem:$0x438] =	vst v0  }
0x46: {  	[tilespmem:$0x448] =	vst v0  }
0x47: {  	[tilespmem:$0x458] =	vst v0  }
0x48: {  	[tilespmem:$0x468] =	vst v0  }
0x49: {  	[tilespmem:$0x478] =	vst v0  }
0x4a: {  	[tilespmem:$0x488] =	vst v0  }
0x4b: {  	[tilespmem:$0x498] =	vst v0  }
0x4c: {  	[tilespmem:$0x4A8] =	vst v0  }
0x4d: {  	[tilespmem:$0x4B8] =	vst v0  }
0x4e: {  	[tilespmem:$0x4C8] =	vst v0  }
0x4f: {  	[tilespmem:$0x4D8] =	vst v0  }
0x50: {  	[tilespmem:$0x4E8] =	vst v0  }
0x51: {  	[tilespmem:$0x4F8] =	vst v0  }
0x52: {  	[tilespmem:$0x508] =	vst v0  }
0x53: {  	[tilespmem:$0x518] =	vst v0  }
0x54: {  	[tilespmem:$0x528] =	vst v0  }
0x55: {  	[tilespmem:$0x538] =	vst v0  }
0x56: {  	[tilespmem:$0x548] =	vst v0  }
0x57: {  	[tilespmem:$0x558] =	vst v0  }
0x58: {  	[tilespmem:$0x568] =	vst v0  }
0x59: {  	[tilespmem:$0x578] =	vst v0  }
0x5a: {  	[tilespmem:$0x588] =	vst v0  }
0x5b: {  	[tilespmem:$0x598] =	vst v0  }
0x5c: {  	[tilespmem:$0x5A8] =	vst v0  }
0x5d: {  	[tilespmem:$0x5B8] =	vst v0  }
0x5e: {  	[tilespmem:$0x5C8] =	vst v0  }
0x5f: {  	[tilespmem:$0x5D8] =	vst v0  }
0x60: {  	[tilespmem:$0x5E8] =	vst v0  }
0x61: {  	[tilespmem:$0x5F8] =	vst v0  }
0x62: {  	[tilespmem:$0x608] =	vst v0  }
0x63: {  	[tilespmem:$0x618] =	vst v0  }
0x64: {  	[tilespmem:$0x628] =	vst v0  }
0x65: {  	[tilespmem:$0x638] =	vst v0  }
0x66: {  	[tilespmem:$0x648] =	vst v0  }
0x67: {  	[tilespmem:$0x658] =	vst v0  }
0x68: {  	[tilespmem:$0x668] =	vst v0  }
0x69: {  	[tilespmem:$0x678] =	vst v0  }
0x6a: {  	[tilespmem:$0x688] =	vst v0  }
0x6b: {  	[tilespmem:$0x698] =	vst v0  }
0x6c: {  	[tilespmem:$0x6A8] =	vst v0  }
0x6d: {  	[tilespmem:$0x6B8] =	vst v0  }
0x6e: {  	[tilespmem:$0x6C8] =	vst v0  }
0x6f: {  	[tilespmem:$0x6D8] =	vst v0  }
0x70: {  	[tilespmem:$0x6E8] =	vst v0  }
0x71: {  	[tilespmem:$0x6F8] =	vst v0  }
0x72: {  	[tilespmem:$0x708] =	vst v0  }
0x73: {  	[tilespmem:$0x718] =	vst v0  }
0x74: {  	[tilespmem:$0x728] =	vst v0  }
0x75: {  	[tilespmem:$0x738] =	vst v0  }
0x76: {  	[tilespmem:$0x748] =	vst v0  }
0x77: {  	[tilespmem:$0x758] =	vst v0  }
0x78: {  	[tilespmem:$0x768] =	vst v0  }
0x79: {  	[tilespmem:$0x778] =	vst v0  }
0x7a: {  	[tilespmem:$0x788] =	vst v0  }
0x7b: {  	[tilespmem:$0x798] =	vst v0  }
0x7c: {  	[tilespmem:$0x7A8] =	vst v0  }
0x7d: {  	[tilespmem:$0x7B8] =	vst v0  }
0x7e: {  	[tilespmem:$0x7C8] =	vst v0  }
0x7f: {  	[tilespmem:$0x7D8] =	vst v0  }
0x80: {  	[tilespmem:$0x7E8] =	vst v0  }
0x81: {  	[tilespmem:$0x7F8] =	vst v0  }
0x82: {  	[tilespmem:$0x808] =	vst v0  }
0x83: {  	[tilespmem:$0x818] =	vst v0  }
0x84: {  	[tilespmem:$0x828] =	vst v0  }
0x85: {  	[tilespmem:$0x838] =	vst v0  }
0x86: {  	[tilespmem:$0x848] =	vst v0  }
0x87: {  	[tilespmem:$0x858] =	vst v0  }
0x88: {  	[tilespmem:$0x868] =	vst v0  }
0x89: {  	[tilespmem:$0x878] =	vst v0  }
0x8a: {  	[tilespmem:$0x888] =	vst v0  }
0x8b: {  	[tilespmem:$0x898] =	vst v0  }
0x8c: {  	[tilespmem:$0x8A8] =	vst v0  }
0x8d: {  	[tilespmem:$0x8B8] =	vst v0  }
0x8e: {  	[tilespmem:$0x8C8] =	vst v0  }
0x8f: {  	[tilespmem:$0x8D8] =	vst v0  }
0x90: {  	[tilespmem:$0x8E8] =	vst v0  }
0x91: {  	[tilespmem:$0x8F8] =	vst v0  }
0x92: {  	[tilespmem:$0x908] =	vst v0  }
0x93: {  	[tilespmem:$0x918] =	vst v0  }
0x94: {  	[tilespmem:$0x928] =	vst v0  }
0x95: {  	[tilespmem:$0x938] =	vst v0  }
0x96: {  	[tilespmem:$0x948] =	vst v0  }
0x97: {  	[tilespmem:$0x958] =	vst v0  }
0x98: {  	[tilespmem:$0x968] =	vst v0  }
0x99: {  	[tilespmem:$0x978] =	vst v0  }
0x9a: {  	[tilespmem:$0x988] =	vst v0  }
0x9b: {  	[tilespmem:$0x998] =	vst v0  }
0x9c: {  	[tilespmem:$0x9A8] =	vst v0  }
0x9d: {  	[tilespmem:$0x9B8] =	vst v0  }
0x9e: {  	[tilespmem:$0x9C8] =	vst v0  }
0x9f: {  	[tilespmem:$0x9D8] =	vst v0  }
0xa0: {  	[tilespmem:$0x9E8] =	vst v0  }
0xa1: {  	[tilespmem:$0x9F8] =	vst v0  }
0xa2: {  	[tilespmem:$0xA08] =	vst v0  }
0xa3: {  	[tilespmem:$0xA18] =	vst v0  }
0xa4: {  	[tilespmem:$0xA28] =	vst v0  }
0xa5: {  	[tilespmem:$0xA38] =	vst v0  }
0xa6: {  	[tilespmem:$0xA48] =	vst v0  }
0xa7: {  	[tilespmem:$0xA58] =	vst v0  }
0xa8: {  	[tilespmem:$0xA68] =	vst v0  }
0xa9: {  	[tilespmem:$0xA78] =	vst v0  }
0xaa: {  	[tilespmem:$0xA88] =	vst v0  }
0xab: {  	[tilespmem:$0xA98] =	vst v0  }
0xac: {  	[tilespmem:$0xAA8] =	vst v0  }
0xad: {  	[tilespmem:$0xAB8] =	vst v0  }
0xae: {  	[tilespmem:$0xAC8] =	vst v0  }
0xaf: {  	[tilespmem:$0xAD8] =	vst v0  }
0xb0: {  	[tilespmem:$0xAE8] =	vst v0  }
0xb1: {  	[tilespmem:$0xAF8] =	vst v0  }
0xb2: {  	[tilespmem:$0xB08] =	vst v0  }
0xb3: {  	[tilespmem:$0xB18] =	vst v0  }
0xb4: {  	[tilespmem:$0xB28] =	vst v0  }
0xb5: {  	[tilespmem:$0xB38] =	vst v0  }
0xb6: {  	[tilespmem:$0xB48] =	vst v0  }
0xb7: {  	[tilespmem:$0xB58] =	vst v0  }
0xb8: {  	[tilespmem:$0xB68] =	vst v0  }
0xb9: {  	[tilespmem:$0xB78] =	vst v0  }
0xba: {  	[tilespmem:$0xB88] =	vst v0  }
0xbb: {  	[tilespmem:$0xB98] =	vst v0  }
0xbc: {  	[tilespmem:$0xBA8] =	vst v0  }
0xbd: {  	[tilespmem:$0xBB8] =	vst v0  }
0xbe: {  	[tilespmem:$0xBC8] =	vst v0  }
0xbf: {  	[tilespmem:$0xBD8] =	vst v0  }
0xc0: {  	[tilespmem:$0xBE8] =	vst v0  }
0xc1: {  	[tilespmem:$0xBF8] =	vst v0  }
0xc2: {  	[tilespmem:$0xC08] =	vst v0  }
0xc3: {  	[tilespmem:$0xC18] =	vst v0  }
0xc4: {  	[tilespmem:$0xC28] =	vst v0  }
0xc5: {  	[tilespmem:$0xC38] =	vst v0  }
0xc6: {  	[tilespmem:$0xC48] =	vst v0  }
0xc7: {  	[tilespmem:$0xC58] =	vst v0  }
0xc8: {  	[tilespmem:$0xC68] =	vst v0  }
0xc9: {  	[tilespmem:$0xC78] =	vst v0  }
0xca: {  	[tilespmem:$0xC88] =	vst v0  }
0xcb: {  	[tilespmem:$0xC98] =	vst v0  }
0xcc: {  	[tilespmem:$0xCA8] =	vst v0  }
0xcd: {  	[tilespmem:$0xCB8] =	vst v0  }
0xce: {  	[tilespmem:$0xCC8] =	vst v0  }
0xcf: {  	[tilespmem:$0xCD8] =	vst v0  }
0xd0: {  	[tilespmem:$0xCE8] =	vst v0  }
0xd1: {  	[tilespmem:$0xCF8] =	vst v0  }
0xd2: {  	[tilespmem:$0xD08] =	vst v0  }
0xd3: {  	[tilespmem:$0xD18] =	vst v0  }
0xd4: {  	[tilespmem:$0xD28] =	vst v0  }
0xd5: {  	[tilespmem:$0xD38] =	vst v0  }
0xd6: {  	[tilespmem:$0xD48] =	vst v0  }
0xd7: {  	[tilespmem:$0xD58] =	vst v0  }
0xd8: {  	[tilespmem:$0xD68] =	vst v0  }
0xd9: {  	[tilespmem:$0xD78] =	vst v0  }
0xda: {  	[tilespmem:$0xD88] =	vst v0  }
0xdb: {  	[tilespmem:$0xD98] =	vst v0  }
0xdc: {  	[tilespmem:$0xDA8] =	vst v0  }
0xdd: {  	[tilespmem:$0xDB8] =	vst v0  }
0xde: {  	[tilespmem:$0xDC8] =	vst v0  }
0xdf: {  	[tilespmem:$0xDD8] =	vst v0  }
0xe0: {  	[tilespmem:$0xDE8] =	vst v0  }
0xe1: {  	[tilespmem:$0xDF8] =	vst v0  }
0xe2: {  	[tilespmem:$0xE08] =	vst v0  }
0xe3: {  	[tilespmem:$0xE18] =	vst v0  }
0xe4: {  	[tilespmem:$0xE28] =	vst v0  }
0xe5: {  	[tilespmem:$0xE38] =	vst v0  }
0xe6: {  	[tilespmem:$0xE48] =	vst v0  }
0xe7: {  	[tilespmem:$0xE58] =	vst v0  }
0xe8: {  	[tilespmem:$0xE68] =	vst v0  }
0xe9: {  	[tilespmem:$0xE78] =	vst v0  }
0xea: {  	[tilespmem:$0xE88] =	vst v0  }
0xeb: {  	[tilespmem:$0xE98] =	vst v0  }
0xec: {  	[tilespmem:$0xEA8] =	vst v0  }
0xed: {  	[tilespmem:$0xEB8] =	vst v0  }
0xee: {  	[tilespmem:$0xEC8] =	vst v0  }
0xef: {  	[tilespmem:$0xED8] =	vst v0  }
0xf0: {  	[tilespmem:$0xEE8] =	vst v0  }
0xf1: {  	[tilespmem:$0xEF8] =	vst v0  }
0xf2: {  	[tilespmem:$0xF08] =	vst v0  }
0xf3: {  	[tilespmem:$0xF18] =	vst v0  }
0xf4: {  	[tilespmem:$0xF28] =	vst v0  }
0xf5: {  	[tilespmem:$0xF38] =	vst v0  }
0xf6: {  	[tilespmem:$0xF48] =	vst v0  }
0xf7: {  	[tilespmem:$0xF58] =	vst v0  }
0xf8: {  	[tilespmem:$0xF68] =	vst v0  }
0xf9: {  	[tilespmem:$0xF78] =	vst v0  }
0xfa: {  	[tilespmem:$0xF88] =	vst v0  }
0xfb: {  	[tilespmem:$0xF98] =	vst v0  }
0xfc: {  	[tilespmem:$0xFA8] =	vst v0  }
0xfd: {  	[tilespmem:$0xFB8] =	vst v0  }
0xfe: {  	[tilespmem:$0xFC8] =	vst v0  }
0xff: {  	[tilespmem:$0xFD8] =	vst v0  }
0x100: {  	[tilespmem:$0xFE8] =	vst v0  }
0x101: {  	[tilespmem:$0xFF8] =	vst v0  }
0x102: {  	[tilespmem:$0x1028] =	vst v0  }
0x103: {  	[tilespmem:$0x10E8] =	vst v0  }
0x104: {  	[tilespmem:$0x1068] =	vst v0  }
0x105: {  	[tilespmem:$0x1B28] =	vst v0  }
0x106: {  	[tilespmem:$0x1B18] =	vst v0  }
0x107: {  	[tilespmem:$0x1B08] =	vst v0  }
0x108: {  	[tilespmem:$0x1AF8] =	vst v0  }
0x109: {  	[tilespmem:$0x1AE8] =	vst v0  }
0x10a: {  	[tilespmem:$0x1AD8] =	vst v0  }
0x10b: {  	[tilespmem:$0x1AC8] =	vst v0  }
0x10c: {  	[tilespmem:$0x1AB8] =	vst v0  }
0x10d: {  	[tilespmem:$0x1AA8] =	vst v0  }
0x10e: {  	[tilespmem:$0x1A98] =	vst v0  }
0x10f: {  	[tilespmem:$0x1A88] =	vst v0  }
0x110: {  	[tilespmem:$0x1A78] =	vst v0  }
0x111: {  	[tilespmem:$0x1A68] =	vst v0  }
0x112: {  	[tilespmem:$0x1A58] =	vst v0  }
0x113: {  	[tilespmem:$0x1A48] =	vst v0  }
0x114: {  	[tilespmem:$0x1A38] =	vst v0  }
0x115: {  	[tilespmem:$0x1A28] =	vst v0  }
0x116: {  	[tilespmem:$0x1A18] =	vst v0  }
0x117: {  	[tilespmem:$0x1A08] =	vst v0  }
0x118: {  	[tilespmem:$0x19F8] =	vst v0  }
0x119: {  	[tilespmem:$0x19E8] =	vst v0  }
0x11a: {  	[tilespmem:$0x19D8] =	vst v0  }
0x11b: {  	[tilespmem:$0x19C8] =	vst v0  }
0x11c: {  	[tilespmem:$0x19B8] =	vst v0  }
0x11d: {  	[tilespmem:$0x19A8] =	vst v0  }
0x11e: {  	[tilespmem:$0x1998] =	vst v0  }
0x11f: {  	[tilespmem:$0x1988] =	vst v0  }
0x120: {  	[tilespmem:$0x1978] =	vst v0  }
0x121: {  	[tilespmem:$0x1968] =	vst v0  }
0x122: {  	[tilespmem:$0x1958] =	vst v0  }
0x123: {  	[tilespmem:$0x1948] =	vst v0  }
0x124: {  	[tilespmem:$0x1938] =	vst v0  }
0x125: {  	[tilespmem:$0x1928] =	vst v0  }
0x126: {  	[tilespmem:$0x1918] =	vst v0  }
0x127: {  	[tilespmem:$0x1908] =	vst v0  }
0x128: {  	[tilespmem:$0x18F8] =	vst v0  }
0x129: {  	[tilespmem:$0x18E8] =	vst v0  }
0x12a: {  	[tilespmem:$0x18D8] =	vst v0  }
0x12b: {  	[tilespmem:$0x18C8] =	vst v0  }
0x12c: {  	[tilespmem:$0x18B8] =	vst v0  }
0x12d: {  	[tilespmem:$0x18A8] =	vst v0  }
0x12e: {  	[tilespmem:$0x1898] =	vst v0  }
0x12f: {  	[tilespmem:$0x1888] =	vst v0  }
0x130: {  	[tilespmem:$0x1878] =	vst v0  }
0x131: {  	[tilespmem:$0x1868] =	vst v0  }
0x132: {  	[tilespmem:$0x1858] =	vst v0  }
0x133: {  	[tilespmem:$0x1848] =	vst v0  }
0x134: {  	[tilespmem:$0x1838] =	vst v0  }
0x135: {  	[tilespmem:$0x1828] =	vst v0  }
0x136: {  	[tilespmem:$0x1818] =	vst v0  }
0x137: {  	[tilespmem:$0x1808] =	vst v0  }
0x138: {  	[tilespmem:$0x17F8] =	vst v0  }
0x139: {  	[tilespmem:$0x17E8] =	vst v0  }
0x13a: {  	[tilespmem:$0x17D8] =	vst v0  }
0x13b: {  	[tilespmem:$0x17C8] =	vst v0  }
0x13c: {  	[tilespmem:$0x17B8] =	vst v0  }
0x13d: {  	[tilespmem:$0x17A8] =	vst v0  }
0x13e: {  	[tilespmem:$0x1798] =	vst v0  }
0x13f: {  	[tilespmem:$0x1788] =	vst v0  }
0x140: {  	[tilespmem:$0x1778] =	vst v0  }
0x141: {  	[tilespmem:$0x1768] =	vst v0  }
0x142: {  	[tilespmem:$0x1758] =	vst v0  }
0x143: {  	[tilespmem:$0x1748] =	vst v0  }
0x144: {  	[tilespmem:$0x1738] =	vst v0  }
0x145: {  	[tilespmem:$0x1728] =	vst v0  }
0x146: {  	[tilespmem:$0x1718] =	vst v0  }
0x147: {  	[tilespmem:$0x1708] =	vst v0  }
0x148: {  	[tilespmem:$0x16F8] =	vst v0  }
0x149: {  	[tilespmem:$0x16E8] =	vst v0  }
0x14a: {  	[tilespmem:$0x16D8] =	vst v0  }
0x14b: {  	[tilespmem:$0x16C8] =	vst v0  }
0x14c: {  	[tilespmem:$0x16B8] =	vst v0  }
0x14d: {  	[tilespmem:$0x16A8] =	vst v0  }
0x14e: {  	[tilespmem:$0x1698] =	vst v0  }
0x14f: {  	[tilespmem:$0x1688] =	vst v0  }
0x150: {  	[tilespmem:$0x1678] =	vst v0  }
0x151: {  	[tilespmem:$0x1668] =	vst v0  }
0x152: {  	[tilespmem:$0x1658] =	vst v0  }
0x153: {  	[tilespmem:$0x1648] =	vst v0  }
0x154: {  	[tilespmem:$0x1638] =	vst v0  }
0x155: {  	[tilespmem:$0x1628] =	vst v0  }
0x156: {  	[tilespmem:$0x1618] =	vst v0  }
0x157: {  	[tilespmem:$0x1608] =	vst v0  }
0x158: {  	[tilespmem:$0x15F8] =	vst v0  }
0x159: {  	[tilespmem:$0x15E8] =	vst v0  }
0x15a: {  	[tilespmem:$0x15D8] =	vst v0  }
0x15b: {  	[tilespmem:$0x15C8] =	vst v0  }
0x15c: {  	[tilespmem:$0x15B8] =	vst v0  }
0x15d: {  	[tilespmem:$0x15A8] =	vst v0  }
0x15e: {  	[tilespmem:$0x1598] =	vst v0  }
0x15f: {  	[tilespmem:$0x1588] =	vst v0  }
0x160: {  	[tilespmem:$0x1578] =	vst v0  }
0x161: {  	[tilespmem:$0x1568] =	vst v0  }
0x162: {  	[tilespmem:$0x1558] =	vst v0  }
0x163: {  	[tilespmem:$0x1548] =	vst v0  }
0x164: {  	[tilespmem:$0x1538] =	vst v0  }
0x165: {  	[tilespmem:$0x1528] =	vst v0  }
0x166: {  	[tilespmem:$0x1518] =	vst v0  }
0x167: {  	[tilespmem:$0x1508] =	vst v0  }
0x168: {  	[tilespmem:$0x14F8] =	vst v0  }
0x169: {  	[tilespmem:$0x14E8] =	vst v0  }
0x16a: {  	[tilespmem:$0x14D8] =	vst v0  }
0x16b: {  	[tilespmem:$0x14C8] =	vst v0  }
0x16c: {  	[tilespmem:$0x14B8] =	vst v0  }
0x16d: {  	[tilespmem:$0x14A8] =	vst v0  }
0x16e: {  	[tilespmem:$0x1498] =	vst v0  }
0x16f: {  	[tilespmem:$0x1488] =	vst v0  }
0x170: {  	[tilespmem:$0x1478] =	vst v0  }
0x171: {  	[tilespmem:$0x1468] =	vst v0  }
0x172: {  	[tilespmem:$0x1458] =	vst v0  }
0x173: {  	[tilespmem:$0x1448] =	vst v0  }
0x174: {  	[tilespmem:$0x1438] =	vst v0  }
0x175: {  	[tilespmem:$0x1428] =	vst v0  }
0x176: {  	[tilespmem:$0x1418] =	vst v0  }
0x177: {  	[tilespmem:$0x1408] =	vst v0  }
0x178: {  	[tilespmem:$0x13F8] =	vst v0  }
0x179: {  	[tilespmem:$0x13E8] =	vst v0  }
0x17a: {  	[tilespmem:$0x13D8] =	vst v0  }
0x17b: {  	[tilespmem:$0x13C8] =	vst v0  }
0x17c: {  	[tilespmem:$0x13B8] =	vst v0  }
0x17d: {  	[tilespmem:$0x13A8] =	vst v0  }
0x17e: {  	[tilespmem:$0x1398] =	vst v0  }
0x17f: {  	[tilespmem:$0x1388] =	vst v0  }
0x180: {  	[tilespmem:$0x1378] =	vst v0  }
0x181: {  	[tilespmem:$0x1368] =	vst v0  }
0x182: {  	[tilespmem:$0x1358] =	vst v0  }
0x183: {  	[tilespmem:$0x1348] =	vst v0  }
0x184: {  	[tilespmem:$0x1338] =	vst v0  }
0x185: {  	[tilespmem:$0x1328] =	vst v0  }
0x186: {  	[tilespmem:$0x1318] =	vst v0  }
0x187: {  	[tilespmem:$0x1308] =	vst v0  }
0x188: {  	[tilespmem:$0x12F8] =	vst v0  }
0x189: {  	[tilespmem:$0x12E8] =	vst v0  }
0x18a: {  	[tilespmem:$0x12D8] =	vst v0  }
0x18b: {  	[tilespmem:$0x12C8] =	vst v0  }
0x18c: {  	[tilespmem:$0x12B8] =	vst v0  }
0x18d: {  	[tilespmem:$0x12A8] =	vst v0  }
0x18e: {  	[tilespmem:$0x1298] =	vst v0  }
0x18f: {  	[tilespmem:$0x1288] =	vst v0  }
0x190: {  	[tilespmem:$0x1278] =	vst v0  }
0x191: {  	[tilespmem:$0x1268] =	vst v0  }
0x192: {  	[tilespmem:$0x1258] =	vst v0  }
0x193: {  	[tilespmem:$0x1248] =	vst v0  }
0x194: {  	[tilespmem:$0x1238] =	vst v0  }
0x195: {  	[tilespmem:$0x1228] =	vst v0  }
0x196: {  	[tilespmem:$0x1218] =	vst v0  }
0x197: {  	[tilespmem:$0x1208] =	vst v0  }
0x198: {  	[tilespmem:$0x11F8] =	vst v0  }
0x199: {  	[tilespmem:$0x11E8] =	vst v0  }
0x19a: {  	[tilespmem:$0x11D8] =	vst v0  }
0x19b: {  	[tilespmem:$0x11C8] =	vst v0  }
0x19c: {  	[tilespmem:$0x11B8] =	vst v0  }
0x19d: {  	[tilespmem:$0x11A8] =	vst v0  }
0x19e: {  	[tilespmem:$0x1198] =	vst v0  }
0x19f: {  	[tilespmem:$0x1188] =	vst v0  }
0x1a0: {  	[tilespmem:$0x1178] =	vst v0  }
0x1a1: {  	[tilespmem:$0x1168] =	vst v0  }
0x1a2: {  	[tilespmem:$0x1158] =	vst v0  }
0x1a3: {  	[tilespmem:$0x1148] =	vst v0  }
0x1a4: {  	[tilespmem:$0x1138] =	vst v0  }
0x1a5: {  	[tilespmem:$0x1128] =	vst v0  }
0x1a6: {  	[tilespmem:$0x1118] =	vst v0  }
0x1a7: {  	s4 =	stileid.u32;
	[tilespmem:$0x1108] =	vst v0  }
0x1a8: {  	s0 =	smul.u32 $0x17, s4;
	[tilespmem:$0x10F8] =	vst v0  }
0x1a9: {  	s1 =	smin.u32 s4, $0x3;
	[tilespmem:$0x10C8] =	vst v0  }
0x1aa: {  	[tilespmem:$0x10D8] =	vst v0;
	s0 =	sadd.s32 s1, s0  }
0x1ab: {  	p0 =	slt.u32 s4, $0x3;
	[tilespmem:$0x10B8] =	vst v0;
	s1 =	simm.s32 $0x2880;
	s6 =	smul.u32 $0x1B0, s0  }
0x1ac: {  	s1 =	simm.s32 @!p0 $0x26D0;
	[tilespmem:$0x1038] =	vst v0  }
0x1ad: {  	[tilespmem:$0x10A8] =	vst v0;
	s0 =	sadd.s32 s1, s6  }
0x1ae: {  	s3 =	simm.s32 $0x2;
	s8 =	simm.s32 $0x9;
	[tilespmem:$0x1098] =	vst v0;
	s7 =	smin.u32 s0, $0x27100  }
0x1af: {  	s10 =	simm.s32 $0xA;
	s30 =	simm.s32 $0xB;
	[tilespmem:$0x1088] =	vst v0;
	s0 =	ssub.s32 s7, s6  }
0x1b0: {  	s16 =	simm.s32 $0x0;
	p4 =	por $0x0, $0x0;
	[tilespmem:$0x1078] =	vst v0;
	p0 =	sgt.s32 s0, $0x0  }
0x1b1: {  	s17 =	simm.s32 $0xC;
	s21 =	simm.s32 $0x0;
	[tilespmem:$0x1058] =	vst v0;
	s0 =	simm.s32 @!p0 $0x0  }
0x1b2: {  	s18 =	simm.s32 $0x0;
	s2 =	sand.u32 $0x1, s2;
	[tilespmem:$0x1048] =	vst v0;
	s29 =	smulhi.u32 $0x4BDA12F7, s0  }
0x1b3: {  	s20 =	simm.s32 $0x0;
	s31 =	sshll.u32 s4, $0x5;
	[tilespmem:$0x1018] =	vst v0;
	[dreg:$0x5] =	wrdreg s2  }
0x1b4: {  	s2 =	smul.u32 $0x4E20, s2;
	[tilespmem:$0x1008] =	vst v0;
	[sflag:s3] =	ssyncpa.u1 $0x0;
	s1 =	sshrl.u32 s29, $0x7  }
0x1b5: {  	v0 =	vimm.s32 $0xFFFFFFFF;
	s3 =	sadd.s32 $0x64400, s11;
	[dreg:$0x4] =	wrdreg s31;
	s5 =	smul.u32 $0x1B0, s1  }
.Ltmp0:
0x1b6: {  	[tilespmem:$0x3648] =	vst v0;
	[sflag:s8] =	ssyncpa.u1 $0x0;
	s2 =	sadd.s32 s2, s11;
	(pc) =	sbr.rel .LBB2_1-.Ltmp0, $4  }
0x1b7: {  	[sflag:s10] =	ssyncpa.u1 $0x0;
	s11 =	sadd.s32 $0xDCC00, s11;
	p0 =	sne.s32 s0, s5  }
0x1b8: {  	[sflag:s30] =	ssyncpa.u1 $0x0;
	s14 =	sadd.s32 $0xC9000, s2;
	s12 =	simm.s32 @!p0 $0x0  }
0x1b9: {  	s15 =	sadd.s32 $0xBF200, s2;
	s19 =	smov.u32 s6;
	s12 =	sadd.s32 s12, s1  }
0x1ba: {  	v0 =	vlaneseq.u32;
	[dreg:$0x6] =	wrdreg s6;
	p0 =	por $0x1, $0x1;
	s4 =	sadd.s32 $0x1, s12  }
.LBB2_18:
0x1bb: {  	s0 =	simm.s32 $0x2  }
0x1bc: {  	_ =	swait.ge [sflag:s0], $0x0  }
0x1bd: {  	[sflag:s0] =	ssyncset.done $0x0;
	s0 =	simm.s32 $0x0  }
.LBB2_19:
0x1be: {  	_ =	swait.ge [sflag:s17], s0  }
0x1bf: {  	s31 =	ssub.s32 $0x0, s0;
	v1 =	vmov s23;
	vm0 =	veq.s32 v0, $0x0;
	[sflag:s17] =	ssyncset.done $0x0  }
0x1c0: {  	vm15 =	veq.s32 v0, $0x2;
	v1 =	vsel vm0, s28, v1;
	[sflag:s17] =	ssyncadd.s32 s31  }
0x1c1: {  	v1 =	vsel vm15, s21, v1;
	[sflag:s17] =	ssyncpa.u1 $0x1  }
0x1c2: {  	[tilespmem:$0x3648] =	vst v1  }
.LBB2_20:
0x1c3: {  	s0 =	sadd.s32 $0x1B0, s19  }
0x1c4: {  	s1 =	smov.u32 s6;
	p1 =	slt.s32 s0, s7  }
0x1c5: {  	s1 =	smov.u32 @p1 s0;
	p1 =	sne.s32 s20, s4  }
.Ltmp1:
0x1c6: {  	_ = 	snop;
	(pc) =	sbr.rel @!p1 .LBB2_21-.Ltmp1, $4  }
0x1c7: {  	_ = 	snop  }
0x1c8: {  	s21 =	smov.u32 s18  }
0x1c9: {  	s31 =	sadd.s32 $0x1, s20;
	s18 =	smov.u32 s19;
	p0 =	por !p0, !p0  }
0x1ca: {  	p4 =	por !p4, !p4;
	s20 =	smov.u32 s31;
	s19 =	smov.u32 s1  }
.LBB2_1:
0x1cb: {  	p2 =	sge.u32 s20, s12  }
0x1cc: {  	s0 =	smulhi.u32 @!p2 $0xAAAAAAAB, s20  }
0x1cd: {  	s1 =	smov.u32 s19;
	p3 =	sgt.s32 @!p2 s19, $0x26F50  }
0x1ce: {  	s2 =	sshra.s32 @!p2 s19, $0x1F;
	p3 =	por !p3, p2;
	s0 =	sshrl.u32 @!p2 s0, $0x1  }
0x1cf: {  	s2 =	sand.u32 @!p2 s2, s19;
	s1 =	simm.s32 @p3 $0x26F50;
	s0 =	smul.u32 @!p2 $0x3, s0  }
0x1d0: {  	s1 =	ssub.s32 @!p2 s1, s2  }
0x1d1: {  	s23 =	sadd.s32 $0xFFFFFFFF, s20;
	s1 =	sadd.s32 @!p2 $0xFFFD90B0, s1;
	s0 =	ssub.s32 @!p2 s20, s0  }
0x1d2: {  	s2 =	sshll.u32 @!p2 s1, $0x2;
	p3 =	sgt.s32 @!p2 s1, $0x1AF;
	s0 =	smul.u32 @!p2 $0x6C0, s0  }
0x1d3: {  	s5 =	sand.u32 @!p2 $0x7, s19;
	s1 =	ssub.s32 @!p2 $0x6C0, s2;
	p3 =	por !p3, p2  }
0x1d4: {  	s2 =	sshrl.u32 @!p2 s19, $0x3;
	s1 =	sshrl.u32 @!p2 s1, $0x2;
	s0 =	sshrl.u32 @!p2 s0, $0x2  }
0x1d5: {  	s2 =	sadd.s32 @!p2 s2, s14;
	s1 =	simm.s32 @!p3 $0x0;
	s0 =	sadd.s32 @!p2 $0x3888, s0  }
0x1d6: {  	[tilespmem:s0], [sflag:$0xA] =	stream.linear.gather @!p2 [hbm4b:s2+s5], s1, $0x38;
	[tilespmem:$0x1F0F8] =	vst v63  }
0x1d7: {  	p2 =	sge.u32 s23, s12  }
0x1d8: {  	p3 =	sgt.s32 @!p2 s18, $0x26F50  }
0x1d9: {  	s0 =	smov.u32 s18;
	s1 =	sshra.s32 @!p2 s18, $0x1F;
	p3 =	por !p3, p2  }
0x1da: {  	s1 =	sand.u32 @!p2 s1, s18;
	s0 =	simm.s32 @p3 $0x26F50  }
0x1db: {  	s0 =	ssub.s32 @!p2 s0, s1  }
0x1dc: {  	s0 =	sadd.s32 @!p2 $0xFFFD90B0, s0  }
0x1dd: {  	s1 =	sshll.u32 @!p2 s0, $0x2  }
0x1de: {  	p3 =	sgt.s32 @!p2 s0, $0x1AF;
	s0 =	ssub.s32 @!p2 $0x6C0, s1  }
0x1df: {  	s22 =	ssub.s32 @!p2 $0x27100, s18;
	p3 =	por !p3, p2;
	s0 =	sshrl.u32 @!p2 s0, $0x2  }
0x1e0: {  	s1 =	sand.u32 @!p2 $0x1, s23;
	s0 =	simm.s32 @!p3 $0x0;
	p3 =	slt.s32 @!p2 s22, $0x1  }
0x1e1: {  	s2 =	simm.s32 @!p2 $0xA;
	s1 =	smul.u32 @!p2 $0x6C0, s1;
	p3 =	por p2, p3  }
.Ltmp2:
0x1e2: {  	_ =	swait.ge @!p2 [sflag:s2], s0;
	(pc) =	sbr.rel @p3 .LBB2_7-.Ltmp2, $4  }
0x1e3: {  	s5 =	ssub.s32 @!p2 $0x0, s0;
	[sflag:s2] =	ssyncset.done @!p2 $0x0  }
0x1e4: {  	s1 =	sshrl.u32 @!p2 s1, $0x2;
	[sflag:s2] =	ssyncadd.s32 @!p2 s5;
	s2 =	sshrl.u32 @!p2 s18, $0x3  }
0x1e5: {  	s1 =	sadd.s32 @!p2 $0x3D98, s1;
	s5 =	sand.u32 @!p2 $0x7, s18;
	s2 =	sadd.s32 @!p2 s2, s15  }
0x1e6: {  	[tilespmem:s1], [sflag:$0xB] =	stream.linear.gather @!p2 [hbm4b:s2+s5], s0, $0x38;
	[tilespmem:$0x1F0F8] =	vst v63  }
0x1e7: {  	s0 =	smulhi.u32 $0xAAAAAAAB, s23;
	_ =	sdelay $0x1  }
0x1e8: {  	s0 =	sshrl.u32 s0, $0x1  }
0x1e9: {  	s0 =	smul.u32 $0x3, s0;
	_ =	sdelay $0x1  }
0x1ea: {  	s0 =	ssub.s32 s23, s0  }
0x1eb: {  	s1 =	simm.s32 $0x1;
	s0 =	smul.u32 $0x6C0, s0  }
.Ltmp3:
0x1ec: {  	s1 =	simm.s32 @!p0 $0x0;
	(pc) =	sbr.rel .LBB2_4-.Ltmp3, $4  }
0x1ed: {  	s1 =	smul.u32 $0x36000, s1  }
0x1ee: {  	p3 =	slt.s32 @!p2 s22, $0x1B0;
	s0 =	sshrl.u32 s0, $0x2  }
0x1ef: {  	p2 =	por !p3, p2;
	s1 =	sshrl.u32 s1, $0x2;
	s0 =	sadd.s32 $0x3888, s0  }
0x1f0: {  	s24 =	simm.s32 $0x0;
	s22 =	simm.s32 @p2 $0x1B0;
	s23 =	sadd.s32 $0x40F8, s1;
	v1 =	vmov s0  }
.LBB2_3:
0x1f1: {  	p2 =	sge.s32 s24, s22  }
.Ltmp4:
0x1f2: {  	_ = 	snop;
	(pc) =	sbr.rel @p2 .LBB2_7-.Ltmp4, $2  }
0x1f3: {  	_ =	sdelay $0x2  }
0x1f4: {  	s23 =	sadd.s32 $0x800, s23  }
.LBB2_4:
0x1f5: {  	p2 =	sle.s32 s22, s24  }
.Ltmp5:
0x1f6: {  	_ = 	snop;
	(pc) =	sbr.rel @p2 .LBB2_3-.Ltmp5, $2  }
0x1f7: {  	_ =	sdelay $0x2  }
0x1f8: {  	s0 =	smov.u32 s24;
	s24 =	sadd.s32 $0x10, s24  }
0x1f9: {  	s1 =	ssub.s32 s22, s0  }
0x1fa: {  	p2 =	slt.s32 s1, $0x10  }
0x1fb: {  	s1 =	simm.s32 @!p2 $0x10  }
0x1fc: {  	v2 =	vmov s1  }
0x1fd: {  	vm0 =	vgt.s32 v2, v0;
	_ =	sdelay $0x5  }
0x1fe: {  	v2 =	vld.idx.msk [tilespmem:v1+s0+$0x0 ss:$0x1], vm0;
	_ =	sdelay $0x2  }
0x1ff: {  	p2 =	slt.s32 s24, s22;
	s1 =	smov.u32 s22  }
0x200: {  	s2 =	smov.u32 s23;
	s25 =	simm.s32 $0x0;
	s1 =	smov.u32 @p2 s24  }
.LBB2_6:
0x201: {  	(v2sf) =	vpush v2, s25;
	_ =	sdelay $0xc  }
0x202: {  	s25 =	sadd.s32 $0x1, s25  }
0x203: {  	s31 =	sadd.s32 s25, s0  }
0x204: {  	p2 =	slt.s32 s31, s1;
	s5 =	spop (v2sf)  }
.Ltmp6:
0x205: {  	s5 =	sshll.u32 s5, $0x4;
	(pc) =	sbr.rel @p2 .LBB2_6-.Ltmp6, $4  }
0x206: {  	s5 =	sand.u32 $0x1FFFFFF0, s5  }
0x207: {  	s5 =	sadd.s32 s11, s5  }
0x208: {  	[tilespmem:s2], [sflag:$0x9] =	stream.linear.gather [hbm4b:s5+s16], $0x4, $0x38;
	[tilespmem:$0x1F0F8] =	vst v63  }
0x209: {  	s2 =	sadd.s32 $0x80, s2  }
.Ltmp7:
0x20a: {  	_ = 	snop;
	(pc) =	sbr.rel .LBB2_3-.Ltmp7, $1  }
0x20b: {  	_ =	sdelay $0x3  }
.LBB2_7:
0x20c: {  	p2 =	slt.u32 s20, $0x2  }
.Ltmp8:
0x20d: {  	_ = 	snop;
	(pc) =	sbr.rel @p2 .LBB2_20-.Ltmp8, $1  }
0x20e: {  	_ =	sdelay $0x3  }
0x20f: {  	p2 =	sgt.s32 s21, $0x26F50  }
0x210: {  	s0 =	smov.u32 s21;
	s1 =	sshra.s32 s21, $0x1F;
	s2 =	ssub.s32 $0x27100, s21  }
0x211: {  	s0 =	simm.s32 @!p2 $0x26F50;
	s1 =	sand.u32 s1, s21;
	p2 =	slt.s32 s2, $0x1B0  }
0x212: {  	s0 =	ssub.s32 s0, s1;
	s2 =	simm.s32 @!p2 $0x1B0  }
0x213: {  	s0 =	sadd.s32 $0xFFFD90B0, s0;
	s24 =	sshll.u32 s2, $0x2  }
0x214: {  	s28 =	simm.s32 $0x9;
	s25 =	sshll.u32 s0, $0x2;
	s1 =	sand.u32 $0x3FFFFFFC, s24  }
0x215: {  	p2 =	sgt.s32 s0, $0x1AF;
	s26 =	ssub.s32 $0x6C0, s25;
	_ =	swait.ge [sflag:s28], s1  }
0x216: {  	s1 =	ssub.s32 $0x0, s1;
	[sflag:s28] =	ssyncset.done $0x0;
	s0 =	sshrl.u32 s26, $0x2  }
0x217: {  	s30 =	simm.s32 $0xB;
	[sflag:s28] =	ssyncadd.s32 s1;
	s0 =	simm.s32 @p2 $0x0  }
0x218: {  	_ =	swait.ge [sflag:s30], s0  }
0x219: {  	s0 =	ssub.s32 $0x0, s0;
	[sflag:s30] =	ssyncset.done $0x0  }
0x21a: {  	[sflag:s30] =	ssyncadd.s32 s0  }
0x21b: {  	v1 =	vld [tilespmem:$0x3648];
	_ =	sdelay $0x4  }
0x21c: {  	(v2sf) =	vpush v1, $0x0  }
0x21d: {  	(v2sf) =	vpush v1, $0x1  }
0x21e: {  	(v2sf) =	vpush v1, $0x2;
	_ =	sdelay $0x3  }
0x21f: {  	s0 =	sadd.s32 $0x1B0, s21  }
0x220: {  	s1 =	ssub.s32 $0x4E200, s21;
	p2 =	slt.s32 s7, s0  }
0x221: {  	s0 =	smov.u32 @p2 s7;
	p2 =	sgt.s32 s1, $0x0  }
0x222: {  	s25 =	ssub.s32 s0, s21;
	s1 =	simm.s32 @!p2 $0x0  }
0x223: {  	p2 =	slt.s32 s1, s25  }
0x224: {  	s25 =	smov.u32 @p2 s1  }
0x225: {  	s24 =	simm.s32 $0x1;
	p2 =	slt.s32 s25, $0x1  }
.Ltmp9:
0x226: {  	s24 =	simm.s32 @!p4 $0x0;
	(pc) =	sbr.rel @p2 .LBB2_12-.Ltmp9, $4  }
0x227: {  	s31 =	smul.u32 $0x6C0, s24  }
0x228: {  	s26 =	spop (v2sf)  }
0x229: {  	s0 =	sshrl.u32 s31, $0x2;
	s29 =	spop (v2sf)  }
0x22a: {  	s22 =	sadd.s32 $0x3D98, s0;
	s21 =	spop (v2sf)  }
0x22b: {  	s0 =	smin.u32 s25, $0x10  }
0x22c: {  	v1 =	vmov s0  }
0x22d: {  	p3 =	sgt.s32 s25, $0x10;
	vm1 =	vgt.u32 v1, v0  }
.Ltmp10:
0x22e: {  	_ = 	snop;
	(pc) =	sbr.rel @!p3 .LBB2_11-.Ltmp10, $2  }
0x22f: {  	_ =	sdelay $0x2  }
0x230: {  	s23 =	simm.s32 $0x10;
	s28 =	sadd.s32 $0xFFFFFFF0, s25;
	s0 =	smov.u32 s22;
	vm0 =	vmmov vm1  }
.LBB2_10:
0x231: {  	s1 =	smin.u32 s28, $0x10;
	s23 =	sadd.s32 $0x10, s23;
	v1 =	vld.msk [tilespmem:s0+$0x0 ss:$0x1], vm1  }
0x232: {  	v2 =	vmov s1;
	p3 =	slt.s32 s23, s25  }
0x233: {  	vm1 =	vgt.u32 v2, v0  }
.Ltmp11:
0x234: {  	(pc) =	sbr.rel @p3 .LBB2_10-.Ltmp11, $3  }
0x235: {  	_ =	sdelay $0x1  }
0x236: {  	v1 =	vshll.u32 v1, $0x4  }
0x237: {  	s28 =	sadd.s32 $0xFFFFFFF0, s28;
	[tilespmem:s0+$0x0] =	vst.msk vm0, v1;
	s0 =	sadd.s32 $0x10, s0;
	vm0 =	vmmov vm1  }
.LBB2_11:
0x238: {  	_ =	sdelay $0x4  }
0x239: {  	v1 =	vld.msk [tilespmem:s0+$0x0 ss:$0x1], vm1;
	_ =	sdelay $0x4  }
0x23a: {  	v1 =	vshll.u32 v1, $0x4  }
0x23b: {  	[tilespmem:s0+$0x0] =	vst.msk vm0, v1  }
.LBB2_12:
0x23c: {  	s0 =	sand.u32 $0x1, s20  }
0x23d: {  	s0 =	smul.u32 $0x1B0, s0  }
0x23e: {  	p3 =	sne.s32 s29, $0xFFFFFFFF  }
0x23f: {  	v1 =	vld.msk @!p3 [tilespmem:s0+$0x3D98], $0x1;
	_ =	sdelay $0x4  }
0x240: {  	(v2sf) =	vpush @!p3 v1, $0x0;
	_ =	sdelay $0xc  }
.Ltmp12:
0x241: {  	_ = 	snop;
	(pc) =	sbr.rel @p2 .LBB2_18-.Ltmp12, $4  }
0x242: {  	_ = 	snop  }
0x243: {  	s28 =	spop @!p3 (v2sf)  }
0x244: {  	s21 =	simm.s32 @!p3 $0x0;
	s23 =	smov.u32 s28  }
0x245: {  	[sflag:s17] =	ssyncpa.u1 $0x0;
	s28 =	smov.u32 @p3 s26;
	s23 =	smov.u32 @p3 s29  }
0x246: {  	v1 =	vld.msk [tilespmem:s22+$0x0], $0x1;
	_ =	sdelay $0x4  }
0x247: {  	(v2sf) =	vpush v1, $0x0;
	_ =	sdelay $0xe  }
0x248: {  	s0 =	simm.s32 @!p4 $0x0;
	s26 =	smul.u32 $0x36000, s24;
	s31 =	spop (v2sf)  }
0x249: {  	s29 =	ssub.s32 $0x0, s25;
	s0 =	simm.s32 @p4 $0x1;
	p2 =	seq.s32 s28, s31  }
0x24a: {  	s1 =	smov.u32 s28;
	[smem:$0x7FD] =	sst s0;
	p3 =	sgt.s32 @!p2 s28, $0x0  }
0x24b: {  	s0 =	sshrl.u32 s26, $0x2;
	s26 =	sadd.s32 $0x1, s29;
	p3 =	por !p3, p2  }
0x24c: {  	s1 =	simm.s32 @p3 $0x0;
	p3 =	seq.s32 s26, $0x0  }
.Ltmp13:
0x24d: {  	_ = 	snop;
	(pc) =	sbr.rel @p3 .LBB2_15-.Ltmp13, $4  }
0x24e: {  	s6 =	smov.u32 s4;
	s25 =	simm.s32 $0x0  }
0x24f: {  	s24 =	sadd.s32 $0x40F8, s0;
	s0 =	simm.s32 @!p2 $0x1;
	s2 =	smin.u32 @!p2 s1, $0x270FF  }
0x250: {  	s30 =	sadd.s32 $0x1, s22;
	s0 =	smov.u32 @p2 s25;
	s5 =	sand.u32 @!p2 $0x3FFF8, s2  }
0x251: {  	s1 =	simm.s32 @!p2 $0x1B38;
	s2 =	sand.u32 @!p2 $0x7, s2;
	s5 =	sadd.s32 @!p2 s3, s5  }
.LBB2_14:
0x252: {  	s4 =	smov.u32 s0  }
0x253: {  	[tilespmem:s1], [sflag:$0x2] =	stream.linear.gather @!p2 [hbm4b:s5+s2], $0x4, $0x38;
	[tilespmem:$0x1F0F8] =	vst v63  }
0x254: {  	s26 =	sadd.s32 $0x1, s26;
	s2 =	smov.u32 s31;
	v1 =	vld.msk [tilespmem:s30+$0x0], $0x1  }
0x255: {  	p3 =	seq.s32 s26, $0x0;
	_ =	sdelay $0x3  }
0x256: {  	(v2sf) =	vpush v1, $0x0;
	_ =	sdelay $0xe  }
0x257: {  	s31 =	spop (v2sf)  }
0x258: {  	p2 =	seq.s32 s2, s31  }
0x259: {  	p4 =	sgt.s32 @!p2 s2, $0x0;
	s1 =	sshll.u32 @!p2 s0, $0x6;
	s0 =	sadd.s32 @!p2 $0x1, s0  }
.Ltmp14:
0x25a: {  	p4 =	por !p4, p2;
	s1 =	sshra.s32 @!p2 s1, $0x2;
	(pc) =	sbr.rel @!p3 .LBB2_14-.Ltmp14, $4  }
0x25b: {  	s0 =	smov.u32 @p2 s4;
	s2 =	simm.s32 @p4 $0x0;
	s1 =	sadd.s32 @!p2 $0x1B38, s1  }
0x25c: {  	s2 =	smin.u32 @!p2 s2, $0x270FF  }
0x25d: {  	s4 =	sand.u32 @!p2 $0x3FFF8, s2;
	s2 =	sand.u32 @!p2 $0x7, s2  }
0x25e: {  	s30 =	sadd.s32 $0x1, s30;
	s5 =	sadd.s32 @!p2 s3, s4  }
.LBB2_15:
0x25f: {  	[tilespmem:s1], [sflag:$0x2] =	stream.linear.gather @!p2 [hbm4b:s5+s2], $0x4, $0x38;
	[tilespmem:$0x1F0F8] =	vst v63  }
0x260: {  	s0 =	sshll.u32 s0, $0x2  }
0x261: {  	s31 =	simm.s32 $0x2;
	s0 =	sand.u32 $0x3FFFFFFC, s0  }
0x262: {  	_ =	swait.ge [sflag:s31], s0  }
0x263: {  	s0 =	ssub.s32 $0x0, s0;
	[sflag:s31] =	ssyncset.done $0x0  }
0x264: {  	[sflag:s31] =	ssyncadd.s32 s0  }
0x265: {  	v1 =	vld.msk [tilespmem:s22+$0x0], $0x1;
	_ =	sdelay $0x4  }
0x266: {  	(v2sf) =	vpush v1, $0x0;
	_ =	sdelay $0xe  }
0x267: {  	s26 =	spop (v2sf)  }
0x268: {  	p2 =	sne.s32 s28, s26  }
0x269: {  	p4 =	sne.s32 @p2 s28, s23  }
0x26a: {  	p3 =	por !p4, !p2  }
0x26b: {  	s0 =	simm.s32 @!p3 $0x0  }
0x26c: {  	v1 =	vld.msk @!p3 [tilespmem:s0+$0x1B38], $0xf  }
0x26d: {  	p5 =	sgt.u32 @!p3 s28, $0x270FF  }
0x26e: {  	s1 =	sshll.u32 @!p3 s21, $0x6;
	p6 =	por @p2 p5, !p4  }
0x26f: {  	s1 =	sshra.s32 @!p3 s1, $0x2;
	p1 =	por p6, !p2;
	p6 =	por p4, !p2  }
0x270: {  	s2 =	sadd.s32 @!p3 $0x28, s1;
	s4 =	sand.u32 @!p1 $0x3FFF8, s28;
	s5 =	sshll.u32 @!p6 s21, $0x6  }
0x271: {  	s28 =	sand.u32 @!p1 $0x7, s28;
	[tilespmem:s1+$0x28] =	vst.add.f32.msk @!p3 $0xf, v1;
	s1 =	sadd.s32 @!p1 s3, s4;
	s4 =	sshra.s32 @!p6 s5, $0x2  }
0x272: {  	[hbm4b:s1+s28] =	stream.linear.scatter @!p1 [tilespmem:s2], [sflag:$0xC], $0x4, $0x38;
	[tilespmem:$0x1F0F8] =	vst v63  }
0x273: {  	s0 =	rddreg [dreg:$0x4];
	s1 =	sadd.s32 @!p6 $0x28, s4;
	s2 =	simm.s32 @!p6 $0x1  }
0x274: {  	[spmem:s0] =	stream.linear.scatter @!p6 [tilespmem:s1], [sflag:$0x1], $0x4, $0x38;
	[tilespmem:$0x1F0F8] =	vst v63  }
0x275: {  	s0 =	sadd.s32 @p2 $0x1, s21;
	_ =	swait.ge @!p6 [sflag:s2], $0x4  }
0x276: {  	s1 =	sshrl.u32 @p2 s0, $0x4;
	[sflag:s2] =	ssyncset.done @!p6 $0x0  }
0x277: {  	s1 =	smulhi.u32 @p2 $0x97B425F, s1;
	[sflag:s2] =	ssyncadd.s32 @!p6 $0xFFFFFFFC  }
0x278: {  	s28 =	sadd.s32 $0x1, s29;
	v1 =	vld.msk @p2 [tilespmem:s24+$0x0], $0xf  }
0x279: {  	p1 =	por @p2 !p5, !p4;
	p4 =	seq.s32 s28, $0x0;
	s1 =	smul.u32 @p2 $0x1B0, s1  }
.Ltmp15:
0x27a: {  	p1 =	por !p1, !p2;
	s2 =	simm.s32 @!p3 $0x0;
	(pc) =	sbr.rel @p4 .LBB2_17-.Ltmp15, $4  }
0x27b: {  	s4 =	sshll.u32 @!p2 s21, $0x6;
	s2 =	simm.s32 @!p1 $0x10;
	s0 =	ssub.s32 @p2 s0, s1  }
0x27c: {  	s29 =	simm.s32 $0x0;
	s2 =	sadd.s32 @!p3 $0x0, s2;
	s5 =	sshll.u32 @p2 s0, $0x4  }
0x27d: {  	s30 =	sshra.s32 @!p2 s4, $0x2;
	s1 =	simm.s32 @p2 $0x1;
	s2 =	smov.u32 @p3 s25;
	[tilespmem:s5+$0x28] =	vst.msk @p2 $0xf, v1  }
0x27e: {  	s21 =	smov.u32 @p2 s0;
	s29 =	smov.u32 @p2 s2;
	s25 =	smov.u32 @p2 s1;
	v1 =	vld.msk @!p2 [tilespmem:s24+$0x0], $0xf  }
.LBB2_16:
0x27f: {  	_ =	sdelay $0x3  }
0x280: {  	s22 =	sadd.s32 $0x1, s22;
	[tilespmem:s30+$0x28] =	vst.add.f32.msk @!p2 $0xf, v1  }
0x281: {  	v1 =	vld.msk [tilespmem:s22+$0x0], $0x1;
	_ =	sdelay $0x4  }
0x282: {  	(v2sf) =	vpush v1, $0x0;
	_ =	sdelay $0xe  }
0x283: {  	s0 =	smov.u32 s26;
	s26 =	spop (v2sf)  }
0x284: {  	p2 =	sne.s32 s0, s26  }
0x285: {  	p5 =	sne.s32 @p2 s0, s23  }
0x286: {  	s4 =	sshll.u32 @!p2 s21, $0x6;
	p4 =	por !p5, !p2  }
0x287: {  	s30 =	sshra.s32 @!p2 s4, $0x2;
	s4 =	sshll.u32 @!p4 s25, $0x6  }
0x288: {  	s4 =	sshra.s32 @!p4 s4, $0x2  }
0x289: {  	p1 =	sgt.u32 @!p4 s0, $0x270FF;
	v1 =	vld.msk @!p4 [tilespmem:s4+$0x1B38], $0xf  }
0x28a: {  	s31 =	sshll.u32 @!p4 s21, $0x6;
	p6 =	por @p2 p1, !p5;
	p1 =	por @p2 !p1, !p5  }
0x28b: {  	s8 =	simm.s32 @!p4 $0x0;
	s31 =	sshra.s32 @!p4 s31, $0x2;
	p1 =	por !p1, !p2  }
0x28c: {  	p5 =	por p5, !p2;
	s8 =	simm.s32 @!p1 $0x10;
	p1 =	por p6, !p2  }
0x28d: {  	s4 =	sadd.s32 @!p4 $0x28, s31;
	s13 =	sshll.u32 @!p5 s21, $0x6;
	s10 =	sand.u32 @!p1 $0x3FFF8, s0  }
0x28e: {  	s13 =	sshra.s32 @!p5 s13, $0x2;
	s0 =	sand.u32 @!p1 $0x7, s0;
	s10 =	sadd.s32 @!p1 s3, s10;
	[tilespmem:s31+$0x28] =	vst.add.f32.msk @!p4 $0xf, v1  }
0x28f: {  	[hbm4b:s10+s0] =	stream.linear.scatter @!p1 [tilespmem:s4], [sflag:$0xC], $0x4, $0x38;
	[tilespmem:$0x1F0F8] =	vst v63  }
0x290: {  	s1 =	rddreg [dreg:$0x4];
	s0 =	sadd.s32 @!p5 $0x28, s13;
	s4 =	simm.s32 @!p5 $0x1  }
0x291: {  	[spmem:s1] =	stream.linear.scatter @!p5 [tilespmem:s0], [sflag:$0x1], $0x4, $0x38;
	[tilespmem:$0x1F0F8] =	vst v63  }
0x292: {  	s2 =	sadd.s32 @p2 $0x1, s21;
	_ =	swait.ge @!p5 [sflag:s4], $0x4  }
0x293: {  	s5 =	sshrl.u32 @p2 s2, $0x4;
	[sflag:s4] =	ssyncset.done @!p5 $0x0  }
0x294: {  	s24 =	sadd.s32 $0x80, s24;
	s5 =	smulhi.u32 @p2 $0x97B425F, s5;
	[sflag:s4] =	ssyncadd.s32 @!p5 $0xFFFFFFFC  }
0x295: {  	s28 =	sadd.s32 $0x1, s28;
	v1 =	vld.msk @p2 [tilespmem:s24+$0x0], $0xf  }
0x296: {  	p3 =	seq.s32 s28, $0x0;
	s5 =	smul.u32 @p2 $0x1B0, s5  }
.Ltmp16:
0x297: {  	_ = 	snop;
	(pc) =	sbr.rel @!p3 .LBB2_16-.Ltmp16, $4  }
0x298: {  	s2 =	ssub.s32 @p2 s2, s5  }
0x299: {  	s8 =	sadd.s32 @!p4 s8, s29;
	s5 =	sshll.u32 @p2 s2, $0x4  }
0x29a: {  	s9 =	sadd.s32 @p2 $0x1, s25;
	s8 =	smov.u32 @p4 s29;
	[tilespmem:s5+$0x28] =	vst.msk @p2 $0xf, v1  }
0x29b: {  	s25 =	smov.u32 @p2 s9;
	s21 =	smov.u32 @p2 s2;
	s29 =	smov.u32 @p2 s8;
	v1 =	vld.msk @!p2 [tilespmem:s24+$0x0], $0xf  }
.LBB2_17:
.Ltmp17:
0x29c: {  	_ = 	snop;
	(pc) =	sbr.rel .LBB2_19-.Ltmp17, $3  }
0x29d: {  	s1 =	sld [smem:$0x7FD];
	_ =	sdelay $0x1  }
0x29e: {  	s0 =	sshrl.u32 s29, $0x2;
	s28 =	smov.u32 s26  }
0x29f: {  	s4 =	smov.u32 s6;
	s6 =	rddreg [dreg:$0x6];
	p4 =	seq.s32 s1, $0x1;
	[tilespmem:s30+$0x28] =	vst.add.f32.msk @!p2 $0xf, v1  }
.LBB2_21:
0x2a0: {  	_ =	sfence.sel $0x180000  }
0x2a1: {  	s0 =	simm.s32 $0x9;
	[bflag:$0x0] =	sbarrier.arrive $0xFFFF  }
0x2a2: {  	s24 =	simm.s32 $0xA;
	[sflag:s0] =	ssyncpa.u1 $0x1  }
0x2a3: {  	s25 =	simm.s32 $0xB;
	[sflag:s24] =	ssyncpa.u1 $0x1  }
0x2a4: {  	s26 =	simm.s32 $0x2;
	[sflag:s25] =	ssyncpa.u1 $0x1  }
0x2a5: {  	[sflag:s26] =	ssyncpa.u1 $0x1  }
0x2a6: {  	v0 =	vld [tilespmem:$0x3648];
	_ =	sdelay $0x4  }
0x2a7: {  	(v2sf) =	vpush v0, $0x0  }
0x2a8: {  	(v2sf) =	vpush v0, $0x1;
	_ =	sdelay $0x1  }
0x2a9: {  	(v2sf) =	vpush v0, $0x2;
	_ =	sdelay $0xb  }
0x2aa: {  	s0 =	spop (v2sf)  }
0x2ab: {  	s1 =	spop (v2sf)  }
0x2ac: {  	s2 =	smov.u32 s0;
	p0 =	sne.s32 s0, s1  }
0x2ad: {  	s4 =	spop (v2sf);
	s2 =	simm.s32 @!p0 $0xFFFFFFFF  }
0x2ae: {  	v2 =	vimm.s32 $0x1;
	v3 =	vlaneseq.u32;
	p0 =	seq.s32 s4, $0xFFFFFFFF;
	v1 =	vmov s2  }
0x2af: {  	s16 =	stileid.u32;
	v0 =	vperm.xlane v0, v2;
	p1 =	sne.s32 @!p0 s0, s1;
	v1 =	vperm.xlane v1, v3  }
0x2b0: {  	vm0 =	vcmask $0x3F04;
	s6 =	simm.s32 $0x3648;
	s0 =	simm.s32 @!p0 $0x1;
	p1 =	por !p1, p0  }
0x2b1: {  	s2 =	sshll.u32 s16, $0x1;
	s1 =	sshll.u32 @!p0 s4, $0x6;
	s0 =	simm.s32 @p1 $0x0;
	v0 =	vsel vm0, v1, v0  }
0x2b2: {  	s5 =	sor.u32 $0x200, s2;
	s1 =	sshra.s32 @!p0 s1, $0x2;
	s0 =	sor.u32 @!p0 s0, s2;
	[tilespmem:$0x3648] =	vst v0  }
0x2b3: {  	[spmem:s5] =	stream.linear.scatter [tilespmem:s6], [sflag:$0x1], $0x2, $0x38;
	[tilespmem:$0x1F0F8] =	vst v63  }
0x2b4: {  	s1 =	sadd.s32 @!p0 $0x28, s1;
	s0 =	sshll.u32 @!p0 s0, $0x4  }
0x2b5: {  	[spmem:s0] =	stream.linear.scatter @!p0 [tilespmem:s1], [sflag:$0x1], $0x10, $0x38;
	[tilespmem:$0x1F0F8] =	vst v63  }
0x2b6: {  	s0 =	simm.s32 @!p0 $0x12  }
0x2b7: {  	s28 =	simm.s32 $0x1;
	s0 =	simm.s32 @p0 $0x2  }
0x2b8: {  	_ =	swait.ge [sflag:s28], s0  }
0x2b9: {  	s0 =	ssub.s32 $0x0, s0;
	[sflag:s28] =	ssyncset.done $0x0  }
0x2ba: {  	p0 =	sne.s32 s16, $0x0;
	[sflag:s28] =	ssyncadd.s32 s0  }
.Ltmp18:
0x2bb: {  	_ =	sfence.stream.spmem;
	(pc) =	sbr.rel @p0 .LBB2_38-.Ltmp18, $4  }
0x2bc: {  	s29 =	simm.s32 $0x3;
	[bflag:$0x0] =	sbarrier.arrive $0xFFFF  }
0x2bd: {  	s30 =	simm.s32 $0x4;
	[sflag:s29] =	ssyncpa.u1 $0x1  }
0x2be: {  	s31 =	simm.s32 $0x3C;
	[sflag:s30] =	ssyncpa.u1 $0x1  }
0x2bf: {  	s17 =	rddreg [dreg:$0x5];
	[sflag:s31] =	ssyncpa.u1 $0x1  }
0x2c0: {  	_ =	sfence.stream.spmem;
	s0 =	simm.s32 $0x5  }
0x2c1: {  	s1 =	simm.s32 $0x200;
	s2 =	simm.s32 $0x3658;
	[sflag:s0] =	ssyncpa.u1 $0x0  }
0x2c2: {  	[tilespmem:s2], [sflag:$0x5] =	stream.linear.gather [spmem:s1], $0x20, $0x38;
	[tilespmem:$0x1F0F8] =	vst v63  }
0x2c3: {  	s26 =	simm.s32 $0x0;
	s28 =	simm.s32 $0x3678  }
0x2c4: {  	[tilespmem:s28], [sflag:$0x5] =	stream.linear.gather [spmem:s26], $0x200, $0x38;
	[tilespmem:$0x1F0F8] =	vst v63  }
0x2c5: {  	_ =	swait.ge [sflag:s0], $0x220  }
0x2c6: {  	[sflag:s0] =	ssyncset.done $0x0  }
0x2c7: {  	s29 =	simm.s32 $0x0;
	[sflag:s0] =	ssyncadd.s32 $0xFFFFFDE0  }
0x2c8: {  	v0 =	vld.msk [tilespmem:s29+$0x3658], $0x1;
	_ =	sdelay $0x1  }
0x2c9: {  	s30 =	simm.s32 $0x1  }
0x2ca: {  	v1 =	vld.msk [tilespmem:s30+$0x3658], $0x1;
	_ =	sdelay $0x1  }
0x2cb: {  	(v2sf) =	vpush v0, $0x0;
	_ =	sdelay $0x2  }
0x2cc: {  	(v2sf) =	vpush v1, $0x0;
	_ =	sdelay $0x2  }
0x2cd: {  	s31 =	simm.s32 $0x2  }
0x2ce: {  	v0 =	vld.msk [tilespmem:s31+$0x3658], $0x1;
	_ =	sdelay $0x2  }
0x2cf: {  	s6 =	simm.s32 $0xFFFFFFFF;
	s1 =	simm.s32 $0xFFFFFFFF;
	s0 =	simm.s32 $0xC  }
.LBB2_23:
0x2d0: {  	s2 =	smov.u32 s6;
	s4 =	smov.u32 s1  }
0x2d1: {  	s1 =	sshra.s32 s0, $0x2;
	p1 =	sne.s32 s0, $0x7C;
	s0 =	sadd.s32 $0x4, s0;
	(v2sf) =	vpush v0, $0x0  }
0x2d2: {  	v0 =	vld.msk [tilespmem:s1+$0x3658], $0x1  }
.Ltmp19:
0x2d3: {  	(pc) =	sbr.rel @p1 .LBB2_23-.Ltmp19, $4  }
0x2d4: {  	s6 =	spop (v2sf)  }
0x2d5: {  	p2 =	sne.s32 s4, $0xFFFFFFFF;
	s1 =	smov.u32 s6  }
0x2d6: {  	p3 =	seq.s32 s6, $0xFFFFFFFF;
	s1 =	smov.u32 @p2 s4  }
0x2d7: {  	s6 =	smov.u32 @p3 s2;
	s1 =	smov.u32 @p3 s4  }
0x2d8: {  	(v2sf) =	vpush v0, $0x0;
	_ =	sdelay $0x8  }
0x2d9: {  	s0 =	spop (v2sf)  }
0x2da: {  	p1 =	sne.s32 s1, $0xFFFFFFFF;
	s2 =	smov.u32 s0  }
0x2db: {  	s9 =	simm.s32 $0x6;
	p2 =	seq.s32 s0, $0xFFFFFFFF;
	s2 =	smov.u32 @p1 s1  }
0x2dc: {  	s10 =	simm.s32 $0x3638;
	s2 =	smov.u32 @p2 s1;
	s1 =	spop (v2sf)  }
0x2dd: {  	s0 =	smov.u32 @p2 s6;
	p1 =	sne.s32 s2, $0xFFFFFFFF;
	s4 =	smov.u32 s1  }
.Ltmp20:
0x2de: {  	p2 =	seq.s32 s1, $0xFFFFFFFF;
	s4 =	smov.u32 @p1 s2;
	(pc) =	sbr.rel .LBB2_25-.Ltmp20, $4  }
0x2df: {  	s11 =	simm.s32 $0x0;
	s4 =	smov.u32 @p2 s2;
	s7 =	spop (v2sf)  }
0x2e0: {  	[sflag:s9] =	ssyncpa.u1 $0x0;
	p1 =	sne.s32 s4, $0xFFFFFFFF;
	s8 =	smov.u32 s7  }
0x2e1: {  	s1 =	smov.u32 @p2 s0;
	p2 =	seq.s32 s7, $0xFFFFFFFF;
	s8 =	smov.u32 @p1 s4  }
0x2e2: {  	s6 =	simm.s32 $0x0;
	s7 =	smov.u32 @p2 s1;
	s8 =	smov.u32 @p2 s4  }
.LBB2_30:
0x2e3: {  	p1 =	sgt.u32 s12, $0x270FF  }
0x2e4: {  	p2 =	seq.s32 @!p1 s12, s8  }
0x2e5: {  	p1 =	por p1, p2  }
0x2e6: {  	p2 =	sne.s32 @!p1 s12, s7  }
0x2e7: {  	p1 =	por p1, !p2  }
0x2e8: {  	s0 =	sshll.u32 @p1 s11, $0x6  }
0x2e9: {  	s0 =	sand.u32 @!p1 $0x3FFF8, s12  }
0x2ea: {  	s1 =	sand.u32 @!p1 $0x7, s12;
	s0 =	sadd.s32 @!p1 s3, s0  }
0x2eb: {  	[tilespmem:s10], [sflag:$0x6] =	stream.linear.gather @!p1 [hbm4b:s0+s1], $0x4, $0x38;
	[tilespmem:$0x1F0F8] =	vst v63  }
0x2ec: {  	_ =	swait.ge @!p1 [sflag:s9], $0x4  }
0x2ed: {  	[sflag:s9] =	ssyncset.done @!p1 $0x0  }
0x2ee: {  	[sflag:s9] =	ssyncadd.s32 @!p1 $0xFFFFFFFC  }
0x2ef: {  	v1 =	vld @!p1 [tilespmem:$0x3638];
	_ =	sdelay $0x2  }
0x2f0: {  	s0 =	sshll.u32 @!p1 s11, $0x6  }
0x2f1: {  	s1 =	sshrl.u32 @!p1 s0, $0x2  }
0x2f2: {  	[tilespmem:s1+$0x3678] =	vst.add.f32.msk @!p1 $0xffff, v1  }
0x2f3: {  	s0 =	sshrl.u32 s0, $0x2;
	[tilespmem:s6+$0x3658] =	vst.msk $0x1, v0  }
0x2f4: {  	v0 =	vld [tilespmem:s0+$0x3678];
	_ =	sdelay $0x2  }
0x2f5: {  	s31 =	sshll.u32 s6, $0x6  }
0x2f6: {  	s0 =	sshra.s32 s31, $0x2  }
0x2f7: {  	s6 =	sadd.s32 $0x1, s6;
	[tilespmem:s0+$0x3678] =	vst v0  }
.LBB2_32:
0x2f8: {  	s11 =	sadd.s32 $0x1, s11  }
0x2f9: {  	p1 =	sne.s32 s11, $0x20  }
.Ltmp21:
0x2fa: {  	_ = 	snop;
	(pc) =	sbr.rel @!p1 .LBB2_33-.Ltmp21, $1  }
0x2fb: {  	_ =	sdelay $0x3  }
.LBB2_25:
0x2fc: {  	v0 =	vld.msk [tilespmem:s11+$0x3658], $0x1;
	_ =	sdelay $0x4  }
0x2fd: {  	(v2sf) =	vpush v0, $0x0;
	_ =	sdelay $0xe  }
0x2fe: {  	s12 =	spop (v2sf)  }
0x2ff: {  	p1 =	seq.s32 s12, $0xFFFFFFFF  }
.Ltmp22:
0x300: {  	_ = 	snop;
	(pc) =	sbr.rel @p1 .LBB2_32-.Ltmp22, $1  }
0x301: {  	_ =	sdelay $0x3  }
0x302: {  	p1 =	slt.s32 s6, $0x1  }
.Ltmp23:
0x303: {  	_ = 	snop;
	(pc) =	sbr.rel @p1 .LBB2_30-.Ltmp23, $1  }
0x304: {  	_ =	sdelay $0x3  }
0x305: {  	s13 =	simm.s32 $0x3658;
	p1 =	por $0x0, $0x0  }
0x306: {  	v1 =	vld.msk @!p1 [tilespmem:s13+$0x0], $0x1;
	_ =	sdelay $0x4  }
0x307: {  	(v2sf) =	vpush @!p1 v1, $0x0;
	_ =	sdelay $0xd  }
0x308: {  	p3 =	sne.s32 s6, $0x1  }
.Ltmp24:
0x309: {  	s0 =	spop @!p1 (v2sf);
	(pc) =	sbr.rel @!p3 .LBB2_29-.Ltmp24, $4  }
0x30a: {  	p2 =	seq.s32 @!p1 s12, s0  }
0x30b: {  	s14 =	simm.s32 $0x0;
	p2 =	por !p2, p1  }
0x30c: {  	s0 =	simm.s32 $0xFFFFFFFF;
	s14 =	simm.s32 @p2 $0xFFFFFFFF  }
0x30d: {  	s15 =	simm.s32 $0x1;
	s14 =	smov.u32 @p1 s0  }
.LBB2_28:
0x30e: {  	s0 =	smov.u32 s14;
	p1 =	sne.s32 s14, $0xFFFFFFFF  }
0x30f: {  	s13 =	sadd.s32 $0x1, s13;
	s14 =	smov.u32 s15;
	s15 =	sadd.s32 $0x1, s15  }
0x310: {  	p2 =	sne.s32 s6, s15;
	v1 =	vld.msk @!p1 [tilespmem:s13+$0x0], $0x1;
	_ =	sdelay $0x4  }
0x311: {  	(v2sf) =	vpush @!p1 v1, $0x0;
	_ =	sdelay $0xe  }
.Ltmp25:
0x312: {  	s1 =	spop @!p1 (v2sf);
	(pc) =	sbr.rel @p2 .LBB2_28-.Ltmp25, $4  }
0x313: {  	p3 =	seq.s32 @!p1 s12, s1  }
0x314: {  	p3 =	por !p3, p1  }
0x315: {  	s14 =	simm.s32 @p3 $0xFFFFFFFF  }
0x316: {  	s14 =	smov.u32 @p1 s0  }
.LBB2_29:
0x317: {  	p1 =	sne.s32 s14, $0xFFFFFFFF  }
.Ltmp26:
0x318: {  	_ = 	snop;
	(pc) =	sbr.rel @!p1 .LBB2_30-.Ltmp26, $1  }
0x319: {  	_ =	sdelay $0x3  }
0x31a: {  	s0 =	sshll.u32 s11, $0x4  }
0x31b: {  	s0 =	sand.u32 $0x3FFFFFF0, s0  }
0x31c: {  	v0 =	vld [tilespmem:s0+$0x3678]  }
.Ltmp27:
0x31d: {  	_ = 	snop;
	(pc) =	sbr.rel .LBB2_32-.Ltmp27, $4  }
0x31e: {  	_ = 	snop  }
0x31f: {  	s31 =	sshll.u32 s14, $0x6  }
0x320: {  	s0 =	sshra.s32 s31, $0x2  }
0x321: {  	[tilespmem:s0+$0x3678] =	vst.add.f32.msk $0xffff, v0  }
.LBB2_33:
0x322: {  	s0 =	simm.s32 $0x6;
	p1 =	seq.s32 s6, $0x0  }
0x323: {  	[sflag:s0] =	ssyncpa.u1 $0x1;
	v0 =	vimm.s32 @p1 $0xFFFFFFFF  }
0x324: {  	s9 =	sadd.s32 $0xFFFFFFFF, s6;
	[tilespmem:$0x3878] =	vst @p1 v0  }
0x325: {  	v0 =	vld.msk @!p1 [tilespmem:s9+$0x3658], $0x1;
	_ =	sdelay $0x1  }
0x326: {  	v1 =	vld.msk @!p1 [tilespmem:$0x3658], $0x1;
	_ =	sdelay $0x2  }
0x327: {  	p2 =	seq.s32 @!p1 s9, $0x0;
	v0 =	vbroadcast @!p1 v0, $0x0  }
0x328: {  	vm0 =	vmmov @!p1 $0x1;
	p2 =	por !p2, p1  }
0x329: {  	v1 =	vnsel @!p1 vm0, $0xFFFFFFFF, v1;
	vm0 =	vcmask @!p1 $0x308;
	v0 =	vpsel !p2, $0xFFFFFFFF, v0  }
0x32a: {  	p2 =	sne.s32 @!p1 s8, s7;
	v0 =	vsel @!p1 vm0, v1, v0  }
0x32b: {  	s0 =	simm.s32 @!p1 $0x3678;
	s1 =	simm.s32 @!p1 $0x0;
	p3 =	por !p2, p1;
	[tilespmem:$0x3878] =	vst @!p1 v0  }
0x32c: {  	[spmem:s1] =	stream.linear.scatter @!p1 [tilespmem:s0], [sflag:$0x1], $0x10, $0x38;
	[tilespmem:$0x1F0F8] =	vst v63  }
0x32d: {  	s0 =	sshll.u32 @!p3 s9, $0x6  }
0x32e: {  	s0 =	sshra.s32 @!p3 s0, $0x2  }
0x32f: {  	s1 =	simm.s32 @!p3 $0x10;
	s0 =	sadd.s32 @!p3 $0x3678, s0  }
0x330: {  	[spmem:s1] =	stream.linear.scatter @!p3 [tilespmem:s0], [sflag:$0x1], $0x10, $0x38;
	[tilespmem:$0x1F0F8] =	vst v63  }
0x331: {  	s0 =	simm.s32 @!p3 $0x1  }
0x332: {  	_ =	swait.ge @!p3 [sflag:s0], $0x20  }
0x333: {  	p1 =	por p2, p1;
	[sflag:s0] =	ssyncset.done @!p3 $0x0  }
0x334: {  	[sflag:s0] =	ssyncadd.s32 @!p3 $0xFFFFFFE0;
	s0 =	simm.s32 @!p1 $0x1  }
0x335: {  	_ =	swait.ge @!p1 [sflag:s0], $0x10  }
0x336: {  	s29 =	simm.s32 $0x3878;
	[sflag:s0] =	ssyncset.done @!p1 $0x0  }
0x337: {  	s30 =	simm.s32 $0x200;
	s31 =	simm.s32 $0x1;
	[sflag:s0] =	ssyncadd.s32 @!p1 $0xFFFFFFF0  }
0x338: {  	[spmem:s30] =	stream.linear.scatter [tilespmem:s29], [sflag:$0x1], $0x10, $0x38;
	[tilespmem:$0x1F0F8] =	vst v63  }
0x339: {  	_ =	swait.ge [sflag:s31], $0x10  }
0x33a: {  	[sflag:s31] =	ssyncset.done $0x0  }
0x33b: {  	p1 =	seq.s32 s17, $0x0;
	s8 =	rddreg [dreg:$0x1];
	[sflag:s31] =	ssyncadd.s32 $0xFFFFFFF0  }
0x33c: {  	s1 =	sshll.u32 @p1 s8, $0xE;
	s7 =	rddreg [dreg:$0x2]  }
0x33d: {  	s0 =	sadd.s32 @p1 $0x15C3C, s1;
	s1 =	sshll.u32 @p1 s7, $0x11  }
0x33e: {  	_ =	sfence.stream.spmem;
	s0 =	sor.u32 @p1 s1, s0  }
0x33f: {  	[sflag:s0] =	ssyncadd.remote.s32 @p1 $0x1;
	s0 =	simm.s32 @p1 $0x4  }
0x340: {  	s2 =	simm.s32 @!p1 $0x3C;
	s1 =	sand.u32 $0xFFFFFFFE, s8;
	_ =	swait.ge @p1 [sflag:s0], $0x6  }
0x341: {  	s4 =	simm.s32 @!p1 $0x0;
	s1 =	sadd.s32 @!p1 $0x4, s1;
	[sflag:s0] =	ssyncset.done @p1 $0x0  }
0x342: {  	s5 =	simm.s32 @!p1 $0x20;
	[sflag:s0] =	ssyncadd.s32 @p1 $0xFFFFFFFA;
	s0 =	sshll.u32 @!p1 s1, $0x1A  }
0x343: {  	s1 =	sshll.u32 @!p1 s1, $0xD;
	s0 =	sor.u32 @!p1 s0, s7;
	_ =	swait.eq @!p1 [sflag:s2], $0x1  }
0x344: {  	s1 =	sor.u32 @!p1 $0x1C04, s1;
	s2 =	simm.s32 @!p1 $0x1C03;
	s0 =	sor.u32 @!p1 $0x80004000, s0  }
0x345: {  	[spmem:s5], [sflag:s1] =	dma.general @!p1 [spmem:s4], [sflag:s2], length:$0x4, [dreg:$0x0], stride_count:$0x0, ici_dest:s0, dma_misc:DstOpCode:WRITE  }
0x346: {  	p2 =	slt.s32 s9, $0x2;
	s4 =	simm.s32 @!p1 $0x40;
	s5 =	simm.s32 @!p1 $0x42  }
0x347: {  	[spmem:s5], [sflag:s1] =	dma.general @!p1 [spmem:s4], [sflag:s2], length:$0x2, [dreg:$0x0], stride_count:$0x0, ici_dest:s0, dma_misc:DstOpCode:WRITE  }
.Ltmp28:
0x348: {  	s0 =	simm.s32 @!p1 $0x3;
	(pc) =	sbr.rel @p2 .LBB2_37-.Ltmp28, $4  }
0x349: {  	s1 =	sshll.u32 @!p1 s8, $0xE;
	_ =	swait.ge @!p1 [sflag:s0], $0x6  }
0x34a: {  	s2 =	sshll.u32 @!p1 s7, $0x11;
	s1 =	sadd.s32 @!p1 $0x11C3C, s1;
	[sflag:s0] =	ssyncset.done @!p1 $0x0  }
0x34b: {  	[sflag:s0] =	ssyncadd.s32 @!p1 $0xFFFFFFFA;
	s0 =	sor.u32 @!p1 s2, s1  }
0x34c: {  	[sflag:s0] =	ssyncadd.remote.s32 @!p1 $0xFFFFFFFF;
	s0 =	simm.s32 $0x0  }
0x34d: {  	s0 =	simm.s32 $0x3659  }
0x34e: {  	v0 =	vld.msk [tilespmem:s0+$0x0], $0x1;
	_ =	sdelay $0x4  }
0x34f: {  	(v2sf) =	vpush v0, $0x0;
	_ =	sdelay $0xd  }
0x350: {  	s2 =	sadd.s32 $0xFFFFFFFE, s6  }
0x351: {  	s2 =	sadd.s32 $0xFFFFFFFF, s2;
	s0 =	spop (v2sf)  }
0x352: {  	p2 =	sne.s32 s2, $0x0;
	p1 =	sgt.u32 s0, $0x270FF  }
.Ltmp29:
0x353: {  	s4 =	sand.u32 @!p1 $0x3FFF8, s0;
	(pc) =	sbr.rel @!p2 .LBB2_36-.Ltmp29, $4  }
0x354: {  	s1 =	simm.s32 $0x3688;
	s0 =	sand.u32 @!p1 $0x7, s0;
	s4 =	sadd.s32 @!p1 s3, s4  }
0x355: {  	[hbm4b:s4+s0] =	stream.linear.scatter @!p1 [tilespmem:s1], [sflag:$0x5], $0x4, $0x38;
	[tilespmem:$0x1F0F8] =	vst v63  }
0x356: {  	s0 =	simm.s32 $0x0  }
0x357: {  	s6 =	simm.s32 $0x0;
	s7 =	simm.s32 $0x365A;
	s0 =	simm.s32 @!p1 $0x10  }
.LBB2_35:
0x358: {  	v0 =	vld.msk [tilespmem:s7+$0x0], $0x1;
	s2 =	sadd.s32 $0xFFFFFFFF, s2;
	s6 =	sadd.s32 s6, s0  }
0x359: {  	p1 =	sne.s32 s2, $0x0;
	_ =	sdelay $0x3  }
0x35a: {  	(v2sf) =	vpush v0, $0x0;
	_ =	sdelay $0xe  }
.Ltmp30:
0x35b: {  	s4 =	spop (v2sf);
	(pc) =	sbr.rel @p1 .LBB2_35-.Ltmp30, $4  }
0x35c: {  	s0 =	simm.s32 $0x0;
	p2 =	sgt.u32 s4, $0x270FF  }
0x35d: {  	s1 =	sadd.s32 $0x10, s1;
	s0 =	simm.s32 @!p2 $0x10;
	s5 =	sand.u32 @!p2 $0x3FFF8, s4  }
0x35e: {  	s7 =	sadd.s32 $0x1, s7;
	s4 =	sand.u32 @!p2 $0x7, s4;
	s5 =	sadd.s32 @!p2 s3, s5  }
0x35f: {  	[hbm4b:s5+s4] =	stream.linear.scatter @!p2 [tilespmem:s1], [sflag:$0x5], $0x4, $0x38;
	[tilespmem:$0x1F0F8] =	vst v63  }
.LBB2_36:
0x360: {  	s0 =	sadd.s32 s6, s0  }
0x361: {  	s0 =	sshrl.u32 s0, $0x2  }
.LBB2_37:
0x362: {  	s1 =	simm.s32 $0x5  }
0x363: {  	_ =	swait.ge [sflag:s1], s0  }
0x364: {  	s31 =	ssub.s32 $0x0, s0;
	[sflag:s1] =	ssyncset.done $0x0  }
0x365: {  	[sflag:s1] =	ssyncadd.s32 s31  }
0x366: {  	[sflag:s1] =	ssyncpa.u1 $0x1  }
.LBB2_38:
0x367: {  	s0 =	sor.u32 s17, s16  }
0x368: {  	p1 =	sne.s32 s0, $0x0  }
.Ltmp31:
0x369: {  	_ = 	snop;
	(pc) =	sbr.rel @p1 .LBB2_53-.Ltmp31, $3  }
0x36a: {  	_ =	sdelay $0x1  }
0x36b: {  	[bflag:$0x0] =	sbarrier.arrive $0xFFFF  }
0x36c: {  	_ =	sfence  }
0x36d: {  	s0 =	simm.s32 $0x7  }
0x36e: {  	s1 =	simm.s32 $0x200;
	s2 =	simm.s32 $0x3658;
	[sflag:s0] =	ssyncpa.u1 $0x0  }
0x36f: {  	[tilespmem:s2], [sflag:$0x7] =	stream.linear.gather [spmem:s1], $0x20, $0x38;
	[tilespmem:$0x1F0F8] =	vst v63  }
0x370: {  	s30 =	simm.s32 $0x3678;
	s1 =	simm.s32 $0x0  }
0x371: {  	[tilespmem:s30], [sflag:$0x7] =	stream.linear.gather [spmem:s1], $0x200, $0x38;
	[tilespmem:$0x1F0F8] =	vst v63  }
.Ltmp32:
0x372: {  	_ = 	snop;
	(pc) =	sbr.rel .LBB2_40-.Ltmp32, $4  }
0x373: {  	_ =	swait.ge [sflag:s0], $0x220  }
0x374: {  	[sflag:s0] =	ssyncset.done $0x0  }
0x375: {  	s31 =	simm.s32 $0x8;
	[sflag:s0] =	ssyncadd.s32 $0xFFFFFDE0  }
0x376: {  	s2 =	simm.s32 $0x0;
	[sflag:s31] =	ssyncpa.u1 $0x0  }
.LBB2_45:
0x377: {  	p1 =	slt.u32 s4, $0x27100  }
0x378: {  	s0 =	sand.u32 @p1 $0x3FFF8, s4  }
0x379: {  	s4 =	sand.u32 @p1 $0x7, s4;
	s5 =	simm.s32 @p1 $0x3638;
	s0 =	sadd.s32 @p1 s3, s0  }
0x37a: {  	[tilespmem:s5], [sflag:$0x8] =	stream.linear.gather @p1 [hbm4b:s0+s4], $0x4, $0x38;
	[tilespmem:$0x1F0F8] =	vst v63  }
0x37b: {  	s0 =	simm.s32 @p1 $0x8  }
0x37c: {  	_ =	swait.ge @p1 [sflag:s0], $0x4  }
0x37d: {  	[sflag:s0] =	ssyncset.done @p1 $0x0  }
0x37e: {  	[sflag:s0] =	ssyncadd.s32 @p1 $0xFFFFFFFC  }
0x37f: {  	v1 =	vld @p1 [tilespmem:$0x3638];
	_ =	sdelay $0x2  }
0x380: {  	s0 =	sshll.u32 @p1 s2, $0x6  }
0x381: {  	s5 =	sshll.u32 @!p1 s2, $0x6;
	s4 =	sshrl.u32 @p1 s0, $0x2  }
0x382: {  	s5 =	smov.u32 @p1 s0;
	[tilespmem:s4+$0x3678] =	vst.add.f32.msk @p1 $0xffff, v1  }
0x383: {  	s0 =	sshrl.u32 s5, $0x2;
	[tilespmem:s1+$0x3658] =	vst.msk $0x1, v0  }
0x384: {  	v0 =	vld [tilespmem:s0+$0x3678];
	_ =	sdelay $0x2  }
0x385: {  	s31 =	sshll.u32 s1, $0x6  }
0x386: {  	s0 =	sshra.s32 s31, $0x2  }
0x387: {  	s1 =	sadd.s32 $0x1, s1;
	[tilespmem:s0+$0x3678] =	vst v0  }
.LBB2_47:
0x388: {  	s2 =	sadd.s32 $0x1, s2  }
0x389: {  	p1 =	sne.s32 s2, $0x20  }
.Ltmp33:
0x38a: {  	_ = 	snop;
	(pc) =	sbr.rel @!p1 .LBB2_48-.Ltmp33, $1  }
0x38b: {  	_ =	sdelay $0x3  }
.LBB2_40:
0x38c: {  	v0 =	vld.msk [tilespmem:s2+$0x3658], $0x1;
	_ =	sdelay $0x4  }
0x38d: {  	(v2sf) =	vpush v0, $0x0;
	_ =	sdelay $0xe  }
0x38e: {  	s4 =	spop (v2sf)  }
0x38f: {  	p1 =	seq.s32 s4, $0xFFFFFFFF  }
.Ltmp34:
0x390: {  	_ = 	snop;
	(pc) =	sbr.rel @p1 .LBB2_47-.Ltmp34, $1  }
0x391: {  	_ =	sdelay $0x3  }
0x392: {  	p1 =	slt.s32 s1, $0x1  }
.Ltmp35:
0x393: {  	_ = 	snop;
	(pc) =	sbr.rel @p1 .LBB2_45-.Ltmp35, $1  }
0x394: {  	_ =	sdelay $0x3  }
0x395: {  	s5 =	simm.s32 $0x3658;
	p1 =	por $0x0, $0x0  }
0x396: {  	v1 =	vld.msk @!p1 [tilespmem:s5+$0x0], $0x1;
	_ =	sdelay $0x4  }
0x397: {  	(v2sf) =	vpush @!p1 v1, $0x0;
	_ =	sdelay $0xd  }
0x398: {  	p3 =	sne.s32 s1, $0x1  }
.Ltmp36:
0x399: {  	s0 =	spop @!p1 (v2sf);
	(pc) =	sbr.rel @!p3 .LBB2_44-.Ltmp36, $4  }
0x39a: {  	p2 =	seq.s32 @!p1 s4, s0  }
0x39b: {  	s6 =	simm.s32 $0x0;
	p2 =	por !p2, p1  }
0x39c: {  	s0 =	simm.s32 $0xFFFFFFFF;
	s6 =	simm.s32 @p2 $0xFFFFFFFF  }
0x39d: {  	s7 =	simm.s32 $0x1;
	s6 =	smov.u32 @p1 s0  }
.LBB2_43:
0x39e: {  	s0 =	smov.u32 s6;
	p1 =	sne.s32 s6, $0xFFFFFFFF  }
0x39f: {  	s5 =	sadd.s32 $0x1, s5;
	s6 =	smov.u32 s7;
	s7 =	sadd.s32 $0x1, s7  }
0x3a0: {  	p2 =	sne.s32 s1, s7;
	v1 =	vld.msk @!p1 [tilespmem:s5+$0x0], $0x1;
	_ =	sdelay $0x4  }
0x3a1: {  	(v2sf) =	vpush @!p1 v1, $0x0;
	_ =	sdelay $0xe  }
.Ltmp37:
0x3a2: {  	s8 =	spop @!p1 (v2sf);
	(pc) =	sbr.rel @p2 .LBB2_43-.Ltmp37, $4  }
0x3a3: {  	p3 =	seq.s32 @!p1 s4, s8  }
0x3a4: {  	p3 =	por !p3, p1  }
0x3a5: {  	s6 =	simm.s32 @p3 $0xFFFFFFFF  }
0x3a6: {  	s6 =	smov.u32 @p1 s0  }
.LBB2_44:
0x3a7: {  	p1 =	sne.s32 s6, $0xFFFFFFFF  }
.Ltmp38:
0x3a8: {  	_ = 	snop;
	(pc) =	sbr.rel @!p1 .LBB2_45-.Ltmp38, $1  }
0x3a9: {  	_ =	sdelay $0x3  }
0x3aa: {  	s0 =	sshll.u32 s2, $0x4  }
0x3ab: {  	s0 =	sand.u32 $0x3FFFFFF0, s0  }
0x3ac: {  	v0 =	vld [tilespmem:s0+$0x3678]  }
.Ltmp39:
0x3ad: {  	_ = 	snop;
	(pc) =	sbr.rel .LBB2_47-.Ltmp39, $4  }
0x3ae: {  	_ = 	snop  }
0x3af: {  	s31 =	sshll.u32 s6, $0x6  }
0x3b0: {  	s0 =	sshra.s32 s31, $0x2  }
0x3b1: {  	[tilespmem:s0+$0x3678] =	vst.add.f32.msk $0xffff, v0  }
.LBB2_48:
0x3b2: {  	p1 =	slt.s32 s1, $0x1  }
.Ltmp40:
0x3b3: {  	_ = 	snop;
	(pc) =	sbr.rel @p1 .LBB2_52-.Ltmp40, $3  }
0x3b4: {  	_ =	sdelay $0x1  }
0x3b5: {  	s0 =	simm.s32 $0x8  }
0x3b6: {  	s2 =	simm.s32 $0x0;
	[sflag:s0] =	ssyncpa.u1 $0x1  }
0x3b7: {  	s0 =	simm.s32 $0x3658  }
0x3b8: {  	v0 =	vld.msk [tilespmem:s0+$0x0], $0x1;
	_ =	sdelay $0x4  }
0x3b9: {  	(v2sf) =	vpush v0, $0x0;
	_ =	sdelay $0xe  }
0x3ba: {  	s1 =	sadd.s32 $0xFFFFFFFF, s1;
	s0 =	spop (v2sf)  }
0x3bb: {  	p2 =	sne.s32 s1, $0x0;
	p1 =	sgt.u32 s0, $0x270FF  }
.Ltmp41:
0x3bc: {  	s5 =	sand.u32 @!p1 $0x3FFF8, s0;
	(pc) =	sbr.rel @!p2 .LBB2_51-.Ltmp41, $4  }
0x3bd: {  	s4 =	simm.s32 $0x3678;
	s0 =	sand.u32 @!p1 $0x7, s0;
	s5 =	sadd.s32 @!p1 s3, s5  }
0x3be: {  	[hbm4b:s5+s0] =	stream.linear.scatter @!p1 [tilespmem:s4], [sflag:$0x7], $0x4, $0x38;
	[tilespmem:$0x1F0F8] =	vst v63  }
0x3bf: {  	s0 =	simm.s32 $0x0  }
0x3c0: {  	s5 =	simm.s32 $0x3659;
	s0 =	simm.s32 @!p1 $0x10  }
.LBB2_50:
0x3c1: {  	v0 =	vld.msk [tilespmem:s5+$0x0], $0x1;
	s1 =	sadd.s32 $0xFFFFFFFF, s1;
	s2 =	sadd.s32 s2, s0  }
0x3c2: {  	p1 =	sne.s32 s1, $0x0;
	_ =	sdelay $0x3  }
0x3c3: {  	(v2sf) =	vpush v0, $0x0;
	_ =	sdelay $0xe  }
.Ltmp42:
0x3c4: {  	s6 =	spop (v2sf);
	(pc) =	sbr.rel @p1 .LBB2_50-.Ltmp42, $4  }
0x3c5: {  	s0 =	simm.s32 $0x0;
	p2 =	sgt.u32 s6, $0x270FF  }
0x3c6: {  	s4 =	sadd.s32 $0x10, s4;
	s0 =	simm.s32 @!p2 $0x10;
	s7 =	sand.u32 @!p2 $0x3FFF8, s6  }
0x3c7: {  	s5 =	sadd.s32 $0x1, s5;
	s6 =	sand.u32 @!p2 $0x7, s6;
	s7 =	sadd.s32 @!p2 s3, s7  }
0x3c8: {  	[hbm4b:s7+s6] =	stream.linear.scatter @!p2 [tilespmem:s4], [sflag:$0x7], $0x4, $0x38;
	[tilespmem:$0x1F0F8] =	vst v63  }
.LBB2_51:
0x3c9: {  	s0 =	sadd.s32 s2, s0  }
0x3ca: {  	s2 =	sshrl.u32 s0, $0x2  }
.LBB2_52:
0x3cb: {  	s0 =	simm.s32 $0x7  }
0x3cc: {  	_ =	swait.ge [sflag:s0], s2  }
0x3cd: {  	s1 =	ssub.s32 $0x0, s2;
	[sflag:s0] =	ssyncset.done $0x0  }
0x3ce: {  	[sflag:s0] =	ssyncadd.s32 s1  }
0x3cf: {  	[sflag:s0] =	ssyncpa.u1 $0x1  }
.LBB2_53:
0x3d0: {  	_ =	sfence;
	s0 =	simm.s32 $0x1  }
0x3d1: {  	[sflag:s0] =	ssyncpa.u1 $0x1  }
0x3d2: {  	_ =	strace $0x9000004A  }
0x3d3: {  	[bflag:$0x2] =	sbarrier.arrive $0xFFFF  }
0x3d4: {  	s0 =	rddreg [dreg:$0x3]  }
0x3d5: {  	s0 =	sadd.s32 @!p0 $0x100000, s0  }
0x3d6: {  	[sflag:s0] =	ssyncadd.tile.s32 @!p0 $0x1;
	_ =	shalt  }
.Lfunc_end2:
_tile_overlayer_lowered:
.L_overlay_start_2:
0x3d7: {  	(tag) =	ssettag $0x2  }
0x3d8: {  	s0 =	rddreg [dreg:$0x0];
	s2 =	stileid.u32  }
0x3d9: {  	s1 =	rddreg [dreg:$0x1];
	p0 =	sne.s32 s2, $0x0  }
0x3da: {  	s3 =	rddreg [dreg:$0x2];
	[bflag:$0x3] =	sbarrier.arrive $0xFFFF;
	s2 =	simm.s32 @!p0 $0x1C01  }
0x3db: {  	[timem:s3], [sflag:s2] =	dma.local @!p0 [hbm:s0], s1  }
0x3dc: {  	s0 =	simm.s32 @!p0 $0x1  }
0x3dd: {  	_ =	swait.ge @!p0 [sflag:s0], s1  }
0x3de: {  	s1 =	ssub.s32 @!p0 $0x0, s1;
	[sflag:s0] =	ssyncset.done @!p0 $0x0  }
0x3df: {  	[sflag:s0] =	ssyncadd.s32 @!p0 s1  }
0x3e0: {  	[bflag:$0x3] =	sbarrier.arrive $0xFFFF  }
0x3e1: {  	_ =	shalt  }

</sc_bundles>
